<compile_context>
chip_gen: v7x
topology: tpu7x:2x2x1
jax: 0.10.2.dev20260603
libtpu: 0.0.44.dev20260713+nightly
codegen_flags: <defaults>
</compile_context>

<pallas_src>
import functools

import jax
import jax.numpy as jnp
from jax import lax
from jax.experimental import pallas as pl
from jax.experimental.pallas import tpu as pltpu
from jax.experimental.pallas import tpu_sc as plsc

H = 224
W = 224
C = 96
CH = 14
CW = 14
PIX = CH * CW
HALF = 98
CHUNK = 112
NSTEP = CHUNK // 16
L = 16


def _splat(val, dtype=jnp.int32):
    return jnp.full((L,), val, dtype)


def _floorv(x):
    t = x.astype(jnp.int32).astype(jnp.float32)
    return t - jnp.where(x < t, jnp.float32(1.0), jnp.float32(0.0))


def _make_kernel(n_roi, n_workers):
    rois_per_w = n_roi // n_workers
    nch = rois_per_w * 2
    n_per_b = n_roi // 4
    mesh = plsc.VectorSubcoreMesh(core_axis_name="c", subcore_axis_name="s")

    @functools.partial(
        pl.kernel,
        mesh=mesh,
        compiler_params=pltpu.CompilerParams(
            needs_layout_passes=False, use_tc_tiling_on_sc=False),
        out_type=jax.ShapeDtypeStruct((n_roi * 2, HALF, C), jnp.float32),
        scratch_types=[
            pltpu.VMEM((rois_per_w * 4,), jnp.float32),
            pltpu.VMEM((2, CHUNK), jnp.int32),
            pltpu.VMEM((2, CHUNK), jnp.int32),
            pltpu.VMEM((2, CHUNK), jnp.int32),
            pltpu.VMEM((2, CHUNK), jnp.int32),
            pltpu.VMEM((2 * CHUNK,), jnp.float32),
            pltpu.VMEM((2 * CHUNK,), jnp.float32),
            pltpu.VMEM((2 * CHUNK,), jnp.float32),
            pltpu.VMEM((2 * CHUNK,), jnp.float32),
            pltpu.VMEM((2, CHUNK, C), jnp.float32),
            pltpu.VMEM((2, CHUNK, C), jnp.float32),
            pltpu.VMEM((2, CHUNK, C), jnp.float32),
            pltpu.VMEM((2, CHUNK, C), jnp.float32),
            pltpu.VMEM((2, HALF, C), jnp.float32),
            pltpu.SemaphoreType.DMA,
            pltpu.SemaphoreType.DMA,
            pltpu.SemaphoreType.DMA,
            pltpu.SemaphoreType.DMA,
        ],
    )
    def kernel_fn(boxes_hbm, fpn_hbm, out_hbm,
                  boxes_v, idx00, idx01, idx10, idx11,
                  w00, w01, w10, w11,
                  r00, r01, r10, r11, obuf,
                  gsem0, gsem1, osem0, osem1):
        info = plsc.get_sparse_core_info()
        wid = lax.axis_index("s") * info.num_cores + lax.axis_index("c")
        base_roi = wid * rois_per_w
        out_base = base_roi * 2
        pltpu.sync_copy(boxes_hbm.at[pl.ds(base_roi * 4, rois_per_w * 4)],
                        boxes_v)
        lanes = lax.iota(jnp.int32, L)
        one = jnp.float32(1.0)
        zero = jnp.float32(0.0)
        gsems = (gsem0, gsem1)
        osems = (osem0, osem1)

        def compute_idx(rel, h, slot):
            roi = base_roi + rel
            b = roi // n_per_b
            bbase = b * (H * W)
            x1 = plsc.load_gather(boxes_v, [_splat(4 * rel)])
            y1 = plsc.load_gather(boxes_v, [_splat(4 * rel + 1)])
            x2 = plsc.load_gather(boxes_v, [_splat(4 * rel + 2)])
            y2 = plsc.load_gather(boxes_v, [_splat(4 * rel + 3)])
            ny1 = y1 / 224.0 * 224.0 / 223.0
            nx1 = x1 / 224.0 * 224.0 / 223.0
            ny2 = (y2 / 224.0 * 224.0 - 1.0) / 223.0
            nx2 = (x2 / 224.0 * 224.0 - 1.0) / 223.0
            hs = (ny2 - ny1) * 223.0 / 13.0
            ws = (nx2 - nx1) * 223.0 / 13.0
            ybase = ny1 * 223.0
            xbase = nx1 * 223.0
            for step in range(NSTEP):
                p = h * HALF + step * L + lanes
                oy = p // CW
                ox = p - oy * CW
                in_y = ybase + oy.astype(jnp.float32) * hs
                in_x = xbase + ox.astype(jnp.float32) * ws
                y0f = _floorv(in_y)
                x0f = _floorv(in_x)
                yl = in_y - y0f
                xl = in_x - x0f
                y0 = jnp.clip(y0f, 0.0, 223.0).astype(jnp.int32)
                y1c = jnp.clip(y0f + 1.0, 0.0, 223.0).astype(jnp.int32)
                x0 = jnp.clip(x0f, 0.0, 223.0).astype(jnp.int32)
                x1c = jnp.clip(x0f + 1.0, 0.0, 223.0).astype(jnp.int32)
                vy = (in_y >= 0.0) & (in_y <= 223.0)
                vx = (in_x >= 0.0) & (in_x <= 223.0)
                wy0 = jnp.where(vy, one - yl, zero)
                wy1 = jnp.where(vy, yl, zero)
                wx0 = jnp.where(vx, one - xl, zero)
                wx1 = jnp.where(vx, xl, zero)
                sl = pl.ds(step * L, L)
                wsl = pl.ds(slot * CHUNK + step * L, L)
                rb0 = bbase + y0 * W
                rb1 = bbase + y1c * W
                idx00[slot, sl] = rb0 + x0
                idx01[slot, sl] = rb0 + x1c
                idx10[slot, sl] = rb1 + x0
                idx11[slot, sl] = rb1 + x1c
                w00[wsl] = wy0 * wx0
                w01[wsl] = wy0 * wx1
                w10[wsl] = wy1 * wx0
                w11[wsl] = wy1 * wx1

        def fire_gathers(slot):
            return [
                pltpu.async_copy(fpn_hbm.at[idx.at[slot, pl.ds(0, 104)]],
                                 r.at[slot, pl.ds(0, 104)], gsems[slot])
                for idx, r in ((idx00, r00), (idx01, r01),
                               (idx10, r10), (idx11, r11))
            ]

        def wait_gathers(descs):
            for d in descs:
                d.wait()

        def combine(slot):
            @plsc.parallel_loop(0, HALF, unroll=7)
            def pix_body(p):
                wp = _splat(slot * CHUNK) + _splat(p)
                s00 = plsc.load_gather(w00, [wp])
                s01 = plsc.load_gather(w01, [wp])
                s10 = plsc.load_gather(w10, [wp])
                s11 = plsc.load_gather(w11, [wp])
                for j in range(C // L):
                    cs = pl.ds(j * L, L)
                    acc = r00[slot, p, cs] * s00
                    acc = acc + r01[slot, p, cs] * s01
                    acc = acc + r10[slot, p, cs] * s10
                    acc = acc + r11[slot, p, cs] * s11
                    obuf[slot, p, cs] = acc

        def fire_out(slot, g):
            pltpu.async_copy(obuf.at[slot], out_hbm.at[out_base + g],
                             osems[slot])

        def wait_out(slot, g):
            pltpu.make_async_copy(obuf.at[slot], out_hbm.at[out_base + g],
                                  osems[slot]).wait()

        def step_body(t, _):
            compute_idx(t, 0, 0)
            d0 = fire_gathers(0)
            compute_idx(t, 1, 1)
            d1 = fire_gathers(1)
            wait_gathers(d0)
            combine(0)
            o0 = pltpu.async_copy(obuf.at[0], out_hbm.at[out_base + 2 * t],
                                  osems[0])
            wait_gathers(d1)
            combine(1)
            o1 = pltpu.async_copy(obuf.at[1], out_hbm.at[out_base + 2 * t + 1],
                                  osems[1])
            o0.wait()
            o1.wait()
            return _

        lax.fori_loop(0, rois_per_w, step_body, None)

    return kernel_fn


@jax.jit
def kernel(boxes, fpn):
    B, N, _ = boxes.shape
    n_roi = B * N
    info = plsc.get_sparse_core_info()
    n_workers = info.num_cores * info.num_subcores
    boxes_flat = boxes.reshape(n_roi * 4)
    fpn_flat = fpn.reshape(B * H * W, C)
    out_flat = _make_kernel(n_roi, n_workers)(boxes_flat, fpn_flat)
    return out_flat.reshape(B, N, CH, CW, C)

# --- scband reference (transcript-rebuilt; emitter-appended) ---
"""Pipeline reference for scband-roi-align-15169824489483 (READ-ONLY COPY).

The authoritative reference and input builder live on the scoring server;
editing this copy changes nothing except your own understanding.
"""

import jax, jax.numpy as jnp
import numpy as np

CROP_SIZE = (14, 14)


def _crop_and_resize(image, boxes, crop_size):
    # Faithful reimplementation of tf.image.crop_and_resize (bilinear,
    # extrapolation_value=0) for a single image. image: [H, W, C],
    # boxes: [N, 4] normalized (y1, x1, y2, x2).
    H, W, C = image.shape
    ch, cw = crop_size

    def one_box(box):
        y1, x1, y2, x2 = box[0], box[1], box[2], box[3]
        hs = (y2 - y1) * (H - 1) / (ch - 1)
        ws = (x2 - x1) * (W - 1) / (cw - 1)
        in_y = y1 * (H - 1) + jnp.arange(ch, dtype=jnp.float32) * hs
        in_x = x1 * (W - 1) + jnp.arange(cw, dtype=jnp.float32) * ws
        y0 = jnp.floor(in_y)
        x0 = jnp.floor(in_x)
        yl = in_y - y0
        xl = in_x - x0
        y0i = jnp.clip(y0, 0, H - 1).astype(jnp.int32)
        y1i = jnp.clip(y0 + 1.0, 0, H - 1).astype(jnp.int32)
        x0i = jnp.clip(x0, 0, W - 1).astype(jnp.int32)
        x1i = jnp.clip(x0 + 1.0, 0, W - 1).astype(jnp.int32)
        rows0 = jnp.take(image, y0i, axis=0)  # [ch, W, C]
        rows1 = jnp.take(image, y1i, axis=0)
        tl = jnp.take(rows0, x0i, axis=1)  # [ch, cw, C]
        tr = jnp.take(rows0, x1i, axis=1)
        bl = jnp.take(rows1, x0i, axis=1)
        br = jnp.take(rows1, x1i, axis=1)
        top = tl + (tr - tl) * xl[None, :, None]
        bot = bl + (br - bl) * xl[None, :, None]
        val = top + (bot - top) * yl[:, None, None]
        valid = ((in_y >= 0) & (in_y <= H - 1))[:, None] & ((in_x >= 0) & (in_x <= W - 1))[None, :]
        return jnp.where(valid[:, :, None], val, jnp.float32(0.0))

    return jax.vmap(one_box)(boxes)


def setup_inputs(seed: int = 0) -> dict:
    key = jax.random.key(seed)
    k1, k2 = jax.random.split(key)
    B, N = 4, 512
    H, W, C = 224, 224, 96
    # boxes in fpn pixel coordinates, format (x1, y1, x2, y2)
    p = jax.random.uniform(k1, (B, N, 4), dtype=jnp.float32) * 224.0
    x1 = jnp.minimum(p[..., 0], p[..., 2])
    x2 = jnp.maximum(p[..., 0], p[..., 2])
    y1 = jnp.minimum(p[..., 1], p[..., 3])
    y2 = jnp.maximum(p[..., 1], p[..., 3])
    boxes = jnp.stack([x1, y1, x2, y2], axis=-1)
    fpn = jax.random.normal(k2, (B, H, W, C), dtype=jnp.float32)
    return {"boxes": boxes, "fpn": fpn}


def reference(boxes, fpn):
    boxes = jax.lax.stop_gradient(boxes)
    fpn = jax.lax.stop_gradient(fpn)
    B, H, W, C = fpn.shape
    image_shape = jnp.asarray(fpn.shape, dtype=jnp.float32)

    def _roi_align(bxs, feat):
        x1 = bxs[:, 0]
        y1 = bxs[:, 1]
        x2 = bxs[:, 2]
        y2 = bxs[:, 3]
        fh = jnp.float32(feat.shape[0])
        fw = jnp.float32(feat.shape[1])
        ny1 = y1 / image_shape[1] * fh / (fh - 1.0)
        nx1 = x1 / image_shape[2] * fw / (fw - 1.0)
        ny2 = (y2 / image_shape[1] * fh - 1.0) / (fh - 1.0)
        nx2 = (x2 / image_shape[2] * fw - 1.0) / (fw - 1.0)
        norm_boxes = jnp.stack([ny1, nx1, ny2, nx2], axis=1)
        return _crop_and_resize(feat, norm_boxes, CROP_SIZE)

    return jax.vmap(_roi_align)(boxes, fpn)

if __name__ == "__main__":
    import jax
    _d = setup_inputs()
    print(jax.jit(kernel)(*tuple(_d.values())))

</pallas_src>

<mosaic_0001>
#map = affine_map<(d0, d1) -> (0)>
#map1 = affine_map<(d0, d1) -> (0, 0)>
#map2 = affine_map<(d0, d1) -> (0, 0, 0)>
module attributes {stable_mosaic.version = 14 : i64} {
  func.func @kernel_fn(%arg0: i32, %arg1: i32, %arg2: memref<8192xf32, #tpu.memory_space<hbm>>, %arg3: memref<200704x96xf32, #tpu.memory_space<hbm>>, %arg4: memref<4096x98x96xf32, #tpu.memory_space<hbm>>, %arg5: memref<256xf32, #tpu.memory_space<vmem>>, %arg6: memref<2x112xi32, #tpu.memory_space<vmem>>, %arg7: memref<2x112xi32, #tpu.memory_space<vmem>>, %arg8: memref<2x112xi32, #tpu.memory_space<vmem>>, %arg9: memref<2x112xi32, #tpu.memory_space<vmem>>, %arg10: memref<224xf32, #tpu.memory_space<vmem>>, %arg11: memref<224xf32, #tpu.memory_space<vmem>>, %arg12: memref<224xf32, #tpu.memory_space<vmem>>, %arg13: memref<224xf32, #tpu.memory_space<vmem>>, %arg14: memref<2x112x96xf32, #tpu.memory_space<vmem>>, %arg15: memref<2x112x96xf32, #tpu.memory_space<vmem>>, %arg16: memref<2x112x96xf32, #tpu.memory_space<vmem>>, %arg17: memref<2x112x96xf32, #tpu.memory_space<vmem>>, %arg18: memref<2x98x96xf32, #tpu.memory_space<vmem>>, %arg19: memref<!tpu.dma_semaphore, #tpu.memory_space<semaphore_mem>>, %arg20: memref<!tpu.dma_semaphore, #tpu.memory_space<semaphore_mem>>, %arg21: memref<!tpu.dma_semaphore, #tpu.memory_space<semaphore_mem>>, %arg22: memref<!tpu.dma_semaphore, #tpu.memory_space<semaphore_mem>>) attributes {dimension_semantics = [#tpu.dimension_semantics<core_parallel>, #tpu.dimension_semantics<subcore_parallel>], iteration_bounds = array<i64: 2, 16>, scalar_prefetch = 0 : i64, scratch_operands = 18 : i64, tpu.core_type = #tpu.core_type<sc_vector_subcore>, window_params = [{transform_indices = #map}, {transform_indices = #map1}, {transform_indices = #map2}]} {
    %mul3A = arith.constant 2 : i32
    %mul3A_0 = arith.muli %arg1, %mul3A : i32
    %add3A = arith.addi %mul3A_0, %arg0 : i32
    %mul3A_1 = arith.constant 64 : i32
    %mul3A_2 = arith.muli %add3A, %mul3A_1 : i32
    %mul3A_3 = arith.constant 2 : i32
    %mul3A_4 = arith.muli %mul3A_2, %mul3A_3 : i32
    %mul3A_5 = arith.constant 4 : i32
    %mul3A_6 = arith.muli %mul3A_2, %mul3A_5 : i32
    "tpu.region"() ({
      %run_scoped3A = tpu.sem_alloc : memref<!tpu.dma_semaphore, #tpu.memory_space<semaphore_mem>>
      %dma_start3A = tpu.memref_slice %arg2[%mul3A_6] : memref<8192xf32, #tpu.memory_space<hbm>> -> memref<256xf32, #tpu.memory_space<hbm>>
      %dma_start3A_13 = tpu.memref_slice %arg2[%mul3A_6] : memref<8192xf32, #tpu.memory_space<hbm>> -> memref<256xf32, #tpu.memory_space<hbm>>
      tpu.enqueue_dma source(%dma_start3A_13 : memref<256xf32, #tpu.memory_space<hbm>>) target(%arg5 : memref<256xf32, #tpu.memory_space<vmem>>) target_semaphore(%run_scoped3A : memref<!tpu.dma_semaphore, #tpu.memory_space<semaphore_mem>>)
      %dma_wait3A = tpu.memref_slice %arg2[%mul3A_6] : memref<8192xf32, #tpu.memory_space<hbm>> -> memref<256xf32, #tpu.memory_space<hbm>>
      %dma_wait3A_14 = tpu.memref_slice %arg2[%mul3A_6] : memref<8192xf32, #tpu.memory_space<hbm>> -> memref<256xf32, #tpu.memory_space<hbm>>
      tpu.wait_dma2 semaphore(%run_scoped3A : memref<!tpu.dma_semaphore, #tpu.memory_space<semaphore_mem>>) src(%dma_wait3A_14 : memref<256xf32, #tpu.memory_space<hbm>>) dst(%arg5 : memref<256xf32, #tpu.memory_space<vmem>>)
      tpu.yield
    }) : () -> ()
    %iota3A = tpu.iota {dimensions = array<i32: 0>} : vector<16xi32>
    %scan3A = arith.constant 1.000000e+00 : f32
    %scan3A_7 = arith.constant 0.000000e+00 : f32
    %scan3A_8 = arith.constant 0 : i32
    %scan3A_9 = arith.constant 64 : i32
    %scan3A_10 = arith.addi %scan3A_8, %scan3A_9 : i32
    %scan3A_11 = arith.constant 1 : i32
    scf.for %scan3A_13 = %scan3A_8 to %scan3A_10 step %scan3A_11  : i32 {
      %add3A_14 = arith.addi %mul3A_2, %scan3A_13 : i32
      %jit3A = arith.constant 512 : i32
      %div3A = arith.divsi %add3A_14, %jit3A : i32
      %sign3A = arith.constant 0 : i32
      %sign3A_15 = arith.cmpi sgt, %add3A_14, %sign3A : i32
      %sign3A_16 = arith.extui %sign3A_15 : i1 to i32
      %sign3A_17 = arith.constant 0 : i32
      %sign3A_18 = arith.cmpi slt, %add3A_14, %sign3A_17 : i32
      %sign3A_19 = arith.extui %sign3A_18 : i1 to i32
      %sign3A_20 = arith.subi %sign3A_16, %sign3A_19 : i32
      %sign3A_21 = arith.constant 0 : i32
      %sign3A_22 = arith.cmpi sgt, %jit3A, %sign3A_21 : i32
      %sign3A_23 = arith.extui %sign3A_22 : i1 to i32
      %sign3A_24 = arith.constant 0 : i32
      %sign3A_25 = arith.cmpi slt, %jit3A, %sign3A_24 : i32
      %sign3A_26 = arith.extui %sign3A_25 : i1 to i32
      %sign3A_27 = arith.subi %sign3A_23, %sign3A_26 : i32
      %ne3A = arith.cmpi ne, %sign3A_20, %sign3A_27 : i32
      %rem3A = arith.remsi %add3A_14, %jit3A : i32
      %ne3A_28 = arith.constant 0 : i32
      %ne3A_29 = arith.cmpi ne, %rem3A, %ne3A_28 : i32
      %and3A = arith.andi %ne3A, %ne3A_29 : i1
      %sub3A = arith.constant 1 : i32
      %sub3A_30 = arith.subi %div3A, %sub3A : i32
      %select_n3A = arith.select %and3A, %sub3A_30, %div3A : i32
      %mul3A_31 = arith.constant 50176 : i32
      %mul3A_32 = arith.muli %select_n3A, %mul3A_31 : i32
      %mul3A_33 = arith.constant 4 : i32
      %mul3A_34 = arith.muli %mul3A_33, %scan3A_13 : i32
      %broadcast_in_dim3A = vector.broadcast %mul3A_34 : i32 to vector<16xi32>
      %gather3A = tpu.vector_load_idx %arg5[%broadcast_in_dim3A] : memref<256xf32, #tpu.memory_space<vmem>>[vector<16xi32>], vector<16xf32>,
      %mul3A_35 = arith.constant 4 : i32
      %mul3A_36 = arith.muli %mul3A_35, %scan3A_13 : i32
      %add3A_37 = arith.constant 1 : i32
      %add3A_38 = arith.addi %mul3A_36, %add3A_37 : i32
      %broadcast_in_dim3A_39 = vector.broadcast %add3A_38 : i32 to vector<16xi32>
      %gather3A_40 = tpu.vector_load_idx %arg5[%broadcast_in_dim3A_39] : memref<256xf32, #tpu.memory_space<vmem>>[vector<16xi32>], vector<16xf32>,
      %mul3A_41 = arith.constant 4 : i32
      %mul3A_42 = arith.muli %mul3A_41, %scan3A_13 : i32
      %add3A_43 = arith.constant 2 : i32
      %add3A_44 = arith.addi %mul3A_42, %add3A_43 : i32
      %broadcast_in_dim3A_45 = vector.broadcast %add3A_44 : i32 to vector<16xi32>
      %gather3A_46 = tpu.vector_load_idx %arg5[%broadcast_in_dim3A_45] : memref<256xf32, #tpu.memory_space<vmem>>[vector<16xi32>], vector<16xf32>,
      %mul3A_47 = arith.constant 4 : i32
      %mul3A_48 = arith.muli %mul3A_47, %scan3A_13 : i32
      %add3A_49 = arith.constant 3 : i32
      %add3A_50 = arith.addi %mul3A_48, %add3A_49 : i32
      %broadcast_in_dim3A_51 = vector.broadcast %add3A_50 : i32 to vector<16xi32>
      %gather3A_52 = tpu.vector_load_idx %arg5[%broadcast_in_dim3A_51] : memref<256xf32, #tpu.memory_space<vmem>>[vector<16xi32>], vector<16xf32>,
      %div3A_53 = arith.constant 2.240000e+02 : f32
      %div3A_54 = vector.broadcast %div3A_53 : f32 to vector<16xf32>
      %div3A_55 = arith.divf %gather3A_40, %div3A_54 : vector<16xf32>
      %mul3A_56 = arith.constant 2.240000e+02 : f32
      %mul3A_57 = vector.broadcast %mul3A_56 : f32 to vector<16xf32>
      %mul3A_58 = arith.mulf %div3A_55, %mul3A_57 : vector<16xf32>
      %div3A_59 = arith.constant 2.230000e+02 : f32
      %div3A_60 = vector.broadcast %div3A_59 : f32 to vector<16xf32>
      %div3A_61 = arith.divf %mul3A_58, %div3A_60 : vector<16xf32>
      %div3A_62 = arith.constant 2.240000e+02 : f32
      %div3A_63 = vector.broadcast %div3A_62 : f32 to vector<16xf32>
      %div3A_64 = arith.divf %gather3A, %div3A_63 : vector<16xf32>
      %mul3A_65 = arith.constant 2.240000e+02 : f32
      %mul3A_66 = vector.broadcast %mul3A_65 : f32 to vector<16xf32>
      %mul3A_67 = arith.mulf %div3A_64, %mul3A_66 : vector<16xf32>
      %div3A_68 = arith.constant 2.230000e+02 : f32
      %div3A_69 = vector.broadcast %div3A_68 : f32 to vector<16xf32>
      %div3A_70 = arith.divf %mul3A_67, %div3A_69 : vector<16xf32>
      %div3A_71 = arith.constant 2.240000e+02 : f32
      %div3A_72 = vector.broadcast %div3A_71 : f32 to vector<16xf32>
      %div3A_73 = arith.divf %gather3A_52, %div3A_72 : vector<16xf32>
      %mul3A_74 = arith.constant 2.240000e+02 : f32
      %mul3A_75 = vector.broadcast %mul3A_74 : f32 to vector<16xf32>
      %mul3A_76 = arith.mulf %div3A_73, %mul3A_75 : vector<16xf32>
      %sub3A_77 = arith.constant 1.000000e+00 : f32
      %sub3A_78 = vector.broadcast %sub3A_77 : f32 to vector<16xf32>
      %sub3A_79 = arith.subf %mul3A_76, %sub3A_78 : vector<16xf32>
      %div3A_80 = arith.constant 2.230000e+02 : f32
      %div3A_81 = vector.broadcast %div3A_80 : f32 to vector<16xf32>
      %div3A_82 = arith.divf %sub3A_79, %div3A_81 : vector<16xf32>
      %div3A_83 = arith.constant 2.240000e+02 : f32
      %div3A_84 = vector.broadcast %div3A_83 : f32 to vector<16xf32>
      %div3A_85 = arith.divf %gather3A_46, %div3A_84 : vector<16xf32>
      %mul3A_86 = arith.constant 2.240000e+02 : f32
      %mul3A_87 = vector.broadcast %mul3A_86 : f32 to vector<16xf32>
      %mul3A_88 = arith.mulf %div3A_85, %mul3A_87 : vector<16xf32>
      %sub3A_89 = arith.constant 1.000000e+00 : f32
      %sub3A_90 = vector.broadcast %sub3A_89 : f32 to vector<16xf32>
      %sub3A_91 = arith.subf %mul3A_88, %sub3A_90 : vector<16xf32>
      %div3A_92 = arith.constant 2.230000e+02 : f32
      %div3A_93 = vector.broadcast %div3A_92 : f32 to vector<16xf32>
      %div3A_94 = arith.divf %sub3A_91, %div3A_93 : vector<16xf32>
      %sub3A_95 = arith.subf %div3A_82, %div3A_61 : vector<16xf32>
      %mul3A_96 = arith.constant 2.230000e+02 : f32
      %mul3A_97 = vector.broadcast %mul3A_96 : f32 to vector<16xf32>
      %mul3A_98 = arith.mulf %sub3A_95, %mul3A_97 : vector<16xf32>
      %div3A_99 = arith.constant 1.300000e+01 : f32
      %div3A_100 = vector.broadcast %div3A_99 : f32 to vector<16xf32>
      %div3A_101 = arith.divf %mul3A_98, %div3A_100 : vector<16xf32>
      %sub3A_102 = arith.subf %div3A_94, %div3A_70 : vector<16xf32>
      %mul3A_103 = arith.constant 2.230000e+02 : f32
      %mul3A_104 = vector.broadcast %mul3A_103 : f32 to vector<16xf32>
      %mul3A_105 = arith.mulf %sub3A_102, %mul3A_104 : vector<16xf32>
      %div3A_106 = arith.constant 1.300000e+01 : f32
      %div3A_107 = vector.broadcast %div3A_106 : f32 to vector<16xf32>
      %div3A_108 = arith.divf %mul3A_105, %div3A_107 : vector<16xf32>
      %mul3A_109 = arith.constant 2.230000e+02 : f32
      %mul3A_110 = vector.broadcast %mul3A_109 : f32 to vector<16xf32>
      %mul3A_111 = arith.mulf %div3A_61, %mul3A_110 : vector<16xf32>
      %mul3A_112 = arith.constant 2.230000e+02 : f32
      %mul3A_113 = vector.broadcast %mul3A_112 : f32 to vector<16xf32>
      %mul3A_114 = arith.mulf %div3A_70, %mul3A_113 : vector<16xf32>
      %add3A_115 = arith.constant 0 : i32
      %add3A_116 = vector.broadcast %add3A_115 : i32 to vector<16xi32>
      %add3A_117 = arith.addi %add3A_116, %iota3A : vector<16xi32>
      %jit3A_118 = arith.constant 14 : i32
      %div3A_119 = vector.broadcast %jit3A_118 : i32 to vector<16xi32>
      %div3A_120 = arith.divsi %add3A_117, %div3A_119 : vector<16xi32>
      %sign3A_121 = arith.constant 0 : i32
      %sign3A_122 = vector.broadcast %sign3A_121 : i32 to vector<16xi32>
      %sign3A_123 = arith.cmpi sgt, %add3A_117, %sign3A_122 : vector<16xi32>
      %sign3A_124 = arith.extui %sign3A_123 : vector<16xi1> to vector<16xi32>
      %sign3A_125 = arith.constant 0 : i32
      %sign3A_126 = vector.broadcast %sign3A_125 : i32 to vector<16xi32>
      %sign3A_127 = arith.cmpi slt, %add3A_117, %sign3A_126 : vector<16xi32>
      %sign3A_128 = arith.extui %sign3A_127 : vector<16xi1> to vector<16xi32>
      %sign3A_129 = arith.subi %sign3A_124, %sign3A_128 : vector<16xi32>
      %sign3A_130 = arith.constant 0 : i32
      %sign3A_131 = arith.cmpi sgt, %jit3A_118, %sign3A_130 : i32
      %sign3A_132 = arith.extui %sign3A_131 : i1 to i32
      %sign3A_133 = arith.constant 0 : i32
      %sign3A_134 = arith.cmpi slt, %jit3A_118, %sign3A_133 : i32
      %sign3A_135 = arith.extui %sign3A_134 : i1 to i32
      %sign3A_136 = arith.subi %sign3A_132, %sign3A_135 : i32
      %ne3A_137 = vector.broadcast %sign3A_136 : i32 to vector<16xi32>
      %ne3A_138 = arith.cmpi ne, %sign3A_129, %ne3A_137 : vector<16xi32>
      %rem3A_139 = vector.broadcast %jit3A_118 : i32 to vector<16xi32>
      %rem3A_140 = arith.remsi %add3A_117, %rem3A_139 : vector<16xi32>
      %ne3A_141 = arith.constant 0 : i32
      %ne3A_142 = vector.broadcast %ne3A_141 : i32 to vector<16xi32>
      %ne3A_143 = arith.cmpi ne, %rem3A_140, %ne3A_142 : vector<16xi32>
      %and3A_144 = arith.andi %ne3A_138, %ne3A_143 : vector<16xi1>
      %sub3A_145 = arith.constant 1 : i32
      %sub3A_146 = vector.broadcast %sub3A_145 : i32 to vector<16xi32>
      %sub3A_147 = arith.subi %div3A_120, %sub3A_146 : vector<16xi32>
      %select_n3A_148 = arith.select %and3A_144, %sub3A_147, %div3A_120 : vector<16xi1>, vector<16xi32>
      %mul3A_149 = arith.constant 14 : i32
      %mul3A_150 = vector.broadcast %mul3A_149 : i32 to vector<16xi32>
      %mul3A_151 = arith.muli %select_n3A_148, %mul3A_150 : vector<16xi32>
      %sub3A_152 = arith.subi %add3A_117, %mul3A_151 : vector<16xi32>
      %convert_element_type3A = arith.sitofp %select_n3A_148 : vector<16xi32> to vector<16xf32>
      %mul3A_153 = arith.mulf %convert_element_type3A, %div3A_101 : vector<16xf32>
      %add3A_154 = arith.addf %mul3A_111, %mul3A_153 : vector<16xf32>
      %convert_element_type3A_155 = arith.sitofp %sub3A_152 : vector<16xi32> to vector<16xf32>
      %mul3A_156 = arith.mulf %convert_element_type3A_155, %div3A_108 : vector<16xf32>
      %add3A_157 = arith.addf %mul3A_114, %mul3A_156 : vector<16xf32>
      %convert_element_type3A_158 = arith.fptosi %add3A_154 : vector<16xf32> to vector<16xi32>
      %convert_element_type3A_159 = arith.sitofp %convert_element_type3A_158 : vector<16xi32> to vector<16xf32>
      %lt3A = arith.cmpf olt, %add3A_154, %convert_element_type3A_159 : vector<16xf32>
      %jit3A_160 = arith.constant 1.000000e+00 : f32
      %jit3A_161 = arith.constant 0.000000e+00 : f32
      %broadcast_in_dim3A_162 = vector.broadcast %jit3A_160 : f32 to vector<16xf32>
      %broadcast_in_dim3A_163 = vector.broadcast %jit3A_161 : f32 to vector<16xf32>
      %select_n3A_164 = arith.select %lt3A, %broadcast_in_dim3A_162, %broadcast_in_dim3A_163 : vector<16xi1>, vector<16xf32>
      %sub3A_165 = arith.subf %convert_element_type3A_159, %select_n3A_164 : vector<16xf32>
      %convert_element_type3A_166 = arith.fptosi %add3A_157 : vector<16xf32> to vector<16xi32>
      %convert_element_type3A_167 = arith.sitofp %convert_element_type3A_166 : vector<16xi32> to vector<16xf32>
      %lt3A_168 = arith.cmpf olt, %add3A_157, %convert_element_type3A_167 : vector<16xf32>
      %jit3A_169 = arith.constant 1.000000e+00 : f32
      %jit3A_170 = arith.constant 0.000000e+00 : f32
      %broadcast_in_dim3A_171 = vector.broadcast %jit3A_169 : f32 to vector<16xf32>
      %broadcast_in_dim3A_172 = vector.broadcast %jit3A_170 : f32 to vector<16xf32>
      %select_n3A_173 = arith.select %lt3A_168, %broadcast_in_dim3A_171, %broadcast_in_dim3A_172 : vector<16xi1>, vector<16xf32>
      %sub3A_174 = arith.subf %convert_element_type3A_167, %select_n3A_173 : vector<16xf32>
      %sub3A_175 = arith.subf %add3A_154, %sub3A_165 : vector<16xf32>
      %sub3A_176 = arith.subf %add3A_157, %sub3A_174 : vector<16xf32>
      %jit3A_177 = arith.constant 0.000000e+00 : f32
      %jit3A_178 = arith.constant 2.230000e+02 : f32
      %max3A = vector.broadcast %jit3A_177 : f32 to vector<16xf32>
      %max3A_179 = arith.maximumf %max3A, %sub3A_165 : vector<16xf32>
      %min3A = vector.broadcast %jit3A_178 : f32 to vector<16xf32>
      %min3A_180 = arith.minimumf %min3A, %max3A_179 : vector<16xf32>
      %convert_element_type3A_181 = arith.fptosi %min3A_180 : vector<16xf32> to vector<16xi32>
      %add3A_182 = arith.constant 1.000000e+00 : f32
      %add3A_183 = vector.broadcast %add3A_182 : f32 to vector<16xf32>
      %add3A_184 = arith.addf %sub3A_165, %add3A_183 : vector<16xf32>
      %jit3A_185 = arith.constant 0.000000e+00 : f32
      %jit3A_186 = arith.constant 2.230000e+02 : f32
      %max3A_187 = vector.broadcast %jit3A_185 : f32 to vector<16xf32>
      %max3A_188 = arith.maximumf %max3A_187, %add3A_184 : vector<16xf32>
      %min3A_189 = vector.broadcast %jit3A_186 : f32 to vector<16xf32>
      %min3A_190 = arith.minimumf %min3A_189, %max3A_188 : vector<16xf32>
      %convert_element_type3A_191 = arith.fptosi %min3A_190 : vector<16xf32> to vector<16xi32>
      %jit3A_192 = arith.constant 0.000000e+00 : f32
      %jit3A_193 = arith.constant 2.230000e+02 : f32
      %max3A_194 = vector.broadcast %jit3A_192 : f32 to vector<16xf32>
      %max3A_195 = arith.maximumf %max3A_194, %sub3A_174 : vector<16xf32>
      %min3A_196 = vector.broadcast %jit3A_193 : f32 to vector<16xf32>
      %min3A_197 = arith.minimumf %min3A_196, %max3A_195 : vector<16xf32>
      %convert_element_type3A_198 = arith.fptosi %min3A_197 : vector<16xf32> to vector<16xi32>
      %add3A_199 = arith.constant 1.000000e+00 : f32
      %add3A_200 = vector.broadcast %add3A_199 : f32 to vector<16xf32>
      %add3A_201 = arith.addf %sub3A_174, %add3A_200 : vector<16xf32>
      %jit3A_202 = arith.constant 0.000000e+00 : f32
      %jit3A_203 = arith.constant 2.230000e+02 : f32
      %max3A_204 = vector.broadcast %jit3A_202 : f32 to vector<16xf32>
      %max3A_205 = arith.maximumf %max3A_204, %add3A_201 : vector<16xf32>
      %min3A_206 = vector.broadcast %jit3A_203 : f32 to vector<16xf32>
      %min3A_207 = arith.minimumf %min3A_206, %max3A_205 : vector<16xf32>
      %convert_element_type3A_208 = arith.fptosi %min3A_207 : vector<16xf32> to vector<16xi32>
      %ge3A = arith.constant 0.000000e+00 : f32
      %ge3A_209 = vector.broadcast %ge3A : f32 to vector<16xf32>
      %ge3A_210 = arith.cmpf oge, %add3A_154, %ge3A_209 : vector<16xf32>
      %le3A = arith.constant 2.230000e+02 : f32
      %le3A_211 = vector.broadcast %le3A : f32 to vector<16xf32>
      %le3A_212 = arith.cmpf ole, %add3A_154, %le3A_211 : vector<16xf32>
      %and3A_213 = arith.andi %ge3A_210, %le3A_212 : vector<16xi1>
      %ge3A_214 = arith.constant 0.000000e+00 : f32
      %ge3A_215 = vector.broadcast %ge3A_214 : f32 to vector<16xf32>
      %ge3A_216 = arith.cmpf oge, %add3A_157, %ge3A_215 : vector<16xf32>
      %le3A_217 = arith.constant 2.230000e+02 : f32
      %le3A_218 = vector.broadcast %le3A_217 : f32 to vector<16xf32>
      %le3A_219 = arith.cmpf ole, %add3A_157, %le3A_218 : vector<16xf32>
      %and3A_220 = arith.andi %ge3A_216, %le3A_219 : vector<16xi1>
      %sub3A_221 = vector.broadcast %scan3A : f32 to vector<16xf32>
      %sub3A_222 = arith.subf %sub3A_221, %sub3A_175 : vector<16xf32>
      %broadcast_in_dim3A_223 = vector.broadcast %scan3A_7 : f32 to vector<16xf32>
      %select_n3A_224 = arith.select %and3A_213, %sub3A_222, %broadcast_in_dim3A_223 : vector<16xi1>, vector<16xf32>
      %broadcast_in_dim3A_225 = vector.broadcast %scan3A_7 : f32 to vector<16xf32>
      %select_n3A_226 = arith.select %and3A_213, %sub3A_175, %broadcast_in_dim3A_225 : vector<16xi1>, vector<16xf32>
      %sub3A_227 = vector.broadcast %scan3A : f32 to vector<16xf32>
      %sub3A_228 = arith.subf %sub3A_227, %sub3A_176 : vector<16xf32>
      %broadcast_in_dim3A_229 = vector.broadcast %scan3A_7 : f32 to vector<16xf32>
      %select_n3A_230 = arith.select %and3A_220, %sub3A_228, %broadcast_in_dim3A_229 : vector<16xi1>, vector<16xf32>
      %broadcast_in_dim3A_231 = vector.broadcast %scan3A_7 : f32 to vector<16xf32>
      %select_n3A_232 = arith.select %and3A_220, %sub3A_176, %broadcast_in_dim3A_231 : vector<16xi1>, vector<16xf32>
      %mul3A_233 = arith.constant 224 : i32
      %mul3A_234 = vector.broadcast %mul3A_233 : i32 to vector<16xi32>
      %mul3A_235 = arith.muli %convert_element_type3A_181, %mul3A_234 : vector<16xi32>
      %add3A_236 = vector.broadcast %mul3A_32 : i32 to vector<16xi32>
      %add3A_237 = arith.addi %add3A_236, %mul3A_235 : vector<16xi32>
      %mul3A_238 = arith.constant 224 : i32
      %mul3A_239 = vector.broadcast %mul3A_238 : i32 to vector<16xi32>
      %mul3A_240 = arith.muli %convert_element_type3A_191, %mul3A_239 : vector<16xi32>
      %add3A_241 = vector.broadcast %mul3A_32 : i32 to vector<16xi32>
      %add3A_242 = arith.addi %add3A_241, %mul3A_240 : vector<16xi32>
      %add3A_243 = arith.addi %add3A_237, %convert_element_type3A_198 : vector<16xi32>
      %swap3A = arith.constant 0 : i32
      %swap3A_244 = arith.index_cast %swap3A : i32 to index
      %swap3A_245 = arith.constant 0 : index
      %swap3A_246 = tpu.vector_load %arg6[%swap3A_244, %swap3A_245] {strides = array<i32>} : memref<2x112xi32, #tpu.memory_space<vmem>>, vector<16xi32>,
      tpu.vector_store %arg6[%swap3A_244, %swap3A_245], %add3A_243 {strides = array<i32>} : memref<2x112xi32, #tpu.memory_space<vmem>>, vector<16xi32>,
      %add3A_247 = arith.addi %add3A_237, %convert_element_type3A_208 : vector<16xi32>
      %swap3A_248 = arith.constant 0 : i32
      %swap3A_249 = arith.index_cast %swap3A_248 : i32 to index
      %swap3A_250 = arith.constant 0 : index
      %swap3A_251 = tpu.vector_load %arg7[%swap3A_249, %swap3A_250] {strides = array<i32>} : memref<2x112xi32, #tpu.memory_space<vmem>>, vector<16xi32>,
      tpu.vector_store %arg7[%swap3A_249, %swap3A_250], %add3A_247 {strides = array<i32>} : memref<2x112xi32, #tpu.memory_space<vmem>>, vector<16xi32>,
      %add3A_252 = arith.addi %add3A_242, %convert_element_type3A_198 : vector<16xi32>
      %swap3A_253 = arith.constant 0 : i32
      %swap3A_254 = arith.index_cast %swap3A_253 : i32 to index
      %swap3A_255 = arith.constant 0 : index
      %swap3A_256 = tpu.vector_load %arg8[%swap3A_254, %swap3A_255] {strides = array<i32>} : memref<2x112xi32, #tpu.memory_space<vmem>>, vector<16xi32>,
      tpu.vector_store %arg8[%swap3A_254, %swap3A_255], %add3A_252 {strides = array<i32>} : memref<2x112xi32, #tpu.memory_space<vmem>>, vector<16xi32>,
      %add3A_257 = arith.addi %add3A_242, %convert_element_type3A_208 : vector<16xi32>
      %swap3A_258 = arith.constant 0 : i32
      %swap3A_259 = arith.index_cast %swap3A_258 : i32 to index
      %swap3A_260 = arith.constant 0 : index
      %swap3A_261 = tpu.vector_load %arg9[%swap3A_259, %swap3A_260] {strides = array<i32>} : memref<2x112xi32, #tpu.memory_space<vmem>>, vector<16xi32>,
      tpu.vector_store %arg9[%swap3A_259, %swap3A_260], %add3A_257 {strides = array<i32>} : memref<2x112xi32, #tpu.memory_space<vmem>>, vector<16xi32>,
      %mul3A_262 = arith.mulf %select_n3A_224, %select_n3A_230 : vector<16xf32>
      %swap3A_263 = arith.constant 0 : index
      %swap3A_264 = tpu.vector_load %arg10[%swap3A_263] {strides = array<i32>} : memref<224xf32, #tpu.memory_space<vmem>>, vector<16xf32>,
      tpu.vector_store %arg10[%swap3A_263], %mul3A_262 {strides = array<i32>} : memref<224xf32, #tpu.memory_space<vmem>>, vector<16xf32>,
      %mul3A_265 = arith.mulf %select_n3A_224, %select_n3A_232 : vector<16xf32>
      %swap3A_266 = arith.constant 0 : index
      %swap3A_267 = tpu.vector_load %arg11[%swap3A_266] {strides = array<i32>} : memref<224xf32, #tpu.memory_space<vmem>>, vector<16xf32>,
      tpu.vector_store %arg11[%swap3A_266], %mul3A_265 {strides = array<i32>} : memref<224xf32, #tpu.memory_space<vmem>>, vector<16xf32>,
      %mul3A_268 = arith.mulf %select_n3A_226, %select_n3A_230 : vector<16xf32>
      %swap3A_269 = arith.constant 0 : index
      %swap3A_270 = tpu.vector_load %arg12[%swap3A_269] {strides = array<i32>} : memref<224xf32, #tpu.memory_space<vmem>>, vector<16xf32>,
      tpu.vector_store %arg12[%swap3A_269], %mul3A_268 {strides = array<i32>} : memref<224xf32, #tpu.memory_space<vmem>>, vector<16xf32>,
      %mul3A_271 = arith.mulf %select_n3A_226, %select_n3A_232 : vector<16xf32>
      %swap3A_272 = arith.constant 0 : index
      %swap3A_273 = tpu.vector_load %arg13[%swap3A_272] {strides = array<i32>} : memref<224xf32, #tpu.memory_space<vmem>>, vector<16xf32>,
      tpu.vector_store %arg13[%swap3A_272], %mul3A_271 {strides = array<i32>} : memref<224xf32, #tpu.memory_space<vmem>>, vector<16xf32>,
      %add3A_274 = arith.constant 16 : i32
      %add3A_275 = vector.broadcast %add3A_274 : i32 to vector<16xi32>
      %add3A_276 = arith.addi %add3A_275, %iota3A : vector<16xi32>
      %jit3A_277 = arith.constant 14 : i32
      %div3A_278 = vector.broadcast %jit3A_277 : i32 to vector<16xi32>
      %div3A_279 = arith.divsi %add3A_276, %div3A_278 : vector<16xi32>
      %sign3A_280 = arith.constant 0 : i32
      %sign3A_281 = vector.broadcast %sign3A_280 : i32 to vector<16xi32>
      %sign3A_282 = arith.cmpi sgt, %add3A_276, %sign3A_281 : vector<16xi32>
      %sign3A_283 = arith.extui %sign3A_282 : vector<16xi1> to vector<16xi32>
      %sign3A_284 = arith.constant 0 : i32
      %sign3A_285 = vector.broadcast %sign3A_284 : i32 to vector<16xi32>
      %sign3A_286 = arith.cmpi slt, %add3A_276, %sign3A_285 : vector<16xi32>
      %sign3A_287 = arith.extui %sign3A_286 : vector<16xi1> to vector<16xi32>
      %sign3A_288 = arith.subi %sign3A_283, %sign3A_287 : vector<16xi32>
      %sign3A_289 = arith.constant 0 : i32
      %sign3A_290 = arith.cmpi sgt, %jit3A_277, %sign3A_289 : i32
      %sign3A_291 = arith.extui %sign3A_290 : i1 to i32
      %sign3A_292 = arith.constant 0 : i32
      %sign3A_293 = arith.cmpi slt, %jit3A_277, %sign3A_292 : i32
      %sign3A_294 = arith.extui %sign3A_293 : i1 to i32
      %sign3A_295 = arith.subi %sign3A_291, %sign3A_294 : i32
      %ne3A_296 = vector.broadcast %sign3A_295 : i32 to vector<16xi32>
      %ne3A_297 = arith.cmpi ne, %sign3A_288, %ne3A_296 : vector<16xi32>
      %rem3A_298 = vector.broadcast %jit3A_277 : i32 to vector<16xi32>
      %rem3A_299 = arith.remsi %add3A_276, %rem3A_298 : vector<16xi32>
      %ne3A_300 = arith.constant 0 : i32
      %ne3A_301 = vector.broadcast %ne3A_300 : i32 to vector<16xi32>
      %ne3A_302 = arith.cmpi ne, %rem3A_299, %ne3A_301 : vector<16xi32>
      %and3A_303 = arith.andi %ne3A_297, %ne3A_302 : vector<16xi1>
      %sub3A_304 = arith.constant 1 : i32
      %sub3A_305 = vector.broadcast %sub3A_304 : i32 to vector<16xi32>
      %sub3A_306 = arith.subi %div3A_279, %sub3A_305 : vector<16xi32>
      %select_n3A_307 = arith.select %and3A_303, %sub3A_306, %div3A_279 : vector<16xi1>, vector<16xi32>
      %mul3A_308 = arith.constant 14 : i32
      %mul3A_309 = vector.broadcast %mul3A_308 : i32 to vector<16xi32>
      %mul3A_310 = arith.muli %select_n3A_307, %mul3A_309 : vector<16xi32>
      %sub3A_311 = arith.subi %add3A_276, %mul3A_310 : vector<16xi32>
      %convert_element_type3A_312 = arith.sitofp %select_n3A_307 : vector<16xi32> to vector<16xf32>
      %mul3A_313 = arith.mulf %convert_element_type3A_312, %div3A_101 : vector<16xf32>
      %add3A_314 = arith.addf %mul3A_111, %mul3A_313 : vector<16xf32>
      %convert_element_type3A_315 = arith.sitofp %sub3A_311 : vector<16xi32> to vector<16xf32>
      %mul3A_316 = arith.mulf %convert_element_type3A_315, %div3A_108 : vector<16xf32>
      %add3A_317 = arith.addf %mul3A_114, %mul3A_316 : vector<16xf32>
      %convert_element_type3A_318 = arith.fptosi %add3A_314 : vector<16xf32> to vector<16xi32>
      %convert_element_type3A_319 = arith.sitofp %convert_element_type3A_318 : vector<16xi32> to vector<16xf32>
      %lt3A_320 = arith.cmpf olt, %add3A_314, %convert_element_type3A_319 : vector<16xf32>
      %jit3A_321 = arith.constant 1.000000e+00 : f32
      %jit3A_322 = arith.constant 0.000000e+00 : f32
      %broadcast_in_dim3A_323 = vector.broadcast %jit3A_321 : f32 to vector<16xf32>
      %broadcast_in_dim3A_324 = vector.broadcast %jit3A_322 : f32 to vector<16xf32>
      %select_n3A_325 = arith.select %lt3A_320, %broadcast_in_dim3A_323, %broadcast_in_dim3A_324 : vector<16xi1>, vector<16xf32>
      %sub3A_326 = arith.subf %convert_element_type3A_319, %select_n3A_325 : vector<16xf32>
      %convert_element_type3A_327 = arith.fptosi %add3A_317 : vector<16xf32> to vector<16xi32>
      %convert_element_type3A_328 = arith.sitofp %convert_element_type3A_327 : vector<16xi32> to vector<16xf32>
      %lt3A_329 = arith.cmpf olt, %add3A_317, %convert_element_type3A_328 : vector<16xf32>
      %jit3A_330 = arith.constant 1.000000e+00 : f32
      %jit3A_331 = arith.constant 0.000000e+00 : f32
      %broadcast_in_dim3A_332 = vector.broadcast %jit3A_330 : f32 to vector<16xf32>
      %broadcast_in_dim3A_333 = vector.broadcast %jit3A_331 : f32 to vector<16xf32>
      %select_n3A_334 = arith.select %lt3A_329, %broadcast_in_dim3A_332, %broadcast_in_dim3A_333 : vector<16xi1>, vector<16xf32>
      %sub3A_335 = arith.subf %convert_element_type3A_328, %select_n3A_334 : vector<16xf32>
      %sub3A_336 = arith.subf %add3A_314, %sub3A_326 : vector<16xf32>
      %sub3A_337 = arith.subf %add3A_317, %sub3A_335 : vector<16xf32>
      %jit3A_338 = arith.constant 0.000000e+00 : f32
      %jit3A_339 = arith.constant 2.230000e+02 : f32
      %max3A_340 = vector.broadcast %jit3A_338 : f32 to vector<16xf32>
      %max3A_341 = arith.maximumf %max3A_340, %sub3A_326 : vector<16xf32>
      %min3A_342 = vector.broadcast %jit3A_339 : f32 to vector<16xf32>
      %min3A_343 = arith.minimumf %min3A_342, %max3A_341 : vector<16xf32>
      %convert_element_type3A_344 = arith.fptosi %min3A_343 : vector<16xf32> to vector<16xi32>
      %add3A_345 = arith.constant 1.000000e+00 : f32
      %add3A_346 = vector.broadcast %add3A_345 : f32 to vector<16xf32>
      %add3A_347 = arith.addf %sub3A_326, %add3A_346 : vector<16xf32>
      %jit3A_348 = arith.constant 0.000000e+00 : f32
      %jit3A_349 = arith.constant 2.230000e+02 : f32
      %max3A_350 = vector.broadcast %jit3A_348 : f32 to vector<16xf32>
      %max3A_351 = arith.maximumf %max3A_350, %add3A_347 : vector<16xf32>
      %min3A_352 = vector.broadcast %jit3A_349 : f32 to vector<16xf32>
      %min3A_353 = arith.minimumf %min3A_352, %max3A_351 : vector<16xf32>
      %convert_element_type3A_354 = arith.fptosi %min3A_353 : vector<16xf32> to vector<16xi32>
      %jit3A_355 = arith.constant 0.000000e+00 : f32
      %jit3A_356 = arith.constant 2.230000e+02 : f32
      %max3A_357 = vector.broadcast %jit3A_355 : f32 to vector<16xf32>
      %max3A_358 = arith.maximumf %max3A_357, %sub3A_335 : vector<16xf32>
      %min3A_359 = vector.broadcast %jit3A_356 : f32 to vector<16xf32>
      %min3A_360 = arith.minimumf %min3A_359, %max3A_358 : vector<16xf32>
      %convert_element_type3A_361 = arith.fptosi %min3A_360 : vector<16xf32> to vector<16xi32>
      %add3A_362 = arith.constant 1.000000e+00 : f32
      %add3A_363 = vector.broadcast %add3A_362 : f32 to vector<16xf32>
      %add3A_364 = arith.addf %sub3A_335, %add3A_363 : vector<16xf32>
      %jit3A_365 = arith.constant 0.000000e+00 : f32
      %jit3A_366 = arith.constant 2.230000e+02 : f32
      %max3A_367 = vector.broadcast %jit3A_365 : f32 to vector<16xf32>
      %max3A_368 = arith.maximumf %max3A_367, %add3A_364 : vector<16xf32>
      %min3A_369 = vector.broadcast %jit3A_366 : f32 to vector<16xf32>
      %min3A_370 = arith.minimumf %min3A_369, %max3A_368 : vector<16xf32>
      %convert_element_type3A_371 = arith.fptosi %min3A_370 : vector<16xf32> to vector<16xi32>
      %ge3A_372 = arith.constant 0.000000e+00 : f32
      %ge3A_373 = vector.broadcast %ge3A_372 : f32 to vector<16xf32>
      %ge3A_374 = arith.cmpf oge, %add3A_314, %ge3A_373 : vector<16xf32>
      %le3A_375 = arith.constant 2.230000e+02 : f32
      %le3A_376 = vector.broadcast %le3A_375 : f32 to vector<16xf32>
      %le3A_377 = arith.cmpf ole, %add3A_314, %le3A_376 : vector<16xf32>
      %and3A_378 = arith.andi %ge3A_374, %le3A_377 : vector<16xi1>
      %ge3A_379 = arith.constant 0.000000e+00 : f32
      %ge3A_380 = vector.broadcast %ge3A_379 : f32 to vector<16xf32>
      %ge3A_381 = arith.cmpf oge, %add3A_317, %ge3A_380 : vector<16xf32>
      %le3A_382 = arith.constant 2.230000e+02 : f32
      %le3A_383 = vector.broadcast %le3A_382 : f32 to vector<16xf32>
      %le3A_384 = arith.cmpf ole, %add3A_317, %le3A_383 : vector<16xf32>
      %and3A_385 = arith.andi %ge3A_381, %le3A_384 : vector<16xi1>
      %sub3A_386 = vector.broadcast %scan3A : f32 to vector<16xf32>
      %sub3A_387 = arith.subf %sub3A_386, %sub3A_336 : vector<16xf32>
      %broadcast_in_dim3A_388 = vector.broadcast %scan3A_7 : f32 to vector<16xf32>
      %select_n3A_389 = arith.select %and3A_378, %sub3A_387, %broadcast_in_dim3A_388 : vector<16xi1>, vector<16xf32>
      %broadcast_in_dim3A_390 = vector.broadcast %scan3A_7 : f32 to vector<16xf32>
      %select_n3A_391 = arith.select %and3A_378, %sub3A_336, %broadcast_in_dim3A_390 : vector<16xi1>, vector<16xf32>
      %sub3A_392 = vector.broadcast %scan3A : f32 to vector<16xf32>
      %sub3A_393 = arith.subf %sub3A_392, %sub3A_337 : vector<16xf32>
      %broadcast_in_dim3A_394 = vector.broadcast %scan3A_7 : f32 to vector<16xf32>
      %select_n3A_395 = arith.select %and3A_385, %sub3A_393, %broadcast_in_dim3A_394 : vector<16xi1>, vector<16xf32>
      %broadcast_in_dim3A_396 = vector.broadcast %scan3A_7 : f32 to vector<16xf32>
      %select_n3A_397 = arith.select %and3A_385, %sub3A_337, %broadcast_in_dim3A_396 : vector<16xi1>, vector<16xf32>
      %mul3A_398 = arith.constant 224 : i32
      %mul3A_399 = vector.broadcast %mul3A_398 : i32 to vector<16xi32>
      %mul3A_400 = arith.muli %convert_element_type3A_344, %mul3A_399 : vector<16xi32>
      %add3A_401 = vector.broadcast %mul3A_32 : i32 to vector<16xi32>
      %add3A_402 = arith.addi %add3A_401, %mul3A_400 : vector<16xi32>
      %mul3A_403 = arith.constant 224 : i32
      %mul3A_404 = vector.broadcast %mul3A_403 : i32 to vector<16xi32>
      %mul3A_405 = arith.muli %convert_element_type3A_354, %mul3A_404 : vector<16xi32>
      %add3A_406 = vector.broadcast %mul3A_32 : i32 to vector<16xi32>
      %add3A_407 = arith.addi %add3A_406, %mul3A_405 : vector<16xi32>
      %add3A_408 = arith.addi %add3A_402, %convert_element_type3A_361 : vector<16xi32>
      %swap3A_409 = arith.constant 0 : i32
      %swap3A_410 = arith.index_cast %swap3A_409 : i32 to index
      %swap3A_411 = arith.constant 16 : index
      %swap3A_412 = tpu.vector_load %arg6[%swap3A_410, %swap3A_411] {strides = array<i32>} : memref<2x112xi32, #tpu.memory_space<vmem>>, vector<16xi32>,
      tpu.vector_store %arg6[%swap3A_410, %swap3A_411], %add3A_408 {strides = array<i32>} : memref<2x112xi32, #tpu.memory_space<vmem>>, vector<16xi32>,
      %add3A_413 = arith.addi %add3A_402, %convert_element_type3A_371 : vector<16xi32>
      %swap3A_414 = arith.constant 0 : i32
      %swap3A_415 = arith.index_cast %swap3A_414 : i32 to index
      %swap3A_416 = arith.constant 16 : index
      %swap3A_417 = tpu.vector_load %arg7[%swap3A_415, %swap3A_416] {strides = array<i32>} : memref<2x112xi32, #tpu.memory_space<vmem>>, vector<16xi32>,
      tpu.vector_store %arg7[%swap3A_415, %swap3A_416], %add3A_413 {strides = array<i32>} : memref<2x112xi32, #tpu.memory_space<vmem>>, vector<16xi32>,
      %add3A_418 = arith.addi %add3A_407, %convert_element_type3A_361 : vector<16xi32>
      %swap3A_419 = arith.constant 0 : i32
      %swap3A_420 = arith.index_cast %swap3A_419 : i32 to index
      %swap3A_421 = arith.constant 16 : index
      %swap3A_422 = tpu.vector_load %arg8[%swap3A_420, %swap3A_421] {strides = array<i32>} : memref<2x112xi32, #tpu.memory_space<vmem>>, vector<16xi32>,
      tpu.vector_store %arg8[%swap3A_420, %swap3A_421], %add3A_418 {strides = array<i32>} : memref<2x112xi32, #tpu.memory_space<vmem>>, vector<16xi32>,
      %add3A_423 = arith.addi %add3A_407, %convert_element_type3A_371 : vector<16xi32>
      %swap3A_424 = arith.constant 0 : i32
      %swap3A_425 = arith.index_cast %swap3A_424 : i32 to index
      %swap3A_426 = arith.constant 16 : index
      %swap3A_427 = tpu.vector_load %arg9[%swap3A_425, %swap3A_426] {strides = array<i32>} : memref<2x112xi32, #tpu.memory_space<vmem>>, vector<16xi32>,
      tpu.vector_store %arg9[%swap3A_425, %swap3A_426], %add3A_423 {strides = array<i32>} : memref<2x112xi32, #tpu.memory_space<vmem>>, vector<16xi32>,
      %mul3A_428 = arith.mulf %select_n3A_389, %select_n3A_395 : vector<16xf32>
      %swap3A_429 = arith.constant 16 : index
      %swap3A_430 = tpu.vector_load %arg10[%swap3A_429] {strides = array<i32>} : memref<224xf32, #tpu.memory_space<vmem>>, vector<16xf32>,
      tpu.vector_store %arg10[%swap3A_429], %mul3A_428 {strides = array<i32>} : memref<224xf32, #tpu.memory_space<vmem>>, vector<16xf32>,
      %mul3A_431 = arith.mulf %select_n3A_389, %select_n3A_397 : vector<16xf32>
      %swap3A_432 = arith.constant 16 : index
      %swap3A_433 = tpu.vector_load %arg11[%swap3A_432] {strides = array<i32>} : memref<224xf32, #tpu.memory_space<vmem>>, vector<16xf32>,
      tpu.vector_store %arg11[%swap3A_432], %mul3A_431 {strides = array<i32>} : memref<224xf32, #tpu.memory_space<vmem>>, vector<16xf32>,
      %mul3A_434 = arith.mulf %select_n3A_391, %select_n3A_395 : vector<16xf32>
      %swap3A_435 = arith.constant 16 : index
      %swap3A_436 = tpu.vector_load %arg12[%swap3A_435] {strides = array<i32>} : memref<224xf32, #tpu.memory_space<vmem>>, vector<16xf32>,
      tpu.vector_store %arg12[%swap3A_435], %mul3A_434 {strides = array<i32>} : memref<224xf32, #tpu.memory_space<vmem>>, vector<16xf32>,
      %mul3A_437 = arith.mulf %select_n3A_391, %select_n3A_397 : vector<16xf32>
      %swap3A_438 = arith.constant 16 : index
      %swap3A_439 = tpu.vector_load %arg13[%swap3A_438] {strides = array<i32>} : memref<224xf32, #tpu.memory_space<vmem>>, vector<16xf32>,
      tpu.vector_store %arg13[%swap3A_438], %mul3A_437 {strides = array<i32>} : memref<224xf32, #tpu.memory_space<vmem>>, vector<16xf32>,
      %add3A_440 = arith.constant 32 : i32
      %add3A_441 = vector.broadcast %add3A_440 : i32 to vector<16xi32>
      %add3A_442 = arith.addi %add3A_441, %iota3A : vector<16xi32>
      %jit3A_443 = arith.constant 14 : i32
      %div3A_444 = vector.broadcast %jit3A_443 : i32 to vector<16xi32>
      %div3A_445 = arith.divsi %add3A_442, %div3A_444 : vector<16xi32>
      %sign3A_446 = arith.constant 0 : i32
      %sign3A_447 = vector.broadcast %sign3A_446 : i32 to vector<16xi32>
      %sign3A_448 = arith.cmpi sgt, %add3A_442, %sign3A_447 : vector<16xi32>
      %sign3A_449 = arith.extui %sign3A_448 : vector<16xi1> to vector<16xi32>
      %sign3A_450 = arith.constant 0 : i32
      %sign3A_451 = vector.broadcast %sign3A_450 : i32 to vector<16xi32>
      %sign3A_452 = arith.cmpi slt, %add3A_442, %sign3A_451 : vector<16xi32>
      %sign3A_453 = arith.extui %sign3A_452 : vector<16xi1> to vector<16xi32>
      %sign3A_454 = arith.subi %sign3A_449, %sign3A_453 : vector<16xi32>
      %sign3A_455 = arith.constant 0 : i32
      %sign3A_456 = arith.cmpi sgt, %jit3A_443, %sign3A_455 : i32
      %sign3A_457 = arith.extui %sign3A_456 : i1 to i32
      %sign3A_458 = arith.constant 0 : i32
      %sign3A_459 = arith.cmpi slt, %jit3A_443, %sign3A_458 : i32
      %sign3A_460 = arith.extui %sign3A_459 : i1 to i32
      %sign3A_461 = arith.subi %sign3A_457, %sign3A_460 : i32
      %ne3A_462 = vector.broadcast %sign3A_461 : i32 to vector<16xi32>
      %ne3A_463 = arith.cmpi ne, %sign3A_454, %ne3A_462 : vector<16xi32>
      %rem3A_464 = vector.broadcast %jit3A_443 : i32 to vector<16xi32>
      %rem3A_465 = arith.remsi %add3A_442, %rem3A_464 : vector<16xi32>
      %ne3A_466 = arith.constant 0 : i32
      %ne3A_467 = vector.broadcast %ne3A_466 : i32 to vector<16xi32>
      %ne3A_468 = arith.cmpi ne, %rem3A_465, %ne3A_467 : vector<16xi32>
      %and3A_469 = arith.andi %ne3A_463, %ne3A_468 : vector<16xi1>
      %sub3A_470 = arith.constant 1 : i32
      %sub3A_471 = vector.broadcast %sub3A_470 : i32 to vector<16xi32>
      %sub3A_472 = arith.subi %div3A_445, %sub3A_471 : vector<16xi32>
      %select_n3A_473 = arith.select %and3A_469, %sub3A_472, %div3A_445 : vector<16xi1>, vector<16xi32>
      %mul3A_474 = arith.constant 14 : i32
      %mul3A_475 = vector.broadcast %mul3A_474 : i32 to vector<16xi32>
      %mul3A_476 = arith.muli %select_n3A_473, %mul3A_475 : vector<16xi32>
      %sub3A_477 = arith.subi %add3A_442, %mul3A_476 : vector<16xi32>
      %convert_element_type3A_478 = arith.sitofp %select_n3A_473 : vector<16xi32> to vector<16xf32>
      %mul3A_479 = arith.mulf %convert_element_type3A_478, %div3A_101 : vector<16xf32>
      %add3A_480 = arith.addf %mul3A_111, %mul3A_479 : vector<16xf32>
      %convert_element_type3A_481 = arith.sitofp %sub3A_477 : vector<16xi32> to vector<16xf32>
      %mul3A_482 = arith.mulf %convert_element_type3A_481, %div3A_108 : vector<16xf32>
      %add3A_483 = arith.addf %mul3A_114, %mul3A_482 : vector<16xf32>
      %convert_element_type3A_484 = arith.fptosi %add3A_480 : vector<16xf32> to vector<16xi32>
      %convert_element_type3A_485 = arith.sitofp %convert_element_type3A_484 : vector<16xi32> to vector<16xf32>
      %lt3A_486 = arith.cmpf olt, %add3A_480, %convert_element_type3A_485 : vector<16xf32>
      %jit3A_487 = arith.constant 1.000000e+00 : f32
      %jit3A_488 = arith.constant 0.000000e+00 : f32
      %broadcast_in_dim3A_489 = vector.broadcast %jit3A_487 : f32 to vector<16xf32>
      %broadcast_in_dim3A_490 = vector.broadcast %jit3A_488 : f32 to vector<16xf32>
      %select_n3A_491 = arith.select %lt3A_486, %broadcast_in_dim3A_489, %broadcast_in_dim3A_490 : vector<16xi1>, vector<16xf32>
      %sub3A_492 = arith.subf %convert_element_type3A_485, %select_n3A_491 : vector<16xf32>
      %convert_element_type3A_493 = arith.fptosi %add3A_483 : vector<16xf32> to vector<16xi32>
      %convert_element_type3A_494 = arith.sitofp %convert_element_type3A_493 : vector<16xi32> to vector<16xf32>
      %lt3A_495 = arith.cmpf olt, %add3A_483, %convert_element_type3A_494 : vector<16xf32>
      %jit3A_496 = arith.constant 1.000000e+00 : f32
      %jit3A_497 = arith.constant 0.000000e+00 : f32
      %broadcast_in_dim3A_498 = vector.broadcast %jit3A_496 : f32 to vector<16xf32>
      %broadcast_in_dim3A_499 = vector.broadcast %jit3A_497 : f32 to vector<16xf32>
      %select_n3A_500 = arith.select %lt3A_495, %broadcast_in_dim3A_498, %broadcast_in_dim3A_499 : vector<16xi1>, vector<16xf32>
      %sub3A_501 = arith.subf %convert_element_type3A_494, %select_n3A_500 : vector<16xf32>
      %sub3A_502 = arith.subf %add3A_480, %sub3A_492 : vector<16xf32>
      %sub3A_503 = arith.subf %add3A_483, %sub3A_501 : vector<16xf32>
      %jit3A_504 = arith.constant 0.000000e+00 : f32
      %jit3A_505 = arith.constant 2.230000e+02 : f32
      %max3A_506 = vector.broadcast %jit3A_504 : f32 to vector<16xf32>
      %max3A_507 = arith.maximumf %max3A_506, %sub3A_492 : vector<16xf32>
      %min3A_508 = vector.broadcast %jit3A_505 : f32 to vector<16xf32>
      %min3A_509 = arith.minimumf %min3A_508, %max3A_507 : vector<16xf32>
      %convert_element_type3A_510 = arith.fptosi %min3A_509 : vector<16xf32> to vector<16xi32>
      %add3A_511 = arith.constant 1.000000e+00 : f32
      %add3A_512 = vector.broadcast %add3A_511 : f32 to vector<16xf32>
      %add3A_513 = arith.addf %sub3A_492, %add3A_512 : vector<16xf32>
      %jit3A_514 = arith.constant 0.000000e+00 : f32
      %jit3A_515 = arith.constant 2.230000e+02 : f32
      %max3A_516 = vector.broadcast %jit3A_514 : f32 to vector<16xf32>
      %max3A_517 = arith.maximumf %max3A_516, %add3A_513 : vector<16xf32>
      %min3A_518 = vector.broadcast %jit3A_515 : f32 to vector<16xf32>
      %min3A_519 = arith.minimumf %min3A_518, %max3A_517 : vector<16xf32>
      %convert_element_type3A_520 = arith.fptosi %min3A_519 : vector<16xf32> to vector<16xi32>
      %jit3A_521 = arith.constant 0.000000e+00 : f32
      %jit3A_522 = arith.constant 2.230000e+02 : f32
      %max3A_523 = vector.broadcast %jit3A_521 : f32 to vector<16xf32>
      %max3A_524 = arith.maximumf %max3A_523, %sub3A_501 : vector<16xf32>
      %min3A_525 = vector.broadcast %jit3A_522 : f32 to vector<16xf32>
      %min3A_526 = arith.minimumf %min3A_525, %max3A_524 : vector<16xf32>
      %convert_element_type3A_527 = arith.fptosi %min3A_526 : vector<16xf32> to vector<16xi32>
      %add3A_528 = arith.constant 1.000000e+00 : f32
      %add3A_529 = vector.broadcast %add3A_528 : f32 to vector<16xf32>
      %add3A_530 = arith.addf %sub3A_501, %add3A_529 : vector<16xf32>
      %jit3A_531 = arith.constant 0.000000e+00 : f32
      %jit3A_532 = arith.constant 2.230000e+02 : f32
      %max3A_533 = vector.broadcast %jit3A_531 : f32 to vector<16xf32>
      %max3A_534 = arith.maximumf %max3A_533, %add3A_530 : vector<16xf32>
      %min3A_535 = vector.broadcast %jit3A_532 : f32 to vector<16xf32>
      %min3A_536 = arith.minimumf %min3A_535, %max3A_534 : vector<16xf32>
      %convert_element_type3A_537 = arith.fptosi %min3A_536 : vector<16xf32> to vector<16xi32>
      %ge3A_538 = arith.constant 0.000000e+00 : f32
      %ge3A_539 = vector.broadcast %ge3A_538 : f32 to vector<16xf32>
      %ge3A_540 = arith.cmpf oge, %add3A_480, %ge3A_539 : vector<16xf32>
      %le3A_541 = arith.constant 2.230000e+02 : f32
      %le3A_542 = vector.broadcast %le3A_541 : f32 to vector<16xf32>
      %le3A_543 = arith.cmpf ole, %add3A_480, %le3A_542 : vector<16xf32>
      %and3A_544 = arith.andi %ge3A_540, %le3A_543 : vector<16xi1>
      %ge3A_545 = arith.constant 0.000000e+00 : f32
      %ge3A_546 = vector.broadcast %ge3A_545 : f32 to vector<16xf32>
      %ge3A_547 = arith.cmpf oge, %add3A_483, %ge3A_546 : vector<16xf32>
      %le3A_548 = arith.constant 2.230000e+02 : f32
      %le3A_549 = vector.broadcast %le3A_548 : f32 to vector<16xf32>
      %le3A_550 = arith.cmpf ole, %add3A_483, %le3A_549 : vector<16xf32>
      %and3A_551 = arith.andi %ge3A_547, %le3A_550 : vector<16xi1>
      %sub3A_552 = vector.broadcast %scan3A : f32 to vector<16xf32>
      %sub3A_553 = arith.subf %sub3A_552, %sub3A_502 : vector<16xf32>
      %broadcast_in_dim3A_554 = vector.broadcast %scan3A_7 : f32 to vector<16xf32>
      %select_n3A_555 = arith.select %and3A_544, %sub3A_553, %broadcast_in_dim3A_554 : vector<16xi1>, vector<16xf32>
      %broadcast_in_dim3A_556 = vector.broadcast %scan3A_7 : f32 to vector<16xf32>
      %select_n3A_557 = arith.select %and3A_544, %sub3A_502, %broadcast_in_dim3A_556 : vector<16xi1>, vector<16xf32>
      %sub3A_558 = vector.broadcast %scan3A : f32 to vector<16xf32>
      %sub3A_559 = arith.subf %sub3A_558, %sub3A_503 : vector<16xf32>
      %broadcast_in_dim3A_560 = vector.broadcast %scan3A_7 : f32 to vector<16xf32>
      %select_n3A_561 = arith.select %and3A_551, %sub3A_559, %broadcast_in_dim3A_560 : vector<16xi1>, vector<16xf32>
      %broadcast_in_dim3A_562 = vector.broadcast %scan3A_7 : f32 to vector<16xf32>
      %select_n3A_563 = arith.select %and3A_551, %sub3A_503, %broadcast_in_dim3A_562 : vector<16xi1>, vector<16xf32>
      %mul3A_564 = arith.constant 224 : i32
      %mul3A_565 = vector.broadcast %mul3A_564 : i32 to vector<16xi32>
      %mul3A_566 = arith.muli %convert_element_type3A_510, %mul3A_565 : vector<16xi32>
      %add3A_567 = vector.broadcast %mul3A_32 : i32 to vector<16xi32>
      %add3A_568 = arith.addi %add3A_567, %mul3A_566 : vector<16xi32>
      %mul3A_569 = arith.constant 224 : i32
      %mul3A_570 = vector.broadcast %mul3A_569 : i32 to vector<16xi32>
      %mul3A_571 = arith.muli %convert_element_type3A_520, %mul3A_570 : vector<16xi32>
      %add3A_572 = vector.broadcast %mul3A_32 : i32 to vector<16xi32>
      %add3A_573 = arith.addi %add3A_572, %mul3A_571 : vector<16xi32>
      %add3A_574 = arith.addi %add3A_568, %convert_element_type3A_527 : vector<16xi32>
      %swap3A_575 = arith.constant 0 : i32
      %swap3A_576 = arith.index_cast %swap3A_575 : i32 to index
      %swap3A_577 = arith.constant 32 : index
      %swap3A_578 = tpu.vector_load %arg6[%swap3A_576, %swap3A_577] {strides = array<i32>} : memref<2x112xi32, #tpu.memory_space<vmem>>, vector<16xi32>,
      tpu.vector_store %arg6[%swap3A_576, %swap3A_577], %add3A_574 {strides = array<i32>} : memref<2x112xi32, #tpu.memory_space<vmem>>, vector<16xi32>,
      %add3A_579 = arith.addi %add3A_568, %convert_element_type3A_537 : vector<16xi32>
      %swap3A_580 = arith.constant 0 : i32
      %swap3A_581 = arith.index_cast %swap3A_580 : i32 to index
      %swap3A_582 = arith.constant 32 : index
      %swap3A_583 = tpu.vector_load %arg7[%swap3A_581, %swap3A_582] {strides = array<i32>} : memref<2x112xi32, #tpu.memory_space<vmem>>, vector<16xi32>,
      tpu.vector_store %arg7[%swap3A_581, %swap3A_582], %add3A_579 {strides = array<i32>} : memref<2x112xi32, #tpu.memory_space<vmem>>, vector<16xi32>,
      %add3A_584 = arith.addi %add3A_573, %convert_element_type3A_527 : vector<16xi32>
      %swap3A_585 = arith.constant 0 : i32
      %swap3A_586 = arith.index_cast %swap3A_585 : i32 to index
      %swap3A_587 = arith.constant 32 : index
      %swap3A_588 = tpu.vector_load %arg8[%swap3A_586, %swap3A_587] {strides = array<i32>} : memref<2x112xi32, #tpu.memory_space<vmem>>, vector<16xi32>,
      tpu.vector_store %arg8[%swap3A_586, %swap3A_587], %add3A_584 {strides = array<i32>} : memref<2x112xi32, #tpu.memory_space<vmem>>, vector<16xi32>,
      %add3A_589 = arith.addi %add3A_573, %convert_element_type3A_537 : vector<16xi32>
      %swap3A_590 = arith.constant 0 : i32
      %swap3A_591 = arith.index_cast %swap3A_590 : i32 to index
      %swap3A_592 = arith.constant 32 : index
      %swap3A_593 = tpu.vector_load %arg9[%swap3A_591, %swap3A_592] {strides = array<i32>} : memref<2x112xi32, #tpu.memory_space<vmem>>, vector<16xi32>,
      tpu.vector_store %arg9[%swap3A_591, %swap3A_592], %add3A_589 {strides = array<i32>} : memref<2x112xi32, #tpu.memory_space<vmem>>, vector<16xi32>,
      %mul3A_594 = arith.mulf %select_n3A_555, %select_n3A_561 : vector<16xf32>
      %swap3A_595 = arith.constant 32 : index
      %swap3A_596 = tpu.vector_load %arg10[%swap3A_595] {strides = array<i32>} : memref<224xf32, #tpu.memory_space<vmem>>, vector<16xf32>,
      tpu.vector_store %arg10[%swap3A_595], %mul3A_594 {strides = array<i32>} : memref<224xf32, #tpu.memory_space<vmem>>, vector<16xf32>,
      %mul3A_597 = arith.mulf %select_n3A_555, %select_n3A_563 : vector<16xf32>
      %swap3A_598 = arith.constant 32 : index
      %swap3A_599 = tpu.vector_load %arg11[%swap3A_598] {strides = array<i32>} : memref<224xf32, #tpu.memory_space<vmem>>, vector<16xf32>,
      tpu.vector_store %arg11[%swap3A_598], %mul3A_597 {strides = array<i32>} : memref<224xf32, #tpu.memory_space<vmem>>, vector<16xf32>,
      %mul3A_600 = arith.mulf %select_n3A_557, %select_n3A_561 : vector<16xf32>
      %swap3A_601 = arith.constant 32 : index
      %swap3A_602 = tpu.vector_load %arg12[%swap3A_601] {strides = array<i32>} : memref<224xf32, #tpu.memory_space<vmem>>, vector<16xf32>,
      tpu.vector_store %arg12[%swap3A_601], %mul3A_600 {strides = array<i32>} : memref<224xf32, #tpu.memory_space<vmem>>, vector<16xf32>,
      %mul3A_603 = arith.mulf %select_n3A_557, %select_n3A_563 : vector<16xf32>
      %swap3A_604 = arith.constant 32 : index
      %swap3A_605 = tpu.vector_load %arg13[%swap3A_604] {strides = array<i32>} : memref<224xf32, #tpu.memory_space<vmem>>, vector<16xf32>,
      tpu.vector_store %arg13[%swap3A_604], %mul3A_603 {strides = array<i32>} : memref<224xf32, #tpu.memory_space<vmem>>, vector<16xf32>,
      %add3A_606 = arith.constant 48 : i32
      %add3A_607 = vector.broadcast %add3A_606 : i32 to vector<16xi32>
      %add3A_608 = arith.addi %add3A_607, %iota3A : vector<16xi32>
      %jit3A_609 = arith.constant 14 : i32
      %div3A_610 = vector.broadcast %jit3A_609 : i32 to vector<16xi32>
      %div3A_611 = arith.divsi %add3A_608, %div3A_610 : vector<16xi32>
      %sign3A_612 = arith.constant 0 : i32
      %sign3A_613 = vector.broadcast %sign3A_612 : i32 to vector<16xi32>
      %sign3A_614 = arith.cmpi sgt, %add3A_608, %sign3A_613 : vector<16xi32>
      %sign3A_615 = arith.extui %sign3A_614 : vector<16xi1> to vector<16xi32>
      %sign3A_616 = arith.constant 0 : i32
      %sign3A_617 = vector.broadcast %sign3A_616 : i32 to vector<16xi32>
      %sign3A_618 = arith.cmpi slt, %add3A_608, %sign3A_617 : vector<16xi32>
      %sign3A_619 = arith.extui %sign3A_618 : vector<16xi1> to vector<16xi32>
      %sign3A_620 = arith.subi %sign3A_615, %sign3A_619 : vector<16xi32>
      %sign3A_621 = arith.constant 0 : i32
      %sign3A_622 = arith.cmpi sgt, %jit3A_609, %sign3A_621 : i32
      %sign3A_623 = arith.extui %sign3A_622 : i1 to i32
      %sign3A_624 = arith.constant 0 : i32
      %sign3A_625 = arith.cmpi slt, %jit3A_609, %sign3A_624 : i32
      %sign3A_626 = arith.extui %sign3A_625 : i1 to i32
      %sign3A_627 = arith.subi %sign3A_623, %sign3A_626 : i32
      %ne3A_628 = vector.broadcast %sign3A_627 : i32 to vector<16xi32>
      %ne3A_629 = arith.cmpi ne, %sign3A_620, %ne3A_628 : vector<16xi32>
      %rem3A_630 = vector.broadcast %jit3A_609 : i32 to vector<16xi32>
      %rem3A_631 = arith.remsi %add3A_608, %rem3A_630 : vector<16xi32>
      %ne3A_632 = arith.constant 0 : i32
      %ne3A_633 = vector.broadcast %ne3A_632 : i32 to vector<16xi32>
      %ne3A_634 = arith.cmpi ne, %rem3A_631, %ne3A_633 : vector<16xi32>
      %and3A_635 = arith.andi %ne3A_629, %ne3A_634 : vector<16xi1>
      %sub3A_636 = arith.constant 1 : i32
      %sub3A_637 = vector.broadcast %sub3A_636 : i32 to vector<16xi32>
      %sub3A_638 = arith.subi %div3A_611, %sub3A_637 : vector<16xi32>
      %select_n3A_639 = arith.select %and3A_635, %sub3A_638, %div3A_611 : vector<16xi1>, vector<16xi32>
      %mul3A_640 = arith.constant 14 : i32
      %mul3A_641 = vector.broadcast %mul3A_640 : i32 to vector<16xi32>
      %mul3A_642 = arith.muli %select_n3A_639, %mul3A_641 : vector<16xi32>
      %sub3A_643 = arith.subi %add3A_608, %mul3A_642 : vector<16xi32>
      %convert_element_type3A_644 = arith.sitofp %select_n3A_639 : vector<16xi32> to vector<16xf32>
      %mul3A_645 = arith.mulf %convert_element_type3A_644, %div3A_101 : vector<16xf32>
      %add3A_646 = arith.addf %mul3A_111, %mul3A_645 : vector<16xf32>
      %convert_element_type3A_647 = arith.sitofp %sub3A_643 : vector<16xi32> to vector<16xf32>
      %mul3A_648 = arith.mulf %convert_element_type3A_647, %div3A_108 : vector<16xf32>
      %add3A_649 = arith.addf %mul3A_114, %mul3A_648 : vector<16xf32>
      %convert_element_type3A_650 = arith.fptosi %add3A_646 : vector<16xf32> to vector<16xi32>
      %convert_element_type3A_651 = arith.sitofp %convert_element_type3A_650 : vector<16xi32> to vector<16xf32>
      %lt3A_652 = arith.cmpf olt, %add3A_646, %convert_element_type3A_651 : vector<16xf32>
      %jit3A_653 = arith.constant 1.000000e+00 : f32
      %jit3A_654 = arith.constant 0.000000e+00 : f32
      %broadcast_in_dim3A_655 = vector.broadcast %jit3A_653 : f32 to vector<16xf32>
      %broadcast_in_dim3A_656 = vector.broadcast %jit3A_654 : f32 to vector<16xf32>
      %select_n3A_657 = arith.select %lt3A_652, %broadcast_in_dim3A_655, %broadcast_in_dim3A_656 : vector<16xi1>, vector<16xf32>
      %sub3A_658 = arith.subf %convert_element_type3A_651, %select_n3A_657 : vector<16xf32>
      %convert_element_type3A_659 = arith.fptosi %add3A_649 : vector<16xf32> to vector<16xi32>
      %convert_element_type3A_660 = arith.sitofp %convert_element_type3A_659 : vector<16xi32> to vector<16xf32>
      %lt3A_661 = arith.cmpf olt, %add3A_649, %convert_element_type3A_660 : vector<16xf32>
      %jit3A_662 = arith.constant 1.000000e+00 : f32
      %jit3A_663 = arith.constant 0.000000e+00 : f32
      %broadcast_in_dim3A_664 = vector.broadcast %jit3A_662 : f32 to vector<16xf32>
      %broadcast_in_dim3A_665 = vector.broadcast %jit3A_663 : f32 to vector<16xf32>
      %select_n3A_666 = arith.select %lt3A_661, %broadcast_in_dim3A_664, %broadcast_in_dim3A_665 : vector<16xi1>, vector<16xf32>
      %sub3A_667 = arith.subf %convert_element_type3A_660, %select_n3A_666 : vector<16xf32>
      %sub3A_668 = arith.subf %add3A_646, %sub3A_658 : vector<16xf32>
      %sub3A_669 = arith.subf %add3A_649, %sub3A_667 : vector<16xf32>
      %jit3A_670 = arith.constant 0.000000e+00 : f32
      %jit3A_671 = arith.constant 2.230000e+02 : f32
      %max3A_672 = vector.broadcast %jit3A_670 : f32 to vector<16xf32>
      %max3A_673 = arith.maximumf %max3A_672, %sub3A_658 : vector<16xf32>
      %min3A_674 = vector.broadcast %jit3A_671 : f32 to vector<16xf32>
      %min3A_675 = arith.minimumf %min3A_674, %max3A_673 : vector<16xf32>
      %convert_element_type3A_676 = arith.fptosi %min3A_675 : vector<16xf32> to vector<16xi32>
      %add3A_677 = arith.constant 1.000000e+00 : f32
      %add3A_678 = vector.broadcast %add3A_677 : f32 to vector<16xf32>
      %add3A_679 = arith.addf %sub3A_658, %add3A_678 : vector<16xf32>
      %jit3A_680 = arith.constant 0.000000e+00 : f32
      %jit3A_681 = arith.constant 2.230000e+02 : f32
      %max3A_682 = vector.broadcast %jit3A_680 : f32 to vector<16xf32>
      %max3A_683 = arith.maximumf %max3A_682, %add3A_679 : vector<16xf32>
      %min3A_684 = vector.broadcast %jit3A_681 : f32 to vector<16xf32>
      %min3A_685 = arith.minimumf %min3A_684, %max3A_683 : vector<16xf32>
      %convert_element_type3A_686 = arith.fptosi %min3A_685 : vector<16xf32> to vector<16xi32>
      %jit3A_687 = arith.constant 0.000000e+00 : f32
      %jit3A_688 = arith.constant 2.230000e+02 : f32
      %max3A_689 = vector.broadcast %jit3A_687 : f32 to vector<16xf32>
      %max3A_690 = arith.maximumf %max3A_689, %sub3A_667 : vector<16xf32>
      %min3A_691 = vector.broadcast %jit3A_688 : f32 to vector<16xf32>
      %min3A_692 = arith.minimumf %min3A_691, %max3A_690 : vector<16xf32>
      %convert_element_type3A_693 = arith.fptosi %min3A_692 : vector<16xf32> to vector<16xi32>
      %add3A_694 = arith.constant 1.000000e+00 : f32
      %add3A_695 = vector.broadcast %add3A_694 : f32 to vector<16xf32>
      %add3A_696 = arith.addf %sub3A_667, %add3A_695 : vector<16xf32>
      %jit3A_697 = arith.constant 0.000000e+00 : f32
      %jit3A_698 = arith.constant 2.230000e+02 : f32
      %max3A_699 = vector.broadcast %jit3A_697 : f32 to vector<16xf32>
      %max3A_700 = arith.maximumf %max3A_699, %add3A_696 : vector<16xf32>
      %min3A_701 = vector.broadcast %jit3A_698 : f32 to vector<16xf32>
      %min3A_702 = arith.minimumf %min3A_701, %max3A_700 : vector<16xf32>
      %convert_element_type3A_703 = arith.fptosi %min3A_702 : vector<16xf32> to vector<16xi32>
      %ge3A_704 = arith.constant 0.000000e+00 : f32
      %ge3A_705 = vector.broadcast %ge3A_704 : f32 to vector<16xf32>
      %ge3A_706 = arith.cmpf oge, %add3A_646, %ge3A_705 : vector<16xf32>
      %le3A_707 = arith.constant 2.230000e+02 : f32
      %le3A_708 = vector.broadcast %le3A_707 : f32 to vector<16xf32>
      %le3A_709 = arith.cmpf ole, %add3A_646, %le3A_708 : vector<16xf32>
      %and3A_710 = arith.andi %ge3A_706, %le3A_709 : vector<16xi1>
      %ge3A_711 = arith.constant 0.000000e+00 : f32
      %ge3A_712 = vector.broadcast %ge3A_711 : f32 to vector<16xf32>
      %ge3A_713 = arith.cmpf oge, %add3A_649, %ge3A_712 : vector<16xf32>
      %le3A_714 = arith.constant 2.230000e+02 : f32
      %le3A_715 = vector.broadcast %le3A_714 : f32 to vector<16xf32>
      %le3A_716 = arith.cmpf ole, %add3A_649, %le3A_715 : vector<16xf32>
      %and3A_717 = arith.andi %ge3A_713, %le3A_716 : vector<16xi1>
      %sub3A_718 = vector.broadcast %scan3A : f32 to vector<16xf32>
      %sub3A_719 = arith.subf %sub3A_718, %sub3A_668 : vector<16xf32>
      %broadcast_in_dim3A_720 = vector.broadcast %scan3A_7 : f32 to vector<16xf32>
      %select_n3A_721 = arith.select %and3A_710, %sub3A_719, %broadcast_in_dim3A_720 : vector<16xi1>, vector<16xf32>
      %broadcast_in_dim3A_722 = vector.broadcast %scan3A_7 : f32 to vector<16xf32>
      %select_n3A_723 = arith.select %and3A_710, %sub3A_668, %broadcast_in_dim3A_722 : vector<16xi1>, vector<16xf32>
      %sub3A_724 = vector.broadcast %scan3A : f32 to vector<16xf32>
      %sub3A_725 = arith.subf %sub3A_724, %sub3A_669 : vector<16xf32>
      %broadcast_in_dim3A_726 = vector.broadcast %scan3A_7 : f32 to vector<16xf32>
      %select_n3A_727 = arith.select %and3A_717, %sub3A_725, %broadcast_in_dim3A_726 : vector<16xi1>, vector<16xf32>
      %broadcast_in_dim3A_728 = vector.broadcast %scan3A_7 : f32 to vector<16xf32>
      %select_n3A_729 = arith.select %and3A_717, %sub3A_669, %broadcast_in_dim3A_728 : vector<16xi1>, vector<16xf32>
      %mul3A_730 = arith.constant 224 : i32
      %mul3A_731 = vector.broadcast %mul3A_730 : i32 to vector<16xi32>
      %mul3A_732 = arith.muli %convert_element_type3A_676, %mul3A_731 : vector<16xi32>
      %add3A_733 = vector.broadcast %mul3A_32 : i32 to vector<16xi32>
      %add3A_734 = arith.addi %add3A_733, %mul3A_732 : vector<16xi32>
      %mul3A_735 = arith.constant 224 : i32
      %mul3A_736 = vector.broadcast %mul3A_735 : i32 to vector<16xi32>
      %mul3A_737 = arith.muli %convert_element_type3A_686, %mul3A_736 : vector<16xi32>
      %add3A_738 = vector.broadcast %mul3A_32 : i32 to vector<16xi32>
      %add3A_739 = arith.addi %add3A_738, %mul3A_737 : vector<16xi32>
      %add3A_740 = arith.addi %add3A_734, %convert_element_type3A_693 : vector<16xi32>
      %swap3A_741 = arith.constant 0 : i32
      %swap3A_742 = arith.index_cast %swap3A_741 : i32 to index
      %swap3A_743 = arith.constant 48 : index
      %swap3A_744 = tpu.vector_load %arg6[%swap3A_742, %swap3A_743] {strides = array<i32>} : memref<2x112xi32, #tpu.memory_space<vmem>>, vector<16xi32>,
      tpu.vector_store %arg6[%swap3A_742, %swap3A_743], %add3A_740 {strides = array<i32>} : memref<2x112xi32, #tpu.memory_space<vmem>>, vector<16xi32>,
      %add3A_745 = arith.addi %add3A_734, %convert_element_type3A_703 : vector<16xi32>
      %swap3A_746 = arith.constant 0 : i32
      %swap3A_747 = arith.index_cast %swap3A_746 : i32 to index
      %swap3A_748 = arith.constant 48 : index
      %swap3A_749 = tpu.vector_load %arg7[%swap3A_747, %swap3A_748] {strides = array<i32>} : memref<2x112xi32, #tpu.memory_space<vmem>>, vector<16xi32>,
      tpu.vector_store %arg7[%swap3A_747, %swap3A_748], %add3A_745 {strides = array<i32>} : memref<2x112xi32, #tpu.memory_space<vmem>>, vector<16xi32>,
      %add3A_750 = arith.addi %add3A_739, %convert_element_type3A_693 : vector<16xi32>
      %swap3A_751 = arith.constant 0 : i32
      %swap3A_752 = arith.index_cast %swap3A_751 : i32 to index
      %swap3A_753 = arith.constant 48 : index
      %swap3A_754 = tpu.vector_load %arg8[%swap3A_752, %swap3A_753] {strides = array<i32>} : memref<2x112xi32, #tpu.memory_space<vmem>>, vector<16xi32>,
      tpu.vector_store %arg8[%swap3A_752, %swap3A_753], %add3A_750 {strides = array<i32>} : memref<2x112xi32, #tpu.memory_space<vmem>>, vector<16xi32>,
      %add3A_755 = arith.addi %add3A_739, %convert_element_type3A_703 : vector<16xi32>
      %swap3A_756 = arith.constant 0 : i32
      %swap3A_757 = arith.index_cast %swap3A_756 : i32 to index
      %swap3A_758 = arith.constant 48 : index
      %swap3A_759 = tpu.vector_load %arg9[%swap3A_757, %swap3A_758] {strides = array<i32>} : memref<2x112xi32, #tpu.memory_space<vmem>>, vector<16xi32>,
      tpu.vector_store %arg9[%swap3A_757, %swap3A_758], %add3A_755 {strides = array<i32>} : memref<2x112xi32, #tpu.memory_space<vmem>>, vector<16xi32>,
      %mul3A_760 = arith.mulf %select_n3A_721, %select_n3A_727 : vector<16xf32>
      %swap3A_761 = arith.constant 48 : index
      %swap3A_762 = tpu.vector_load %arg10[%swap3A_761] {strides = array<i32>} : memref<224xf32, #tpu.memory_space<vmem>>, vector<16xf32>,
      tpu.vector_store %arg10[%swap3A_761], %mul3A_760 {strides = array<i32>} : memref<224xf32, #tpu.memory_space<vmem>>, vector<16xf32>,
      %mul3A_763 = arith.mulf %select_n3A_721, %select_n3A_729 : vector<16xf32>
      %swap3A_764 = arith.constant 48 : index
      %swap3A_765 = tpu.vector_load %arg11[%swap3A_764] {strides = array<i32>} : memref<224xf32, #tpu.memory_space<vmem>>, vector<16xf32>,
      tpu.vector_store %arg11[%swap3A_764], %mul3A_763 {strides = array<i32>} : memref<224xf32, #tpu.memory_space<vmem>>, vector<16xf32>,
      %mul3A_766 = arith.mulf %select_n3A_723, %select_n3A_727 : vector<16xf32>
      %swap3A_767 = arith.constant 48 : index
      %swap3A_768 = tpu.vector_load %arg12[%swap3A_767] {strides = array<i32>} : memref<224xf32, #tpu.memory_space<vmem>>, vector<16xf32>,
      tpu.vector_store %arg12[%swap3A_767], %mul3A_766 {strides = array<i32>} : memref<224xf32, #tpu.memory_space<vmem>>, vector<16xf32>,
      %mul3A_769 = arith.mulf %select_n3A_723, %select_n3A_729 : vector<16xf32>
      %swap3A_770 = arith.constant 48 : index
      %swap3A_771 = tpu.vector_load %arg13[%swap3A_770] {strides = array<i32>} : memref<224xf32, #tpu.memory_space<vmem>>, vector<16xf32>,
      tpu.vector_store %arg13[%swap3A_770], %mul3A_769 {strides = array<i32>} : memref<224xf32, #tpu.memory_space<vmem>>, vector<16xf32>,
      %add3A_772 = arith.constant 64 : i32
      %add3A_773 = vector.broadcast %add3A_772 : i32 to vector<16xi32>
      %add3A_774 = arith.addi %add3A_773, %iota3A : vector<16xi32>
      %jit3A_775 = arith.constant 14 : i32
      %div3A_776 = vector.broadcast %jit3A_775 : i32 to vector<16xi32>
      %div3A_777 = arith.divsi %add3A_774, %div3A_776 : vector<16xi32>
      %sign3A_778 = arith.constant 0 : i32
      %sign3A_779 = vector.broadcast %sign3A_778 : i32 to vector<16xi32>
      %sign3A_780 = arith.cmpi sgt, %add3A_774, %sign3A_779 : vector<16xi32>
      %sign3A_781 = arith.extui %sign3A_780 : vector<16xi1> to vector<16xi32>
      %sign3A_782 = arith.constant 0 : i32
      %sign3A_783 = vector.broadcast %sign3A_782 : i32 to vector<16xi32>
      %sign3A_784 = arith.cmpi slt, %add3A_774, %sign3A_783 : vector<16xi32>
      %sign3A_785 = arith.extui %sign3A_784 : vector<16xi1> to vector<16xi32>
      %sign3A_786 = arith.subi %sign3A_781, %sign3A_785 : vector<16xi32>
      %sign3A_787 = arith.constant 0 : i32
      %sign3A_788 = arith.cmpi sgt, %jit3A_775, %sign3A_787 : i32
      %sign3A_789 = arith.extui %sign3A_788 : i1 to i32
      %sign3A_790 = arith.constant 0 : i32
      %sign3A_791 = arith.cmpi slt, %jit3A_775, %sign3A_790 : i32
      %sign3A_792 = arith.extui %sign3A_791 : i1 to i32
      %sign3A_793 = arith.subi %sign3A_789, %sign3A_792 : i32
      %ne3A_794 = vector.broadcast %sign3A_793 : i32 to vector<16xi32>
      %ne3A_795 = arith.cmpi ne, %sign3A_786, %ne3A_794 : vector<16xi32>
      %rem3A_796 = vector.broadcast %jit3A_775 : i32 to vector<16xi32>
      %rem3A_797 = arith.remsi %add3A_774, %rem3A_796 : vector<16xi32>
      %ne3A_798 = arith.constant 0 : i32
      %ne3A_799 = vector.broadcast %ne3A_798 : i32 to vector<16xi32>
      %ne3A_800 = arith.cmpi ne, %rem3A_797, %ne3A_799 : vector<16xi32>
      %and3A_801 = arith.andi %ne3A_795, %ne3A_800 : vector<16xi1>
      %sub3A_802 = arith.constant 1 : i32
      %sub3A_803 = vector.broadcast %sub3A_802 : i32 to vector<16xi32>
      %sub3A_804 = arith.subi %div3A_777, %sub3A_803 : vector<16xi32>
      %select_n3A_805 = arith.select %and3A_801, %sub3A_804, %div3A_777 : vector<16xi1>, vector<16xi32>
      %mul3A_806 = arith.constant 14 : i32
      %mul3A_807 = vector.broadcast %mul3A_806 : i32 to vector<16xi32>
      %mul3A_808 = arith.muli %select_n3A_805, %mul3A_807 : vector<16xi32>
      %sub3A_809 = arith.subi %add3A_774, %mul3A_808 : vector<16xi32>
      %convert_element_type3A_810 = arith.sitofp %select_n3A_805 : vector<16xi32> to vector<16xf32>
      %mul3A_811 = arith.mulf %convert_element_type3A_810, %div3A_101 : vector<16xf32>
      %add3A_812 = arith.addf %mul3A_111, %mul3A_811 : vector<16xf32>
      %convert_element_type3A_813 = arith.sitofp %sub3A_809 : vector<16xi32> to vector<16xf32>
      %mul3A_814 = arith.mulf %convert_element_type3A_813, %div3A_108 : vector<16xf32>
      %add3A_815 = arith.addf %mul3A_114, %mul3A_814 : vector<16xf32>
      %convert_element_type3A_816 = arith.fptosi %add3A_812 : vector<16xf32> to vector<16xi32>
      %convert_element_type3A_817 = arith.sitofp %convert_element_type3A_816 : vector<16xi32> to vector<16xf32>
      %lt3A_818 = arith.cmpf olt, %add3A_812, %convert_element_type3A_817 : vector<16xf32>
      %jit3A_819 = arith.constant 1.000000e+00 : f32
      %jit3A_820 = arith.constant 0.000000e+00 : f32
      %broadcast_in_dim3A_821 = vector.broadcast %jit3A_819 : f32 to vector<16xf32>
      %broadcast_in_dim3A_822 = vector.broadcast %jit3A_820 : f32 to vector<16xf32>
      %select_n3A_823 = arith.select %lt3A_818, %broadcast_in_dim3A_821, %broadcast_in_dim3A_822 : vector<16xi1>, vector<16xf32>
      %sub3A_824 = arith.subf %convert_element_type3A_817, %select_n3A_823 : vector<16xf32>
      %convert_element_type3A_825 = arith.fptosi %add3A_815 : vector<16xf32> to vector<16xi32>
      %convert_element_type3A_826 = arith.sitofp %convert_element_type3A_825 : vector<16xi32> to vector<16xf32>
      %lt3A_827 = arith.cmpf olt, %add3A_815, %convert_element_type3A_826 : vector<16xf32>
      %jit3A_828 = arith.constant 1.000000e+00 : f32
      %jit3A_829 = arith.constant 0.000000e+00 : f32
      %broadcast_in_dim3A_830 = vector.broadcast %jit3A_828 : f32 to vector<16xf32>
      %broadcast_in_dim3A_831 = vector.broadcast %jit3A_829 : f32 to vector<16xf32>
      %select_n3A_832 = arith.select %lt3A_827, %broadcast_in_dim3A_830, %broadcast_in_dim3A_831 : vector<16xi1>, vector<16xf32>
      %sub3A_833 = arith.subf %convert_element_type3A_826, %select_n3A_832 : vector<16xf32>
      %sub3A_834 = arith.subf %add3A_812, %sub3A_824 : vector<16xf32>
      %sub3A_835 = arith.subf %add3A_815, %sub3A_833 : vector<16xf32>
      %jit3A_836 = arith.constant 0.000000e+00 : f32
      %jit3A_837 = arith.constant 2.230000e+02 : f32
      %max3A_838 = vector.broadcast %jit3A_836 : f32 to vector<16xf32>
      %max3A_839 = arith.maximumf %max3A_838, %sub3A_824 : vector<16xf32>
      %min3A_840 = vector.broadcast %jit3A_837 : f32 to vector<16xf32>
      %min3A_841 = arith.minimumf %min3A_840, %max3A_839 : vector<16xf32>
      %convert_element_type3A_842 = arith.fptosi %min3A_841 : vector<16xf32> to vector<16xi32>
      %add3A_843 = arith.constant 1.000000e+00 : f32
      %add3A_844 = vector.broadcast %add3A_843 : f32 to vector<16xf32>
      %add3A_845 = arith.addf %sub3A_824, %add3A_844 : vector<16xf32>
      %jit3A_846 = arith.constant 0.000000e+00 : f32
      %jit3A_847 = arith.constant 2.230000e+02 : f32
      %max3A_848 = vector.broadcast %jit3A_846 : f32 to vector<16xf32>
      %max3A_849 = arith.maximumf %max3A_848, %add3A_845 : vector<16xf32>
      %min3A_850 = vector.broadcast %jit3A_847 : f32 to vector<16xf32>
      %min3A_851 = arith.minimumf %min3A_850, %max3A_849 : vector<16xf32>
      %convert_element_type3A_852 = arith.fptosi %min3A_851 : vector<16xf32> to vector<16xi32>
      %jit3A_853 = arith.constant 0.000000e+00 : f32
      %jit3A_854 = arith.constant 2.230000e+02 : f32
      %max3A_855 = vector.broadcast %jit3A_853 : f32 to vector<16xf32>
      %max3A_856 = arith.maximumf %max3A_855, %sub3A_833 : vector<16xf32>
      %min3A_857 = vector.broadcast %jit3A_854 : f32 to vector<16xf32>
      %min3A_858 = arith.minimumf %min3A_857, %max3A_856 : vector<16xf32>
      %convert_element_type3A_859 = arith.fptosi %min3A_858 : vector<16xf32> to vector<16xi32>
      %add3A_860 = arith.constant 1.000000e+00 : f32
      %add3A_861 = vector.broadcast %add3A_860 : f32 to vector<16xf32>
      %add3A_862 = arith.addf %sub3A_833, %add3A_861 : vector<16xf32>
      %jit3A_863 = arith.constant 0.000000e+00 : f32
      %jit3A_864 = arith.constant 2.230000e+02 : f32
      %max3A_865 = vector.broadcast %jit3A_863 : f32 to vector<16xf32>
      %max3A_866 = arith.maximumf %max3A_865, %add3A_862 : vector<16xf32>
      %min3A_867 = vector.broadcast %jit3A_864 : f32 to vector<16xf32>
      %min3A_868 = arith.minimumf %min3A_867, %max3A_866 : vector<16xf32>
      %convert_element_type3A_869 = arith.fptosi %min3A_868 : vector<16xf32> to vector<16xi32>
      %ge3A_870 = arith.constant 0.000000e+00 : f32
      %ge3A_871 = vector.broadcast %ge3A_870 : f32 to vector<16xf32>
      %ge3A_872 = arith.cmpf oge, %add3A_812, %ge3A_871 : vector<16xf32>
      %le3A_873 = arith.constant 2.230000e+02 : f32
      %le3A_874 = vector.broadcast %le3A_873 : f32 to vector<16xf32>
      %le3A_875 = arith.cmpf ole, %add3A_812, %le3A_874 : vector<16xf32>
      %and3A_876 = arith.andi %ge3A_872, %le3A_875 : vector<16xi1>
      %ge3A_877 = arith.constant 0.000000e+00 : f32
      %ge3A_878 = vector.broadcast %ge3A_877 : f32 to vector<16xf32>
      %ge3A_879 = arith.cmpf oge, %add3A_815, %ge3A_878 : vector<16xf32>
      %le3A_880 = arith.constant 2.230000e+02 : f32
      %le3A_881 = vector.broadcast %le3A_880 : f32 to vector<16xf32>
      %le3A_882 = arith.cmpf ole, %add3A_815, %le3A_881 : vector<16xf32>
      %and3A_883 = arith.andi %ge3A_879, %le3A_882 : vector<16xi1>
      %sub3A_884 = vector.broadcast %scan3A : f32 to vector<16xf32>
      %sub3A_885 = arith.subf %sub3A_884, %sub3A_834 : vector<16xf32>
      %broadcast_in_dim3A_886 = vector.broadcast %scan3A_7 : f32 to vector<16xf32>
      %select_n3A_887 = arith.select %and3A_876, %sub3A_885, %broadcast_in_dim3A_886 : vector<16xi1>, vector<16xf32>
      %broadcast_in_dim3A_888 = vector.broadcast %scan3A_7 : f32 to vector<16xf32>
      %select_n3A_889 = arith.select %and3A_876, %sub3A_834, %broadcast_in_dim3A_888 : vector<16xi1>, vector<16xf32>
      %sub3A_890 = vector.broadcast %scan3A : f32 to vector<16xf32>
      %sub3A_891 = arith.subf %sub3A_890, %sub3A_835 : vector<16xf32>
      %broadcast_in_dim3A_892 = vector.broadcast %scan3A_7 : f32 to vector<16xf32>
      %select_n3A_893 = arith.select %and3A_883, %sub3A_891, %broadcast_in_dim3A_892 : vector<16xi1>, vector<16xf32>
      %broadcast_in_dim3A_894 = vector.broadcast %scan3A_7 : f32 to vector<16xf32>
      %select_n3A_895 = arith.select %and3A_883, %sub3A_835, %broadcast_in_dim3A_894 : vector<16xi1>, vector<16xf32>
      %mul3A_896 = arith.constant 224 : i32
      %mul3A_897 = vector.broadcast %mul3A_896 : i32 to vector<16xi32>
      %mul3A_898 = arith.muli %convert_element_type3A_842, %mul3A_897 : vector<16xi32>
      %add3A_899 = vector.broadcast %mul3A_32 : i32 to vector<16xi32>
      %add3A_900 = arith.addi %add3A_899, %mul3A_898 : vector<16xi32>
      %mul3A_901 = arith.constant 224 : i32
      %mul3A_902 = vector.broadcast %mul3A_901 : i32 to vector<16xi32>
      %mul3A_903 = arith.muli %convert_element_type3A_852, %mul3A_902 : vector<16xi32>
      %add3A_904 = vector.broadcast %mul3A_32 : i32 to vector<16xi32>
      %add3A_905 = arith.addi %add3A_904, %mul3A_903 : vector<16xi32>
      %add3A_906 = arith.addi %add3A_900, %convert_element_type3A_859 : vector<16xi32>
      %swap3A_907 = arith.constant 0 : i32
      %swap3A_908 = arith.index_cast %swap3A_907 : i32 to index
      %swap3A_909 = arith.constant 64 : index
      %swap3A_910 = tpu.vector_load %arg6[%swap3A_908, %swap3A_909] {strides = array<i32>} : memref<2x112xi32, #tpu.memory_space<vmem>>, vector<16xi32>,
      tpu.vector_store %arg6[%swap3A_908, %swap3A_909], %add3A_906 {strides = array<i32>} : memref<2x112xi32, #tpu.memory_space<vmem>>, vector<16xi32>,
      %add3A_911 = arith.addi %add3A_900, %convert_element_type3A_869 : vector<16xi32>
      %swap3A_912 = arith.constant 0 : i32
      %swap3A_913 = arith.index_cast %swap3A_912 : i32 to index
      %swap3A_914 = arith.constant 64 : index
      %swap3A_915 = tpu.vector_load %arg7[%swap3A_913, %swap3A_914] {strides = array<i32>} : memref<2x112xi32, #tpu.memory_space<vmem>>, vector<16xi32>,
      tpu.vector_store %arg7[%swap3A_913, %swap3A_914], %add3A_911 {strides = array<i32>} : memref<2x112xi32, #tpu.memory_space<vmem>>, vector<16xi32>,
      %add3A_916 = arith.addi %add3A_905, %convert_element_type3A_859 : vector<16xi32>
      %swap3A_917 = arith.constant 0 : i32
      %swap3A_918 = arith.index_cast %swap3A_917 : i32 to index
      %swap3A_919 = arith.constant 64 : index
      %swap3A_920 = tpu.vector_load %arg8[%swap3A_918, %swap3A_919] {strides = array<i32>} : memref<2x112xi32, #tpu.memory_space<vmem>>, vector<16xi32>,
      tpu.vector_store %arg8[%swap3A_918, %swap3A_919], %add3A_916 {strides = array<i32>} : memref<2x112xi32, #tpu.memory_space<vmem>>, vector<16xi32>,
      %add3A_921 = arith.addi %add3A_905, %convert_element_type3A_869 : vector<16xi32>
      %swap3A_922 = arith.constant 0 : i32
      %swap3A_923 = arith.index_cast %swap3A_922 : i32 to index
      %swap3A_924 = arith.constant 64 : index
      %swap3A_925 = tpu.vector_load %arg9[%swap3A_923, %swap3A_924] {strides = array<i32>} : memref<2x112xi32, #tpu.memory_space<vmem>>, vector<16xi32>,
      tpu.vector_store %arg9[%swap3A_923, %swap3A_924], %add3A_921 {strides = array<i32>} : memref<2x112xi32, #tpu.memory_space<vmem>>, vector<16xi32>,
      %mul3A_926 = arith.mulf %select_n3A_887, %select_n3A_893 : vector<16xf32>
      %swap3A_927 = arith.constant 64 : index
      %swap3A_928 = tpu.vector_load %arg10[%swap3A_927] {strides = array<i32>} : memref<224xf32, #tpu.memory_space<vmem>>, vector<16xf32>,
      tpu.vector_store %arg10[%swap3A_927], %mul3A_926 {strides = array<i32>} : memref<224xf32, #tpu.memory_space<vmem>>, vector<16xf32>,
      %mul3A_929 = arith.mulf %select_n3A_887, %select_n3A_895 : vector<16xf32>
      %swap3A_930 = arith.constant 64 : index
      %swap3A_931 = tpu.vector_load %arg11[%swap3A_930] {strides = array<i32>} : memref<224xf32, #tpu.memory_space<vmem>>, vector<16xf32>,
      tpu.vector_store %arg11[%swap3A_930], %mul3A_929 {strides = array<i32>} : memref<224xf32, #tpu.memory_space<vmem>>, vector<16xf32>,
      %mul3A_932 = arith.mulf %select_n3A_889, %select_n3A_893 : vector<16xf32>
      %swap3A_933 = arith.constant 64 : index
      %swap3A_934 = tpu.vector_load %arg12[%swap3A_933] {strides = array<i32>} : memref<224xf32, #tpu.memory_space<vmem>>, vector<16xf32>,
      tpu.vector_store %arg12[%swap3A_933], %mul3A_932 {strides = array<i32>} : memref<224xf32, #tpu.memory_space<vmem>>, vector<16xf32>,
      %mul3A_935 = arith.mulf %select_n3A_889, %select_n3A_895 : vector<16xf32>
      %swap3A_936 = arith.constant 64 : index
      %swap3A_937 = tpu.vector_load %arg13[%swap3A_936] {strides = array<i32>} : memref<224xf32, #tpu.memory_space<vmem>>, vector<16xf32>,
      tpu.vector_store %arg13[%swap3A_936], %mul3A_935 {strides = array<i32>} : memref<224xf32, #tpu.memory_space<vmem>>, vector<16xf32>,
      %add3A_938 = arith.constant 80 : i32
      %add3A_939 = vector.broadcast %add3A_938 : i32 to vector<16xi32>
      %add3A_940 = arith.addi %add3A_939, %iota3A : vector<16xi32>
      %jit3A_941 = arith.constant 14 : i32
      %div3A_942 = vector.broadcast %jit3A_941 : i32 to vector<16xi32>
      %div3A_943 = arith.divsi %add3A_940, %div3A_942 : vector<16xi32>
      %sign3A_944 = arith.constant 0 : i32
      %sign3A_945 = vector.broadcast %sign3A_944 : i32 to vector<16xi32>
      %sign3A_946 = arith.cmpi sgt, %add3A_940, %sign3A_945 : vector<16xi32>
      %sign3A_947 = arith.extui %sign3A_946 : vector<16xi1> to vector<16xi32>
      %sign3A_948 = arith.constant 0 : i32
      %sign3A_949 = vector.broadcast %sign3A_948 : i32 to vector<16xi32>
      %sign3A_950 = arith.cmpi slt, %add3A_940, %sign3A_949 : vector<16xi32>
      %sign3A_951 = arith.extui %sign3A_950 : vector<16xi1> to vector<16xi32>
      %sign3A_952 = arith.subi %sign3A_947, %sign3A_951 : vector<16xi32>
      %sign3A_953 = arith.constant 0 : i32
      %sign3A_954 = arith.cmpi sgt, %jit3A_941, %sign3A_953 : i32
      %sign3A_955 = arith.extui %sign3A_954 : i1 to i32
      %sign3A_956 = arith.constant 0 : i32
      %sign3A_957 = arith.cmpi slt, %jit3A_941, %sign3A_956 : i32
      %sign3A_958 = arith.extui %sign3A_957 : i1 to i32
      %sign3A_959 = arith.subi %sign3A_955, %sign3A_958 : i32
      %ne3A_960 = vector.broadcast %sign3A_959 : i32 to vector<16xi32>
      %ne3A_961 = arith.cmpi ne, %sign3A_952, %ne3A_960 : vector<16xi32>
      %rem3A_962 = vector.broadcast %jit3A_941 : i32 to vector<16xi32>
      %rem3A_963 = arith.remsi %add3A_940, %rem3A_962 : vector<16xi32>
      %ne3A_964 = arith.constant 0 : i32
      %ne3A_965 = vector.broadcast %ne3A_964 : i32 to vector<16xi32>
      %ne3A_966 = arith.cmpi ne, %rem3A_963, %ne3A_965 : vector<16xi32>
      %and3A_967 = arith.andi %ne3A_961, %ne3A_966 : vector<16xi1>
      %sub3A_968 = arith.constant 1 : i32
      %sub3A_969 = vector.broadcast %sub3A_968 : i32 to vector<16xi32>
      %sub3A_970 = arith.subi %div3A_943, %sub3A_969 : vector<16xi32>
      %select_n3A_971 = arith.select %and3A_967, %sub3A_970, %div3A_943 : vector<16xi1>, vector<16xi32>
      %mul3A_972 = arith.constant 14 : i32
      %mul3A_973 = vector.broadcast %mul3A_972 : i32 to vector<16xi32>
      %mul3A_974 = arith.muli %select_n3A_971, %mul3A_973 : vector<16xi32>
      %sub3A_975 = arith.subi %add3A_940, %mul3A_974 : vector<16xi32>
      %convert_element_type3A_976 = arith.sitofp %select_n3A_971 : vector<16xi32> to vector<16xf32>
      %mul3A_977 = arith.mulf %convert_element_type3A_976, %div3A_101 : vector<16xf32>
      %add3A_978 = arith.addf %mul3A_111, %mul3A_977 : vector<16xf32>
      %convert_element_type3A_979 = arith.sitofp %sub3A_975 : vector<16xi32> to vector<16xf32>
      %mul3A_980 = arith.mulf %convert_element_type3A_979, %div3A_108 : vector<16xf32>
      %add3A_981 = arith.addf %mul3A_114, %mul3A_980 : vector<16xf32>
      %convert_element_type3A_982 = arith.fptosi %add3A_978 : vector<16xf32> to vector<16xi32>
      %convert_element_type3A_983 = arith.sitofp %convert_element_type3A_982 : vector<16xi32> to vector<16xf32>
      %lt3A_984 = arith.cmpf olt, %add3A_978, %convert_element_type3A_983 : vector<16xf32>
      %jit3A_985 = arith.constant 1.000000e+00 : f32
      %jit3A_986 = arith.constant 0.000000e+00 : f32
      %broadcast_in_dim3A_987 = vector.broadcast %jit3A_985 : f32 to vector<16xf32>
      %broadcast_in_dim3A_988 = vector.broadcast %jit3A_986 : f32 to vector<16xf32>
      %select_n3A_989 = arith.select %lt3A_984, %broadcast_in_dim3A_987, %broadcast_in_dim3A_988 : vector<16xi1>, vector<16xf32>
      %sub3A_990 = arith.subf %convert_element_type3A_983, %select_n3A_989 : vector<16xf32>
      %convert_element_type3A_991 = arith.fptosi %add3A_981 : vector<16xf32> to vector<16xi32>
      %convert_element_type3A_992 = arith.sitofp %convert_element_type3A_991 : vector<16xi32> to vector<16xf32>
      %lt3A_993 = arith.cmpf olt, %add3A_981, %convert_element_type3A_992 : vector<16xf32>
      %jit3A_994 = arith.constant 1.000000e+00 : f32
      %jit3A_995 = arith.constant 0.000000e+00 : f32
      %broadcast_in_dim3A_996 = vector.broadcast %jit3A_994 : f32 to vector<16xf32>
      %broadcast_in_dim3A_997 = vector.broadcast %jit3A_995 : f32 to vector<16xf32>
      %select_n3A_998 = arith.select %lt3A_993, %broadcast_in_dim3A_996, %broadcast_in_dim3A_997 : vector<16xi1>, vector<16xf32>
      %sub3A_999 = arith.subf %convert_element_type3A_992, %select_n3A_998 : vector<16xf32>
      %sub3A_1000 = arith.subf %add3A_978, %sub3A_990 : vector<16xf32>
      %sub3A_1001 = arith.subf %add3A_981, %sub3A_999 : vector<16xf32>
      %jit3A_1002 = arith.constant 0.000000e+00 : f32
      %jit3A_1003 = arith.constant 2.230000e+02 : f32
      %max3A_1004 = vector.broadcast %jit3A_1002 : f32 to vector<16xf32>
      %max3A_1005 = arith.maximumf %max3A_1004, %sub3A_990 : vector<16xf32>
      %min3A_1006 = vector.broadcast %jit3A_1003 : f32 to vector<16xf32>
      %min3A_1007 = arith.minimumf %min3A_1006, %max3A_1005 : vector<16xf32>
      %convert_element_type3A_1008 = arith.fptosi %min3A_1007 : vector<16xf32> to vector<16xi32>
      %add3A_1009 = arith.constant 1.000000e+00 : f32
      %add3A_1010 = vector.broadcast %add3A_1009 : f32 to vector<16xf32>
      %add3A_1011 = arith.addf %sub3A_990, %add3A_1010 : vector<16xf32>
      %jit3A_1012 = arith.constant 0.000000e+00 : f32
      %jit3A_1013 = arith.constant 2.230000e+02 : f32
      %max3A_1014 = vector.broadcast %jit3A_1012 : f32 to vector<16xf32>
      %max3A_1015 = arith.maximumf %max3A_1014, %add3A_1011 : vector<16xf32>
      %min3A_1016 = vector.broadcast %jit3A_1013 : f32 to vector<16xf32>
      %min3A_1017 = arith.minimumf %min3A_1016, %max3A_1015 : vector<16xf32>
      %convert_element_type3A_1018 = arith.fptosi %min3A_1017 : vector<16xf32> to vector<16xi32>
      %jit3A_1019 = arith.constant 0.000000e+00 : f32
      %jit3A_1020 = arith.constant 2.230000e+02 : f32
      %max3A_1021 = vector.broadcast %jit3A_1019 : f32 to vector<16xf32>
      %max3A_1022 = arith.maximumf %max3A_1021, %sub3A_999 : vector<16xf32>
      %min3A_1023 = vector.broadcast %jit3A_1020 : f32 to vector<16xf32>
      %min3A_1024 = arith.minimumf %min3A_1023, %max3A_1022 : vector<16xf32>
      %convert_element_type3A_1025 = arith.fptosi %min3A_1024 : vector<16xf32> to vector<16xi32>
      %add3A_1026 = arith.constant 1.000000e+00 : f32
      %add3A_1027 = vector.broadcast %add3A_1026 : f32 to vector<16xf32>
      %add3A_1028 = arith.addf %sub3A_999, %add3A_1027 : vector<16xf32>
      %jit3A_1029 = arith.constant 0.000000e+00 : f32
      %jit3A_1030 = arith.constant 2.230000e+02 : f32
      %max3A_1031 = vector.broadcast %jit3A_1029 : f32 to vector<16xf32>
      %max3A_1032 = arith.maximumf %max3A_1031, %add3A_1028 : vector<16xf32>
      %min3A_1033 = vector.broadcast %jit3A_1030 : f32 to vector<16xf32>
      %min3A_1034 = arith.minimumf %min3A_1033, %max3A_1032 : vector<16xf32>
      %convert_element_type3A_1035 = arith.fptosi %min3A_1034 : vector<16xf32> to vector<16xi32>
      %ge3A_1036 = arith.constant 0.000000e+00 : f32
      %ge3A_1037 = vector.broadcast %ge3A_1036 : f32 to vector<16xf32>
      %ge3A_1038 = arith.cmpf oge, %add3A_978, %ge3A_1037 : vector<16xf32>
      %le3A_1039 = arith.constant 2.230000e+02 : f32
      %le3A_1040 = vector.broadcast %le3A_1039 : f32 to vector<16xf32>
      %le3A_1041 = arith.cmpf ole, %add3A_978, %le3A_1040 : vector<16xf32>
      %and3A_1042 = arith.andi %ge3A_1038, %le3A_1041 : vector<16xi1>
      %ge3A_1043 = arith.constant 0.000000e+00 : f32
      %ge3A_1044 = vector.broadcast %ge3A_1043 : f32 to vector<16xf32>
      %ge3A_1045 = arith.cmpf oge, %add3A_981, %ge3A_1044 : vector<16xf32>
      %le3A_1046 = arith.constant 2.230000e+02 : f32
      %le3A_1047 = vector.broadcast %le3A_1046 : f32 to vector<16xf32>
      %le3A_1048 = arith.cmpf ole, %add3A_981, %le3A_1047 : vector<16xf32>
      %and3A_1049 = arith.andi %ge3A_1045, %le3A_1048 : vector<16xi1>
      %sub3A_1050 = vector.broadcast %scan3A : f32 to vector<16xf32>
      %sub3A_1051 = arith.subf %sub3A_1050, %sub3A_1000 : vector<16xf32>
      %broadcast_in_dim3A_1052 = vector.broadcast %scan3A_7 : f32 to vector<16xf32>
      %select_n3A_1053 = arith.select %and3A_1042, %sub3A_1051, %broadcast_in_dim3A_1052 : vector<16xi1>, vector<16xf32>
      %broadcast_in_dim3A_1054 = vector.broadcast %scan3A_7 : f32 to vector<16xf32>
      %select_n3A_1055 = arith.select %and3A_1042, %sub3A_1000, %broadcast_in_dim3A_1054 : vector<16xi1>, vector<16xf32>
      %sub3A_1056 = vector.broadcast %scan3A : f32 to vector<16xf32>
      %sub3A_1057 = arith.subf %sub3A_1056, %sub3A_1001 : vector<16xf32>
      %broadcast_in_dim3A_1058 = vector.broadcast %scan3A_7 : f32 to vector<16xf32>
      %select_n3A_1059 = arith.select %and3A_1049, %sub3A_1057, %broadcast_in_dim3A_1058 : vector<16xi1>, vector<16xf32>
      %broadcast_in_dim3A_1060 = vector.broadcast %scan3A_7 : f32 to vector<16xf32>
      %select_n3A_1061 = arith.select %and3A_1049, %sub3A_1001, %broadcast_in_dim3A_1060 : vector<16xi1>, vector<16xf32>
      %mul3A_1062 = arith.constant 224 : i32
      %mul3A_1063 = vector.broadcast %mul3A_1062 : i32 to vector<16xi32>
      %mul3A_1064 = arith.muli %convert_element_type3A_1008, %mul3A_1063 : vector<16xi32>
      %add3A_1065 = vector.broadcast %mul3A_32 : i32 to vector<16xi32>
      %add3A_1066 = arith.addi %add3A_1065, %mul3A_1064 : vector<16xi32>
      %mul3A_1067 = arith.constant 224 : i32
      %mul3A_1068 = vector.broadcast %mul3A_1067 : i32 to vector<16xi32>
      %mul3A_1069 = arith.muli %convert_element_type3A_1018, %mul3A_1068 : vector<16xi32>
      %add3A_1070 = vector.broadcast %mul3A_32 : i32 to vector<16xi32>
      %add3A_1071 = arith.addi %add3A_1070, %mul3A_1069 : vector<16xi32>
      %add3A_1072 = arith.addi %add3A_1066, %convert_element_type3A_1025 : vector<16xi32>
      %swap3A_1073 = arith.constant 0 : i32
      %swap3A_1074 = arith.index_cast %swap3A_1073 : i32 to index
      %swap3A_1075 = arith.constant 80 : index
      %swap3A_1076 = tpu.vector_load %arg6[%swap3A_1074, %swap3A_1075] {strides = array<i32>} : memref<2x112xi32, #tpu.memory_space<vmem>>, vector<16xi32>,
      tpu.vector_store %arg6[%swap3A_1074, %swap3A_1075], %add3A_1072 {strides = array<i32>} : memref<2x112xi32, #tpu.memory_space<vmem>>, vector<16xi32>,
      %add3A_1077 = arith.addi %add3A_1066, %convert_element_type3A_1035 : vector<16xi32>
      %swap3A_1078 = arith.constant 0 : i32
      %swap3A_1079 = arith.index_cast %swap3A_1078 : i32 to index
      %swap3A_1080 = arith.constant 80 : index
      %swap3A_1081 = tpu.vector_load %arg7[%swap3A_1079, %swap3A_1080] {strides = array<i32>} : memref<2x112xi32, #tpu.memory_space<vmem>>, vector<16xi32>,
      tpu.vector_store %arg7[%swap3A_1079, %swap3A_1080], %add3A_1077 {strides = array<i32>} : memref<2x112xi32, #tpu.memory_space<vmem>>, vector<16xi32>,
      %add3A_1082 = arith.addi %add3A_1071, %convert_element_type3A_1025 : vector<16xi32>
      %swap3A_1083 = arith.constant 0 : i32
      %swap3A_1084 = arith.index_cast %swap3A_1083 : i32 to index
      %swap3A_1085 = arith.constant 80 : index
      %swap3A_1086 = tpu.vector_load %arg8[%swap3A_1084, %swap3A_1085] {strides = array<i32>} : memref<2x112xi32, #tpu.memory_space<vmem>>, vector<16xi32>,
      tpu.vector_store %arg8[%swap3A_1084, %swap3A_1085], %add3A_1082 {strides = array<i32>} : memref<2x112xi32, #tpu.memory_space<vmem>>, vector<16xi32>,
      %add3A_1087 = arith.addi %add3A_1071, %convert_element_type3A_1035 : vector<16xi32>
      %swap3A_1088 = arith.constant 0 : i32
      %swap3A_1089 = arith.index_cast %swap3A_1088 : i32 to index
      %swap3A_1090 = arith.constant 80 : index
      %swap3A_1091 = tpu.vector_load %arg9[%swap3A_1089, %swap3A_1090] {strides = array<i32>} : memref<2x112xi32, #tpu.memory_space<vmem>>, vector<16xi32>,
      tpu.vector_store %arg9[%swap3A_1089, %swap3A_1090], %add3A_1087 {strides = array<i32>} : memref<2x112xi32, #tpu.memory_space<vmem>>, vector<16xi32>,
      %mul3A_1092 = arith.mulf %select_n3A_1053, %select_n3A_1059 : vector<16xf32>
      %swap3A_1093 = arith.constant 80 : index
      %swap3A_1094 = tpu.vector_load %arg10[%swap3A_1093] {strides = array<i32>} : memref<224xf32, #tpu.memory_space<vmem>>, vector<16xf32>,
      tpu.vector_store %arg10[%swap3A_1093], %mul3A_1092 {strides = array<i32>} : memref<224xf32, #tpu.memory_space<vmem>>, vector<16xf32>,
      %mul3A_1095 = arith.mulf %select_n3A_1053, %select_n3A_1061 : vector<16xf32>
      %swap3A_1096 = arith.constant 80 : index
      %swap3A_1097 = tpu.vector_load %arg11[%swap3A_1096] {strides = array<i32>} : memref<224xf32, #tpu.memory_space<vmem>>, vector<16xf32>,
      tpu.vector_store %arg11[%swap3A_1096], %mul3A_1095 {strides = array<i32>} : memref<224xf32, #tpu.memory_space<vmem>>, vector<16xf32>,
      %mul3A_1098 = arith.mulf %select_n3A_1055, %select_n3A_1059 : vector<16xf32>
      %swap3A_1099 = arith.constant 80 : index
      %swap3A_1100 = tpu.vector_load %arg12[%swap3A_1099] {strides = array<i32>} : memref<224xf32, #tpu.memory_space<vmem>>, vector<16xf32>,
      tpu.vector_store %arg12[%swap3A_1099], %mul3A_1098 {strides = array<i32>} : memref<224xf32, #tpu.memory_space<vmem>>, vector<16xf32>,
      %mul3A_1101 = arith.mulf %select_n3A_1055, %select_n3A_1061 : vector<16xf32>
      %swap3A_1102 = arith.constant 80 : index
      %swap3A_1103 = tpu.vector_load %arg13[%swap3A_1102] {strides = array<i32>} : memref<224xf32, #tpu.memory_space<vmem>>, vector<16xf32>,
      tpu.vector_store %arg13[%swap3A_1102], %mul3A_1101 {strides = array<i32>} : memref<224xf32, #tpu.memory_space<vmem>>, vector<16xf32>,
      %add3A_1104 = arith.constant 96 : i32
      %add3A_1105 = vector.broadcast %add3A_1104 : i32 to vector<16xi32>
      %add3A_1106 = arith.addi %add3A_1105, %iota3A : vector<16xi32>
      %jit3A_1107 = arith.constant 14 : i32
      %div3A_1108 = vector.broadcast %jit3A_1107 : i32 to vector<16xi32>
      %div3A_1109 = arith.divsi %add3A_1106, %div3A_1108 : vector<16xi32>
      %sign3A_1110 = arith.constant 0 : i32
      %sign3A_1111 = vector.broadcast %sign3A_1110 : i32 to vector<16xi32>
      %sign3A_1112 = arith.cmpi sgt, %add3A_1106, %sign3A_1111 : vector<16xi32>
      %sign3A_1113 = arith.extui %sign3A_1112 : vector<16xi1> to vector<16xi32>
      %sign3A_1114 = arith.constant 0 : i32
      %sign3A_1115 = vector.broadcast %sign3A_1114 : i32 to vector<16xi32>
      %sign3A_1116 = arith.cmpi slt, %add3A_1106, %sign3A_1115 : vector<16xi32>
      %sign3A_1117 = arith.extui %sign3A_1116 : vector<16xi1> to vector<16xi32>
      %sign3A_1118 = arith.subi %sign3A_1113, %sign3A_1117 : vector<16xi32>
      %sign3A_1119 = arith.constant 0 : i32
      %sign3A_1120 = arith.cmpi sgt, %jit3A_1107, %sign3A_1119 : i32
      %sign3A_1121 = arith.extui %sign3A_1120 : i1 to i32
      %sign3A_1122 = arith.constant 0 : i32
      %sign3A_1123 = arith.cmpi slt, %jit3A_1107, %sign3A_1122 : i32
      %sign3A_1124 = arith.extui %sign3A_1123 : i1 to i32
      %sign3A_1125 = arith.subi %sign3A_1121, %sign3A_1124 : i32
      %ne3A_1126 = vector.broadcast %sign3A_1125 : i32 to vector<16xi32>
      %ne3A_1127 = arith.cmpi ne, %sign3A_1118, %ne3A_1126 : vector<16xi32>
      %rem3A_1128 = vector.broadcast %jit3A_1107 : i32 to vector<16xi32>
      %rem3A_1129 = arith.remsi %add3A_1106, %rem3A_1128 : vector<16xi32>
      %ne3A_1130 = arith.constant 0 : i32
      %ne3A_1131 = vector.broadcast %ne3A_1130 : i32 to vector<16xi32>
      %ne3A_1132 = arith.cmpi ne, %rem3A_1129, %ne3A_1131 : vector<16xi32>
      %and3A_1133 = arith.andi %ne3A_1127, %ne3A_1132 : vector<16xi1>
      %sub3A_1134 = arith.constant 1 : i32
      %sub3A_1135 = vector.broadcast %sub3A_1134 : i32 to vector<16xi32>
      %sub3A_1136 = arith.subi %div3A_1109, %sub3A_1135 : vector<16xi32>
      %select_n3A_1137 = arith.select %and3A_1133, %sub3A_1136, %div3A_1109 : vector<16xi1>, vector<16xi32>
      %mul3A_1138 = arith.constant 14 : i32
      %mul3A_1139 = vector.broadcast %mul3A_1138 : i32 to vector<16xi32>
      %mul3A_1140 = arith.muli %select_n3A_1137, %mul3A_1139 : vector<16xi32>
      %sub3A_1141 = arith.subi %add3A_1106, %mul3A_1140 : vector<16xi32>
      %convert_element_type3A_1142 = arith.sitofp %select_n3A_1137 : vector<16xi32> to vector<16xf32>
      %mul3A_1143 = arith.mulf %convert_element_type3A_1142, %div3A_101 : vector<16xf32>
      %add3A_1144 = arith.addf %mul3A_111, %mul3A_1143 : vector<16xf32>
      %convert_element_type3A_1145 = arith.sitofp %sub3A_1141 : vector<16xi32> to vector<16xf32>
      %mul3A_1146 = arith.mulf %convert_element_type3A_1145, %div3A_108 : vector<16xf32>
      %add3A_1147 = arith.addf %mul3A_114, %mul3A_1146 : vector<16xf32>
      %convert_element_type3A_1148 = arith.fptosi %add3A_1144 : vector<16xf32> to vector<16xi32>
      %convert_element_type3A_1149 = arith.sitofp %convert_element_type3A_1148 : vector<16xi32> to vector<16xf32>
      %lt3A_1150 = arith.cmpf olt, %add3A_1144, %convert_element_type3A_1149 : vector<16xf32>
      %jit3A_1151 = arith.constant 1.000000e+00 : f32
      %jit3A_1152 = arith.constant 0.000000e+00 : f32
      %broadcast_in_dim3A_1153 = vector.broadcast %jit3A_1151 : f32 to vector<16xf32>
      %broadcast_in_dim3A_1154 = vector.broadcast %jit3A_1152 : f32 to vector<16xf32>
      %select_n3A_1155 = arith.select %lt3A_1150, %broadcast_in_dim3A_1153, %broadcast_in_dim3A_1154 : vector<16xi1>, vector<16xf32>
      %sub3A_1156 = arith.subf %convert_element_type3A_1149, %select_n3A_1155 : vector<16xf32>
      %convert_element_type3A_1157 = arith.fptosi %add3A_1147 : vector<16xf32> to vector<16xi32>
      %convert_element_type3A_1158 = arith.sitofp %convert_element_type3A_1157 : vector<16xi32> to vector<16xf32>
      %lt3A_1159 = arith.cmpf olt, %add3A_1147, %convert_element_type3A_1158 : vector<16xf32>
      %jit3A_1160 = arith.constant 1.000000e+00 : f32
      %jit3A_1161 = arith.constant 0.000000e+00 : f32
      %broadcast_in_dim3A_1162 = vector.broadcast %jit3A_1160 : f32 to vector<16xf32>
      %broadcast_in_dim3A_1163 = vector.broadcast %jit3A_1161 : f32 to vector<16xf32>
      %select_n3A_1164 = arith.select %lt3A_1159, %broadcast_in_dim3A_1162, %broadcast_in_dim3A_1163 : vector<16xi1>, vector<16xf32>
      %sub3A_1165 = arith.subf %convert_element_type3A_1158, %select_n3A_1164 : vector<16xf32>
      %sub3A_1166 = arith.subf %add3A_1144, %sub3A_1156 : vector<16xf32>
      %sub3A_1167 = arith.subf %add3A_1147, %sub3A_1165 : vector<16xf32>
      %jit3A_1168 = arith.constant 0.000000e+00 : f32
      %jit3A_1169 = arith.constant 2.230000e+02 : f32
      %max3A_1170 = vector.broadcast %jit3A_1168 : f32 to vector<16xf32>
      %max3A_1171 = arith.maximumf %max3A_1170, %sub3A_1156 : vector<16xf32>
      %min3A_1172 = vector.broadcast %jit3A_1169 : f32 to vector<16xf32>
      %min3A_1173 = arith.minimumf %min3A_1172, %max3A_1171 : vector<16xf32>
      %convert_element_type3A_1174 = arith.fptosi %min3A_1173 : vector<16xf32> to vector<16xi32>
      %add3A_1175 = arith.constant 1.000000e+00 : f32
      %add3A_1176 = vector.broadcast %add3A_1175 : f32 to vector<16xf32>
      %add3A_1177 = arith.addf %sub3A_1156, %add3A_1176 : vector<16xf32>
      %jit3A_1178 = arith.constant 0.000000e+00 : f32
      %jit3A_1179 = arith.constant 2.230000e+02 : f32
      %max3A_1180 = vector.broadcast %jit3A_1178 : f32 to vector<16xf32>
      %max3A_1181 = arith.maximumf %max3A_1180, %add3A_1177 : vector<16xf32>
      %min3A_1182 = vector.broadcast %jit3A_1179 : f32 to vector<16xf32>
      %min3A_1183 = arith.minimumf %min3A_1182, %max3A_1181 : vector<16xf32>
      %convert_element_type3A_1184 = arith.fptosi %min3A_1183 : vector<16xf32> to vector<16xi32>
      %jit3A_1185 = arith.constant 0.000000e+00 : f32
      %jit3A_1186 = arith.constant 2.230000e+02 : f32
      %max3A_1187 = vector.broadcast %jit3A_1185 : f32 to vector<16xf32>
      %max3A_1188 = arith.maximumf %max3A_1187, %sub3A_1165 : vector<16xf32>
      %min3A_1189 = vector.broadcast %jit3A_1186 : f32 to vector<16xf32>
      %min3A_1190 = arith.minimumf %min3A_1189, %max3A_1188 : vector<16xf32>
      %convert_element_type3A_1191 = arith.fptosi %min3A_1190 : vector<16xf32> to vector<16xi32>
      %add3A_1192 = arith.constant 1.000000e+00 : f32
      %add3A_1193 = vector.broadcast %add3A_1192 : f32 to vector<16xf32>
      %add3A_1194 = arith.addf %sub3A_1165, %add3A_1193 : vector<16xf32>
      %jit3A_1195 = arith.constant 0.000000e+00 : f32
      %jit3A_1196 = arith.constant 2.230000e+02 : f32
      %max3A_1197 = vector.broadcast %jit3A_1195 : f32 to vector<16xf32>
      %max3A_1198 = arith.maximumf %max3A_1197, %add3A_1194 : vector<16xf32>
      %min3A_1199 = vector.broadcast %jit3A_1196 : f32 to vector<16xf32>
      %min3A_1200 = arith.minimumf %min3A_1199, %max3A_1198 : vector<16xf32>
      %convert_element_type3A_1201 = arith.fptosi %min3A_1200 : vector<16xf32> to vector<16xi32>
      %ge3A_1202 = arith.constant 0.000000e+00 : f32
      %ge3A_1203 = vector.broadcast %ge3A_1202 : f32 to vector<16xf32>
      %ge3A_1204 = arith.cmpf oge, %add3A_1144, %ge3A_1203 : vector<16xf32>
      %le3A_1205 = arith.constant 2.230000e+02 : f32
      %le3A_1206 = vector.broadcast %le3A_1205 : f32 to vector<16xf32>
      %le3A_1207 = arith.cmpf ole, %add3A_1144, %le3A_1206 : vector<16xf32>
      %and3A_1208 = arith.andi %ge3A_1204, %le3A_1207 : vector<16xi1>
      %ge3A_1209 = arith.constant 0.000000e+00 : f32
      %ge3A_1210 = vector.broadcast %ge3A_1209 : f32 to vector<16xf32>
      %ge3A_1211 = arith.cmpf oge, %add3A_1147, %ge3A_1210 : vector<16xf32>
      %le3A_1212 = arith.constant 2.230000e+02 : f32
      %le3A_1213 = vector.broadcast %le3A_1212 : f32 to vector<16xf32>
      %le3A_1214 = arith.cmpf ole, %add3A_1147, %le3A_1213 : vector<16xf32>
      %and3A_1215 = arith.andi %ge3A_1211, %le3A_1214 : vector<16xi1>
      %sub3A_1216 = vector.broadcast %scan3A : f32 to vector<16xf32>
      %sub3A_1217 = arith.subf %sub3A_1216, %sub3A_1166 : vector<16xf32>
      %broadcast_in_dim3A_1218 = vector.broadcast %scan3A_7 : f32 to vector<16xf32>
      %select_n3A_1219 = arith.select %and3A_1208, %sub3A_1217, %broadcast_in_dim3A_1218 : vector<16xi1>, vector<16xf32>
      %broadcast_in_dim3A_1220 = vector.broadcast %scan3A_7 : f32 to vector<16xf32>
      %select_n3A_1221 = arith.select %and3A_1208, %sub3A_1166, %broadcast_in_dim3A_1220 : vector<16xi1>, vector<16xf32>
      %sub3A_1222 = vector.broadcast %scan3A : f32 to vector<16xf32>
      %sub3A_1223 = arith.subf %sub3A_1222, %sub3A_1167 : vector<16xf32>
      %broadcast_in_dim3A_1224 = vector.broadcast %scan3A_7 : f32 to vector<16xf32>
      %select_n3A_1225 = arith.select %and3A_1215, %sub3A_1223, %broadcast_in_dim3A_1224 : vector<16xi1>, vector<16xf32>
      %broadcast_in_dim3A_1226 = vector.broadcast %scan3A_7 : f32 to vector<16xf32>
      %select_n3A_1227 = arith.select %and3A_1215, %sub3A_1167, %broadcast_in_dim3A_1226 : vector<16xi1>, vector<16xf32>
      %mul3A_1228 = arith.constant 224 : i32
      %mul3A_1229 = vector.broadcast %mul3A_1228 : i32 to vector<16xi32>
      %mul3A_1230 = arith.muli %convert_element_type3A_1174, %mul3A_1229 : vector<16xi32>
      %add3A_1231 = vector.broadcast %mul3A_32 : i32 to vector<16xi32>
      %add3A_1232 = arith.addi %add3A_1231, %mul3A_1230 : vector<16xi32>
      %mul3A_1233 = arith.constant 224 : i32
      %mul3A_1234 = vector.broadcast %mul3A_1233 : i32 to vector<16xi32>
      %mul3A_1235 = arith.muli %convert_element_type3A_1184, %mul3A_1234 : vector<16xi32>
      %add3A_1236 = vector.broadcast %mul3A_32 : i32 to vector<16xi32>
      %add3A_1237 = arith.addi %add3A_1236, %mul3A_1235 : vector<16xi32>
      %add3A_1238 = arith.addi %add3A_1232, %convert_element_type3A_1191 : vector<16xi32>
      %swap3A_1239 = arith.constant 0 : i32
      %swap3A_1240 = arith.index_cast %swap3A_1239 : i32 to index
      %swap3A_1241 = arith.constant 96 : index
      %swap3A_1242 = tpu.vector_load %arg6[%swap3A_1240, %swap3A_1241] {strides = array<i32>} : memref<2x112xi32, #tpu.memory_space<vmem>>, vector<16xi32>,
      tpu.vector_store %arg6[%swap3A_1240, %swap3A_1241], %add3A_1238 {strides = array<i32>} : memref<2x112xi32, #tpu.memory_space<vmem>>, vector<16xi32>,
      %add3A_1243 = arith.addi %add3A_1232, %convert_element_type3A_1201 : vector<16xi32>
      %swap3A_1244 = arith.constant 0 : i32
      %swap3A_1245 = arith.index_cast %swap3A_1244 : i32 to index
      %swap3A_1246 = arith.constant 96 : index
      %swap3A_1247 = tpu.vector_load %arg7[%swap3A_1245, %swap3A_1246] {strides = array<i32>} : memref<2x112xi32, #tpu.memory_space<vmem>>, vector<16xi32>,
      tpu.vector_store %arg7[%swap3A_1245, %swap3A_1246], %add3A_1243 {strides = array<i32>} : memref<2x112xi32, #tpu.memory_space<vmem>>, vector<16xi32>,
      %add3A_1248 = arith.addi %add3A_1237, %convert_element_type3A_1191 : vector<16xi32>
      %swap3A_1249 = arith.constant 0 : i32
      %swap3A_1250 = arith.index_cast %swap3A_1249 : i32 to index
      %swap3A_1251 = arith.constant 96 : index
      %swap3A_1252 = tpu.vector_load %arg8[%swap3A_1250, %swap3A_1251] {strides = array<i32>} : memref<2x112xi32, #tpu.memory_space<vmem>>, vector<16xi32>,
      tpu.vector_store %arg8[%swap3A_1250, %swap3A_1251], %add3A_1248 {strides = array<i32>} : memref<2x112xi32, #tpu.memory_space<vmem>>, vector<16xi32>,
      %add3A_1253 = arith.addi %add3A_1237, %convert_element_type3A_1201 : vector<16xi32>
      %swap3A_1254 = arith.constant 0 : i32
      %swap3A_1255 = arith.index_cast %swap3A_1254 : i32 to index
      %swap3A_1256 = arith.constant 96 : index
      %swap3A_1257 = tpu.vector_load %arg9[%swap3A_1255, %swap3A_1256] {strides = array<i32>} : memref<2x112xi32, #tpu.memory_space<vmem>>, vector<16xi32>,
      tpu.vector_store %arg9[%swap3A_1255, %swap3A_1256], %add3A_1253 {strides = array<i32>} : memref<2x112xi32, #tpu.memory_space<vmem>>, vector<16xi32>,
      %mul3A_1258 = arith.mulf %select_n3A_1219, %select_n3A_1225 : vector<16xf32>
      %swap3A_1259 = arith.constant 96 : index
      %swap3A_1260 = tpu.vector_load %arg10[%swap3A_1259] {strides = array<i32>} : memref<224xf32, #tpu.memory_space<vmem>>, vector<16xf32>,
      tpu.vector_store %arg10[%swap3A_1259], %mul3A_1258 {strides = array<i32>} : memref<224xf32, #tpu.memory_space<vmem>>, vector<16xf32>,
      %mul3A_1261 = arith.mulf %select_n3A_1219, %select_n3A_1227 : vector<16xf32>
      %swap3A_1262 = arith.constant 96 : index
      %swap3A_1263 = tpu.vector_load %arg11[%swap3A_1262] {strides = array<i32>} : memref<224xf32, #tpu.memory_space<vmem>>, vector<16xf32>,
      tpu.vector_store %arg11[%swap3A_1262], %mul3A_1261 {strides = array<i32>} : memref<224xf32, #tpu.memory_space<vmem>>, vector<16xf32>,
      %mul3A_1264 = arith.mulf %select_n3A_1221, %select_n3A_1225 : vector<16xf32>
      %swap3A_1265 = arith.constant 96 : index
      %swap3A_1266 = tpu.vector_load %arg12[%swap3A_1265] {strides = array<i32>} : memref<224xf32, #tpu.memory_space<vmem>>, vector<16xf32>,
      tpu.vector_store %arg12[%swap3A_1265], %mul3A_1264 {strides = array<i32>} : memref<224xf32, #tpu.memory_space<vmem>>, vector<16xf32>,
      %mul3A_1267 = arith.mulf %select_n3A_1221, %select_n3A_1227 : vector<16xf32>
      %swap3A_1268 = arith.constant 96 : index
      %swap3A_1269 = tpu.vector_load %arg13[%swap3A_1268] {strides = array<i32>} : memref<224xf32, #tpu.memory_space<vmem>>, vector<16xf32>,
      tpu.vector_store %arg13[%swap3A_1268], %mul3A_1267 {strides = array<i32>} : memref<224xf32, #tpu.memory_space<vmem>>, vector<16xf32>,
      %dma_start3A = arith.constant 0 : i32
      %dma_start3A_1270 = arith.constant 0 : i32
      %dma_start3A_1271 = arith.constant 0 : i32
      %dma_start3A_1272 = arith.constant 0 : i32
      %dma_start3A_1273 = tpu.memref_slice %arg14[%dma_start3A_1270, %dma_start3A_1271, %dma_start3A_1272] : memref<2x112x96xf32, #tpu.memory_space<vmem>> -> memref<1x104x96xf32, #tpu.memory_space<vmem>>
      %dma_start3A_1274 = tpu.memref_squeeze %dma_start3A_1273 : memref<1x104x96xf32, #tpu.memory_space<vmem>> -> memref<104x96xf32, #tpu.memory_space<vmem>>
      %dma_start3A_1275 = arith.constant 0 : i32
      %dma_start3A_1276 = tpu.memref_slice %arg6[%dma_start3A, %dma_start3A_1275] : memref<2x112xi32, #tpu.memory_space<vmem>> -> memref<1x104xi32, #tpu.memory_space<vmem>>
      %dma_start3A_1277 = tpu.memref_squeeze %dma_start3A_1276 : memref<1x104xi32, #tpu.memory_space<vmem>> -> memref<104xi32, #tpu.memory_space<vmem>>
      %dma_start3A_1278 = arith.constant 0 : i32
      %dma_start3A_1279 = arith.constant 0 : i32
      %dma_start3A_1280 = tpu.memref_slice %arg3[%dma_start3A_1278, %dma_start3A_1279] : memref<200704x96xf32, #tpu.memory_space<hbm>> -> memref<200704x96xf32, #tpu.memory_space<hbm>>
      tpu.enqueue_indirect_dma source(%dma_start3A_1280 : memref<200704x96xf32, #tpu.memory_space<hbm>>) target(%dma_start3A_1274 : memref<104x96xf32, #tpu.memory_space<vmem>>) offsets(%dma_start3A_1277 : memref<104xi32, #tpu.memory_space<vmem>>) semaphore(%arg19 : memref<!tpu.dma_semaphore, #tpu.memory_space<semaphore_mem>>)
      %dma_start3A_1281 = arith.constant 0 : i32
      %dma_start3A_1282 = arith.constant 0 : i32
      %dma_start3A_1283 = arith.constant 0 : i32
      %dma_start3A_1284 = arith.constant 0 : i32
      %dma_start3A_1285 = tpu.memref_slice %arg15[%dma_start3A_1282, %dma_start3A_1283, %dma_start3A_1284] : memref<2x112x96xf32, #tpu.memory_space<vmem>> -> memref<1x104x96xf32, #tpu.memory_space<vmem>>
      %dma_start3A_1286 = tpu.memref_squeeze %dma_start3A_1285 : memref<1x104x96xf32, #tpu.memory_space<vmem>> -> memref<104x96xf32, #tpu.memory_space<vmem>>
      %dma_start3A_1287 = arith.constant 0 : i32
      %dma_start3A_1288 = tpu.memref_slice %arg7[%dma_start3A_1281, %dma_start3A_1287] : memref<2x112xi32, #tpu.memory_space<vmem>> -> memref<1x104xi32, #tpu.memory_space<vmem>>
      %dma_start3A_1289 = tpu.memref_squeeze %dma_start3A_1288 : memref<1x104xi32, #tpu.memory_space<vmem>> -> memref<104xi32, #tpu.memory_space<vmem>>
      %dma_start3A_1290 = arith.constant 0 : i32
      %dma_start3A_1291 = arith.constant 0 : i32
      %dma_start3A_1292 = tpu.memref_slice %arg3[%dma_start3A_1290, %dma_start3A_1291] : memref<200704x96xf32, #tpu.memory_space<hbm>> -> memref<200704x96xf32, #tpu.memory_space<hbm>>
      tpu.enqueue_indirect_dma source(%dma_start3A_1292 : memref<200704x96xf32, #tpu.memory_space<hbm>>) target(%dma_start3A_1286 : memref<104x96xf32, #tpu.memory_space<vmem>>) offsets(%dma_start3A_1289 : memref<104xi32, #tpu.memory_space<vmem>>) semaphore(%arg19 : memref<!tpu.dma_semaphore, #tpu.memory_space<semaphore_mem>>)
      %dma_start3A_1293 = arith.constant 0 : i32
      %dma_start3A_1294 = arith.constant 0 : i32
      %dma_start3A_1295 = arith.constant 0 : i32
      %dma_start3A_1296 = arith.constant 0 : i32
      %dma_start3A_1297 = tpu.memref_slice %arg16[%dma_start3A_1294, %dma_start3A_1295, %dma_start3A_1296] : memref<2x112x96xf32, #tpu.memory_space<vmem>> -> memref<1x104x96xf32, #tpu.memory_space<vmem>>
      %dma_start3A_1298 = tpu.memref_squeeze %dma_start3A_1297 : memref<1x104x96xf32, #tpu.memory_space<vmem>> -> memref<104x96xf32, #tpu.memory_space<vmem>>
      %dma_start3A_1299 = arith.constant 0 : i32
      %dma_start3A_1300 = tpu.memref_slice %arg8[%dma_start3A_1293, %dma_start3A_1299] : memref<2x112xi32, #tpu.memory_space<vmem>> -> memref<1x104xi32, #tpu.memory_space<vmem>>
      %dma_start3A_1301 = tpu.memref_squeeze %dma_start3A_1300 : memref<1x104xi32, #tpu.memory_space<vmem>> -> memref<104xi32, #tpu.memory_space<vmem>>
      %dma_start3A_1302 = arith.constant 0 : i32
      %dma_start3A_1303 = arith.constant 0 : i32
      %dma_start3A_1304 = tpu.memref_slice %arg3[%dma_start3A_1302, %dma_start3A_1303] : memref<200704x96xf32, #tpu.memory_space<hbm>> -> memref<200704x96xf32, #tpu.memory_space<hbm>>
      tpu.enqueue_indirect_dma source(%dma_start3A_1304 : memref<200704x96xf32, #tpu.memory_space<hbm>>) target(%dma_start3A_1298 : memref<104x96xf32, #tpu.memory_space<vmem>>) offsets(%dma_start3A_1301 : memref<104xi32, #tpu.memory_space<vmem>>) semaphore(%arg19 : memref<!tpu.dma_semaphore, #tpu.memory_space<semaphore_mem>>)
      %dma_start3A_1305 = arith.constant 0 : i32
      %dma_start3A_1306 = arith.constant 0 : i32
      %dma_start3A_1307 = arith.constant 0 : i32
      %dma_start3A_1308 = arith.constant 0 : i32
      %dma_start3A_1309 = tpu.memref_slice %arg17[%dma_start3A_1306, %dma_start3A_1307, %dma_start3A_1308] : memref<2x112x96xf32, #tpu.memory_space<vmem>> -> memref<1x104x96xf32, #tpu.memory_space<vmem>>
      %dma_start3A_1310 = tpu.memref_squeeze %dma_start3A_1309 : memref<1x104x96xf32, #tpu.memory_space<vmem>> -> memref<104x96xf32, #tpu.memory_space<vmem>>
      %dma_start3A_1311 = arith.constant 0 : i32
      %dma_start3A_1312 = tpu.memref_slice %arg9[%dma_start3A_1305, %dma_start3A_1311] : memref<2x112xi32, #tpu.memory_space<vmem>> -> memref<1x104xi32, #tpu.memory_space<vmem>>
      %dma_start3A_1313 = tpu.memref_squeeze %dma_start3A_1312 : memref<1x104xi32, #tpu.memory_space<vmem>> -> memref<104xi32, #tpu.memory_space<vmem>>
      %dma_start3A_1314 = arith.constant 0 : i32
      %dma_start3A_1315 = arith.constant 0 : i32
      %dma_start3A_1316 = tpu.memref_slice %arg3[%dma_start3A_1314, %dma_start3A_1315] : memref<200704x96xf32, #tpu.memory_space<hbm>> -> memref<200704x96xf32, #tpu.memory_space<hbm>>
      tpu.enqueue_indirect_dma source(%dma_start3A_1316 : memref<200704x96xf32, #tpu.memory_space<hbm>>) target(%dma_start3A_1310 : memref<104x96xf32, #tpu.memory_space<vmem>>) offsets(%dma_start3A_1313 : memref<104xi32, #tpu.memory_space<vmem>>) semaphore(%arg19 : memref<!tpu.dma_semaphore, #tpu.memory_space<semaphore_mem>>)
      %add3A_1317 = arith.addi %mul3A_2, %scan3A_13 : i32
      %jit3A_1318 = arith.constant 512 : i32
      %div3A_1319 = arith.divsi %add3A_1317, %jit3A_1318 : i32
      %sign3A_1320 = arith.constant 0 : i32
      %sign3A_1321 = arith.cmpi sgt, %add3A_1317, %sign3A_1320 : i32
      %sign3A_1322 = arith.extui %sign3A_1321 : i1 to i32
      %sign3A_1323 = arith.constant 0 : i32
      %sign3A_1324 = arith.cmpi slt, %add3A_1317, %sign3A_1323 : i32
      %sign3A_1325 = arith.extui %sign3A_1324 : i1 to i32
      %sign3A_1326 = arith.subi %sign3A_1322, %sign3A_1325 : i32
      %sign3A_1327 = arith.constant 0 : i32
      %sign3A_1328 = arith.cmpi sgt, %jit3A_1318, %sign3A_1327 : i32
      %sign3A_1329 = arith.extui %sign3A_1328 : i1 to i32
      %sign3A_1330 = arith.constant 0 : i32
      %sign3A_1331 = arith.cmpi slt, %jit3A_1318, %sign3A_1330 : i32
      %sign3A_1332 = arith.extui %sign3A_1331 : i1 to i32
      %sign3A_1333 = arith.subi %sign3A_1329, %sign3A_1332 : i32
      %ne3A_1334 = arith.cmpi ne, %sign3A_1326, %sign3A_1333 : i32
      %rem3A_1335 = arith.remsi %add3A_1317, %jit3A_1318 : i32
      %ne3A_1336 = arith.constant 0 : i32
      %ne3A_1337 = arith.cmpi ne, %rem3A_1335, %ne3A_1336 : i32
      %and3A_1338 = arith.andi %ne3A_1334, %ne3A_1337 : i1
      %sub3A_1339 = arith.constant 1 : i32
      %sub3A_1340 = arith.subi %div3A_1319, %sub3A_1339 : i32
      %select_n3A_1341 = arith.select %and3A_1338, %sub3A_1340, %div3A_1319 : i32
      %mul3A_1342 = arith.constant 50176 : i32
      %mul3A_1343 = arith.muli %select_n3A_1341, %mul3A_1342 : i32
      %mul3A_1344 = arith.constant 4 : i32
      %mul3A_1345 = arith.muli %mul3A_1344, %scan3A_13 : i32
      %broadcast_in_dim3A_1346 = vector.broadcast %mul3A_1345 : i32 to vector<16xi32>
      %gather3A_1347 = tpu.vector_load_idx %arg5[%broadcast_in_dim3A_1346] : memref<256xf32, #tpu.memory_space<vmem>>[vector<16xi32>], vector<16xf32>,
      %mul3A_1348 = arith.constant 4 : i32
      %mul3A_1349 = arith.muli %mul3A_1348, %scan3A_13 : i32
      %add3A_1350 = arith.constant 1 : i32
      %add3A_1351 = arith.addi %mul3A_1349, %add3A_1350 : i32
      %broadcast_in_dim3A_1352 = vector.broadcast %add3A_1351 : i32 to vector<16xi32>
      %gather3A_1353 = tpu.vector_load_idx %arg5[%broadcast_in_dim3A_1352] : memref<256xf32, #tpu.memory_space<vmem>>[vector<16xi32>], vector<16xf32>,
      %mul3A_1354 = arith.constant 4 : i32
      %mul3A_1355 = arith.muli %mul3A_1354, %scan3A_13 : i32
      %add3A_1356 = arith.constant 2 : i32
      %add3A_1357 = arith.addi %mul3A_1355, %add3A_1356 : i32
      %broadcast_in_dim3A_1358 = vector.broadcast %add3A_1357 : i32 to vector<16xi32>
      %gather3A_1359 = tpu.vector_load_idx %arg5[%broadcast_in_dim3A_1358] : memref<256xf32, #tpu.memory_space<vmem>>[vector<16xi32>], vector<16xf32>,
      %mul3A_1360 = arith.constant 4 : i32
      %mul3A_1361 = arith.muli %mul3A_1360, %scan3A_13 : i32
      %add3A_1362 = arith.constant 3 : i32
      %add3A_1363 = arith.addi %mul3A_1361, %add3A_1362 : i32
      %broadcast_in_dim3A_1364 = vector.broadcast %add3A_1363 : i32 to vector<16xi32>
      %gather3A_1365 = tpu.vector_load_idx %arg5[%broadcast_in_dim3A_1364] : memref<256xf32, #tpu.memory_space<vmem>>[vector<16xi32>], vector<16xf32>,
      %div3A_1366 = arith.constant 2.240000e+02 : f32
      %div3A_1367 = vector.broadcast %div3A_1366 : f32 to vector<16xf32>
      %div3A_1368 = arith.divf %gather3A_1353, %div3A_1367 : vector<16xf32>
      %mul3A_1369 = arith.constant 2.240000e+02 : f32
      %mul3A_1370 = vector.broadcast %mul3A_1369 : f32 to vector<16xf32>
      %mul3A_1371 = arith.mulf %div3A_1368, %mul3A_1370 : vector<16xf32>
      %div3A_1372 = arith.constant 2.230000e+02 : f32
      %div3A_1373 = vector.broadcast %div3A_1372 : f32 to vector<16xf32>
      %div3A_1374 = arith.divf %mul3A_1371, %div3A_1373 : vector<16xf32>
      %div3A_1375 = arith.constant 2.240000e+02 : f32
      %div3A_1376 = vector.broadcast %div3A_1375 : f32 to vector<16xf32>
      %div3A_1377 = arith.divf %gather3A_1347, %div3A_1376 : vector<16xf32>
      %mul3A_1378 = arith.constant 2.240000e+02 : f32
      %mul3A_1379 = vector.broadcast %mul3A_1378 : f32 to vector<16xf32>
      %mul3A_1380 = arith.mulf %div3A_1377, %mul3A_1379 : vector<16xf32>
      %div3A_1381 = arith.constant 2.230000e+02 : f32
      %div3A_1382 = vector.broadcast %div3A_1381 : f32 to vector<16xf32>
      %div3A_1383 = arith.divf %mul3A_1380, %div3A_1382 : vector<16xf32>
      %div3A_1384 = arith.constant 2.240000e+02 : f32
      %div3A_1385 = vector.broadcast %div3A_1384 : f32 to vector<16xf32>
      %div3A_1386 = arith.divf %gather3A_1365, %div3A_1385 : vector<16xf32>
      %mul3A_1387 = arith.constant 2.240000e+02 : f32
      %mul3A_1388 = vector.broadcast %mul3A_1387 : f32 to vector<16xf32>
      %mul3A_1389 = arith.mulf %div3A_1386, %mul3A_1388 : vector<16xf32>
      %sub3A_1390 = arith.constant 1.000000e+00 : f32
      %sub3A_1391 = vector.broadcast %sub3A_1390 : f32 to vector<16xf32>
      %sub3A_1392 = arith.subf %mul3A_1389, %sub3A_1391 : vector<16xf32>
      %div3A_1393 = arith.constant 2.230000e+02 : f32
      %div3A_1394 = vector.broadcast %div3A_1393 : f32 to vector<16xf32>
      %div3A_1395 = arith.divf %sub3A_1392, %div3A_1394 : vector<16xf32>
      %div3A_1396 = arith.constant 2.240000e+02 : f32
      %div3A_1397 = vector.broadcast %div3A_1396 : f32 to vector<16xf32>
      %div3A_1398 = arith.divf %gather3A_1359, %div3A_1397 : vector<16xf32>
      %mul3A_1399 = arith.constant 2.240000e+02 : f32
      %mul3A_1400 = vector.broadcast %mul3A_1399 : f32 to vector<16xf32>
      %mul3A_1401 = arith.mulf %div3A_1398, %mul3A_1400 : vector<16xf32>
      %sub3A_1402 = arith.constant 1.000000e+00 : f32
      %sub3A_1403 = vector.broadcast %sub3A_1402 : f32 to vector<16xf32>
      %sub3A_1404 = arith.subf %mul3A_1401, %sub3A_1403 : vector<16xf32>
      %div3A_1405 = arith.constant 2.230000e+02 : f32
      %div3A_1406 = vector.broadcast %div3A_1405 : f32 to vector<16xf32>
      %div3A_1407 = arith.divf %sub3A_1404, %div3A_1406 : vector<16xf32>
      %sub3A_1408 = arith.subf %div3A_1395, %div3A_1374 : vector<16xf32>
      %mul3A_1409 = arith.constant 2.230000e+02 : f32
      %mul3A_1410 = vector.broadcast %mul3A_1409 : f32 to vector<16xf32>
      %mul3A_1411 = arith.mulf %sub3A_1408, %mul3A_1410 : vector<16xf32>
      %div3A_1412 = arith.constant 1.300000e+01 : f32
      %div3A_1413 = vector.broadcast %div3A_1412 : f32 to vector<16xf32>
      %div3A_1414 = arith.divf %mul3A_1411, %div3A_1413 : vector<16xf32>
      %sub3A_1415 = arith.subf %div3A_1407, %div3A_1383 : vector<16xf32>
      %mul3A_1416 = arith.constant 2.230000e+02 : f32
      %mul3A_1417 = vector.broadcast %mul3A_1416 : f32 to vector<16xf32>
      %mul3A_1418 = arith.mulf %sub3A_1415, %mul3A_1417 : vector<16xf32>
      %div3A_1419 = arith.constant 1.300000e+01 : f32
      %div3A_1420 = vector.broadcast %div3A_1419 : f32 to vector<16xf32>
      %div3A_1421 = arith.divf %mul3A_1418, %div3A_1420 : vector<16xf32>
      %mul3A_1422 = arith.constant 2.230000e+02 : f32
      %mul3A_1423 = vector.broadcast %mul3A_1422 : f32 to vector<16xf32>
      %mul3A_1424 = arith.mulf %div3A_1374, %mul3A_1423 : vector<16xf32>
      %mul3A_1425 = arith.constant 2.230000e+02 : f32
      %mul3A_1426 = vector.broadcast %mul3A_1425 : f32 to vector<16xf32>
      %mul3A_1427 = arith.mulf %div3A_1383, %mul3A_1426 : vector<16xf32>
      %add3A_1428 = arith.constant 98 : i32
      %add3A_1429 = vector.broadcast %add3A_1428 : i32 to vector<16xi32>
      %add3A_1430 = arith.addi %add3A_1429, %iota3A : vector<16xi32>
      %jit3A_1431 = arith.constant 14 : i32
      %div3A_1432 = vector.broadcast %jit3A_1431 : i32 to vector<16xi32>
      %div3A_1433 = arith.divsi %add3A_1430, %div3A_1432 : vector<16xi32>
      %sign3A_1434 = arith.constant 0 : i32
      %sign3A_1435 = vector.broadcast %sign3A_1434 : i32 to vector<16xi32>
      %sign3A_1436 = arith.cmpi sgt, %add3A_1430, %sign3A_1435 : vector<16xi32>
      %sign3A_1437 = arith.extui %sign3A_1436 : vector<16xi1> to vector<16xi32>
      %sign3A_1438 = arith.constant 0 : i32
      %sign3A_1439 = vector.broadcast %sign3A_1438 : i32 to vector<16xi32>
      %sign3A_1440 = arith.cmpi slt, %add3A_1430, %sign3A_1439 : vector<16xi32>
      %sign3A_1441 = arith.extui %sign3A_1440 : vector<16xi1> to vector<16xi32>
      %sign3A_1442 = arith.subi %sign3A_1437, %sign3A_1441 : vector<16xi32>
      %sign3A_1443 = arith.constant 0 : i32
      %sign3A_1444 = arith.cmpi sgt, %jit3A_1431, %sign3A_1443 : i32
      %sign3A_1445 = arith.extui %sign3A_1444 : i1 to i32
      %sign3A_1446 = arith.constant 0 : i32
      %sign3A_1447 = arith.cmpi slt, %jit3A_1431, %sign3A_1446 : i32
      %sign3A_1448 = arith.extui %sign3A_1447 : i1 to i32
      %sign3A_1449 = arith.subi %sign3A_1445, %sign3A_1448 : i32
      %ne3A_1450 = vector.broadcast %sign3A_1449 : i32 to vector<16xi32>
      %ne3A_1451 = arith.cmpi ne, %sign3A_1442, %ne3A_1450 : vector<16xi32>
      %rem3A_1452 = vector.broadcast %jit3A_1431 : i32 to vector<16xi32>
      %rem3A_1453 = arith.remsi %add3A_1430, %rem3A_1452 : vector<16xi32>
      %ne3A_1454 = arith.constant 0 : i32
      %ne3A_1455 = vector.broadcast %ne3A_1454 : i32 to vector<16xi32>
      %ne3A_1456 = arith.cmpi ne, %rem3A_1453, %ne3A_1455 : vector<16xi32>
      %and3A_1457 = arith.andi %ne3A_1451, %ne3A_1456 : vector<16xi1>
      %sub3A_1458 = arith.constant 1 : i32
      %sub3A_1459 = vector.broadcast %sub3A_1458 : i32 to vector<16xi32>
      %sub3A_1460 = arith.subi %div3A_1433, %sub3A_1459 : vector<16xi32>
      %select_n3A_1461 = arith.select %and3A_1457, %sub3A_1460, %div3A_1433 : vector<16xi1>, vector<16xi32>
      %mul3A_1462 = arith.constant 14 : i32
      %mul3A_1463 = vector.broadcast %mul3A_1462 : i32 to vector<16xi32>
      %mul3A_1464 = arith.muli %select_n3A_1461, %mul3A_1463 : vector<16xi32>
      %sub3A_1465 = arith.subi %add3A_1430, %mul3A_1464 : vector<16xi32>
      %convert_element_type3A_1466 = arith.sitofp %select_n3A_1461 : vector<16xi32> to vector<16xf32>
      %mul3A_1467 = arith.mulf %convert_element_type3A_1466, %div3A_1414 : vector<16xf32>
      %add3A_1468 = arith.addf %mul3A_1424, %mul3A_1467 : vector<16xf32>
      %convert_element_type3A_1469 = arith.sitofp %sub3A_1465 : vector<16xi32> to vector<16xf32>
      %mul3A_1470 = arith.mulf %convert_element_type3A_1469, %div3A_1421 : vector<16xf32>
      %add3A_1471 = arith.addf %mul3A_1427, %mul3A_1470 : vector<16xf32>
      %convert_element_type3A_1472 = arith.fptosi %add3A_1468 : vector<16xf32> to vector<16xi32>
      %convert_element_type3A_1473 = arith.sitofp %convert_element_type3A_1472 : vector<16xi32> to vector<16xf32>
      %lt3A_1474 = arith.cmpf olt, %add3A_1468, %convert_element_type3A_1473 : vector<16xf32>
      %jit3A_1475 = arith.constant 1.000000e+00 : f32
      %jit3A_1476 = arith.constant 0.000000e+00 : f32
      %broadcast_in_dim3A_1477 = vector.broadcast %jit3A_1475 : f32 to vector<16xf32>
      %broadcast_in_dim3A_1478 = vector.broadcast %jit3A_1476 : f32 to vector<16xf32>
      %select_n3A_1479 = arith.select %lt3A_1474, %broadcast_in_dim3A_1477, %broadcast_in_dim3A_1478 : vector<16xi1>, vector<16xf32>
      %sub3A_1480 = arith.subf %convert_element_type3A_1473, %select_n3A_1479 : vector<16xf32>
      %convert_element_type3A_1481 = arith.fptosi %add3A_1471 : vector<16xf32> to vector<16xi32>
      %convert_element_type3A_1482 = arith.sitofp %convert_element_type3A_1481 : vector<16xi32> to vector<16xf32>
      %lt3A_1483 = arith.cmpf olt, %add3A_1471, %convert_element_type3A_1482 : vector<16xf32>
      %jit3A_1484 = arith.constant 1.000000e+00 : f32
      %jit3A_1485 = arith.constant 0.000000e+00 : f32
      %broadcast_in_dim3A_1486 = vector.broadcast %jit3A_1484 : f32 to vector<16xf32>
      %broadcast_in_dim3A_1487 = vector.broadcast %jit3A_1485 : f32 to vector<16xf32>
      %select_n3A_1488 = arith.select %lt3A_1483, %broadcast_in_dim3A_1486, %broadcast_in_dim3A_1487 : vector<16xi1>, vector<16xf32>
      %sub3A_1489 = arith.subf %convert_element_type3A_1482, %select_n3A_1488 : vector<16xf32>
      %sub3A_1490 = arith.subf %add3A_1468, %sub3A_1480 : vector<16xf32>
      %sub3A_1491 = arith.subf %add3A_1471, %sub3A_1489 : vector<16xf32>
      %jit3A_1492 = arith.constant 0.000000e+00 : f32
      %jit3A_1493 = arith.constant 2.230000e+02 : f32
      %max3A_1494 = vector.broadcast %jit3A_1492 : f32 to vector<16xf32>
      %max3A_1495 = arith.maximumf %max3A_1494, %sub3A_1480 : vector<16xf32>
      %min3A_1496 = vector.broadcast %jit3A_1493 : f32 to vector<16xf32>
      %min3A_1497 = arith.minimumf %min3A_1496, %max3A_1495 : vector<16xf32>
      %convert_element_type3A_1498 = arith.fptosi %min3A_1497 : vector<16xf32> to vector<16xi32>
      %add3A_1499 = arith.constant 1.000000e+00 : f32
      %add3A_1500 = vector.broadcast %add3A_1499 : f32 to vector<16xf32>
      %add3A_1501 = arith.addf %sub3A_1480, %add3A_1500 : vector<16xf32>
      %jit3A_1502 = arith.constant 0.000000e+00 : f32
      %jit3A_1503 = arith.constant 2.230000e+02 : f32
      %max3A_1504 = vector.broadcast %jit3A_1502 : f32 to vector<16xf32>
      %max3A_1505 = arith.maximumf %max3A_1504, %add3A_1501 : vector<16xf32>
      %min3A_1506 = vector.broadcast %jit3A_1503 : f32 to vector<16xf32>
      %min3A_1507 = arith.minimumf %min3A_1506, %max3A_1505 : vector<16xf32>
      %convert_element_type3A_1508 = arith.fptosi %min3A_1507 : vector<16xf32> to vector<16xi32>
      %jit3A_1509 = arith.constant 0.000000e+00 : f32
      %jit3A_1510 = arith.constant 2.230000e+02 : f32
      %max3A_1511 = vector.broadcast %jit3A_1509 : f32 to vector<16xf32>
      %max3A_1512 = arith.maximumf %max3A_1511, %sub3A_1489 : vector<16xf32>
      %min3A_1513 = vector.broadcast %jit3A_1510 : f32 to vector<16xf32>
      %min3A_1514 = arith.minimumf %min3A_1513, %max3A_1512 : vector<16xf32>
      %convert_element_type3A_1515 = arith.fptosi %min3A_1514 : vector<16xf32> to vector<16xi32>
      %add3A_1516 = arith.constant 1.000000e+00 : f32
      %add3A_1517 = vector.broadcast %add3A_1516 : f32 to vector<16xf32>
      %add3A_1518 = arith.addf %sub3A_1489, %add3A_1517 : vector<16xf32>
      %jit3A_1519 = arith.constant 0.000000e+00 : f32
      %jit3A_1520 = arith.constant 2.230000e+02 : f32
      %max3A_1521 = vector.broadcast %jit3A_1519 : f32 to vector<16xf32>
      %max3A_1522 = arith.maximumf %max3A_1521, %add3A_1518 : vector<16xf32>
      %min3A_1523 = vector.broadcast %jit3A_1520 : f32 to vector<16xf32>
      %min3A_1524 = arith.minimumf %min3A_1523, %max3A_1522 : vector<16xf32>
      %convert_element_type3A_1525 = arith.fptosi %min3A_1524 : vector<16xf32> to vector<16xi32>
      %ge3A_1526 = arith.constant 0.000000e+00 : f32
      %ge3A_1527 = vector.broadcast %ge3A_1526 : f32 to vector<16xf32>
      %ge3A_1528 = arith.cmpf oge, %add3A_1468, %ge3A_1527 : vector<16xf32>
      %le3A_1529 = arith.constant 2.230000e+02 : f32
      %le3A_1530 = vector.broadcast %le3A_1529 : f32 to vector<16xf32>
      %le3A_1531 = arith.cmpf ole, %add3A_1468, %le3A_1530 : vector<16xf32>
      %and3A_1532 = arith.andi %ge3A_1528, %le3A_1531 : vector<16xi1>
      %ge3A_1533 = arith.constant 0.000000e+00 : f32
      %ge3A_1534 = vector.broadcast %ge3A_1533 : f32 to vector<16xf32>
      %ge3A_1535 = arith.cmpf oge, %add3A_1471, %ge3A_1534 : vector<16xf32>
      %le3A_1536 = arith.constant 2.230000e+02 : f32
      %le3A_1537 = vector.broadcast %le3A_1536 : f32 to vector<16xf32>
      %le3A_1538 = arith.cmpf ole, %add3A_1471, %le3A_1537 : vector<16xf32>
      %and3A_1539 = arith.andi %ge3A_1535, %le3A_1538 : vector<16xi1>
      %sub3A_1540 = vector.broadcast %scan3A : f32 to vector<16xf32>
      %sub3A_1541 = arith.subf %sub3A_1540, %sub3A_1490 : vector<16xf32>
      %broadcast_in_dim3A_1542 = vector.broadcast %scan3A_7 : f32 to vector<16xf32>
      %select_n3A_1543 = arith.select %and3A_1532, %sub3A_1541, %broadcast_in_dim3A_1542 : vector<16xi1>, vector<16xf32>
      %broadcast_in_dim3A_1544 = vector.broadcast %scan3A_7 : f32 to vector<16xf32>
      %select_n3A_1545 = arith.select %and3A_1532, %sub3A_1490, %broadcast_in_dim3A_1544 : vector<16xi1>, vector<16xf32>
      %sub3A_1546 = vector.broadcast %scan3A : f32 to vector<16xf32>
      %sub3A_1547 = arith.subf %sub3A_1546, %sub3A_1491 : vector<16xf32>
      %broadcast_in_dim3A_1548 = vector.broadcast %scan3A_7 : f32 to vector<16xf32>
      %select_n3A_1549 = arith.select %and3A_1539, %sub3A_1547, %broadcast_in_dim3A_1548 : vector<16xi1>, vector<16xf32>
      %broadcast_in_dim3A_1550 = vector.broadcast %scan3A_7 : f32 to vector<16xf32>
      %select_n3A_1551 = arith.select %and3A_1539, %sub3A_1491, %broadcast_in_dim3A_1550 : vector<16xi1>, vector<16xf32>
      %mul3A_1552 = arith.constant 224 : i32
      %mul3A_1553 = vector.broadcast %mul3A_1552 : i32 to vector<16xi32>
      %mul3A_1554 = arith.muli %convert_element_type3A_1498, %mul3A_1553 : vector<16xi32>
      %add3A_1555 = vector.broadcast %mul3A_1343 : i32 to vector<16xi32>
      %add3A_1556 = arith.addi %add3A_1555, %mul3A_1554 : vector<16xi32>
      %mul3A_1557 = arith.constant 224 : i32
      %mul3A_1558 = vector.broadcast %mul3A_1557 : i32 to vector<16xi32>
      %mul3A_1559 = arith.muli %convert_element_type3A_1508, %mul3A_1558 : vector<16xi32>
      %add3A_1560 = vector.broadcast %mul3A_1343 : i32 to vector<16xi32>
      %add3A_1561 = arith.addi %add3A_1560, %mul3A_1559 : vector<16xi32>
      %add3A_1562 = arith.addi %add3A_1556, %convert_element_type3A_1515 : vector<16xi32>
      %swap3A_1563 = arith.constant 1 : i32
      %swap3A_1564 = arith.index_cast %swap3A_1563 : i32 to index
      %swap3A_1565 = arith.constant 0 : index
      %swap3A_1566 = tpu.vector_load %arg6[%swap3A_1564, %swap3A_1565] {strides = array<i32>} : memref<2x112xi32, #tpu.memory_space<vmem>>, vector<16xi32>,
      tpu.vector_store %arg6[%swap3A_1564, %swap3A_1565], %add3A_1562 {strides = array<i32>} : memref<2x112xi32, #tpu.memory_space<vmem>>, vector<16xi32>,
      %add3A_1567 = arith.addi %add3A_1556, %convert_element_type3A_1525 : vector<16xi32>
      %swap3A_1568 = arith.constant 1 : i32
      %swap3A_1569 = arith.index_cast %swap3A_1568 : i32 to index
      %swap3A_1570 = arith.constant 0 : index
      %swap3A_1571 = tpu.vector_load %arg7[%swap3A_1569, %swap3A_1570] {strides = array<i32>} : memref<2x112xi32, #tpu.memory_space<vmem>>, vector<16xi32>,
      tpu.vector_store %arg7[%swap3A_1569, %swap3A_1570], %add3A_1567 {strides = array<i32>} : memref<2x112xi32, #tpu.memory_space<vmem>>, vector<16xi32>,
      %add3A_1572 = arith.addi %add3A_1561, %convert_element_type3A_1515 : vector<16xi32>
      %swap3A_1573 = arith.constant 1 : i32
      %swap3A_1574 = arith.index_cast %swap3A_1573 : i32 to index
      %swap3A_1575 = arith.constant 0 : index
      %swap3A_1576 = tpu.vector_load %arg8[%swap3A_1574, %swap3A_1575] {strides = array<i32>} : memref<2x112xi32, #tpu.memory_space<vmem>>, vector<16xi32>,
      tpu.vector_store %arg8[%swap3A_1574, %swap3A_1575], %add3A_1572 {strides = array<i32>} : memref<2x112xi32, #tpu.memory_space<vmem>>, vector<16xi32>,
      %add3A_1577 = arith.addi %add3A_1561, %convert_element_type3A_1525 : vector<16xi32>
      %swap3A_1578 = arith.constant 1 : i32
      %swap3A_1579 = arith.index_cast %swap3A_1578 : i32 to index
      %swap3A_1580 = arith.constant 0 : index
      %swap3A_1581 = tpu.vector_load %arg9[%swap3A_1579, %swap3A_1580] {strides = array<i32>} : memref<2x112xi32, #tpu.memory_space<vmem>>, vector<16xi32>,
      tpu.vector_store %arg9[%swap3A_1579, %swap3A_1580], %add3A_1577 {strides = array<i32>} : memref<2x112xi32, #tpu.memory_space<vmem>>, vector<16xi32>,
      %mul3A_1582 = arith.mulf %select_n3A_1543, %select_n3A_1549 : vector<16xf32>
      %swap3A_1583 = arith.constant 112 : index
      %swap3A_1584 = tpu.vector_load %arg10[%swap3A_1583] {strides = array<i32>} : memref<224xf32, #tpu.memory_space<vmem>>, vector<16xf32>,
      tpu.vector_store %arg10[%swap3A_1583], %mul3A_1582 {strides = array<i32>} : memref<224xf32, #tpu.memory_space<vmem>>, vector<16xf32>,
      %mul3A_1585 = arith.mulf %select_n3A_1543, %select_n3A_1551 : vector<16xf32>
      %swap3A_1586 = arith.constant 112 : index
      %swap3A_1587 = tpu.vector_load %arg11[%swap3A_1586] {strides = array<i32>} : memref<224xf32, #tpu.memory_space<vmem>>, vector<16xf32>,
      tpu.vector_store %arg11[%swap3A_1586], %mul3A_1585 {strides = array<i32>} : memref<224xf32, #tpu.memory_space<vmem>>, vector<16xf32>,
      %mul3A_1588 = arith.mulf %select_n3A_1545, %select_n3A_1549 : vector<16xf32>
      %swap3A_1589 = arith.constant 112 : index
      %swap3A_1590 = tpu.vector_load %arg12[%swap3A_1589] {strides = array<i32>} : memref<224xf32, #tpu.memory_space<vmem>>, vector<16xf32>,
      tpu.vector_store %arg12[%swap3A_1589], %mul3A_1588 {strides = array<i32>} : memref<224xf32, #tpu.memory_space<vmem>>, vector<16xf32>,
      %mul3A_1591 = arith.mulf %select_n3A_1545, %select_n3A_1551 : vector<16xf32>
      %swap3A_1592 = arith.constant 112 : index
      %swap3A_1593 = tpu.vector_load %arg13[%swap3A_1592] {strides = array<i32>} : memref<224xf32, #tpu.memory_space<vmem>>, vector<16xf32>,
      tpu.vector_store %arg13[%swap3A_1592], %mul3A_1591 {strides = array<i32>} : memref<224xf32, #tpu.memory_space<vmem>>, vector<16xf32>,
      %add3A_1594 = arith.constant 114 : i32
      %add3A_1595 = vector.broadcast %add3A_1594 : i32 to vector<16xi32>
      %add3A_1596 = arith.addi %add3A_1595, %iota3A : vector<16xi32>
      %jit3A_1597 = arith.constant 14 : i32
      %div3A_1598 = vector.broadcast %jit3A_1597 : i32 to vector<16xi32>
      %div3A_1599 = arith.divsi %add3A_1596, %div3A_1598 : vector<16xi32>
      %sign3A_1600 = arith.constant 0 : i32
      %sign3A_1601 = vector.broadcast %sign3A_1600 : i32 to vector<16xi32>
      %sign3A_1602 = arith.cmpi sgt, %add3A_1596, %sign3A_1601 : vector<16xi32>
      %sign3A_1603 = arith.extui %sign3A_1602 : vector<16xi1> to vector<16xi32>
      %sign3A_1604 = arith.constant 0 : i32
      %sign3A_1605 = vector.broadcast %sign3A_1604 : i32 to vector<16xi32>
      %sign3A_1606 = arith.cmpi slt, %add3A_1596, %sign3A_1605 : vector<16xi32>
      %sign3A_1607 = arith.extui %sign3A_1606 : vector<16xi1> to vector<16xi32>
      %sign3A_1608 = arith.subi %sign3A_1603, %sign3A_1607 : vector<16xi32>
      %sign3A_1609 = arith.constant 0 : i32
      %sign3A_1610 = arith.cmpi sgt, %jit3A_1597, %sign3A_1609 : i32
      %sign3A_1611 = arith.extui %sign3A_1610 : i1 to i32
      %sign3A_1612 = arith.constant 0 : i32
      %sign3A_1613 = arith.cmpi slt, %jit3A_1597, %sign3A_1612 : i32
      %sign3A_1614 = arith.extui %sign3A_1613 : i1 to i32
      %sign3A_1615 = arith.subi %sign3A_1611, %sign3A_1614 : i32
      %ne3A_1616 = vector.broadcast %sign3A_1615 : i32 to vector<16xi32>
      %ne3A_1617 = arith.cmpi ne, %sign3A_1608, %ne3A_1616 : vector<16xi32>
      %rem3A_1618 = vector.broadcast %jit3A_1597 : i32 to vector<16xi32>
      %rem3A_1619 = arith.remsi %add3A_1596, %rem3A_1618 : vector<16xi32>
      %ne3A_1620 = arith.constant 0 : i32
      %ne3A_1621 = vector.broadcast %ne3A_1620 : i32 to vector<16xi32>
      %ne3A_1622 = arith.cmpi ne, %rem3A_1619, %ne3A_1621 : vector<16xi32>
      %and3A_1623 = arith.andi %ne3A_1617, %ne3A_1622 : vector<16xi1>
      %sub3A_1624 = arith.constant 1 : i32
      %sub3A_1625 = vector.broadcast %sub3A_1624 : i32 to vector<16xi32>
      %sub3A_1626 = arith.subi %div3A_1599, %sub3A_1625 : vector<16xi32>
      %select_n3A_1627 = arith.select %and3A_1623, %sub3A_1626, %div3A_1599 : vector<16xi1>, vector<16xi32>
      %mul3A_1628 = arith.constant 14 : i32
      %mul3A_1629 = vector.broadcast %mul3A_1628 : i32 to vector<16xi32>
      %mul3A_1630 = arith.muli %select_n3A_1627, %mul3A_1629 : vector<16xi32>
      %sub3A_1631 = arith.subi %add3A_1596, %mul3A_1630 : vector<16xi32>
      %convert_element_type3A_1632 = arith.sitofp %select_n3A_1627 : vector<16xi32> to vector<16xf32>
      %mul3A_1633 = arith.mulf %convert_element_type3A_1632, %div3A_1414 : vector<16xf32>
      %add3A_1634 = arith.addf %mul3A_1424, %mul3A_1633 : vector<16xf32>
      %convert_element_type3A_1635 = arith.sitofp %sub3A_1631 : vector<16xi32> to vector<16xf32>
      %mul3A_1636 = arith.mulf %convert_element_type3A_1635, %div3A_1421 : vector<16xf32>
      %add3A_1637 = arith.addf %mul3A_1427, %mul3A_1636 : vector<16xf32>
      %convert_element_type3A_1638 = arith.fptosi %add3A_1634 : vector<16xf32> to vector<16xi32>
      %convert_element_type3A_1639 = arith.sitofp %convert_element_type3A_1638 : vector<16xi32> to vector<16xf32>
      %lt3A_1640 = arith.cmpf olt, %add3A_1634, %convert_element_type3A_1639 : vector<16xf32>
      %jit3A_1641 = arith.constant 1.000000e+00 : f32
      %jit3A_1642 = arith.constant 0.000000e+00 : f32
      %broadcast_in_dim3A_1643 = vector.broadcast %jit3A_1641 : f32 to vector<16xf32>
      %broadcast_in_dim3A_1644 = vector.broadcast %jit3A_1642 : f32 to vector<16xf32>
      %select_n3A_1645 = arith.select %lt3A_1640, %broadcast_in_dim3A_1643, %broadcast_in_dim3A_1644 : vector<16xi1>, vector<16xf32>
      %sub3A_1646 = arith.subf %convert_element_type3A_1639, %select_n3A_1645 : vector<16xf32>
      %convert_element_type3A_1647 = arith.fptosi %add3A_1637 : vector<16xf32> to vector<16xi32>
      %convert_element_type3A_1648 = arith.sitofp %convert_element_type3A_1647 : vector<16xi32> to vector<16xf32>
      %lt3A_1649 = arith.cmpf olt, %add3A_1637, %convert_element_type3A_1648 : vector<16xf32>
      %jit3A_1650 = arith.constant 1.000000e+00 : f32
      %jit3A_1651 = arith.constant 0.000000e+00 : f32
      %broadcast_in_dim3A_1652 = vector.broadcast %jit3A_1650 : f32 to vector<16xf32>
      %broadcast_in_dim3A_1653 = vector.broadcast %jit3A_1651 : f32 to vector<16xf32>
      %select_n3A_1654 = arith.select %lt3A_1649, %broadcast_in_dim3A_1652, %broadcast_in_dim3A_1653 : vector<16xi1>, vector<16xf32>
      %sub3A_1655 = arith.subf %convert_element_type3A_1648, %select_n3A_1654 : vector<16xf32>
      %sub3A_1656 = arith.subf %add3A_1634, %sub3A_1646 : vector<16xf32>
      %sub3A_1657 = arith.subf %add3A_1637, %sub3A_1655 : vector<16xf32>
      %jit3A_1658 = arith.constant 0.000000e+00 : f32
      %jit3A_1659 = arith.constant 2.230000e+02 : f32
      %max3A_1660 = vector.broadcast %jit3A_1658 : f32 to vector<16xf32>
      %max3A_1661 = arith.maximumf %max3A_1660, %sub3A_1646 : vector<16xf32>
      %min3A_1662 = vector.broadcast %jit3A_1659 : f32 to vector<16xf32>
      %min3A_1663 = arith.minimumf %min3A_1662, %max3A_1661 : vector<16xf32>
      %convert_element_type3A_1664 = arith.fptosi %min3A_1663 : vector<16xf32> to vector<16xi32>
      %add3A_1665 = arith.constant 1.000000e+00 : f32
      %add3A_1666 = vector.broadcast %add3A_1665 : f32 to vector<16xf32>
      %add3A_1667 = arith.addf %sub3A_1646, %add3A_1666 : vector<16xf32>
      %jit3A_1668 = arith.constant 0.000000e+00 : f32
      %jit3A_1669 = arith.constant 2.230000e+02 : f32
      %max3A_1670 = vector.broadcast %jit3A_1668 : f32 to vector<16xf32>
      %max3A_1671 = arith.maximumf %max3A_1670, %add3A_1667 : vector<16xf32>
      %min3A_1672 = vector.broadcast %jit3A_1669 : f32 to vector<16xf32>
      %min3A_1673 = arith.minimumf %min3A_1672, %max3A_1671 : vector<16xf32>
      %convert_element_type3A_1674 = arith.fptosi %min3A_1673 : vector<16xf32> to vector<16xi32>
      %jit3A_1675 = arith.constant 0.000000e+00 : f32
      %jit3A_1676 = arith.constant 2.230000e+02 : f32
      %max3A_1677 = vector.broadcast %jit3A_1675 : f32 to vector<16xf32>
      %max3A_1678 = arith.maximumf %max3A_1677, %sub3A_1655 : vector<16xf32>
      %min3A_1679 = vector.broadcast %jit3A_1676 : f32 to vector<16xf32>
      %min3A_1680 = arith.minimumf %min3A_1679, %max3A_1678 : vector<16xf32>
      %convert_element_type3A_1681 = arith.fptosi %min3A_1680 : vector<16xf32> to vector<16xi32>
      %add3A_1682 = arith.constant 1.000000e+00 : f32
      %add3A_1683 = vector.broadcast %add3A_1682 : f32 to vector<16xf32>
      %add3A_1684 = arith.addf %sub3A_1655, %add3A_1683 : vector<16xf32>
      %jit3A_1685 = arith.constant 0.000000e+00 : f32
      %jit3A_1686 = arith.constant 2.230000e+02 : f32
      %max3A_1687 = vector.broadcast %jit3A_1685 : f32 to vector<16xf32>
      %max3A_1688 = arith.maximumf %max3A_1687, %add3A_1684 : vector<16xf32>
      %min3A_1689 = vector.broadcast %jit3A_1686 : f32 to vector<16xf32>
      %min3A_1690 = arith.minimumf %min3A_1689, %max3A_1688 : vector<16xf32>
      %convert_element_type3A_1691 = arith.fptosi %min3A_1690 : vector<16xf32> to vector<16xi32>
      %ge3A_1692 = arith.constant 0.000000e+00 : f32
      %ge3A_1693 = vector.broadcast %ge3A_1692 : f32 to vector<16xf32>
      %ge3A_1694 = arith.cmpf oge, %add3A_1634, %ge3A_1693 : vector<16xf32>
      %le3A_1695 = arith.constant 2.230000e+02 : f32
      %le3A_1696 = vector.broadcast %le3A_1695 : f32 to vector<16xf32>
      %le3A_1697 = arith.cmpf ole, %add3A_1634, %le3A_1696 : vector<16xf32>
      %and3A_1698 = arith.andi %ge3A_1694, %le3A_1697 : vector<16xi1>
      %ge3A_1699 = arith.constant 0.000000e+00 : f32
      %ge3A_1700 = vector.broadcast %ge3A_1699 : f32 to vector<16xf32>
      %ge3A_1701 = arith.cmpf oge, %add3A_1637, %ge3A_1700 : vector<16xf32>
      %le3A_1702 = arith.constant 2.230000e+02 : f32
      %le3A_1703 = vector.broadcast %le3A_1702 : f32 to vector<16xf32>
      %le3A_1704 = arith.cmpf ole, %add3A_1637, %le3A_1703 : vector<16xf32>
      %and3A_1705 = arith.andi %ge3A_1701, %le3A_1704 : vector<16xi1>
      %sub3A_1706 = vector.broadcast %scan3A : f32 to vector<16xf32>
      %sub3A_1707 = arith.subf %sub3A_1706, %sub3A_1656 : vector<16xf32>
      %broadcast_in_dim3A_1708 = vector.broadcast %scan3A_7 : f32 to vector<16xf32>
      %select_n3A_1709 = arith.select %and3A_1698, %sub3A_1707, %broadcast_in_dim3A_1708 : vector<16xi1>, vector<16xf32>
      %broadcast_in_dim3A_1710 = vector.broadcast %scan3A_7 : f32 to vector<16xf32>
      %select_n3A_1711 = arith.select %and3A_1698, %sub3A_1656, %broadcast_in_dim3A_1710 : vector<16xi1>, vector<16xf32>
      %sub3A_1712 = vector.broadcast %scan3A : f32 to vector<16xf32>
      %sub3A_1713 = arith.subf %sub3A_1712, %sub3A_1657 : vector<16xf32>
      %broadcast_in_dim3A_1714 = vector.broadcast %scan3A_7 : f32 to vector<16xf32>
      %select_n3A_1715 = arith.select %and3A_1705, %sub3A_1713, %broadcast_in_dim3A_1714 : vector<16xi1>, vector<16xf32>
      %broadcast_in_dim3A_1716 = vector.broadcast %scan3A_7 : f32 to vector<16xf32>
      %select_n3A_1717 = arith.select %and3A_1705, %sub3A_1657, %broadcast_in_dim3A_1716 : vector<16xi1>, vector<16xf32>
      %mul3A_1718 = arith.constant 224 : i32
      %mul3A_1719 = vector.broadcast %mul3A_1718 : i32 to vector<16xi32>
      %mul3A_1720 = arith.muli %convert_element_type3A_1664, %mul3A_1719 : vector<16xi32>
      %add3A_1721 = vector.broadcast %mul3A_1343 : i32 to vector<16xi32>
      %add3A_1722 = arith.addi %add3A_1721, %mul3A_1720 : vector<16xi32>
      %mul3A_1723 = arith.constant 224 : i32
      %mul3A_1724 = vector.broadcast %mul3A_1723 : i32 to vector<16xi32>
      %mul3A_1725 = arith.muli %convert_element_type3A_1674, %mul3A_1724 : vector<16xi32>
      %add3A_1726 = vector.broadcast %mul3A_1343 : i32 to vector<16xi32>
      %add3A_1727 = arith.addi %add3A_1726, %mul3A_1725 : vector<16xi32>
      %add3A_1728 = arith.addi %add3A_1722, %convert_element_type3A_1681 : vector<16xi32>
      %swap3A_1729 = arith.constant 1 : i32
      %swap3A_1730 = arith.index_cast %swap3A_1729 : i32 to index
      %swap3A_1731 = arith.constant 16 : index
      %swap3A_1732 = tpu.vector_load %arg6[%swap3A_1730, %swap3A_1731] {strides = array<i32>} : memref<2x112xi32, #tpu.memory_space<vmem>>, vector<16xi32>,
      tpu.vector_store %arg6[%swap3A_1730, %swap3A_1731], %add3A_1728 {strides = array<i32>} : memref<2x112xi32, #tpu.memory_space<vmem>>, vector<16xi32>,
      %add3A_1733 = arith.addi %add3A_1722, %convert_element_type3A_1691 : vector<16xi32>
      %swap3A_1734 = arith.constant 1 : i32
      %swap3A_1735 = arith.index_cast %swap3A_1734 : i32 to index
      %swap3A_1736 = arith.constant 16 : index
      %swap3A_1737 = tpu.vector_load %arg7[%swap3A_1735, %swap3A_1736] {strides = array<i32>} : memref<2x112xi32, #tpu.memory_space<vmem>>, vector<16xi32>,
      tpu.vector_store %arg7[%swap3A_1735, %swap3A_1736], %add3A_1733 {strides = array<i32>} : memref<2x112xi32, #tpu.memory_space<vmem>>, vector<16xi32>,
      %add3A_1738 = arith.addi %add3A_1727, %convert_element_type3A_1681 : vector<16xi32>
      %swap3A_1739 = arith.constant 1 : i32
      %swap3A_1740 = arith.index_cast %swap3A_1739 : i32 to index
      %swap3A_1741 = arith.constant 16 : index
      %swap3A_1742 = tpu.vector_load %arg8[%swap3A_1740, %swap3A_1741] {strides = array<i32>} : memref<2x112xi32, #tpu.memory_space<vmem>>, vector<16xi32>,
      tpu.vector_store %arg8[%swap3A_1740, %swap3A_1741], %add3A_1738 {strides = array<i32>} : memref<2x112xi32, #tpu.memory_space<vmem>>, vector<16xi32>,
      %add3A_1743 = arith.addi %add3A_1727, %convert_element_type3A_1691 : vector<16xi32>
      %swap3A_1744 = arith.constant 1 : i32
      %swap3A_1745 = arith.index_cast %swap3A_1744 : i32 to index
      %swap3A_1746 = arith.constant 16 : index
      %swap3A_1747 = tpu.vector_load %arg9[%swap3A_1745, %swap3A_1746] {strides = array<i32>} : memref<2x112xi32, #tpu.memory_space<vmem>>, vector<16xi32>,
      tpu.vector_store %arg9[%swap3A_1745, %swap3A_1746], %add3A_1743 {strides = array<i32>} : memref<2x112xi32, #tpu.memory_space<vmem>>, vector<16xi32>,
      %mul3A_1748 = arith.mulf %select_n3A_1709, %select_n3A_1715 : vector<16xf32>
      %swap3A_1749 = arith.constant 128 : index
      %swap3A_1750 = tpu.vector_load %arg10[%swap3A_1749] {strides = array<i32>} : memref<224xf32, #tpu.memory_space<vmem>>, vector<16xf32>,
      tpu.vector_store %arg10[%swap3A_1749], %mul3A_1748 {strides = array<i32>} : memref<224xf32, #tpu.memory_space<vmem>>, vector<16xf32>,
      %mul3A_1751 = arith.mulf %select_n3A_1709, %select_n3A_1717 : vector<16xf32>
      %swap3A_1752 = arith.constant 128 : index
      %swap3A_1753 = tpu.vector_load %arg11[%swap3A_1752] {strides = array<i32>} : memref<224xf32, #tpu.memory_space<vmem>>, vector<16xf32>,
      tpu.vector_store %arg11[%swap3A_1752], %mul3A_1751 {strides = array<i32>} : memref<224xf32, #tpu.memory_space<vmem>>, vector<16xf32>,
      %mul3A_1754 = arith.mulf %select_n3A_1711, %select_n3A_1715 : vector<16xf32>
      %swap3A_1755 = arith.constant 128 : index
      %swap3A_1756 = tpu.vector_load %arg12[%swap3A_1755] {strides = array<i32>} : memref<224xf32, #tpu.memory_space<vmem>>, vector<16xf32>,
      tpu.vector_store %arg12[%swap3A_1755], %mul3A_1754 {strides = array<i32>} : memref<224xf32, #tpu.memory_space<vmem>>, vector<16xf32>,
      %mul3A_1757 = arith.mulf %select_n3A_1711, %select_n3A_1717 : vector<16xf32>
      %swap3A_1758 = arith.constant 128 : index
      %swap3A_1759 = tpu.vector_load %arg13[%swap3A_1758] {strides = array<i32>} : memref<224xf32, #tpu.memory_space<vmem>>, vector<16xf32>,
      tpu.vector_store %arg13[%swap3A_1758], %mul3A_1757 {strides = array<i32>} : memref<224xf32, #tpu.memory_space<vmem>>, vector<16xf32>,
      %add3A_1760 = arith.constant 130 : i32
      %add3A_1761 = vector.broadcast %add3A_1760 : i32 to vector<16xi32>
      %add3A_1762 = arith.addi %add3A_1761, %iota3A : vector<16xi32>
      %jit3A_1763 = arith.constant 14 : i32
      %div3A_1764 = vector.broadcast %jit3A_1763 : i32 to vector<16xi32>
      %div3A_1765 = arith.divsi %add3A_1762, %div3A_1764 : vector<16xi32>
      %sign3A_1766 = arith.constant 0 : i32
      %sign3A_1767 = vector.broadcast %sign3A_1766 : i32 to vector<16xi32>
      %sign3A_1768 = arith.cmpi sgt, %add3A_1762, %sign3A_1767 : vector<16xi32>
      %sign3A_1769 = arith.extui %sign3A_1768 : vector<16xi1> to vector<16xi32>
      %sign3A_1770 = arith.constant 0 : i32
      %sign3A_1771 = vector.broadcast %sign3A_1770 : i32 to vector<16xi32>
      %sign3A_1772 = arith.cmpi slt, %add3A_1762, %sign3A_1771 : vector<16xi32>
      %sign3A_1773 = arith.extui %sign3A_1772 : vector<16xi1> to vector<16xi32>
      %sign3A_1774 = arith.subi %sign3A_1769, %sign3A_1773 : vector<16xi32>
      %sign3A_1775 = arith.constant 0 : i32
      %sign3A_1776 = arith.cmpi sgt, %jit3A_1763, %sign3A_1775 : i32
      %sign3A_1777 = arith.extui %sign3A_1776 : i1 to i32
      %sign3A_1778 = arith.constant 0 : i32
      %sign3A_1779 = arith.cmpi slt, %jit3A_1763, %sign3A_1778 : i32
      %sign3A_1780 = arith.extui %sign3A_1779 : i1 to i32
      %sign3A_1781 = arith.subi %sign3A_1777, %sign3A_1780 : i32
      %ne3A_1782 = vector.broadcast %sign3A_1781 : i32 to vector<16xi32>
      %ne3A_1783 = arith.cmpi ne, %sign3A_1774, %ne3A_1782 : vector<16xi32>
      %rem3A_1784 = vector.broadcast %jit3A_1763 : i32 to vector<16xi32>
      %rem3A_1785 = arith.remsi %add3A_1762, %rem3A_1784 : vector<16xi32>
      %ne3A_1786 = arith.constant 0 : i32
      %ne3A_1787 = vector.broadcast %ne3A_1786 : i32 to vector<16xi32>
      %ne3A_1788 = arith.cmpi ne, %rem3A_1785, %ne3A_1787 : vector<16xi32>
      %and3A_1789 = arith.andi %ne3A_1783, %ne3A_1788 : vector<16xi1>
      %sub3A_1790 = arith.constant 1 : i32
      %sub3A_1791 = vector.broadcast %sub3A_1790 : i32 to vector<16xi32>
      %sub3A_1792 = arith.subi %div3A_1765, %sub3A_1791 : vector<16xi32>
      %select_n3A_1793 = arith.select %and3A_1789, %sub3A_1792, %div3A_1765 : vector<16xi1>, vector<16xi32>
      %mul3A_1794 = arith.constant 14 : i32
      %mul3A_1795 = vector.broadcast %mul3A_1794 : i32 to vector<16xi32>
      %mul3A_1796 = arith.muli %select_n3A_1793, %mul3A_1795 : vector<16xi32>
      %sub3A_1797 = arith.subi %add3A_1762, %mul3A_1796 : vector<16xi32>
      %convert_element_type3A_1798 = arith.sitofp %select_n3A_1793 : vector<16xi32> to vector<16xf32>
      %mul3A_1799 = arith.mulf %convert_element_type3A_1798, %div3A_1414 : vector<16xf32>
      %add3A_1800 = arith.addf %mul3A_1424, %mul3A_1799 : vector<16xf32>
      %convert_element_type3A_1801 = arith.sitofp %sub3A_1797 : vector<16xi32> to vector<16xf32>
      %mul3A_1802 = arith.mulf %convert_element_type3A_1801, %div3A_1421 : vector<16xf32>
      %add3A_1803 = arith.addf %mul3A_1427, %mul3A_1802 : vector<16xf32>
      %convert_element_type3A_1804 = arith.fptosi %add3A_1800 : vector<16xf32> to vector<16xi32>
      %convert_element_type3A_1805 = arith.sitofp %convert_element_type3A_1804 : vector<16xi32> to vector<16xf32>
      %lt3A_1806 = arith.cmpf olt, %add3A_1800, %convert_element_type3A_1805 : vector<16xf32>
      %jit3A_1807 = arith.constant 1.000000e+00 : f32
      %jit3A_1808 = arith.constant 0.000000e+00 : f32
      %broadcast_in_dim3A_1809 = vector.broadcast %jit3A_1807 : f32 to vector<16xf32>
      %broadcast_in_dim3A_1810 = vector.broadcast %jit3A_1808 : f32 to vector<16xf32>
      %select_n3A_1811 = arith.select %lt3A_1806, %broadcast_in_dim3A_1809, %broadcast_in_dim3A_1810 : vector<16xi1>, vector<16xf32>
      %sub3A_1812 = arith.subf %convert_element_type3A_1805, %select_n3A_1811 : vector<16xf32>
      %convert_element_type3A_1813 = arith.fptosi %add3A_1803 : vector<16xf32> to vector<16xi32>
      %convert_element_type3A_1814 = arith.sitofp %convert_element_type3A_1813 : vector<16xi32> to vector<16xf32>
      %lt3A_1815 = arith.cmpf olt, %add3A_1803, %convert_element_type3A_1814 : vector<16xf32>
      %jit3A_1816 = arith.constant 1.000000e+00 : f32
      %jit3A_1817 = arith.constant 0.000000e+00 : f32
      %broadcast_in_dim3A_1818 = vector.broadcast %jit3A_1816 : f32 to vector<16xf32>
      %broadcast_in_dim3A_1819 = vector.broadcast %jit3A_1817 : f32 to vector<16xf32>
      %select_n3A_1820 = arith.select %lt3A_1815, %broadcast_in_dim3A_1818, %broadcast_in_dim3A_1819 : vector<16xi1>, vector<16xf32>
      %sub3A_1821 = arith.subf %convert_element_type3A_1814, %select_n3A_1820 : vector<16xf32>
      %sub3A_1822 = arith.subf %add3A_1800, %sub3A_1812 : vector<16xf32>
      %sub3A_1823 = arith.subf %add3A_1803, %sub3A_1821 : vector<16xf32>
      %jit3A_1824 = arith.constant 0.000000e+00 : f32
      %jit3A_1825 = arith.constant 2.230000e+02 : f32
      %max3A_1826 = vector.broadcast %jit3A_1824 : f32 to vector<16xf32>
      %max3A_1827 = arith.maximumf %max3A_1826, %sub3A_1812 : vector<16xf32>
      %min3A_1828 = vector.broadcast %jit3A_1825 : f32 to vector<16xf32>
      %min3A_1829 = arith.minimumf %min3A_1828, %max3A_1827 : vector<16xf32>
      %convert_element_type3A_1830 = arith.fptosi %min3A_1829 : vector<16xf32> to vector<16xi32>
      %add3A_1831 = arith.constant 1.000000e+00 : f32
      %add3A_1832 = vector.broadcast %add3A_1831 : f32 to vector<16xf32>
      %add3A_1833 = arith.addf %sub3A_1812, %add3A_1832 : vector<16xf32>
      %jit3A_1834 = arith.constant 0.000000e+00 : f32
      %jit3A_1835 = arith.constant 2.230000e+02 : f32
      %max3A_1836 = vector.broadcast %jit3A_1834 : f32 to vector<16xf32>
      %max3A_1837 = arith.maximumf %max3A_1836, %add3A_1833 : vector<16xf32>
      %min3A_1838 = vector.broadcast %jit3A_1835 : f32 to vector<16xf32>
      %min3A_1839 = arith.minimumf %min3A_1838, %max3A_1837 : vector<16xf32>
      %convert_element_type3A_1840 = arith.fptosi %min3A_1839 : vector<16xf32> to vector<16xi32>
      %jit3A_1841 = arith.constant 0.000000e+00 : f32
      %jit3A_1842 = arith.constant 2.230000e+02 : f32
      %max3A_1843 = vector.broadcast %jit3A_1841 : f32 to vector<16xf32>
      %max3A_1844 = arith.maximumf %max3A_1843, %sub3A_1821 : vector<16xf32>
      %min3A_1845 = vector.broadcast %jit3A_1842 : f32 to vector<16xf32>
      %min3A_1846 = arith.minimumf %min3A_1845, %max3A_1844 : vector<16xf32>
      %convert_element_type3A_1847 = arith.fptosi %min3A_1846 : vector<16xf32> to vector<16xi32>
      %add3A_1848 = arith.constant 1.000000e+00 : f32
      %add3A_1849 = vector.broadcast %add3A_1848 : f32 to vector<16xf32>
      %add3A_1850 = arith.addf %sub3A_1821, %add3A_1849 : vector<16xf32>
      %jit3A_1851 = arith.constant 0.000000e+00 : f32
      %jit3A_1852 = arith.constant 2.230000e+02 : f32
      %max3A_1853 = vector.broadcast %jit3A_1851 : f32 to vector<16xf32>
      %max3A_1854 = arith.maximumf %max3A_1853, %add3A_1850 : vector<16xf32>
      %min3A_1855 = vector.broadcast %jit3A_1852 : f32 to vector<16xf32>
      %min3A_1856 = arith.minimumf %min3A_1855, %max3A_1854 : vector<16xf32>
      %convert_element_type3A_1857 = arith.fptosi %min3A_1856 : vector<16xf32> to vector<16xi32>
      %ge3A_1858 = arith.constant 0.000000e+00 : f32
      %ge3A_1859 = vector.broadcast %ge3A_1858 : f32 to vector<16xf32>
      %ge3A_1860 = arith.cmpf oge, %add3A_1800, %ge3A_1859 : vector<16xf32>
      %le3A_1861 = arith.constant 2.230000e+02 : f32
      %le3A_1862 = vector.broadcast %le3A_1861 : f32 to vector<16xf32>
      %le3A_1863 = arith.cmpf ole, %add3A_1800, %le3A_1862 : vector<16xf32>
      %and3A_1864 = arith.andi %ge3A_1860, %le3A_1863 : vector<16xi1>
      %ge3A_1865 = arith.constant 0.000000e+00 : f32
      %ge3A_1866 = vector.broadcast %ge3A_1865 : f32 to vector<16xf32>
      %ge3A_1867 = arith.cmpf oge, %add3A_1803, %ge3A_1866 : vector<16xf32>
      %le3A_1868 = arith.constant 2.230000e+02 : f32
      %le3A_1869 = vector.broadcast %le3A_1868 : f32 to vector<16xf32>
      %le3A_1870 = arith.cmpf ole, %add3A_1803, %le3A_1869 : vector<16xf32>
      %and3A_1871 = arith.andi %ge3A_1867, %le3A_1870 : vector<16xi1>
      %sub3A_1872 = vector.broadcast %scan3A : f32 to vector<16xf32>
      %sub3A_1873 = arith.subf %sub3A_1872, %sub3A_1822 : vector<16xf32>
      %broadcast_in_dim3A_1874 = vector.broadcast %scan3A_7 : f32 to vector<16xf32>
      %select_n3A_1875 = arith.select %and3A_1864, %sub3A_1873, %broadcast_in_dim3A_1874 : vector<16xi1>, vector<16xf32>
      %broadcast_in_dim3A_1876 = vector.broadcast %scan3A_7 : f32 to vector<16xf32>
      %select_n3A_1877 = arith.select %and3A_1864, %sub3A_1822, %broadcast_in_dim3A_1876 : vector<16xi1>, vector<16xf32>
      %sub3A_1878 = vector.broadcast %scan3A : f32 to vector<16xf32>
      %sub3A_1879 = arith.subf %sub3A_1878, %sub3A_1823 : vector<16xf32>
      %broadcast_in_dim3A_1880 = vector.broadcast %scan3A_7 : f32 to vector<16xf32>
      %select_n3A_1881 = arith.select %and3A_1871, %sub3A_1879, %broadcast_in_dim3A_1880 : vector<16xi1>, vector<16xf32>
      %broadcast_in_dim3A_1882 = vector.broadcast %scan3A_7 : f32 to vector<16xf32>
      %select_n3A_1883 = arith.select %and3A_1871, %sub3A_1823, %broadcast_in_dim3A_1882 : vector<16xi1>, vector<16xf32>
      %mul3A_1884 = arith.constant 224 : i32
      %mul3A_1885 = vector.broadcast %mul3A_1884 : i32 to vector<16xi32>
      %mul3A_1886 = arith.muli %convert_element_type3A_1830, %mul3A_1885 : vector<16xi32>
      %add3A_1887 = vector.broadcast %mul3A_1343 : i32 to vector<16xi32>
      %add3A_1888 = arith.addi %add3A_1887, %mul3A_1886 : vector<16xi32>
      %mul3A_1889 = arith.constant 224 : i32
      %mul3A_1890 = vector.broadcast %mul3A_1889 : i32 to vector<16xi32>
      %mul3A_1891 = arith.muli %convert_element_type3A_1840, %mul3A_1890 : vector<16xi32>
      %add3A_1892 = vector.broadcast %mul3A_1343 : i32 to vector<16xi32>
      %add3A_1893 = arith.addi %add3A_1892, %mul3A_1891 : vector<16xi32>
      %add3A_1894 = arith.addi %add3A_1888, %convert_element_type3A_1847 : vector<16xi32>
      %swap3A_1895 = arith.constant 1 : i32
      %swap3A_1896 = arith.index_cast %swap3A_1895 : i32 to index
      %swap3A_1897 = arith.constant 32 : index
      %swap3A_1898 = tpu.vector_load %arg6[%swap3A_1896, %swap3A_1897] {strides = array<i32>} : memref<2x112xi32, #tpu.memory_space<vmem>>, vector<16xi32>,
      tpu.vector_store %arg6[%swap3A_1896, %swap3A_1897], %add3A_1894 {strides = array<i32>} : memref<2x112xi32, #tpu.memory_space<vmem>>, vector<16xi32>,
      %add3A_1899 = arith.addi %add3A_1888, %convert_element_type3A_1857 : vector<16xi32>
      %swap3A_1900 = arith.constant 1 : i32
      %swap3A_1901 = arith.index_cast %swap3A_1900 : i32 to index
      %swap3A_1902 = arith.constant 32 : index
      %swap3A_1903 = tpu.vector_load %arg7[%swap3A_1901, %swap3A_1902] {strides = array<i32>} : memref<2x112xi32, #tpu.memory_space<vmem>>, vector<16xi32>,
      tpu.vector_store %arg7[%swap3A_1901, %swap3A_1902], %add3A_1899 {strides = array<i32>} : memref<2x112xi32, #tpu.memory_space<vmem>>, vector<16xi32>,
      %add3A_1904 = arith.addi %add3A_1893, %convert_element_type3A_1847 : vector<16xi32>
      %swap3A_1905 = arith.constant 1 : i32
      %swap3A_1906 = arith.index_cast %swap3A_1905 : i32 to index
      %swap3A_1907 = arith.constant 32 : index
      %swap3A_1908 = tpu.vector_load %arg8[%swap3A_1906, %swap3A_1907] {strides = array<i32>} : memref<2x112xi32, #tpu.memory_space<vmem>>, vector<16xi32>,
      tpu.vector_store %arg8[%swap3A_1906, %swap3A_1907], %add3A_1904 {strides = array<i32>} : memref<2x112xi32, #tpu.memory_space<vmem>>, vector<16xi32>,
      %add3A_1909 = arith.addi %add3A_1893, %convert_element_type3A_1857 : vector<16xi32>
      %swap3A_1910 = arith.constant 1 : i32
      %swap3A_1911 = arith.index_cast %swap3A_1910 : i32 to index
      %swap3A_1912 = arith.constant 32 : index
      %swap3A_1913 = tpu.vector_load %arg9[%swap3A_1911, %swap3A_1912] {strides = array<i32>} : memref<2x112xi32, #tpu.memory_space<vmem>>, vector<16xi32>,
      tpu.vector_store %arg9[%swap3A_1911, %swap3A_1912], %add3A_1909 {strides = array<i32>} : memref<2x112xi32, #tpu.memory_space<vmem>>, vector<16xi32>,
      %mul3A_1914 = arith.mulf %select_n3A_1875, %select_n3A_1881 : vector<16xf32>
      %swap3A_1915 = arith.constant 144 : index
      %swap3A_1916 = tpu.vector_load %arg10[%swap3A_1915] {strides = array<i32>} : memref<224xf32, #tpu.memory_space<vmem>>, vector<16xf32>,
      tpu.vector_store %arg10[%swap3A_1915], %mul3A_1914 {strides = array<i32>} : memref<224xf32, #tpu.memory_space<vmem>>, vector<16xf32>,
      %mul3A_1917 = arith.mulf %select_n3A_1875, %select_n3A_1883 : vector<16xf32>
      %swap3A_1918 = arith.constant 144 : index
      %swap3A_1919 = tpu.vector_load %arg11[%swap3A_1918] {strides = array<i32>} : memref<224xf32, #tpu.memory_space<vmem>>, vector<16xf32>,
      tpu.vector_store %arg11[%swap3A_1918], %mul3A_1917 {strides = array<i32>} : memref<224xf32, #tpu.memory_space<vmem>>, vector<16xf32>,
      %mul3A_1920 = arith.mulf %select_n3A_1877, %select_n3A_1881 : vector<16xf32>
      %swap3A_1921 = arith.constant 144 : index
      %swap3A_1922 = tpu.vector_load %arg12[%swap3A_1921] {strides = array<i32>} : memref<224xf32, #tpu.memory_space<vmem>>, vector<16xf32>,
      tpu.vector_store %arg12[%swap3A_1921], %mul3A_1920 {strides = array<i32>} : memref<224xf32, #tpu.memory_space<vmem>>, vector<16xf32>,
      %mul3A_1923 = arith.mulf %select_n3A_1877, %select_n3A_1883 : vector<16xf32>
      %swap3A_1924 = arith.constant 144 : index
      %swap3A_1925 = tpu.vector_load %arg13[%swap3A_1924] {strides = array<i32>} : memref<224xf32, #tpu.memory_space<vmem>>, vector<16xf32>,
      tpu.vector_store %arg13[%swap3A_1924], %mul3A_1923 {strides = array<i32>} : memref<224xf32, #tpu.memory_space<vmem>>, vector<16xf32>,
      %add3A_1926 = arith.constant 146 : i32
      %add3A_1927 = vector.broadcast %add3A_1926 : i32 to vector<16xi32>
      %add3A_1928 = arith.addi %add3A_1927, %iota3A : vector<16xi32>
      %jit3A_1929 = arith.constant 14 : i32
      %div3A_1930 = vector.broadcast %jit3A_1929 : i32 to vector<16xi32>
      %div3A_1931 = arith.divsi %add3A_1928, %div3A_1930 : vector<16xi32>
      %sign3A_1932 = arith.constant 0 : i32
      %sign3A_1933 = vector.broadcast %sign3A_1932 : i32 to vector<16xi32>
      %sign3A_1934 = arith.cmpi sgt, %add3A_1928, %sign3A_1933 : vector<16xi32>
      %sign3A_1935 = arith.extui %sign3A_1934 : vector<16xi1> to vector<16xi32>
      %sign3A_1936 = arith.constant 0 : i32
      %sign3A_1937 = vector.broadcast %sign3A_1936 : i32 to vector<16xi32>
      %sign3A_1938 = arith.cmpi slt, %add3A_1928, %sign3A_1937 : vector<16xi32>
      %sign3A_1939 = arith.extui %sign3A_1938 : vector<16xi1> to vector<16xi32>
      %sign3A_1940 = arith.subi %sign3A_1935, %sign3A_1939 : vector<16xi32>
      %sign3A_1941 = arith.constant 0 : i32
      %sign3A_1942 = arith.cmpi sgt, %jit3A_1929, %sign3A_1941 : i32
      %sign3A_1943 = arith.extui %sign3A_1942 : i1 to i32
      %sign3A_1944 = arith.constant 0 : i32
      %sign3A_1945 = arith.cmpi slt, %jit3A_1929, %sign3A_1944 : i32
      %sign3A_1946 = arith.extui %sign3A_1945 : i1 to i32
      %sign3A_1947 = arith.subi %sign3A_1943, %sign3A_1946 : i32
      %ne3A_1948 = vector.broadcast %sign3A_1947 : i32 to vector<16xi32>
      %ne3A_1949 = arith.cmpi ne, %sign3A_1940, %ne3A_1948 : vector<16xi32>
      %rem3A_1950 = vector.broadcast %jit3A_1929 : i32 to vector<16xi32>
      %rem3A_1951 = arith.remsi %add3A_1928, %rem3A_1950 : vector<16xi32>
      %ne3A_1952 = arith.constant 0 : i32
      %ne3A_1953 = vector.broadcast %ne3A_1952 : i32 to vector<16xi32>
      %ne3A_1954 = arith.cmpi ne, %rem3A_1951, %ne3A_1953 : vector<16xi32>
      %and3A_1955 = arith.andi %ne3A_1949, %ne3A_1954 : vector<16xi1>
      %sub3A_1956 = arith.constant 1 : i32
      %sub3A_1957 = vector.broadcast %sub3A_1956 : i32 to vector<16xi32>
      %sub3A_1958 = arith.subi %div3A_1931, %sub3A_1957 : vector<16xi32>
      %select_n3A_1959 = arith.select %and3A_1955, %sub3A_1958, %div3A_1931 : vector<16xi1>, vector<16xi32>
      %mul3A_1960 = arith.constant 14 : i32
      %mul3A_1961 = vector.broadcast %mul3A_1960 : i32 to vector<16xi32>
      %mul3A_1962 = arith.muli %select_n3A_1959, %mul3A_1961 : vector<16xi32>
      %sub3A_1963 = arith.subi %add3A_1928, %mul3A_1962 : vector<16xi32>
      %convert_element_type3A_1964 = arith.sitofp %select_n3A_1959 : vector<16xi32> to vector<16xf32>
      %mul3A_1965 = arith.mulf %convert_element_type3A_1964, %div3A_1414 : vector<16xf32>
      %add3A_1966 = arith.addf %mul3A_1424, %mul3A_1965 : vector<16xf32>
      %convert_element_type3A_1967 = arith.sitofp %sub3A_1963 : vector<16xi32> to vector<16xf32>
      %mul3A_1968 = arith.mulf %convert_element_type3A_1967, %div3A_1421 : vector<16xf32>
      %add3A_1969 = arith.addf %mul3A_1427, %mul3A_1968 : vector<16xf32>
      %convert_element_type3A_1970 = arith.fptosi %add3A_1966 : vector<16xf32> to vector<16xi32>
      %convert_element_type3A_1971 = arith.sitofp %convert_element_type3A_1970 : vector<16xi32> to vector<16xf32>
      %lt3A_1972 = arith.cmpf olt, %add3A_1966, %convert_element_type3A_1971 : vector<16xf32>
      %jit3A_1973 = arith.constant 1.000000e+00 : f32
      %jit3A_1974 = arith.constant 0.000000e+00 : f32
      %broadcast_in_dim3A_1975 = vector.broadcast %jit3A_1973 : f32 to vector<16xf32>
      %broadcast_in_dim3A_1976 = vector.broadcast %jit3A_1974 : f32 to vector<16xf32>
      %select_n3A_1977 = arith.select %lt3A_1972, %broadcast_in_dim3A_1975, %broadcast_in_dim3A_1976 : vector<16xi1>, vector<16xf32>
      %sub3A_1978 = arith.subf %convert_element_type3A_1971, %select_n3A_1977 : vector<16xf32>
      %convert_element_type3A_1979 = arith.fptosi %add3A_1969 : vector<16xf32> to vector<16xi32>
      %convert_element_type3A_1980 = arith.sitofp %convert_element_type3A_1979 : vector<16xi32> to vector<16xf32>
      %lt3A_1981 = arith.cmpf olt, %add3A_1969, %convert_element_type3A_1980 : vector<16xf32>
      %jit3A_1982 = arith.constant 1.000000e+00 : f32
      %jit3A_1983 = arith.constant 0.000000e+00 : f32
      %broadcast_in_dim3A_1984 = vector.broadcast %jit3A_1982 : f32 to vector<16xf32>
      %broadcast_in_dim3A_1985 = vector.broadcast %jit3A_1983 : f32 to vector<16xf32>
      %select_n3A_1986 = arith.select %lt3A_1981, %broadcast_in_dim3A_1984, %broadcast_in_dim3A_1985 : vector<16xi1>, vector<16xf32>
      %sub3A_1987 = arith.subf %convert_element_type3A_1980, %select_n3A_1986 : vector<16xf32>
      %sub3A_1988 = arith.subf %add3A_1966, %sub3A_1978 : vector<16xf32>
      %sub3A_1989 = arith.subf %add3A_1969, %sub3A_1987 : vector<16xf32>
      %jit3A_1990 = arith.constant 0.000000e+00 : f32
      %jit3A_1991 = arith.constant 2.230000e+02 : f32
      %max3A_1992 = vector.broadcast %jit3A_1990 : f32 to vector<16xf32>
      %max3A_1993 = arith.maximumf %max3A_1992, %sub3A_1978 : vector<16xf32>
      %min3A_1994 = vector.broadcast %jit3A_1991 : f32 to vector<16xf32>
      %min3A_1995 = arith.minimumf %min3A_1994, %max3A_1993 : vector<16xf32>
      %convert_element_type3A_1996 = arith.fptosi %min3A_1995 : vector<16xf32> to vector<16xi32>
      %add3A_1997 = arith.constant 1.000000e+00 : f32
      %add3A_1998 = vector.broadcast %add3A_1997 : f32 to vector<16xf32>
      %add3A_1999 = arith.addf %sub3A_1978, %add3A_1998 : vector<16xf32>
      %jit3A_2000 = arith.constant 0.000000e+00 : f32
      %jit3A_2001 = arith.constant 2.230000e+02 : f32
      %max3A_2002 = vector.broadcast %jit3A_2000 : f32 to vector<16xf32>
      %max3A_2003 = arith.maximumf %max3A_2002, %add3A_1999 : vector<16xf32>
      %min3A_2004 = vector.broadcast %jit3A_2001 : f32 to vector<16xf32>
      %min3A_2005 = arith.minimumf %min3A_2004, %max3A_2003 : vector<16xf32>
      %convert_element_type3A_2006 = arith.fptosi %min3A_2005 : vector<16xf32> to vector<16xi32>
      %jit3A_2007 = arith.constant 0.000000e+00 : f32
      %jit3A_2008 = arith.constant 2.230000e+02 : f32
      %max3A_2009 = vector.broadcast %jit3A_2007 : f32 to vector<16xf32>
      %max3A_2010 = arith.maximumf %max3A_2009, %sub3A_1987 : vector<16xf32>
      %min3A_2011 = vector.broadcast %jit3A_2008 : f32 to vector<16xf32>
      %min3A_2012 = arith.minimumf %min3A_2011, %max3A_2010 : vector<16xf32>
      %convert_element_type3A_2013 = arith.fptosi %min3A_2012 : vector<16xf32> to vector<16xi32>
      %add3A_2014 = arith.constant 1.000000e+00 : f32
      %add3A_2015 = vector.broadcast %add3A_2014 : f32 to vector<16xf32>
      %add3A_2016 = arith.addf %sub3A_1987, %add3A_2015 : vector<16xf32>
      %jit3A_2017 = arith.constant 0.000000e+00 : f32
      %jit3A_2018 = arith.constant 2.230000e+02 : f32
      %max3A_2019 = vector.broadcast %jit3A_2017 : f32 to vector<16xf32>
      %max3A_2020 = arith.maximumf %max3A_2019, %add3A_2016 : vector<16xf32>
      %min3A_2021 = vector.broadcast %jit3A_2018 : f32 to vector<16xf32>
      %min3A_2022 = arith.minimumf %min3A_2021, %max3A_2020 : vector<16xf32>
      %convert_element_type3A_2023 = arith.fptosi %min3A_2022 : vector<16xf32> to vector<16xi32>
      %ge3A_2024 = arith.constant 0.000000e+00 : f32
      %ge3A_2025 = vector.broadcast %ge3A_2024 : f32 to vector<16xf32>
      %ge3A_2026 = arith.cmpf oge, %add3A_1966, %ge3A_2025 : vector<16xf32>
      %le3A_2027 = arith.constant 2.230000e+02 : f32
      %le3A_2028 = vector.broadcast %le3A_2027 : f32 to vector<16xf32>
      %le3A_2029 = arith.cmpf ole, %add3A_1966, %le3A_2028 : vector<16xf32>
      %and3A_2030 = arith.andi %ge3A_2026, %le3A_2029 : vector<16xi1>
      %ge3A_2031 = arith.constant 0.000000e+00 : f32
      %ge3A_2032 = vector.broadcast %ge3A_2031 : f32 to vector<16xf32>
      %ge3A_2033 = arith.cmpf oge, %add3A_1969, %ge3A_2032 : vector<16xf32>
      %le3A_2034 = arith.constant 2.230000e+02 : f32
      %le3A_2035 = vector.broadcast %le3A_2034 : f32 to vector<16xf32>
      %le3A_2036 = arith.cmpf ole, %add3A_1969, %le3A_2035 : vector<16xf32>
      %and3A_2037 = arith.andi %ge3A_2033, %le3A_2036 : vector<16xi1>
      %sub3A_2038 = vector.broadcast %scan3A : f32 to vector<16xf32>
      %sub3A_2039 = arith.subf %sub3A_2038, %sub3A_1988 : vector<16xf32>
      %broadcast_in_dim3A_2040 = vector.broadcast %scan3A_7 : f32 to vector<16xf32>
      %select_n3A_2041 = arith.select %and3A_2030, %sub3A_2039, %broadcast_in_dim3A_2040 : vector<16xi1>, vector<16xf32>
      %broadcast_in_dim3A_2042 = vector.broadcast %scan3A_7 : f32 to vector<16xf32>
      %select_n3A_2043 = arith.select %and3A_2030, %sub3A_1988, %broadcast_in_dim3A_2042 : vector<16xi1>, vector<16xf32>
      %sub3A_2044 = vector.broadcast %scan3A : f32 to vector<16xf32>
      %sub3A_2045 = arith.subf %sub3A_2044, %sub3A_1989 : vector<16xf32>
      %broadcast_in_dim3A_2046 = vector.broadcast %scan3A_7 : f32 to vector<16xf32>
      %select_n3A_2047 = arith.select %and3A_2037, %sub3A_2045, %broadcast_in_dim3A_2046 : vector<16xi1>, vector<16xf32>
      %broadcast_in_dim3A_2048 = vector.broadcast %scan3A_7 : f32 to vector<16xf32>
      %select_n3A_2049 = arith.select %and3A_2037, %sub3A_1989, %broadcast_in_dim3A_2048 : vector<16xi1>, vector<16xf32>
      %mul3A_2050 = arith.constant 224 : i32
      %mul3A_2051 = vector.broadcast %mul3A_2050 : i32 to vector<16xi32>
      %mul3A_2052 = arith.muli %convert_element_type3A_1996, %mul3A_2051 : vector<16xi32>
      %add3A_2053 = vector.broadcast %mul3A_1343 : i32 to vector<16xi32>
      %add3A_2054 = arith.addi %add3A_2053, %mul3A_2052 : vector<16xi32>
      %mul3A_2055 = arith.constant 224 : i32
      %mul3A_2056 = vector.broadcast %mul3A_2055 : i32 to vector<16xi32>
      %mul3A_2057 = arith.muli %convert_element_type3A_2006, %mul3A_2056 : vector<16xi32>
      %add3A_2058 = vector.broadcast %mul3A_1343 : i32 to vector<16xi32>
      %add3A_2059 = arith.addi %add3A_2058, %mul3A_2057 : vector<16xi32>
      %add3A_2060 = arith.addi %add3A_2054, %convert_element_type3A_2013 : vector<16xi32>
      %swap3A_2061 = arith.constant 1 : i32
      %swap3A_2062 = arith.index_cast %swap3A_2061 : i32 to index
      %swap3A_2063 = arith.constant 48 : index
      %swap3A_2064 = tpu.vector_load %arg6[%swap3A_2062, %swap3A_2063] {strides = array<i32>} : memref<2x112xi32, #tpu.memory_space<vmem>>, vector<16xi32>,
      tpu.vector_store %arg6[%swap3A_2062, %swap3A_2063], %add3A_2060 {strides = array<i32>} : memref<2x112xi32, #tpu.memory_space<vmem>>, vector<16xi32>,
      %add3A_2065 = arith.addi %add3A_2054, %convert_element_type3A_2023 : vector<16xi32>
      %swap3A_2066 = arith.constant 1 : i32
      %swap3A_2067 = arith.index_cast %swap3A_2066 : i32 to index
      %swap3A_2068 = arith.constant 48 : index
      %swap3A_2069 = tpu.vector_load %arg7[%swap3A_2067, %swap3A_2068] {strides = array<i32>} : memref<2x112xi32, #tpu.memory_space<vmem>>, vector<16xi32>,
      tpu.vector_store %arg7[%swap3A_2067, %swap3A_2068], %add3A_2065 {strides = array<i32>} : memref<2x112xi32, #tpu.memory_space<vmem>>, vector<16xi32>,
      %add3A_2070 = arith.addi %add3A_2059, %convert_element_type3A_2013 : vector<16xi32>
      %swap3A_2071 = arith.constant 1 : i32
      %swap3A_2072 = arith.index_cast %swap3A_2071 : i32 to index
      %swap3A_2073 = arith.constant 48 : index
      %swap3A_2074 = tpu.vector_load %arg8[%swap3A_2072, %swap3A_2073] {strides = array<i32>} : memref<2x112xi32, #tpu.memory_space<vmem>>, vector<16xi32>,
      tpu.vector_store %arg8[%swap3A_2072, %swap3A_2073], %add3A_2070 {strides = array<i32>} : memref<2x112xi32, #tpu.memory_space<vmem>>, vector<16xi32>,
      %add3A_2075 = arith.addi %add3A_2059, %convert_element_type3A_2023 : vector<16xi32>
      %swap3A_2076 = arith.constant 1 : i32
      %swap3A_2077 = arith.index_cast %swap3A_2076 : i32 to index
      %swap3A_2078 = arith.constant 48 : index
      %swap3A_2079 = tpu.vector_load %arg9[%swap3A_2077, %swap3A_2078] {strides = array<i32>} : memref<2x112xi32, #tpu.memory_space<vmem>>, vector<16xi32>,
      tpu.vector_store %arg9[%swap3A_2077, %swap3A_2078], %add3A_2075 {strides = array<i32>} : memref<2x112xi32, #tpu.memory_space<vmem>>, vector<16xi32>,
      %mul3A_2080 = arith.mulf %select_n3A_2041, %select_n3A_2047 : vector<16xf32>
      %swap3A_2081 = arith.constant 160 : index
      %swap3A_2082 = tpu.vector_load %arg10[%swap3A_2081] {strides = array<i32>} : memref<224xf32, #tpu.memory_space<vmem>>, vector<16xf32>,
      tpu.vector_store %arg10[%swap3A_2081], %mul3A_2080 {strides = array<i32>} : memref<224xf32, #tpu.memory_space<vmem>>, vector<16xf32>,
      %mul3A_2083 = arith.mulf %select_n3A_2041, %select_n3A_2049 : vector<16xf32>
      %swap3A_2084 = arith.constant 160 : index
      %swap3A_2085 = tpu.vector_load %arg11[%swap3A_2084] {strides = array<i32>} : memref<224xf32, #tpu.memory_space<vmem>>, vector<16xf32>,
      tpu.vector_store %arg11[%swap3A_2084], %mul3A_2083 {strides = array<i32>} : memref<224xf32, #tpu.memory_space<vmem>>, vector<16xf32>,
      %mul3A_2086 = arith.mulf %select_n3A_2043, %select_n3A_2047 : vector<16xf32>
      %swap3A_2087 = arith.constant 160 : index
      %swap3A_2088 = tpu.vector_load %arg12[%swap3A_2087] {strides = array<i32>} : memref<224xf32, #tpu.memory_space<vmem>>, vector<16xf32>,
      tpu.vector_store %arg12[%swap3A_2087], %mul3A_2086 {strides = array<i32>} : memref<224xf32, #tpu.memory_space<vmem>>, vector<16xf32>,
      %mul3A_2089 = arith.mulf %select_n3A_2043, %select_n3A_2049 : vector<16xf32>
      %swap3A_2090 = arith.constant 160 : index
      %swap3A_2091 = tpu.vector_load %arg13[%swap3A_2090] {strides = array<i32>} : memref<224xf32, #tpu.memory_space<vmem>>, vector<16xf32>,
      tpu.vector_store %arg13[%swap3A_2090], %mul3A_2089 {strides = array<i32>} : memref<224xf32, #tpu.memory_space<vmem>>, vector<16xf32>,
      %add3A_2092 = arith.constant 162 : i32
      %add3A_2093 = vector.broadcast %add3A_2092 : i32 to vector<16xi32>
      %add3A_2094 = arith.addi %add3A_2093, %iota3A : vector<16xi32>
      %jit3A_2095 = arith.constant 14 : i32
      %div3A_2096 = vector.broadcast %jit3A_2095 : i32 to vector<16xi32>
      %div3A_2097 = arith.divsi %add3A_2094, %div3A_2096 : vector<16xi32>
      %sign3A_2098 = arith.constant 0 : i32
      %sign3A_2099 = vector.broadcast %sign3A_2098 : i32 to vector<16xi32>
      %sign3A_2100 = arith.cmpi sgt, %add3A_2094, %sign3A_2099 : vector<16xi32>
      %sign3A_2101 = arith.extui %sign3A_2100 : vector<16xi1> to vector<16xi32>
      %sign3A_2102 = arith.constant 0 : i32
      %sign3A_2103 = vector.broadcast %sign3A_2102 : i32 to vector<16xi32>
      %sign3A_2104 = arith.cmpi slt, %add3A_2094, %sign3A_2103 : vector<16xi32>
      %sign3A_2105 = arith.extui %sign3A_2104 : vector<16xi1> to vector<16xi32>
      %sign3A_2106 = arith.subi %sign3A_2101, %sign3A_2105 : vector<16xi32>
      %sign3A_2107 = arith.constant 0 : i32
      %sign3A_2108 = arith.cmpi sgt, %jit3A_2095, %sign3A_2107 : i32
      %sign3A_2109 = arith.extui %sign3A_2108 : i1 to i32
      %sign3A_2110 = arith.constant 0 : i32
      %sign3A_2111 = arith.cmpi slt, %jit3A_2095, %sign3A_2110 : i32
      %sign3A_2112 = arith.extui %sign3A_2111 : i1 to i32
      %sign3A_2113 = arith.subi %sign3A_2109, %sign3A_2112 : i32
      %ne3A_2114 = vector.broadcast %sign3A_2113 : i32 to vector<16xi32>
      %ne3A_2115 = arith.cmpi ne, %sign3A_2106, %ne3A_2114 : vector<16xi32>
      %rem3A_2116 = vector.broadcast %jit3A_2095 : i32 to vector<16xi32>
      %rem3A_2117 = arith.remsi %add3A_2094, %rem3A_2116 : vector<16xi32>
      %ne3A_2118 = arith.constant 0 : i32
      %ne3A_2119 = vector.broadcast %ne3A_2118 : i32 to vector<16xi32>
      %ne3A_2120 = arith.cmpi ne, %rem3A_2117, %ne3A_2119 : vector<16xi32>
      %and3A_2121 = arith.andi %ne3A_2115, %ne3A_2120 : vector<16xi1>
      %sub3A_2122 = arith.constant 1 : i32
      %sub3A_2123 = vector.broadcast %sub3A_2122 : i32 to vector<16xi32>
      %sub3A_2124 = arith.subi %div3A_2097, %sub3A_2123 : vector<16xi32>
      %select_n3A_2125 = arith.select %and3A_2121, %sub3A_2124, %div3A_2097 : vector<16xi1>, vector<16xi32>
      %mul3A_2126 = arith.constant 14 : i32
      %mul3A_2127 = vector.broadcast %mul3A_2126 : i32 to vector<16xi32>
      %mul3A_2128 = arith.muli %select_n3A_2125, %mul3A_2127 : vector<16xi32>
      %sub3A_2129 = arith.subi %add3A_2094, %mul3A_2128 : vector<16xi32>
      %convert_element_type3A_2130 = arith.sitofp %select_n3A_2125 : vector<16xi32> to vector<16xf32>
      %mul3A_2131 = arith.mulf %convert_element_type3A_2130, %div3A_1414 : vector<16xf32>
      %add3A_2132 = arith.addf %mul3A_1424, %mul3A_2131 : vector<16xf32>
      %convert_element_type3A_2133 = arith.sitofp %sub3A_2129 : vector<16xi32> to vector<16xf32>
      %mul3A_2134 = arith.mulf %convert_element_type3A_2133, %div3A_1421 : vector<16xf32>
      %add3A_2135 = arith.addf %mul3A_1427, %mul3A_2134 : vector<16xf32>
      %convert_element_type3A_2136 = arith.fptosi %add3A_2132 : vector<16xf32> to vector<16xi32>
      %convert_element_type3A_2137 = arith.sitofp %convert_element_type3A_2136 : vector<16xi32> to vector<16xf32>
      %lt3A_2138 = arith.cmpf olt, %add3A_2132, %convert_element_type3A_2137 : vector<16xf32>
      %jit3A_2139 = arith.constant 1.000000e+00 : f32
      %jit3A_2140 = arith.constant 0.000000e+00 : f32
      %broadcast_in_dim3A_2141 = vector.broadcast %jit3A_2139 : f32 to vector<16xf32>
      %broadcast_in_dim3A_2142 = vector.broadcast %jit3A_2140 : f32 to vector<16xf32>
      %select_n3A_2143 = arith.select %lt3A_2138, %broadcast_in_dim3A_2141, %broadcast_in_dim3A_2142 : vector<16xi1>, vector<16xf32>
      %sub3A_2144 = arith.subf %convert_element_type3A_2137, %select_n3A_2143 : vector<16xf32>
      %convert_element_type3A_2145 = arith.fptosi %add3A_2135 : vector<16xf32> to vector<16xi32>
      %convert_element_type3A_2146 = arith.sitofp %convert_element_type3A_2145 : vector<16xi32> to vector<16xf32>
      %lt3A_2147 = arith.cmpf olt, %add3A_2135, %convert_element_type3A_2146 : vector<16xf32>
      %jit3A_2148 = arith.constant 1.000000e+00 : f32
      %jit3A_2149 = arith.constant 0.000000e+00 : f32
      %broadcast_in_dim3A_2150 = vector.broadcast %jit3A_2148 : f32 to vector<16xf32>
      %broadcast_in_dim3A_2151 = vector.broadcast %jit3A_2149 : f32 to vector<16xf32>
      %select_n3A_2152 = arith.select %lt3A_2147, %broadcast_in_dim3A_2150, %broadcast_in_dim3A_2151 : vector<16xi1>, vector<16xf32>
      %sub3A_2153 = arith.subf %convert_element_type3A_2146, %select_n3A_2152 : vector<16xf32>
      %sub3A_2154 = arith.subf %add3A_2132, %sub3A_2144 : vector<16xf32>
      %sub3A_2155 = arith.subf %add3A_2135, %sub3A_2153 : vector<16xf32>
      %jit3A_2156 = arith.constant 0.000000e+00 : f32
      %jit3A_2157 = arith.constant 2.230000e+02 : f32
      %max3A_2158 = vector.broadcast %jit3A_2156 : f32 to vector<16xf32>
      %max3A_2159 = arith.maximumf %max3A_2158, %sub3A_2144 : vector<16xf32>
      %min3A_2160 = vector.broadcast %jit3A_2157 : f32 to vector<16xf32>
      %min3A_2161 = arith.minimumf %min3A_2160, %max3A_2159 : vector<16xf32>
      %convert_element_type3A_2162 = arith.fptosi %min3A_2161 : vector<16xf32> to vector<16xi32>
      %add3A_2163 = arith.constant 1.000000e+00 : f32
      %add3A_2164 = vector.broadcast %add3A_2163 : f32 to vector<16xf32>
      %add3A_2165 = arith.addf %sub3A_2144, %add3A_2164 : vector<16xf32>
      %jit3A_2166 = arith.constant 0.000000e+00 : f32
      %jit3A_2167 = arith.constant 2.230000e+02 : f32
      %max3A_2168 = vector.broadcast %jit3A_2166 : f32 to vector<16xf32>
      %max3A_2169 = arith.maximumf %max3A_2168, %add3A_2165 : vector<16xf32>
      %min3A_2170 = vector.broadcast %jit3A_2167 : f32 to vector<16xf32>
      %min3A_2171 = arith.minimumf %min3A_2170, %max3A_2169 : vector<16xf32>
      %convert_element_type3A_2172 = arith.fptosi %min3A_2171 : vector<16xf32> to vector<16xi32>
      %jit3A_2173 = arith.constant 0.000000e+00 : f32
      %jit3A_2174 = arith.constant 2.230000e+02 : f32
      %max3A_2175 = vector.broadcast %jit3A_2173 : f32 to vector<16xf32>
      %max3A_2176 = arith.maximumf %max3A_2175, %sub3A_2153 : vector<16xf32>
      %min3A_2177 = vector.broadcast %jit3A_2174 : f32 to vector<16xf32>
      %min3A_2178 = arith.minimumf %min3A_2177, %max3A_2176 : vector<16xf32>
      %convert_element_type3A_2179 = arith.fptosi %min3A_2178 : vector<16xf32> to vector<16xi32>
      %add3A_2180 = arith.constant 1.000000e+00 : f32
      %add3A_2181 = vector.broadcast %add3A_2180 : f32 to vector<16xf32>
      %add3A_2182 = arith.addf %sub3A_2153, %add3A_2181 : vector<16xf32>
      %jit3A_2183 = arith.constant 0.000000e+00 : f32
      %jit3A_2184 = arith.constant 2.230000e+02 : f32
      %max3A_2185 = vector.broadcast %jit3A_2183 : f32 to vector<16xf32>
      %max3A_2186 = arith.maximumf %max3A_2185, %add3A_2182 : vector<16xf32>
      %min3A_2187 = vector.broadcast %jit3A_2184 : f32 to vector<16xf32>
      %min3A_2188 = arith.minimumf %min3A_2187, %max3A_2186 : vector<16xf32>
      %convert_element_type3A_2189 = arith.fptosi %min3A_2188 : vector<16xf32> to vector<16xi32>
      %ge3A_2190 = arith.constant 0.000000e+00 : f32
      %ge3A_2191 = vector.broadcast %ge3A_2190 : f32 to vector<16xf32>
      %ge3A_2192 = arith.cmpf oge, %add3A_2132, %ge3A_2191 : vector<16xf32>
      %le3A_2193 = arith.constant 2.230000e+02 : f32
      %le3A_2194 = vector.broadcast %le3A_2193 : f32 to vector<16xf32>
      %le3A_2195 = arith.cmpf ole, %add3A_2132, %le3A_2194 : vector<16xf32>
      %and3A_2196 = arith.andi %ge3A_2192, %le3A_2195 : vector<16xi1>
      %ge3A_2197 = arith.constant 0.000000e+00 : f32
      %ge3A_2198 = vector.broadcast %ge3A_2197 : f32 to vector<16xf32>
      %ge3A_2199 = arith.cmpf oge, %add3A_2135, %ge3A_2198 : vector<16xf32>
      %le3A_2200 = arith.constant 2.230000e+02 : f32
      %le3A_2201 = vector.broadcast %le3A_2200 : f32 to vector<16xf32>
      %le3A_2202 = arith.cmpf ole, %add3A_2135, %le3A_2201 : vector<16xf32>
      %and3A_2203 = arith.andi %ge3A_2199, %le3A_2202 : vector<16xi1>
      %sub3A_2204 = vector.broadcast %scan3A : f32 to vector<16xf32>
      %sub3A_2205 = arith.subf %sub3A_2204, %sub3A_2154 : vector<16xf32>
      %broadcast_in_dim3A_2206 = vector.broadcast %scan3A_7 : f32 to vector<16xf32>
      %select_n3A_2207 = arith.select %and3A_2196, %sub3A_2205, %broadcast_in_dim3A_2206 : vector<16xi1>, vector<16xf32>
      %broadcast_in_dim3A_2208 = vector.broadcast %scan3A_7 : f32 to vector<16xf32>
      %select_n3A_2209 = arith.select %and3A_2196, %sub3A_2154, %broadcast_in_dim3A_2208 : vector<16xi1>, vector<16xf32>
      %sub3A_2210 = vector.broadcast %scan3A : f32 to vector<16xf32>
      %sub3A_2211 = arith.subf %sub3A_2210, %sub3A_2155 : vector<16xf32>
      %broadcast_in_dim3A_2212 = vector.broadcast %scan3A_7 : f32 to vector<16xf32>
      %select_n3A_2213 = arith.select %and3A_2203, %sub3A_2211, %broadcast_in_dim3A_2212 : vector<16xi1>, vector<16xf32>
      %broadcast_in_dim3A_2214 = vector.broadcast %scan3A_7 : f32 to vector<16xf32>
      %select_n3A_2215 = arith.select %and3A_2203, %sub3A_2155, %broadcast_in_dim3A_2214 : vector<16xi1>, vector<16xf32>
      %mul3A_2216 = arith.constant 224 : i32
      %mul3A_2217 = vector.broadcast %mul3A_2216 : i32 to vector<16xi32>
      %mul3A_2218 = arith.muli %convert_element_type3A_2162, %mul3A_2217 : vector<16xi32>
      %add3A_2219 = vector.broadcast %mul3A_1343 : i32 to vector<16xi32>
      %add3A_2220 = arith.addi %add3A_2219, %mul3A_2218 : vector<16xi32>
      %mul3A_2221 = arith.constant 224 : i32
      %mul3A_2222 = vector.broadcast %mul3A_2221 : i32 to vector<16xi32>
      %mul3A_2223 = arith.muli %convert_element_type3A_2172, %mul3A_2222 : vector<16xi32>
      %add3A_2224 = vector.broadcast %mul3A_1343 : i32 to vector<16xi32>
      %add3A_2225 = arith.addi %add3A_2224, %mul3A_2223 : vector<16xi32>
      %add3A_2226 = arith.addi %add3A_2220, %convert_element_type3A_2179 : vector<16xi32>
      %swap3A_2227 = arith.constant 1 : i32
      %swap3A_2228 = arith.index_cast %swap3A_2227 : i32 to index
      %swap3A_2229 = arith.constant 64 : index
      %swap3A_2230 = tpu.vector_load %arg6[%swap3A_2228, %swap3A_2229] {strides = array<i32>} : memref<2x112xi32, #tpu.memory_space<vmem>>, vector<16xi32>,
      tpu.vector_store %arg6[%swap3A_2228, %swap3A_2229], %add3A_2226 {strides = array<i32>} : memref<2x112xi32, #tpu.memory_space<vmem>>, vector<16xi32>,
      %add3A_2231 = arith.addi %add3A_2220, %convert_element_type3A_2189 : vector<16xi32>
      %swap3A_2232 = arith.constant 1 : i32
      %swap3A_2233 = arith.index_cast %swap3A_2232 : i32 to index
      %swap3A_2234 = arith.constant 64 : index
      %swap3A_2235 = tpu.vector_load %arg7[%swap3A_2233, %swap3A_2234] {strides = array<i32>} : memref<2x112xi32, #tpu.memory_space<vmem>>, vector<16xi32>,
      tpu.vector_store %arg7[%swap3A_2233, %swap3A_2234], %add3A_2231 {strides = array<i32>} : memref<2x112xi32, #tpu.memory_space<vmem>>, vector<16xi32>,
      %add3A_2236 = arith.addi %add3A_2225, %convert_element_type3A_2179 : vector<16xi32>
      %swap3A_2237 = arith.constant 1 : i32
      %swap3A_2238 = arith.index_cast %swap3A_2237 : i32 to index
      %swap3A_2239 = arith.constant 64 : index
      %swap3A_2240 = tpu.vector_load %arg8[%swap3A_2238, %swap3A_2239] {strides = array<i32>} : memref<2x112xi32, #tpu.memory_space<vmem>>, vector<16xi32>,
      tpu.vector_store %arg8[%swap3A_2238, %swap3A_2239], %add3A_2236 {strides = array<i32>} : memref<2x112xi32, #tpu.memory_space<vmem>>, vector<16xi32>,
      %add3A_2241 = arith.addi %add3A_2225, %convert_element_type3A_2189 : vector<16xi32>
      %swap3A_2242 = arith.constant 1 : i32
      %swap3A_2243 = arith.index_cast %swap3A_2242 : i32 to index
      %swap3A_2244 = arith.constant 64 : index
      %swap3A_2245 = tpu.vector_load %arg9[%swap3A_2243, %swap3A_2244] {strides = array<i32>} : memref<2x112xi32, #tpu.memory_space<vmem>>, vector<16xi32>,
      tpu.vector_store %arg9[%swap3A_2243, %swap3A_2244], %add3A_2241 {strides = array<i32>} : memref<2x112xi32, #tpu.memory_space<vmem>>, vector<16xi32>,
      %mul3A_2246 = arith.mulf %select_n3A_2207, %select_n3A_2213 : vector<16xf32>
      %swap3A_2247 = arith.constant 176 : index
      %swap3A_2248 = tpu.vector_load %arg10[%swap3A_2247] {strides = array<i32>} : memref<224xf32, #tpu.memory_space<vmem>>, vector<16xf32>,
      tpu.vector_store %arg10[%swap3A_2247], %mul3A_2246 {strides = array<i32>} : memref<224xf32, #tpu.memory_space<vmem>>, vector<16xf32>,
      %mul3A_2249 = arith.mulf %select_n3A_2207, %select_n3A_2215 : vector<16xf32>
      %swap3A_2250 = arith.constant 176 : index
      %swap3A_2251 = tpu.vector_load %arg11[%swap3A_2250] {strides = array<i32>} : memref<224xf32, #tpu.memory_space<vmem>>, vector<16xf32>,
      tpu.vector_store %arg11[%swap3A_2250], %mul3A_2249 {strides = array<i32>} : memref<224xf32, #tpu.memory_space<vmem>>, vector<16xf32>,
      %mul3A_2252 = arith.mulf %select_n3A_2209, %select_n3A_2213 : vector<16xf32>
      %swap3A_2253 = arith.constant 176 : index
      %swap3A_2254 = tpu.vector_load %arg12[%swap3A_2253] {strides = array<i32>} : memref<224xf32, #tpu.memory_space<vmem>>, vector<16xf32>,
      tpu.vector_store %arg12[%swap3A_2253], %mul3A_2252 {strides = array<i32>} : memref<224xf32, #tpu.memory_space<vmem>>, vector<16xf32>,
      %mul3A_2255 = arith.mulf %select_n3A_2209, %select_n3A_2215 : vector<16xf32>
      %swap3A_2256 = arith.constant 176 : index
      %swap3A_2257 = tpu.vector_load %arg13[%swap3A_2256] {strides = array<i32>} : memref<224xf32, #tpu.memory_space<vmem>>, vector<16xf32>,
      tpu.vector_store %arg13[%swap3A_2256], %mul3A_2255 {strides = array<i32>} : memref<224xf32, #tpu.memory_space<vmem>>, vector<16xf32>,
      %add3A_2258 = arith.constant 178 : i32
      %add3A_2259 = vector.broadcast %add3A_2258 : i32 to vector<16xi32>
      %add3A_2260 = arith.addi %add3A_2259, %iota3A : vector<16xi32>
      %jit3A_2261 = arith.constant 14 : i32
      %div3A_2262 = vector.broadcast %jit3A_2261 : i32 to vector<16xi32>
      %div3A_2263 = arith.divsi %add3A_2260, %div3A_2262 : vector<16xi32>
      %sign3A_2264 = arith.constant 0 : i32
      %sign3A_2265 = vector.broadcast %sign3A_2264 : i32 to vector<16xi32>
      %sign3A_2266 = arith.cmpi sgt, %add3A_2260, %sign3A_2265 : vector<16xi32>
      %sign3A_2267 = arith.extui %sign3A_2266 : vector<16xi1> to vector<16xi32>
      %sign3A_2268 = arith.constant 0 : i32
      %sign3A_2269 = vector.broadcast %sign3A_2268 : i32 to vector<16xi32>
      %sign3A_2270 = arith.cmpi slt, %add3A_2260, %sign3A_2269 : vector<16xi32>
      %sign3A_2271 = arith.extui %sign3A_2270 : vector<16xi1> to vector<16xi32>
      %sign3A_2272 = arith.subi %sign3A_2267, %sign3A_2271 : vector<16xi32>
      %sign3A_2273 = arith.constant 0 : i32
      %sign3A_2274 = arith.cmpi sgt, %jit3A_2261, %sign3A_2273 : i32
      %sign3A_2275 = arith.extui %sign3A_2274 : i1 to i32
      %sign3A_2276 = arith.constant 0 : i32
      %sign3A_2277 = arith.cmpi slt, %jit3A_2261, %sign3A_2276 : i32
      %sign3A_2278 = arith.extui %sign3A_2277 : i1 to i32
      %sign3A_2279 = arith.subi %sign3A_2275, %sign3A_2278 : i32
      %ne3A_2280 = vector.broadcast %sign3A_2279 : i32 to vector<16xi32>
      %ne3A_2281 = arith.cmpi ne, %sign3A_2272, %ne3A_2280 : vector<16xi32>
      %rem3A_2282 = vector.broadcast %jit3A_2261 : i32 to vector<16xi32>
      %rem3A_2283 = arith.remsi %add3A_2260, %rem3A_2282 : vector<16xi32>
      %ne3A_2284 = arith.constant 0 : i32
      %ne3A_2285 = vector.broadcast %ne3A_2284 : i32 to vector<16xi32>
      %ne3A_2286 = arith.cmpi ne, %rem3A_2283, %ne3A_2285 : vector<16xi32>
      %and3A_2287 = arith.andi %ne3A_2281, %ne3A_2286 : vector<16xi1>
      %sub3A_2288 = arith.constant 1 : i32
      %sub3A_2289 = vector.broadcast %sub3A_2288 : i32 to vector<16xi32>
      %sub3A_2290 = arith.subi %div3A_2263, %sub3A_2289 : vector<16xi32>
      %select_n3A_2291 = arith.select %and3A_2287, %sub3A_2290, %div3A_2263 : vector<16xi1>, vector<16xi32>
      %mul3A_2292 = arith.constant 14 : i32
      %mul3A_2293 = vector.broadcast %mul3A_2292 : i32 to vector<16xi32>
      %mul3A_2294 = arith.muli %select_n3A_2291, %mul3A_2293 : vector<16xi32>
      %sub3A_2295 = arith.subi %add3A_2260, %mul3A_2294 : vector<16xi32>
      %convert_element_type3A_2296 = arith.sitofp %select_n3A_2291 : vector<16xi32> to vector<16xf32>
      %mul3A_2297 = arith.mulf %convert_element_type3A_2296, %div3A_1414 : vector<16xf32>
      %add3A_2298 = arith.addf %mul3A_1424, %mul3A_2297 : vector<16xf32>
      %convert_element_type3A_2299 = arith.sitofp %sub3A_2295 : vector<16xi32> to vector<16xf32>
      %mul3A_2300 = arith.mulf %convert_element_type3A_2299, %div3A_1421 : vector<16xf32>
      %add3A_2301 = arith.addf %mul3A_1427, %mul3A_2300 : vector<16xf32>
      %convert_element_type3A_2302 = arith.fptosi %add3A_2298 : vector<16xf32> to vector<16xi32>
      %convert_element_type3A_2303 = arith.sitofp %convert_element_type3A_2302 : vector<16xi32> to vector<16xf32>
      %lt3A_2304 = arith.cmpf olt, %add3A_2298, %convert_element_type3A_2303 : vector<16xf32>
      %jit3A_2305 = arith.constant 1.000000e+00 : f32
      %jit3A_2306 = arith.constant 0.000000e+00 : f32
      %broadcast_in_dim3A_2307 = vector.broadcast %jit3A_2305 : f32 to vector<16xf32>
      %broadcast_in_dim3A_2308 = vector.broadcast %jit3A_2306 : f32 to vector<16xf32>
      %select_n3A_2309 = arith.select %lt3A_2304, %broadcast_in_dim3A_2307, %broadcast_in_dim3A_2308 : vector<16xi1>, vector<16xf32>
      %sub3A_2310 = arith.subf %convert_element_type3A_2303, %select_n3A_2309 : vector<16xf32>
      %convert_element_type3A_2311 = arith.fptosi %add3A_2301 : vector<16xf32> to vector<16xi32>
      %convert_element_type3A_2312 = arith.sitofp %convert_element_type3A_2311 : vector<16xi32> to vector<16xf32>
      %lt3A_2313 = arith.cmpf olt, %add3A_2301, %convert_element_type3A_2312 : vector<16xf32>
      %jit3A_2314 = arith.constant 1.000000e+00 : f32
      %jit3A_2315 = arith.constant 0.000000e+00 : f32
      %broadcast_in_dim3A_2316 = vector.broadcast %jit3A_2314 : f32 to vector<16xf32>
      %broadcast_in_dim3A_2317 = vector.broadcast %jit3A_2315 : f32 to vector<16xf32>
      %select_n3A_2318 = arith.select %lt3A_2313, %broadcast_in_dim3A_2316, %broadcast_in_dim3A_2317 : vector<16xi1>, vector<16xf32>
      %sub3A_2319 = arith.subf %convert_element_type3A_2312, %select_n3A_2318 : vector<16xf32>
      %sub3A_2320 = arith.subf %add3A_2298, %sub3A_2310 : vector<16xf32>
      %sub3A_2321 = arith.subf %add3A_2301, %sub3A_2319 : vector<16xf32>
      %jit3A_2322 = arith.constant 0.000000e+00 : f32
      %jit3A_2323 = arith.constant 2.230000e+02 : f32
      %max3A_2324 = vector.broadcast %jit3A_2322 : f32 to vector<16xf32>
      %max3A_2325 = arith.maximumf %max3A_2324, %sub3A_2310 : vector<16xf32>
      %min3A_2326 = vector.broadcast %jit3A_2323 : f32 to vector<16xf32>
      %min3A_2327 = arith.minimumf %min3A_2326, %max3A_2325 : vector<16xf32>
      %convert_element_type3A_2328 = arith.fptosi %min3A_2327 : vector<16xf32> to vector<16xi32>
      %add3A_2329 = arith.constant 1.000000e+00 : f32
      %add3A_2330 = vector.broadcast %add3A_2329 : f32 to vector<16xf32>
      %add3A_2331 = arith.addf %sub3A_2310, %add3A_2330 : vector<16xf32>
      %jit3A_2332 = arith.constant 0.000000e+00 : f32
      %jit3A_2333 = arith.constant 2.230000e+02 : f32
      %max3A_2334 = vector.broadcast %jit3A_2332 : f32 to vector<16xf32>
      %max3A_2335 = arith.maximumf %max3A_2334, %add3A_2331 : vector<16xf32>
      %min3A_2336 = vector.broadcast %jit3A_2333 : f32 to vector<16xf32>
      %min3A_2337 = arith.minimumf %min3A_2336, %max3A_2335 : vector<16xf32>
      %convert_element_type3A_2338 = arith.fptosi %min3A_2337 : vector<16xf32> to vector<16xi32>
      %jit3A_2339 = arith.constant 0.000000e+00 : f32
      %jit3A_2340 = arith.constant 2.230000e+02 : f32
      %max3A_2341 = vector.broadcast %jit3A_2339 : f32 to vector<16xf32>
      %max3A_2342 = arith.maximumf %max3A_2341, %sub3A_2319 : vector<16xf32>
      %min3A_2343 = vector.broadcast %jit3A_2340 : f32 to vector<16xf32>
      %min3A_2344 = arith.minimumf %min3A_2343, %max3A_2342 : vector<16xf32>
      %convert_element_type3A_2345 = arith.fptosi %min3A_2344 : vector<16xf32> to vector<16xi32>
      %add3A_2346 = arith.constant 1.000000e+00 : f32
      %add3A_2347 = vector.broadcast %add3A_2346 : f32 to vector<16xf32>
      %add3A_2348 = arith.addf %sub3A_2319, %add3A_2347 : vector<16xf32>
      %jit3A_2349 = arith.constant 0.000000e+00 : f32
      %jit3A_2350 = arith.constant 2.230000e+02 : f32
      %max3A_2351 = vector.broadcast %jit3A_2349 : f32 to vector<16xf32>
      %max3A_2352 = arith.maximumf %max3A_2351, %add3A_2348 : vector<16xf32>
      %min3A_2353 = vector.broadcast %jit3A_2350 : f32 to vector<16xf32>
      %min3A_2354 = arith.minimumf %min3A_2353, %max3A_2352 : vector<16xf32>
      %convert_element_type3A_2355 = arith.fptosi %min3A_2354 : vector<16xf32> to vector<16xi32>
      %ge3A_2356 = arith.constant 0.000000e+00 : f32
      %ge3A_2357 = vector.broadcast %ge3A_2356 : f32 to vector<16xf32>
      %ge3A_2358 = arith.cmpf oge, %add3A_2298, %ge3A_2357 : vector<16xf32>
      %le3A_2359 = arith.constant 2.230000e+02 : f32
      %le3A_2360 = vector.broadcast %le3A_2359 : f32 to vector<16xf32>
      %le3A_2361 = arith.cmpf ole, %add3A_2298, %le3A_2360 : vector<16xf32>
      %and3A_2362 = arith.andi %ge3A_2358, %le3A_2361 : vector<16xi1>
      %ge3A_2363 = arith.constant 0.000000e+00 : f32
      %ge3A_2364 = vector.broadcast %ge3A_2363 : f32 to vector<16xf32>
      %ge3A_2365 = arith.cmpf oge, %add3A_2301, %ge3A_2364 : vector<16xf32>
      %le3A_2366 = arith.constant 2.230000e+02 : f32
      %le3A_2367 = vector.broadcast %le3A_2366 : f32 to vector<16xf32>
      %le3A_2368 = arith.cmpf ole, %add3A_2301, %le3A_2367 : vector<16xf32>
      %and3A_2369 = arith.andi %ge3A_2365, %le3A_2368 : vector<16xi1>
      %sub3A_2370 = vector.broadcast %scan3A : f32 to vector<16xf32>
      %sub3A_2371 = arith.subf %sub3A_2370, %sub3A_2320 : vector<16xf32>
      %broadcast_in_dim3A_2372 = vector.broadcast %scan3A_7 : f32 to vector<16xf32>
      %select_n3A_2373 = arith.select %and3A_2362, %sub3A_2371, %broadcast_in_dim3A_2372 : vector<16xi1>, vector<16xf32>
      %broadcast_in_dim3A_2374 = vector.broadcast %scan3A_7 : f32 to vector<16xf32>
      %select_n3A_2375 = arith.select %and3A_2362, %sub3A_2320, %broadcast_in_dim3A_2374 : vector<16xi1>, vector<16xf32>
      %sub3A_2376 = vector.broadcast %scan3A : f32 to vector<16xf32>
      %sub3A_2377 = arith.subf %sub3A_2376, %sub3A_2321 : vector<16xf32>
      %broadcast_in_dim3A_2378 = vector.broadcast %scan3A_7 : f32 to vector<16xf32>
      %select_n3A_2379 = arith.select %and3A_2369, %sub3A_2377, %broadcast_in_dim3A_2378 : vector<16xi1>, vector<16xf32>
      %broadcast_in_dim3A_2380 = vector.broadcast %scan3A_7 : f32 to vector<16xf32>
      %select_n3A_2381 = arith.select %and3A_2369, %sub3A_2321, %broadcast_in_dim3A_2380 : vector<16xi1>, vector<16xf32>
      %mul3A_2382 = arith.constant 224 : i32
      %mul3A_2383 = vector.broadcast %mul3A_2382 : i32 to vector<16xi32>
      %mul3A_2384 = arith.muli %convert_element_type3A_2328, %mul3A_2383 : vector<16xi32>
      %add3A_2385 = vector.broadcast %mul3A_1343 : i32 to vector<16xi32>
      %add3A_2386 = arith.addi %add3A_2385, %mul3A_2384 : vector<16xi32>
      %mul3A_2387 = arith.constant 224 : i32
      %mul3A_2388 = vector.broadcast %mul3A_2387 : i32 to vector<16xi32>
      %mul3A_2389 = arith.muli %convert_element_type3A_2338, %mul3A_2388 : vector<16xi32>
      %add3A_2390 = vector.broadcast %mul3A_1343 : i32 to vector<16xi32>
      %add3A_2391 = arith.addi %add3A_2390, %mul3A_2389 : vector<16xi32>
      %add3A_2392 = arith.addi %add3A_2386, %convert_element_type3A_2345 : vector<16xi32>
      %swap3A_2393 = arith.constant 1 : i32
      %swap3A_2394 = arith.index_cast %swap3A_2393 : i32 to index
      %swap3A_2395 = arith.constant 80 : index
      %swap3A_2396 = tpu.vector_load %arg6[%swap3A_2394, %swap3A_2395] {strides = array<i32>} : memref<2x112xi32, #tpu.memory_space<vmem>>, vector<16xi32>,
      tpu.vector_store %arg6[%swap3A_2394, %swap3A_2395], %add3A_2392 {strides = array<i32>} : memref<2x112xi32, #tpu.memory_space<vmem>>, vector<16xi32>,
      %add3A_2397 = arith.addi %add3A_2386, %convert_element_type3A_2355 : vector<16xi32>
      %swap3A_2398 = arith.constant 1 : i32
      %swap3A_2399 = arith.index_cast %swap3A_2398 : i32 to index
      %swap3A_2400 = arith.constant 80 : index
      %swap3A_2401 = tpu.vector_load %arg7[%swap3A_2399, %swap3A_2400] {strides = array<i32>} : memref<2x112xi32, #tpu.memory_space<vmem>>, vector<16xi32>,
      tpu.vector_store %arg7[%swap3A_2399, %swap3A_2400], %add3A_2397 {strides = array<i32>} : memref<2x112xi32, #tpu.memory_space<vmem>>, vector<16xi32>,
      %add3A_2402 = arith.addi %add3A_2391, %convert_element_type3A_2345 : vector<16xi32>
      %swap3A_2403 = arith.constant 1 : i32
      %swap3A_2404 = arith.index_cast %swap3A_2403 : i32 to index
      %swap3A_2405 = arith.constant 80 : index
      %swap3A_2406 = tpu.vector_load %arg8[%swap3A_2404, %swap3A_2405] {strides = array<i32>} : memref<2x112xi32, #tpu.memory_space<vmem>>, vector<16xi32>,
      tpu.vector_store %arg8[%swap3A_2404, %swap3A_2405], %add3A_2402 {strides = array<i32>} : memref<2x112xi32, #tpu.memory_space<vmem>>, vector<16xi32>,
      %add3A_2407 = arith.addi %add3A_2391, %convert_element_type3A_2355 : vector<16xi32>
      %swap3A_2408 = arith.constant 1 : i32
      %swap3A_2409 = arith.index_cast %swap3A_2408 : i32 to index
      %swap3A_2410 = arith.constant 80 : index
      %swap3A_2411 = tpu.vector_load %arg9[%swap3A_2409, %swap3A_2410] {strides = array<i32>} : memref<2x112xi32, #tpu.memory_space<vmem>>, vector<16xi32>,
      tpu.vector_store %arg9[%swap3A_2409, %swap3A_2410], %add3A_2407 {strides = array<i32>} : memref<2x112xi32, #tpu.memory_space<vmem>>, vector<16xi32>,
      %mul3A_2412 = arith.mulf %select_n3A_2373, %select_n3A_2379 : vector<16xf32>
      %swap3A_2413 = arith.constant 192 : index
      %swap3A_2414 = tpu.vector_load %arg10[%swap3A_2413] {strides = array<i32>} : memref<224xf32, #tpu.memory_space<vmem>>, vector<16xf32>,
      tpu.vector_store %arg10[%swap3A_2413], %mul3A_2412 {strides = array<i32>} : memref<224xf32, #tpu.memory_space<vmem>>, vector<16xf32>,
      %mul3A_2415 = arith.mulf %select_n3A_2373, %select_n3A_2381 : vector<16xf32>
      %swap3A_2416 = arith.constant 192 : index
      %swap3A_2417 = tpu.vector_load %arg11[%swap3A_2416] {strides = array<i32>} : memref<224xf32, #tpu.memory_space<vmem>>, vector<16xf32>,
      tpu.vector_store %arg11[%swap3A_2416], %mul3A_2415 {strides = array<i32>} : memref<224xf32, #tpu.memory_space<vmem>>, vector<16xf32>,
      %mul3A_2418 = arith.mulf %select_n3A_2375, %select_n3A_2379 : vector<16xf32>
      %swap3A_2419 = arith.constant 192 : index
      %swap3A_2420 = tpu.vector_load %arg12[%swap3A_2419] {strides = array<i32>} : memref<224xf32, #tpu.memory_space<vmem>>, vector<16xf32>,
      tpu.vector_store %arg12[%swap3A_2419], %mul3A_2418 {strides = array<i32>} : memref<224xf32, #tpu.memory_space<vmem>>, vector<16xf32>,
      %mul3A_2421 = arith.mulf %select_n3A_2375, %select_n3A_2381 : vector<16xf32>
      %swap3A_2422 = arith.constant 192 : index
      %swap3A_2423 = tpu.vector_load %arg13[%swap3A_2422] {strides = array<i32>} : memref<224xf32, #tpu.memory_space<vmem>>, vector<16xf32>,
      tpu.vector_store %arg13[%swap3A_2422], %mul3A_2421 {strides = array<i32>} : memref<224xf32, #tpu.memory_space<vmem>>, vector<16xf32>,
      %add3A_2424 = arith.constant 194 : i32
      %add3A_2425 = vector.broadcast %add3A_2424 : i32 to vector<16xi32>
      %add3A_2426 = arith.addi %add3A_2425, %iota3A : vector<16xi32>
      %jit3A_2427 = arith.constant 14 : i32
      %div3A_2428 = vector.broadcast %jit3A_2427 : i32 to vector<16xi32>
      %div3A_2429 = arith.divsi %add3A_2426, %div3A_2428 : vector<16xi32>
      %sign3A_2430 = arith.constant 0 : i32
      %sign3A_2431 = vector.broadcast %sign3A_2430 : i32 to vector<16xi32>
      %sign3A_2432 = arith.cmpi sgt, %add3A_2426, %sign3A_2431 : vector<16xi32>
      %sign3A_2433 = arith.extui %sign3A_2432 : vector<16xi1> to vector<16xi32>
      %sign3A_2434 = arith.constant 0 : i32
      %sign3A_2435 = vector.broadcast %sign3A_2434 : i32 to vector<16xi32>
      %sign3A_2436 = arith.cmpi slt, %add3A_2426, %sign3A_2435 : vector<16xi32>
      %sign3A_2437 = arith.extui %sign3A_2436 : vector<16xi1> to vector<16xi32>
      %sign3A_2438 = arith.subi %sign3A_2433, %sign3A_2437 : vector<16xi32>
      %sign3A_2439 = arith.constant 0 : i32
      %sign3A_2440 = arith.cmpi sgt, %jit3A_2427, %sign3A_2439 : i32
      %sign3A_2441 = arith.extui %sign3A_2440 : i1 to i32
      %sign3A_2442 = arith.constant 0 : i32
      %sign3A_2443 = arith.cmpi slt, %jit3A_2427, %sign3A_2442 : i32
      %sign3A_2444 = arith.extui %sign3A_2443 : i1 to i32
      %sign3A_2445 = arith.subi %sign3A_2441, %sign3A_2444 : i32
      %ne3A_2446 = vector.broadcast %sign3A_2445 : i32 to vector<16xi32>
      %ne3A_2447 = arith.cmpi ne, %sign3A_2438, %ne3A_2446 : vector<16xi32>
      %rem3A_2448 = vector.broadcast %jit3A_2427 : i32 to vector<16xi32>
      %rem3A_2449 = arith.remsi %add3A_2426, %rem3A_2448 : vector<16xi32>
      %ne3A_2450 = arith.constant 0 : i32
      %ne3A_2451 = vector.broadcast %ne3A_2450 : i32 to vector<16xi32>
      %ne3A_2452 = arith.cmpi ne, %rem3A_2449, %ne3A_2451 : vector<16xi32>
      %and3A_2453 = arith.andi %ne3A_2447, %ne3A_2452 : vector<16xi1>
      %sub3A_2454 = arith.constant 1 : i32
      %sub3A_2455 = vector.broadcast %sub3A_2454 : i32 to vector<16xi32>
      %sub3A_2456 = arith.subi %div3A_2429, %sub3A_2455 : vector<16xi32>
      %select_n3A_2457 = arith.select %and3A_2453, %sub3A_2456, %div3A_2429 : vector<16xi1>, vector<16xi32>
      %mul3A_2458 = arith.constant 14 : i32
      %mul3A_2459 = vector.broadcast %mul3A_2458 : i32 to vector<16xi32>
      %mul3A_2460 = arith.muli %select_n3A_2457, %mul3A_2459 : vector<16xi32>
      %sub3A_2461 = arith.subi %add3A_2426, %mul3A_2460 : vector<16xi32>
      %convert_element_type3A_2462 = arith.sitofp %select_n3A_2457 : vector<16xi32> to vector<16xf32>
      %mul3A_2463 = arith.mulf %convert_element_type3A_2462, %div3A_1414 : vector<16xf32>
      %add3A_2464 = arith.addf %mul3A_1424, %mul3A_2463 : vector<16xf32>
      %convert_element_type3A_2465 = arith.sitofp %sub3A_2461 : vector<16xi32> to vector<16xf32>
      %mul3A_2466 = arith.mulf %convert_element_type3A_2465, %div3A_1421 : vector<16xf32>
      %add3A_2467 = arith.addf %mul3A_1427, %mul3A_2466 : vector<16xf32>
      %convert_element_type3A_2468 = arith.fptosi %add3A_2464 : vector<16xf32> to vector<16xi32>
      %convert_element_type3A_2469 = arith.sitofp %convert_element_type3A_2468 : vector<16xi32> to vector<16xf32>
      %lt3A_2470 = arith.cmpf olt, %add3A_2464, %convert_element_type3A_2469 : vector<16xf32>
      %jit3A_2471 = arith.constant 1.000000e+00 : f32
      %jit3A_2472 = arith.constant 0.000000e+00 : f32
      %broadcast_in_dim3A_2473 = vector.broadcast %jit3A_2471 : f32 to vector<16xf32>
      %broadcast_in_dim3A_2474 = vector.broadcast %jit3A_2472 : f32 to vector<16xf32>
      %select_n3A_2475 = arith.select %lt3A_2470, %broadcast_in_dim3A_2473, %broadcast_in_dim3A_2474 : vector<16xi1>, vector<16xf32>
      %sub3A_2476 = arith.subf %convert_element_type3A_2469, %select_n3A_2475 : vector<16xf32>
      %convert_element_type3A_2477 = arith.fptosi %add3A_2467 : vector<16xf32> to vector<16xi32>
      %convert_element_type3A_2478 = arith.sitofp %convert_element_type3A_2477 : vector<16xi32> to vector<16xf32>
      %lt3A_2479 = arith.cmpf olt, %add3A_2467, %convert_element_type3A_2478 : vector<16xf32>
      %jit3A_2480 = arith.constant 1.000000e+00 : f32
      %jit3A_2481 = arith.constant 0.000000e+00 : f32
      %broadcast_in_dim3A_2482 = vector.broadcast %jit3A_2480 : f32 to vector<16xf32>
      %broadcast_in_dim3A_2483 = vector.broadcast %jit3A_2481 : f32 to vector<16xf32>
      %select_n3A_2484 = arith.select %lt3A_2479, %broadcast_in_dim3A_2482, %broadcast_in_dim3A_2483 : vector<16xi1>, vector<16xf32>
      %sub3A_2485 = arith.subf %convert_element_type3A_2478, %select_n3A_2484 : vector<16xf32>
      %sub3A_2486 = arith.subf %add3A_2464, %sub3A_2476 : vector<16xf32>
      %sub3A_2487 = arith.subf %add3A_2467, %sub3A_2485 : vector<16xf32>
      %jit3A_2488 = arith.constant 0.000000e+00 : f32
      %jit3A_2489 = arith.constant 2.230000e+02 : f32
      %max3A_2490 = vector.broadcast %jit3A_2488 : f32 to vector<16xf32>
      %max3A_2491 = arith.maximumf %max3A_2490, %sub3A_2476 : vector<16xf32>
      %min3A_2492 = vector.broadcast %jit3A_2489 : f32 to vector<16xf32>
      %min3A_2493 = arith.minimumf %min3A_2492, %max3A_2491 : vector<16xf32>
      %convert_element_type3A_2494 = arith.fptosi %min3A_2493 : vector<16xf32> to vector<16xi32>
      %add3A_2495 = arith.constant 1.000000e+00 : f32
      %add3A_2496 = vector.broadcast %add3A_2495 : f32 to vector<16xf32>
      %add3A_2497 = arith.addf %sub3A_2476, %add3A_2496 : vector<16xf32>
      %jit3A_2498 = arith.constant 0.000000e+00 : f32
      %jit3A_2499 = arith.constant 2.230000e+02 : f32
      %max3A_2500 = vector.broadcast %jit3A_2498 : f32 to vector<16xf32>
      %max3A_2501 = arith.maximumf %max3A_2500, %add3A_2497 : vector<16xf32>
      %min3A_2502 = vector.broadcast %jit3A_2499 : f32 to vector<16xf32>
      %min3A_2503 = arith.minimumf %min3A_2502, %max3A_2501 : vector<16xf32>
      %convert_element_type3A_2504 = arith.fptosi %min3A_2503 : vector<16xf32> to vector<16xi32>
      %jit3A_2505 = arith.constant 0.000000e+00 : f32
      %jit3A_2506 = arith.constant 2.230000e+02 : f32
      %max3A_2507 = vector.broadcast %jit3A_2505 : f32 to vector<16xf32>
      %max3A_2508 = arith.maximumf %max3A_2507, %sub3A_2485 : vector<16xf32>
      %min3A_2509 = vector.broadcast %jit3A_2506 : f32 to vector<16xf32>
      %min3A_2510 = arith.minimumf %min3A_2509, %max3A_2508 : vector<16xf32>
      %convert_element_type3A_2511 = arith.fptosi %min3A_2510 : vector<16xf32> to vector<16xi32>
      %add3A_2512 = arith.constant 1.000000e+00 : f32
      %add3A_2513 = vector.broadcast %add3A_2512 : f32 to vector<16xf32>
      %add3A_2514 = arith.addf %sub3A_2485, %add3A_2513 : vector<16xf32>
      %jit3A_2515 = arith.constant 0.000000e+00 : f32
      %jit3A_2516 = arith.constant 2.230000e+02 : f32
      %max3A_2517 = vector.broadcast %jit3A_2515 : f32 to vector<16xf32>
      %max3A_2518 = arith.maximumf %max3A_2517, %add3A_2514 : vector<16xf32>
      %min3A_2519 = vector.broadcast %jit3A_2516 : f32 to vector<16xf32>
      %min3A_2520 = arith.minimumf %min3A_2519, %max3A_2518 : vector<16xf32>
      %convert_element_type3A_2521 = arith.fptosi %min3A_2520 : vector<16xf32> to vector<16xi32>
      %ge3A_2522 = arith.constant 0.000000e+00 : f32
      %ge3A_2523 = vector.broadcast %ge3A_2522 : f32 to vector<16xf32>
      %ge3A_2524 = arith.cmpf oge, %add3A_2464, %ge3A_2523 : vector<16xf32>
      %le3A_2525 = arith.constant 2.230000e+02 : f32
      %le3A_2526 = vector.broadcast %le3A_2525 : f32 to vector<16xf32>
      %le3A_2527 = arith.cmpf ole, %add3A_2464, %le3A_2526 : vector<16xf32>
      %and3A_2528 = arith.andi %ge3A_2524, %le3A_2527 : vector<16xi1>
      %ge3A_2529 = arith.constant 0.000000e+00 : f32
      %ge3A_2530 = vector.broadcast %ge3A_2529 : f32 to vector<16xf32>
      %ge3A_2531 = arith.cmpf oge, %add3A_2467, %ge3A_2530 : vector<16xf32>
      %le3A_2532 = arith.constant 2.230000e+02 : f32
      %le3A_2533 = vector.broadcast %le3A_2532 : f32 to vector<16xf32>
      %le3A_2534 = arith.cmpf ole, %add3A_2467, %le3A_2533 : vector<16xf32>
      %and3A_2535 = arith.andi %ge3A_2531, %le3A_2534 : vector<16xi1>
      %sub3A_2536 = vector.broadcast %scan3A : f32 to vector<16xf32>
      %sub3A_2537 = arith.subf %sub3A_2536, %sub3A_2486 : vector<16xf32>
      %broadcast_in_dim3A_2538 = vector.broadcast %scan3A_7 : f32 to vector<16xf32>
      %select_n3A_2539 = arith.select %and3A_2528, %sub3A_2537, %broadcast_in_dim3A_2538 : vector<16xi1>, vector<16xf32>
      %broadcast_in_dim3A_2540 = vector.broadcast %scan3A_7 : f32 to vector<16xf32>
      %select_n3A_2541 = arith.select %and3A_2528, %sub3A_2486, %broadcast_in_dim3A_2540 : vector<16xi1>, vector<16xf32>
      %sub3A_2542 = vector.broadcast %scan3A : f32 to vector<16xf32>
      %sub3A_2543 = arith.subf %sub3A_2542, %sub3A_2487 : vector<16xf32>
      %broadcast_in_dim3A_2544 = vector.broadcast %scan3A_7 : f32 to vector<16xf32>
      %select_n3A_2545 = arith.select %and3A_2535, %sub3A_2543, %broadcast_in_dim3A_2544 : vector<16xi1>, vector<16xf32>
      %broadcast_in_dim3A_2546 = vector.broadcast %scan3A_7 : f32 to vector<16xf32>
      %select_n3A_2547 = arith.select %and3A_2535, %sub3A_2487, %broadcast_in_dim3A_2546 : vector<16xi1>, vector<16xf32>
      %mul3A_2548 = arith.constant 224 : i32
      %mul3A_2549 = vector.broadcast %mul3A_2548 : i32 to vector<16xi32>
      %mul3A_2550 = arith.muli %convert_element_type3A_2494, %mul3A_2549 : vector<16xi32>
      %add3A_2551 = vector.broadcast %mul3A_1343 : i32 to vector<16xi32>
      %add3A_2552 = arith.addi %add3A_2551, %mul3A_2550 : vector<16xi32>
      %mul3A_2553 = arith.constant 224 : i32
      %mul3A_2554 = vector.broadcast %mul3A_2553 : i32 to vector<16xi32>
      %mul3A_2555 = arith.muli %convert_element_type3A_2504, %mul3A_2554 : vector<16xi32>
      %add3A_2556 = vector.broadcast %mul3A_1343 : i32 to vector<16xi32>
      %add3A_2557 = arith.addi %add3A_2556, %mul3A_2555 : vector<16xi32>
      %add3A_2558 = arith.addi %add3A_2552, %convert_element_type3A_2511 : vector<16xi32>
      %swap3A_2559 = arith.constant 1 : i32
      %swap3A_2560 = arith.index_cast %swap3A_2559 : i32 to index
      %swap3A_2561 = arith.constant 96 : index
      %swap3A_2562 = tpu.vector_load %arg6[%swap3A_2560, %swap3A_2561] {strides = array<i32>} : memref<2x112xi32, #tpu.memory_space<vmem>>, vector<16xi32>,
      tpu.vector_store %arg6[%swap3A_2560, %swap3A_2561], %add3A_2558 {strides = array<i32>} : memref<2x112xi32, #tpu.memory_space<vmem>>, vector<16xi32>,
      %add3A_2563 = arith.addi %add3A_2552, %convert_element_type3A_2521 : vector<16xi32>
      %swap3A_2564 = arith.constant 1 : i32
      %swap3A_2565 = arith.index_cast %swap3A_2564 : i32 to index
      %swap3A_2566 = arith.constant 96 : index
      %swap3A_2567 = tpu.vector_load %arg7[%swap3A_2565, %swap3A_2566] {strides = array<i32>} : memref<2x112xi32, #tpu.memory_space<vmem>>, vector<16xi32>,
      tpu.vector_store %arg7[%swap3A_2565, %swap3A_2566], %add3A_2563 {strides = array<i32>} : memref<2x112xi32, #tpu.memory_space<vmem>>, vector<16xi32>,
      %add3A_2568 = arith.addi %add3A_2557, %convert_element_type3A_2511 : vector<16xi32>
      %swap3A_2569 = arith.constant 1 : i32
      %swap3A_2570 = arith.index_cast %swap3A_2569 : i32 to index
      %swap3A_2571 = arith.constant 96 : index
      %swap3A_2572 = tpu.vector_load %arg8[%swap3A_2570, %swap3A_2571] {strides = array<i32>} : memref<2x112xi32, #tpu.memory_space<vmem>>, vector<16xi32>,
      tpu.vector_store %arg8[%swap3A_2570, %swap3A_2571], %add3A_2568 {strides = array<i32>} : memref<2x112xi32, #tpu.memory_space<vmem>>, vector<16xi32>,
      %add3A_2573 = arith.addi %add3A_2557, %convert_element_type3A_2521 : vector<16xi32>
      %swap3A_2574 = arith.constant 1 : i32
      %swap3A_2575 = arith.index_cast %swap3A_2574 : i32 to index
      %swap3A_2576 = arith.constant 96 : index
      %swap3A_2577 = tpu.vector_load %arg9[%swap3A_2575, %swap3A_2576] {strides = array<i32>} : memref<2x112xi32, #tpu.memory_space<vmem>>, vector<16xi32>,
      tpu.vector_store %arg9[%swap3A_2575, %swap3A_2576], %add3A_2573 {strides = array<i32>} : memref<2x112xi32, #tpu.memory_space<vmem>>, vector<16xi32>,
      %mul3A_2578 = arith.mulf %select_n3A_2539, %select_n3A_2545 : vector<16xf32>
      %swap3A_2579 = arith.constant 208 : index
      %swap3A_2580 = tpu.vector_load %arg10[%swap3A_2579] {strides = array<i32>} : memref<224xf32, #tpu.memory_space<vmem>>, vector<16xf32>,
      tpu.vector_store %arg10[%swap3A_2579], %mul3A_2578 {strides = array<i32>} : memref<224xf32, #tpu.memory_space<vmem>>, vector<16xf32>,
      %mul3A_2581 = arith.mulf %select_n3A_2539, %select_n3A_2547 : vector<16xf32>
      %swap3A_2582 = arith.constant 208 : index
      %swap3A_2583 = tpu.vector_load %arg11[%swap3A_2582] {strides = array<i32>} : memref<224xf32, #tpu.memory_space<vmem>>, vector<16xf32>,
      tpu.vector_store %arg11[%swap3A_2582], %mul3A_2581 {strides = array<i32>} : memref<224xf32, #tpu.memory_space<vmem>>, vector<16xf32>,
      %mul3A_2584 = arith.mulf %select_n3A_2541, %select_n3A_2545 : vector<16xf32>
      %swap3A_2585 = arith.constant 208 : index
      %swap3A_2586 = tpu.vector_load %arg12[%swap3A_2585] {strides = array<i32>} : memref<224xf32, #tpu.memory_space<vmem>>, vector<16xf32>,
      tpu.vector_store %arg12[%swap3A_2585], %mul3A_2584 {strides = array<i32>} : memref<224xf32, #tpu.memory_space<vmem>>, vector<16xf32>,
      %mul3A_2587 = arith.mulf %select_n3A_2541, %select_n3A_2547 : vector<16xf32>
      %swap3A_2588 = arith.constant 208 : index
      %swap3A_2589 = tpu.vector_load %arg13[%swap3A_2588] {strides = array<i32>} : memref<224xf32, #tpu.memory_space<vmem>>, vector<16xf32>,
      tpu.vector_store %arg13[%swap3A_2588], %mul3A_2587 {strides = array<i32>} : memref<224xf32, #tpu.memory_space<vmem>>, vector<16xf32>,
      %dma_start3A_2590 = arith.constant 1 : i32
      %dma_start3A_2591 = arith.constant 1 : i32
      %dma_start3A_2592 = arith.constant 0 : i32
      %dma_start3A_2593 = arith.constant 0 : i32
      %dma_start3A_2594 = tpu.memref_slice %arg14[%dma_start3A_2591, %dma_start3A_2592, %dma_start3A_2593] : memref<2x112x96xf32, #tpu.memory_space<vmem>> -> memref<1x104x96xf32, #tpu.memory_space<vmem>>
      %dma_start3A_2595 = tpu.memref_squeeze %dma_start3A_2594 : memref<1x104x96xf32, #tpu.memory_space<vmem>> -> memref<104x96xf32, #tpu.memory_space<vmem>>
      %dma_start3A_2596 = arith.constant 0 : i32
      %dma_start3A_2597 = tpu.memref_slice %arg6[%dma_start3A_2590, %dma_start3A_2596] : memref<2x112xi32, #tpu.memory_space<vmem>> -> memref<1x104xi32, #tpu.memory_space<vmem>>
      %dma_start3A_2598 = tpu.memref_squeeze %dma_start3A_2597 : memref<1x104xi32, #tpu.memory_space<vmem>> -> memref<104xi32, #tpu.memory_space<vmem>>
      %dma_start3A_2599 = arith.constant 0 : i32
      %dma_start3A_2600 = arith.constant 0 : i32
      %dma_start3A_2601 = tpu.memref_slice %arg3[%dma_start3A_2599, %dma_start3A_2600] : memref<200704x96xf32, #tpu.memory_space<hbm>> -> memref<200704x96xf32, #tpu.memory_space<hbm>>
      tpu.enqueue_indirect_dma source(%dma_start3A_2601 : memref<200704x96xf32, #tpu.memory_space<hbm>>) target(%dma_start3A_2595 : memref<104x96xf32, #tpu.memory_space<vmem>>) offsets(%dma_start3A_2598 : memref<104xi32, #tpu.memory_space<vmem>>) semaphore(%arg20 : memref<!tpu.dma_semaphore, #tpu.memory_space<semaphore_mem>>)
      %dma_start3A_2602 = arith.constant 1 : i32
      %dma_start3A_2603 = arith.constant 1 : i32
      %dma_start3A_2604 = arith.constant 0 : i32
      %dma_start3A_2605 = arith.constant 0 : i32
      %dma_start3A_2606 = tpu.memref_slice %arg15[%dma_start3A_2603, %dma_start3A_2604, %dma_start3A_2605] : memref<2x112x96xf32, #tpu.memory_space<vmem>> -> memref<1x104x96xf32, #tpu.memory_space<vmem>>
      %dma_start3A_2607 = tpu.memref_squeeze %dma_start3A_2606 : memref<1x104x96xf32, #tpu.memory_space<vmem>> -> memref<104x96xf32, #tpu.memory_space<vmem>>
      %dma_start3A_2608 = arith.constant 0 : i32
      %dma_start3A_2609 = tpu.memref_slice %arg7[%dma_start3A_2602, %dma_start3A_2608] : memref<2x112xi32, #tpu.memory_space<vmem>> -> memref<1x104xi32, #tpu.memory_space<vmem>>
      %dma_start3A_2610 = tpu.memref_squeeze %dma_start3A_2609 : memref<1x104xi32, #tpu.memory_space<vmem>> -> memref<104xi32, #tpu.memory_space<vmem>>
      %dma_start3A_2611 = arith.constant 0 : i32
      %dma_start3A_2612 = arith.constant 0 : i32
      %dma_start3A_2613 = tpu.memref_slice %arg3[%dma_start3A_2611, %dma_start3A_2612] : memref<200704x96xf32, #tpu.memory_space<hbm>> -> memref<200704x96xf32, #tpu.memory_space<hbm>>
      tpu.enqueue_indirect_dma source(%dma_start3A_2613 : memref<200704x96xf32, #tpu.memory_space<hbm>>) target(%dma_start3A_2607 : memref<104x96xf32, #tpu.memory_space<vmem>>) offsets(%dma_start3A_2610 : memref<104xi32, #tpu.memory_space<vmem>>) semaphore(%arg20 : memref<!tpu.dma_semaphore, #tpu.memory_space<semaphore_mem>>)
      %dma_start3A_2614 = arith.constant 1 : i32
      %dma_start3A_2615 = arith.constant 1 : i32
      %dma_start3A_2616 = arith.constant 0 : i32
      %dma_start3A_2617 = arith.constant 0 : i32
      %dma_start3A_2618 = tpu.memref_slice %arg16[%dma_start3A_2615, %dma_start3A_2616, %dma_start3A_2617] : memref<2x112x96xf32, #tpu.memory_space<vmem>> -> memref<1x104x96xf32, #tpu.memory_space<vmem>>
      %dma_start3A_2619 = tpu.memref_squeeze %dma_start3A_2618 : memref<1x104x96xf32, #tpu.memory_space<vmem>> -> memref<104x96xf32, #tpu.memory_space<vmem>>
      %dma_start3A_2620 = arith.constant 0 : i32
      %dma_start3A_2621 = tpu.memref_slice %arg8[%dma_start3A_2614, %dma_start3A_2620] : memref<2x112xi32, #tpu.memory_space<vmem>> -> memref<1x104xi32, #tpu.memory_space<vmem>>
      %dma_start3A_2622 = tpu.memref_squeeze %dma_start3A_2621 : memref<1x104xi32, #tpu.memory_space<vmem>> -> memref<104xi32, #tpu.memory_space<vmem>>
      %dma_start3A_2623 = arith.constant 0 : i32
      %dma_start3A_2624 = arith.constant 0 : i32
      %dma_start3A_2625 = tpu.memref_slice %arg3[%dma_start3A_2623, %dma_start3A_2624] : memref<200704x96xf32, #tpu.memory_space<hbm>> -> memref<200704x96xf32, #tpu.memory_space<hbm>>
      tpu.enqueue_indirect_dma source(%dma_start3A_2625 : memref<200704x96xf32, #tpu.memory_space<hbm>>) target(%dma_start3A_2619 : memref<104x96xf32, #tpu.memory_space<vmem>>) offsets(%dma_start3A_2622 : memref<104xi32, #tpu.memory_space<vmem>>) semaphore(%arg20 : memref<!tpu.dma_semaphore, #tpu.memory_space<semaphore_mem>>)
      %dma_start3A_2626 = arith.constant 1 : i32
      %dma_start3A_2627 = arith.constant 1 : i32
      %dma_start3A_2628 = arith.constant 0 : i32
      %dma_start3A_2629 = arith.constant 0 : i32
      %dma_start3A_2630 = tpu.memref_slice %arg17[%dma_start3A_2627, %dma_start3A_2628, %dma_start3A_2629] : memref<2x112x96xf32, #tpu.memory_space<vmem>> -> memref<1x104x96xf32, #tpu.memory_space<vmem>>
      %dma_start3A_2631 = tpu.memref_squeeze %dma_start3A_2630 : memref<1x104x96xf32, #tpu.memory_space<vmem>> -> memref<104x96xf32, #tpu.memory_space<vmem>>
      %dma_start3A_2632 = arith.constant 0 : i32
      %dma_start3A_2633 = tpu.memref_slice %arg9[%dma_start3A_2626, %dma_start3A_2632] : memref<2x112xi32, #tpu.memory_space<vmem>> -> memref<1x104xi32, #tpu.memory_space<vmem>>
      %dma_start3A_2634 = tpu.memref_squeeze %dma_start3A_2633 : memref<1x104xi32, #tpu.memory_space<vmem>> -> memref<104xi32, #tpu.memory_space<vmem>>
      %dma_start3A_2635 = arith.constant 0 : i32
      %dma_start3A_2636 = arith.constant 0 : i32
      %dma_start3A_2637 = tpu.memref_slice %arg3[%dma_start3A_2635, %dma_start3A_2636] : memref<200704x96xf32, #tpu.memory_space<hbm>> -> memref<200704x96xf32, #tpu.memory_space<hbm>>
      tpu.enqueue_indirect_dma source(%dma_start3A_2637 : memref<200704x96xf32, #tpu.memory_space<hbm>>) target(%dma_start3A_2631 : memref<104x96xf32, #tpu.memory_space<vmem>>) offsets(%dma_start3A_2634 : memref<104xi32, #tpu.memory_space<vmem>>) semaphore(%arg20 : memref<!tpu.dma_semaphore, #tpu.memory_space<semaphore_mem>>)
      %dma_wait3A = arith.constant 0 : i32
      %dma_wait3A_2638 = arith.constant 0 : i32
      %dma_wait3A_2639 = arith.constant 0 : i32
      %dma_wait3A_2640 = arith.constant 0 : i32
      %dma_wait3A_2641 = tpu.memref_slice %arg14[%dma_wait3A_2638, %dma_wait3A_2639, %dma_wait3A_2640] : memref<2x112x96xf32, #tpu.memory_space<vmem>> -> memref<1x104x96xf32, #tpu.memory_space<vmem>>
      %dma_wait3A_2642 = tpu.memref_squeeze %dma_wait3A_2641 : memref<1x104x96xf32, #tpu.memory_space<vmem>> -> memref<104x96xf32, #tpu.memory_space<vmem>>
      %dma_wait3A_2643 = arith.constant 0 : i32
      %dma_wait3A_2644 = tpu.memref_slice %arg6[%dma_wait3A, %dma_wait3A_2643] : memref<2x112xi32, #tpu.memory_space<vmem>> -> memref<1x104xi32, #tpu.memory_space<vmem>>
      %dma_wait3A_2645 = tpu.memref_squeeze %dma_wait3A_2644 : memref<1x104xi32, #tpu.memory_space<vmem>> -> memref<104xi32, #tpu.memory_space<vmem>>
      %dma_wait3A_2646 = arith.constant 0 : i32
      %dma_wait3A_2647 = arith.constant 0 : i32
      %dma_wait3A_2648 = tpu.memref_slice %arg3[%dma_wait3A_2646, %dma_wait3A_2647] : memref<200704x96xf32, #tpu.memory_space<hbm>> -> memref<200704x96xf32, #tpu.memory_space<hbm>>
      tpu.wait_indirect_dma semaphore(%arg19 : memref<!tpu.dma_semaphore, #tpu.memory_space<semaphore_mem>>) src(%dma_wait3A_2648 : memref<200704x96xf32, #tpu.memory_space<hbm>>) dst(%dma_wait3A_2642 : memref<104x96xf32, #tpu.memory_space<vmem>>)
      %dma_wait3A_2649 = arith.constant 0 : i32
      %dma_wait3A_2650 = arith.constant 0 : i32
      %dma_wait3A_2651 = arith.constant 0 : i32
      %dma_wait3A_2652 = arith.constant 0 : i32
      %dma_wait3A_2653 = tpu.memref_slice %arg15[%dma_wait3A_2650, %dma_wait3A_2651, %dma_wait3A_2652] : memref<2x112x96xf32, #tpu.memory_space<vmem>> -> memref<1x104x96xf32, #tpu.memory_space<vmem>>
      %dma_wait3A_2654 = tpu.memref_squeeze %dma_wait3A_2653 : memref<1x104x96xf32, #tpu.memory_space<vmem>> -> memref<104x96xf32, #tpu.memory_space<vmem>>
      %dma_wait3A_2655 = arith.constant 0 : i32
      %dma_wait3A_2656 = tpu.memref_slice %arg7[%dma_wait3A_2649, %dma_wait3A_2655] : memref<2x112xi32, #tpu.memory_space<vmem>> -> memref<1x104xi32, #tpu.memory_space<vmem>>
      %dma_wait3A_2657 = tpu.memref_squeeze %dma_wait3A_2656 : memref<1x104xi32, #tpu.memory_space<vmem>> -> memref<104xi32, #tpu.memory_space<vmem>>
      %dma_wait3A_2658 = arith.constant 0 : i32
      %dma_wait3A_2659 = arith.constant 0 : i32
      %dma_wait3A_2660 = tpu.memref_slice %arg3[%dma_wait3A_2658, %dma_wait3A_2659] : memref<200704x96xf32, #tpu.memory_space<hbm>> -> memref<200704x96xf32, #tpu.memory_space<hbm>>
      tpu.wait_indirect_dma semaphore(%arg19 : memref<!tpu.dma_semaphore, #tpu.memory_space<semaphore_mem>>) src(%dma_wait3A_2660 : memref<200704x96xf32, #tpu.memory_space<hbm>>) dst(%dma_wait3A_2654 : memref<104x96xf32, #tpu.memory_space<vmem>>)
      %dma_wait3A_2661 = arith.constant 0 : i32
      %dma_wait3A_2662 = arith.constant 0 : i32
      %dma_wait3A_2663 = arith.constant 0 : i32
      %dma_wait3A_2664 = arith.constant 0 : i32
      %dma_wait3A_2665 = tpu.memref_slice %arg16[%dma_wait3A_2662, %dma_wait3A_2663, %dma_wait3A_2664] : memref<2x112x96xf32, #tpu.memory_space<vmem>> -> memref<1x104x96xf32, #tpu.memory_space<vmem>>
      %dma_wait3A_2666 = tpu.memref_squeeze %dma_wait3A_2665 : memref<1x104x96xf32, #tpu.memory_space<vmem>> -> memref<104x96xf32, #tpu.memory_space<vmem>>
      %dma_wait3A_2667 = arith.constant 0 : i32
      %dma_wait3A_2668 = tpu.memref_slice %arg8[%dma_wait3A_2661, %dma_wait3A_2667] : memref<2x112xi32, #tpu.memory_space<vmem>> -> memref<1x104xi32, #tpu.memory_space<vmem>>
      %dma_wait3A_2669 = tpu.memref_squeeze %dma_wait3A_2668 : memref<1x104xi32, #tpu.memory_space<vmem>> -> memref<104xi32, #tpu.memory_space<vmem>>
      %dma_wait3A_2670 = arith.constant 0 : i32
      %dma_wait3A_2671 = arith.constant 0 : i32
      %dma_wait3A_2672 = tpu.memref_slice %arg3[%dma_wait3A_2670, %dma_wait3A_2671] : memref<200704x96xf32, #tpu.memory_space<hbm>> -> memref<200704x96xf32, #tpu.memory_space<hbm>>
      tpu.wait_indirect_dma semaphore(%arg19 : memref<!tpu.dma_semaphore, #tpu.memory_space<semaphore_mem>>) src(%dma_wait3A_2672 : memref<200704x96xf32, #tpu.memory_space<hbm>>) dst(%dma_wait3A_2666 : memref<104x96xf32, #tpu.memory_space<vmem>>)
      %dma_wait3A_2673 = arith.constant 0 : i32
      %dma_wait3A_2674 = arith.constant 0 : i32
      %dma_wait3A_2675 = arith.constant 0 : i32
      %dma_wait3A_2676 = arith.constant 0 : i32
      %dma_wait3A_2677 = tpu.memref_slice %arg17[%dma_wait3A_2674, %dma_wait3A_2675, %dma_wait3A_2676] : memref<2x112x96xf32, #tpu.memory_space<vmem>> -> memref<1x104x96xf32, #tpu.memory_space<vmem>>
      %dma_wait3A_2678 = tpu.memref_squeeze %dma_wait3A_2677 : memref<1x104x96xf32, #tpu.memory_space<vmem>> -> memref<104x96xf32, #tpu.memory_space<vmem>>
      %dma_wait3A_2679 = arith.constant 0 : i32
      %dma_wait3A_2680 = tpu.memref_slice %arg9[%dma_wait3A_2673, %dma_wait3A_2679] : memref<2x112xi32, #tpu.memory_space<vmem>> -> memref<1x104xi32, #tpu.memory_space<vmem>>
      %dma_wait3A_2681 = tpu.memref_squeeze %dma_wait3A_2680 : memref<1x104xi32, #tpu.memory_space<vmem>> -> memref<104xi32, #tpu.memory_space<vmem>>
      %dma_wait3A_2682 = arith.constant 0 : i32
      %dma_wait3A_2683 = arith.constant 0 : i32
      %dma_wait3A_2684 = tpu.memref_slice %arg3[%dma_wait3A_2682, %dma_wait3A_2683] : memref<200704x96xf32, #tpu.memory_space<hbm>> -> memref<200704x96xf32, #tpu.memory_space<hbm>>
      tpu.wait_indirect_dma semaphore(%arg19 : memref<!tpu.dma_semaphore, #tpu.memory_space<semaphore_mem>>) src(%dma_wait3A_2684 : memref<200704x96xf32, #tpu.memory_space<hbm>>) dst(%dma_wait3A_2678 : memref<104x96xf32, #tpu.memory_space<vmem>>)
      %parallel_loop3A = arith.constant 0 : i32
      %parallel_loop3A_2685 = arith.constant 98 : i32
      %parallel_loop3A_2686 = arith.constant 1 : i32
      scf.for %parallel_loop3A_2814 = %parallel_loop3A to %parallel_loop3A_2685 step %parallel_loop3A_2686  : i32 {
        %parallel_loop3A_2815 = arith.constant 0 : i32
        %parallel_loop3A_2816 = vector.broadcast %parallel_loop3A_2815 : i32 to vector<16xi32>
        %parallel_loop3A_2817 = vector.broadcast %parallel_loop3A_2814 : i32 to vector<16xi32>
        %parallel_loop3A_2818 = arith.addi %parallel_loop3A_2816, %parallel_loop3A_2817 : vector<16xi32>
        %parallel_loop3A_2819 = tpu.vector_load_idx %arg10[%parallel_loop3A_2818] : memref<224xf32, #tpu.memory_space<vmem>>[vector<16xi32>], vector<16xf32>,
        %parallel_loop3A_2820 = tpu.vector_load_idx %arg11[%parallel_loop3A_2818] : memref<224xf32, #tpu.memory_space<vmem>>[vector<16xi32>], vector<16xf32>,
        %parallel_loop3A_2821 = tpu.vector_load_idx %arg12[%parallel_loop3A_2818] : memref<224xf32, #tpu.memory_space<vmem>>[vector<16xi32>], vector<16xf32>,
        %parallel_loop3A_2822 = tpu.vector_load_idx %arg13[%parallel_loop3A_2818] : memref<224xf32, #tpu.memory_space<vmem>>[vector<16xi32>], vector<16xf32>,
        %parallel_loop3A_2823 = arith.constant 0 : i32
        %parallel_loop3A_2824 = arith.index_cast %parallel_loop3A_2823 : i32 to index
        %parallel_loop3A_2825 = arith.index_cast %parallel_loop3A_2814 : i32 to index
        %parallel_loop3A_2826 = arith.constant 0 : index
        %parallel_loop3A_2827 = tpu.vector_load %arg14[%parallel_loop3A_2824, %parallel_loop3A_2825, %parallel_loop3A_2826] {strides = array<i32>} : memref<2x112x96xf32, #tpu.memory_space<vmem>>, vector<16xf32>,
        %parallel_loop3A_2828 = arith.mulf %parallel_loop3A_2827, %parallel_loop3A_2819 : vector<16xf32>
        %parallel_loop3A_2829 = arith.constant 0 : i32
        %parallel_loop3A_2830 = arith.index_cast %parallel_loop3A_2829 : i32 to index
        %parallel_loop3A_2831 = arith.index_cast %parallel_loop3A_2814 : i32 to index
        %parallel_loop3A_2832 = arith.constant 0 : index
        %parallel_loop3A_2833 = tpu.vector_load %arg15[%parallel_loop3A_2830, %parallel_loop3A_2831, %parallel_loop3A_2832] {strides = array<i32>} : memref<2x112x96xf32, #tpu.memory_space<vmem>>, vector<16xf32>,
        %parallel_loop3A_2834 = arith.mulf %parallel_loop3A_2833, %parallel_loop3A_2820 : vector<16xf32>
        %parallel_loop3A_2835 = arith.addf %parallel_loop3A_2828, %parallel_loop3A_2834 : vector<16xf32>
        %parallel_loop3A_2836 = arith.constant 0 : i32
        %parallel_loop3A_2837 = arith.index_cast %parallel_loop3A_2836 : i32 to index
        %parallel_loop3A_2838 = arith.index_cast %parallel_loop3A_2814 : i32 to index
        %parallel_loop3A_2839 = arith.constant 0 : index
        %parallel_loop3A_2840 = tpu.vector_load %arg16[%parallel_loop3A_2837, %parallel_loop3A_2838, %parallel_loop3A_2839] {strides = array<i32>} : memref<2x112x96xf32, #tpu.memory_space<vmem>>, vector<16xf32>,
        %parallel_loop3A_2841 = arith.mulf %parallel_loop3A_2840, %parallel_loop3A_2821 : vector<16xf32>
        %parallel_loop3A_2842 = arith.addf %parallel_loop3A_2835, %parallel_loop3A_2841 : vector<16xf32>
        %parallel_loop3A_2843 = arith.constant 0 : i32
        %parallel_loop3A_2844 = arith.index_cast %parallel_loop3A_2843 : i32 to index
        %parallel_loop3A_2845 = arith.index_cast %parallel_loop3A_2814 : i32 to index
        %parallel_loop3A_2846 = arith.constant 0 : index
        %parallel_loop3A_2847 = tpu.vector_load %arg17[%parallel_loop3A_2844, %parallel_loop3A_2845, %parallel_loop3A_2846] {strides = array<i32>} : memref<2x112x96xf32, #tpu.memory_space<vmem>>, vector<16xf32>,
        %parallel_loop3A_2848 = arith.mulf %parallel_loop3A_2847, %parallel_loop3A_2822 : vector<16xf32>
        %parallel_loop3A_2849 = arith.addf %parallel_loop3A_2842, %parallel_loop3A_2848 : vector<16xf32>
        %parallel_loop3A_2850 = arith.constant 0 : i32
        %parallel_loop3A_2851 = arith.index_cast %parallel_loop3A_2850 : i32 to index
        %parallel_loop3A_2852 = arith.index_cast %parallel_loop3A_2814 : i32 to index
        %parallel_loop3A_2853 = arith.constant 0 : index
        %parallel_loop3A_2854 = tpu.vector_load %arg18[%parallel_loop3A_2851, %parallel_loop3A_2852, %parallel_loop3A_2853] {strides = array<i32>} : memref<2x98x96xf32, #tpu.memory_space<vmem>>, vector<16xf32>,
        tpu.vector_store %arg18[%parallel_loop3A_2851, %parallel_loop3A_2852, %parallel_loop3A_2853], %parallel_loop3A_2849 {strides = array<i32>} : memref<2x98x96xf32, #tpu.memory_space<vmem>>, vector<16xf32>,
        %parallel_loop3A_2855 = arith.constant 0 : i32
        %parallel_loop3A_2856 = arith.index_cast %parallel_loop3A_2855 : i32 to index
        %parallel_loop3A_2857 = arith.index_cast %parallel_loop3A_2814 : i32 to index
        %parallel_loop3A_2858 = arith.constant 16 : index
        %parallel_loop3A_2859 = tpu.vector_load %arg14[%parallel_loop3A_2856, %parallel_loop3A_2857, %parallel_loop3A_2858] {strides = array<i32>} : memref<2x112x96xf32, #tpu.memory_space<vmem>>, vector<16xf32>,
        %parallel_loop3A_2860 = arith.mulf %parallel_loop3A_2859, %parallel_loop3A_2819 : vector<16xf32>
        %parallel_loop3A_2861 = arith.constant 0 : i32
        %parallel_loop3A_2862 = arith.index_cast %parallel_loop3A_2861 : i32 to index
        %parallel_loop3A_2863 = arith.index_cast %parallel_loop3A_2814 : i32 to index
        %parallel_loop3A_2864 = arith.constant 16 : index
        %parallel_loop3A_2865 = tpu.vector_load %arg15[%parallel_loop3A_2862, %parallel_loop3A_2863, %parallel_loop3A_2864] {strides = array<i32>} : memref<2x112x96xf32, #tpu.memory_space<vmem>>, vector<16xf32>,
        %parallel_loop3A_2866 = arith.mulf %parallel_loop3A_2865, %parallel_loop3A_2820 : vector<16xf32>
        %parallel_loop3A_2867 = arith.addf %parallel_loop3A_2860, %parallel_loop3A_2866 : vector<16xf32>
        %parallel_loop3A_2868 = arith.constant 0 : i32
        %parallel_loop3A_2869 = arith.index_cast %parallel_loop3A_2868 : i32 to index
        %parallel_loop3A_2870 = arith.index_cast %parallel_loop3A_2814 : i32 to index
        %parallel_loop3A_2871 = arith.constant 16 : index
        %parallel_loop3A_2872 = tpu.vector_load %arg16[%parallel_loop3A_2869, %parallel_loop3A_2870, %parallel_loop3A_2871] {strides = array<i32>} : memref<2x112x96xf32, #tpu.memory_space<vmem>>, vector<16xf32>,
        %parallel_loop3A_2873 = arith.mulf %parallel_loop3A_2872, %parallel_loop3A_2821 : vector<16xf32>
        %parallel_loop3A_2874 = arith.addf %parallel_loop3A_2867, %parallel_loop3A_2873 : vector<16xf32>
        %parallel_loop3A_2875 = arith.constant 0 : i32
        %parallel_loop3A_2876 = arith.index_cast %parallel_loop3A_2875 : i32 to index
        %parallel_loop3A_2877 = arith.index_cast %parallel_loop3A_2814 : i32 to index
        %parallel_loop3A_2878 = arith.constant 16 : index
        %parallel_loop3A_2879 = tpu.vector_load %arg17[%parallel_loop3A_2876, %parallel_loop3A_2877, %parallel_loop3A_2878] {strides = array<i32>} : memref<2x112x96xf32, #tpu.memory_space<vmem>>, vector<16xf32>,
        %parallel_loop3A_2880 = arith.mulf %parallel_loop3A_2879, %parallel_loop3A_2822 : vector<16xf32>
        %parallel_loop3A_2881 = arith.addf %parallel_loop3A_2874, %parallel_loop3A_2880 : vector<16xf32>
        %parallel_loop3A_2882 = arith.constant 0 : i32
        %parallel_loop3A_2883 = arith.index_cast %parallel_loop3A_2882 : i32 to index
        %parallel_loop3A_2884 = arith.index_cast %parallel_loop3A_2814 : i32 to index
        %parallel_loop3A_2885 = arith.constant 16 : index
        %parallel_loop3A_2886 = tpu.vector_load %arg18[%parallel_loop3A_2883, %parallel_loop3A_2884, %parallel_loop3A_2885] {strides = array<i32>} : memref<2x98x96xf32, #tpu.memory_space<vmem>>, vector<16xf32>,
        tpu.vector_store %arg18[%parallel_loop3A_2883, %parallel_loop3A_2884, %parallel_loop3A_2885], %parallel_loop3A_2881 {strides = array<i32>} : memref<2x98x96xf32, #tpu.memory_space<vmem>>, vector<16xf32>,
        %parallel_loop3A_2887 = arith.constant 0 : i32
        %parallel_loop3A_2888 = arith.index_cast %parallel_loop3A_2887 : i32 to index
        %parallel_loop3A_2889 = arith.index_cast %parallel_loop3A_2814 : i32 to index
        %parallel_loop3A_2890 = arith.constant 32 : index
        %parallel_loop3A_2891 = tpu.vector_load %arg14[%parallel_loop3A_2888, %parallel_loop3A_2889, %parallel_loop3A_2890] {strides = array<i32>} : memref<2x112x96xf32, #tpu.memory_space<vmem>>, vector<16xf32>,
        %parallel_loop3A_2892 = arith.mulf %parallel_loop3A_2891, %parallel_loop3A_2819 : vector<16xf32>
        %parallel_loop3A_2893 = arith.constant 0 : i32
        %parallel_loop3A_2894 = arith.index_cast %parallel_loop3A_2893 : i32 to index
        %parallel_loop3A_2895 = arith.index_cast %parallel_loop3A_2814 : i32 to index
        %parallel_loop3A_2896 = arith.constant 32 : index
        %parallel_loop3A_2897 = tpu.vector_load %arg15[%parallel_loop3A_2894, %parallel_loop3A_2895, %parallel_loop3A_2896] {strides = array<i32>} : memref<2x112x96xf32, #tpu.memory_space<vmem>>, vector<16xf32>,
        %parallel_loop3A_2898 = arith.mulf %parallel_loop3A_2897, %parallel_loop3A_2820 : vector<16xf32>
        %parallel_loop3A_2899 = arith.addf %parallel_loop3A_2892, %parallel_loop3A_2898 : vector<16xf32>
        %parallel_loop3A_2900 = arith.constant 0 : i32
        %parallel_loop3A_2901 = arith.index_cast %parallel_loop3A_2900 : i32 to index
        %parallel_loop3A_2902 = arith.index_cast %parallel_loop3A_2814 : i32 to index
        %parallel_loop3A_2903 = arith.constant 32 : index
        %parallel_loop3A_2904 = tpu.vector_load %arg16[%parallel_loop3A_2901, %parallel_loop3A_2902, %parallel_loop3A_2903] {strides = array<i32>} : memref<2x112x96xf32, #tpu.memory_space<vmem>>, vector<16xf32>,
        %parallel_loop3A_2905 = arith.mulf %parallel_loop3A_2904, %parallel_loop3A_2821 : vector<16xf32>
        %parallel_loop3A_2906 = arith.addf %parallel_loop3A_2899, %parallel_loop3A_2905 : vector<16xf32>
        %parallel_loop3A_2907 = arith.constant 0 : i32
        %parallel_loop3A_2908 = arith.index_cast %parallel_loop3A_2907 : i32 to index
        %parallel_loop3A_2909 = arith.index_cast %parallel_loop3A_2814 : i32 to index
        %parallel_loop3A_2910 = arith.constant 32 : index
        %parallel_loop3A_2911 = tpu.vector_load %arg17[%parallel_loop3A_2908, %parallel_loop3A_2909, %parallel_loop3A_2910] {strides = array<i32>} : memref<2x112x96xf32, #tpu.memory_space<vmem>>, vector<16xf32>,
        %parallel_loop3A_2912 = arith.mulf %parallel_loop3A_2911, %parallel_loop3A_2822 : vector<16xf32>
        %parallel_loop3A_2913 = arith.addf %parallel_loop3A_2906, %parallel_loop3A_2912 : vector<16xf32>
        %parallel_loop3A_2914 = arith.constant 0 : i32
        %parallel_loop3A_2915 = arith.index_cast %parallel_loop3A_2914 : i32 to index
        %parallel_loop3A_2916 = arith.index_cast %parallel_loop3A_2814 : i32 to index
        %parallel_loop3A_2917 = arith.constant 32 : index
        %parallel_loop3A_2918 = tpu.vector_load %arg18[%parallel_loop3A_2915, %parallel_loop3A_2916, %parallel_loop3A_2917] {strides = array<i32>} : memref<2x98x96xf32, #tpu.memory_space<vmem>>, vector<16xf32>,
        tpu.vector_store %arg18[%parallel_loop3A_2915, %parallel_loop3A_2916, %parallel_loop3A_2917], %parallel_loop3A_2913 {strides = array<i32>} : memref<2x98x96xf32, #tpu.memory_space<vmem>>, vector<16xf32>,
        %parallel_loop3A_2919 = arith.constant 0 : i32
        %parallel_loop3A_2920 = arith.index_cast %parallel_loop3A_2919 : i32 to index
        %parallel_loop3A_2921 = arith.index_cast %parallel_loop3A_2814 : i32 to index
        %parallel_loop3A_2922 = arith.constant 48 : index
        %parallel_loop3A_2923 = tpu.vector_load %arg14[%parallel_loop3A_2920, %parallel_loop3A_2921, %parallel_loop3A_2922] {strides = array<i32>} : memref<2x112x96xf32, #tpu.memory_space<vmem>>, vector<16xf32>,
        %parallel_loop3A_2924 = arith.mulf %parallel_loop3A_2923, %parallel_loop3A_2819 : vector<16xf32>
        %parallel_loop3A_2925 = arith.constant 0 : i32
        %parallel_loop3A_2926 = arith.index_cast %parallel_loop3A_2925 : i32 to index
        %parallel_loop3A_2927 = arith.index_cast %parallel_loop3A_2814 : i32 to index
        %parallel_loop3A_2928 = arith.constant 48 : index
        %parallel_loop3A_2929 = tpu.vector_load %arg15[%parallel_loop3A_2926, %parallel_loop3A_2927, %parallel_loop3A_2928] {strides = array<i32>} : memref<2x112x96xf32, #tpu.memory_space<vmem>>, vector<16xf32>,
        %parallel_loop3A_2930 = arith.mulf %parallel_loop3A_2929, %parallel_loop3A_2820 : vector<16xf32>
        %parallel_loop3A_2931 = arith.addf %parallel_loop3A_2924, %parallel_loop3A_2930 : vector<16xf32>
        %parallel_loop3A_2932 = arith.constant 0 : i32
        %parallel_loop3A_2933 = arith.index_cast %parallel_loop3A_2932 : i32 to index
        %parallel_loop3A_2934 = arith.index_cast %parallel_loop3A_2814 : i32 to index
        %parallel_loop3A_2935 = arith.constant 48 : index
        %parallel_loop3A_2936 = tpu.vector_load %arg16[%parallel_loop3A_2933, %parallel_loop3A_2934, %parallel_loop3A_2935] {strides = array<i32>} : memref<2x112x96xf32, #tpu.memory_space<vmem>>, vector<16xf32>,
        %parallel_loop3A_2937 = arith.mulf %parallel_loop3A_2936, %parallel_loop3A_2821 : vector<16xf32>
        %parallel_loop3A_2938 = arith.addf %parallel_loop3A_2931, %parallel_loop3A_2937 : vector<16xf32>
        %parallel_loop3A_2939 = arith.constant 0 : i32
        %parallel_loop3A_2940 = arith.index_cast %parallel_loop3A_2939 : i32 to index
        %parallel_loop3A_2941 = arith.index_cast %parallel_loop3A_2814 : i32 to index
        %parallel_loop3A_2942 = arith.constant 48 : index
        %parallel_loop3A_2943 = tpu.vector_load %arg17[%parallel_loop3A_2940, %parallel_loop3A_2941, %parallel_loop3A_2942] {strides = array<i32>} : memref<2x112x96xf32, #tpu.memory_space<vmem>>, vector<16xf32>,
        %parallel_loop3A_2944 = arith.mulf %parallel_loop3A_2943, %parallel_loop3A_2822 : vector<16xf32>
        %parallel_loop3A_2945 = arith.addf %parallel_loop3A_2938, %parallel_loop3A_2944 : vector<16xf32>
        %parallel_loop3A_2946 = arith.constant 0 : i32
        %parallel_loop3A_2947 = arith.index_cast %parallel_loop3A_2946 : i32 to index
        %parallel_loop3A_2948 = arith.index_cast %parallel_loop3A_2814 : i32 to index
        %parallel_loop3A_2949 = arith.constant 48 : index
        %parallel_loop3A_2950 = tpu.vector_load %arg18[%parallel_loop3A_2947, %parallel_loop3A_2948, %parallel_loop3A_2949] {strides = array<i32>} : memref<2x98x96xf32, #tpu.memory_space<vmem>>, vector<16xf32>,
        tpu.vector_store %arg18[%parallel_loop3A_2947, %parallel_loop3A_2948, %parallel_loop3A_2949], %parallel_loop3A_2945 {strides = array<i32>} : memref<2x98x96xf32, #tpu.memory_space<vmem>>, vector<16xf32>,
        %parallel_loop3A_2951 = arith.constant 0 : i32
        %parallel_loop3A_2952 = arith.index_cast %parallel_loop3A_2951 : i32 to index
        %parallel_loop3A_2953 = arith.index_cast %parallel_loop3A_2814 : i32 to index
        %parallel_loop3A_2954 = arith.constant 64 : index
        %parallel_loop3A_2955 = tpu.vector_load %arg14[%parallel_loop3A_2952, %parallel_loop3A_2953, %parallel_loop3A_2954] {strides = array<i32>} : memref<2x112x96xf32, #tpu.memory_space<vmem>>, vector<16xf32>,
        %parallel_loop3A_2956 = arith.mulf %parallel_loop3A_2955, %parallel_loop3A_2819 : vector<16xf32>
        %parallel_loop3A_2957 = arith.constant 0 : i32
        %parallel_loop3A_2958 = arith.index_cast %parallel_loop3A_2957 : i32 to index
        %parallel_loop3A_2959 = arith.index_cast %parallel_loop3A_2814 : i32 to index
        %parallel_loop3A_2960 = arith.constant 64 : index
        %parallel_loop3A_2961 = tpu.vector_load %arg15[%parallel_loop3A_2958, %parallel_loop3A_2959, %parallel_loop3A_2960] {strides = array<i32>} : memref<2x112x96xf32, #tpu.memory_space<vmem>>, vector<16xf32>,
        %parallel_loop3A_2962 = arith.mulf %parallel_loop3A_2961, %parallel_loop3A_2820 : vector<16xf32>
        %parallel_loop3A_2963 = arith.addf %parallel_loop3A_2956, %parallel_loop3A_2962 : vector<16xf32>
        %parallel_loop3A_2964 = arith.constant 0 : i32
        %parallel_loop3A_2965 = arith.index_cast %parallel_loop3A_2964 : i32 to index
        %parallel_loop3A_2966 = arith.index_cast %parallel_loop3A_2814 : i32 to index
        %parallel_loop3A_2967 = arith.constant 64 : index
        %parallel_loop3A_2968 = tpu.vector_load %arg16[%parallel_loop3A_2965, %parallel_loop3A_2966, %parallel_loop3A_2967] {strides = array<i32>} : memref<2x112x96xf32, #tpu.memory_space<vmem>>, vector<16xf32>,
        %parallel_loop3A_2969 = arith.mulf %parallel_loop3A_2968, %parallel_loop3A_2821 : vector<16xf32>
        %parallel_loop3A_2970 = arith.addf %parallel_loop3A_2963, %parallel_loop3A_2969 : vector<16xf32>
        %parallel_loop3A_2971 = arith.constant 0 : i32
        %parallel_loop3A_2972 = arith.index_cast %parallel_loop3A_2971 : i32 to index
        %parallel_loop3A_2973 = arith.index_cast %parallel_loop3A_2814 : i32 to index
        %parallel_loop3A_2974 = arith.constant 64 : index
        %parallel_loop3A_2975 = tpu.vector_load %arg17[%parallel_loop3A_2972, %parallel_loop3A_2973, %parallel_loop3A_2974] {strides = array<i32>} : memref<2x112x96xf32, #tpu.memory_space<vmem>>, vector<16xf32>,
        %parallel_loop3A_2976 = arith.mulf %parallel_loop3A_2975, %parallel_loop3A_2822 : vector<16xf32>
        %parallel_loop3A_2977 = arith.addf %parallel_loop3A_2970, %parallel_loop3A_2976 : vector<16xf32>
        %parallel_loop3A_2978 = arith.constant 0 : i32
        %parallel_loop3A_2979 = arith.index_cast %parallel_loop3A_2978 : i32 to index
        %parallel_loop3A_2980 = arith.index_cast %parallel_loop3A_2814 : i32 to index
        %parallel_loop3A_2981 = arith.constant 64 : index
        %parallel_loop3A_2982 = tpu.vector_load %arg18[%parallel_loop3A_2979, %parallel_loop3A_2980, %parallel_loop3A_2981] {strides = array<i32>} : memref<2x98x96xf32, #tpu.memory_space<vmem>>, vector<16xf32>,
        tpu.vector_store %arg18[%parallel_loop3A_2979, %parallel_loop3A_2980, %parallel_loop3A_2981], %parallel_loop3A_2977 {strides = array<i32>} : memref<2x98x96xf32, #tpu.memory_space<vmem>>, vector<16xf32>,
        %parallel_loop3A_2983 = arith.constant 0 : i32
        %parallel_loop3A_2984 = arith.index_cast %parallel_loop3A_2983 : i32 to index
        %parallel_loop3A_2985 = arith.index_cast %parallel_loop3A_2814 : i32 to index
        %parallel_loop3A_2986 = arith.constant 80 : index
        %parallel_loop3A_2987 = tpu.vector_load %arg14[%parallel_loop3A_2984, %parallel_loop3A_2985, %parallel_loop3A_2986] {strides = array<i32>} : memref<2x112x96xf32, #tpu.memory_space<vmem>>, vector<16xf32>,
        %parallel_loop3A_2988 = arith.mulf %parallel_loop3A_2987, %parallel_loop3A_2819 : vector<16xf32>
        %parallel_loop3A_2989 = arith.constant 0 : i32
        %parallel_loop3A_2990 = arith.index_cast %parallel_loop3A_2989 : i32 to index
        %parallel_loop3A_2991 = arith.index_cast %parallel_loop3A_2814 : i32 to index
        %parallel_loop3A_2992 = arith.constant 80 : index
        %parallel_loop3A_2993 = tpu.vector_load %arg15[%parallel_loop3A_2990, %parallel_loop3A_2991, %parallel_loop3A_2992] {strides = array<i32>} : memref<2x112x96xf32, #tpu.memory_space<vmem>>, vector<16xf32>,
        %parallel_loop3A_2994 = arith.mulf %parallel_loop3A_2993, %parallel_loop3A_2820 : vector<16xf32>
        %parallel_loop3A_2995 = arith.addf %parallel_loop3A_2988, %parallel_loop3A_2994 : vector<16xf32>
        %parallel_loop3A_2996 = arith.constant 0 : i32
        %parallel_loop3A_2997 = arith.index_cast %parallel_loop3A_2996 : i32 to index
        %parallel_loop3A_2998 = arith.index_cast %parallel_loop3A_2814 : i32 to index
        %parallel_loop3A_2999 = arith.constant 80 : index
        %parallel_loop3A_3000 = tpu.vector_load %arg16[%parallel_loop3A_2997, %parallel_loop3A_2998, %parallel_loop3A_2999] {strides = array<i32>} : memref<2x112x96xf32, #tpu.memory_space<vmem>>, vector<16xf32>,
        %parallel_loop3A_3001 = arith.mulf %parallel_loop3A_3000, %parallel_loop3A_2821 : vector<16xf32>
        %parallel_loop3A_3002 = arith.addf %parallel_loop3A_2995, %parallel_loop3A_3001 : vector<16xf32>
        %parallel_loop3A_3003 = arith.constant 0 : i32
        %parallel_loop3A_3004 = arith.index_cast %parallel_loop3A_3003 : i32 to index
        %parallel_loop3A_3005 = arith.index_cast %parallel_loop3A_2814 : i32 to index
        %parallel_loop3A_3006 = arith.constant 80 : index
        %parallel_loop3A_3007 = tpu.vector_load %arg17[%parallel_loop3A_3004, %parallel_loop3A_3005, %parallel_loop3A_3006] {strides = array<i32>} : memref<2x112x96xf32, #tpu.memory_space<vmem>>, vector<16xf32>,
        %parallel_loop3A_3008 = arith.mulf %parallel_loop3A_3007, %parallel_loop3A_2822 : vector<16xf32>
        %parallel_loop3A_3009 = arith.addf %parallel_loop3A_3002, %parallel_loop3A_3008 : vector<16xf32>
        %parallel_loop3A_3010 = arith.constant 0 : i32
        %parallel_loop3A_3011 = arith.index_cast %parallel_loop3A_3010 : i32 to index
        %parallel_loop3A_3012 = arith.index_cast %parallel_loop3A_2814 : i32 to index
        %parallel_loop3A_3013 = arith.constant 80 : index
        %parallel_loop3A_3014 = tpu.vector_load %arg18[%parallel_loop3A_3011, %parallel_loop3A_3012, %parallel_loop3A_3013] {strides = array<i32>} : memref<2x98x96xf32, #tpu.memory_space<vmem>>, vector<16xf32>,
        tpu.vector_store %arg18[%parallel_loop3A_3011, %parallel_loop3A_3012, %parallel_loop3A_3013], %parallel_loop3A_3009 {strides = array<i32>} : memref<2x98x96xf32, #tpu.memory_space<vmem>>, vector<16xf32>,
      } {sc.loop_unroll_factor = 7 : i64, sc.parallel_access}
      %mul3A_2687 = arith.constant 2 : i32
      %mul3A_2688 = arith.muli %mul3A_2687, %scan3A_13 : i32
      %add3A_2689 = arith.addi %mul3A_4, %mul3A_2688 : i32
      %dma_start3A_2690 = arith.constant 0 : i32
      %dma_start3A_2691 = arith.constant 0 : i32
      %dma_start3A_2692 = arith.constant 0 : i32
      %dma_start3A_2693 = tpu.memref_slice %arg18[%dma_start3A_2690, %dma_start3A_2691, %dma_start3A_2692] : memref<2x98x96xf32, #tpu.memory_space<vmem>> -> memref<1x98x96xf32, #tpu.memory_space<vmem>>
      %dma_start3A_2694 = tpu.memref_squeeze %dma_start3A_2693 : memref<1x98x96xf32, #tpu.memory_space<vmem>> -> memref<98x96xf32, #tpu.memory_space<vmem>>
      %dma_start3A_2695 = arith.constant 0 : i32
      %dma_start3A_2696 = arith.constant 0 : i32
      %dma_start3A_2697 = tpu.memref_slice %arg4[%add3A_2689, %dma_start3A_2695, %dma_start3A_2696] : memref<4096x98x96xf32, #tpu.memory_space<hbm>> -> memref<1x98x96xf32, #tpu.memory_space<hbm>>
      %dma_start3A_2698 = tpu.memref_squeeze %dma_start3A_2697 : memref<1x98x96xf32, #tpu.memory_space<hbm>> -> memref<98x96xf32, #tpu.memory_space<hbm>>
      %dma_start3A_2699 = arith.constant 0 : i32
      %dma_start3A_2700 = arith.constant 0 : i32
      %dma_start3A_2701 = tpu.memref_slice %arg4[%add3A_2689, %dma_start3A_2699, %dma_start3A_2700] : memref<4096x98x96xf32, #tpu.memory_space<hbm>> -> memref<1x98x96xf32, #tpu.memory_space<hbm>>
      %dma_start3A_2702 = tpu.memref_squeeze %dma_start3A_2701 : memref<1x98x96xf32, #tpu.memory_space<hbm>> -> memref<98x96xf32, #tpu.memory_space<hbm>>
      %dma_start3A_2703 = arith.constant 0 : i32
      %dma_start3A_2704 = arith.constant 0 : i32
      %dma_start3A_2705 = tpu.memref_slice %arg18[%dma_start3A_2690, %dma_start3A_2703, %dma_start3A_2704] : memref<2x98x96xf32, #tpu.memory_space<vmem>> -> memref<1x98x96xf32, #tpu.memory_space<vmem>>
      %dma_start3A_2706 = tpu.memref_squeeze %dma_start3A_2705 : memref<1x98x96xf32, #tpu.memory_space<vmem>> -> memref<98x96xf32, #tpu.memory_space<vmem>>
      tpu.enqueue_dma source(%dma_start3A_2706 : memref<98x96xf32, #tpu.memory_space<vmem>>) target(%dma_start3A_2702 : memref<98x96xf32, #tpu.memory_space<hbm>>) target_semaphore(%arg21 : memref<!tpu.dma_semaphore, #tpu.memory_space<semaphore_mem>>)
      %dma_wait3A_2707 = arith.constant 1 : i32
      %dma_wait3A_2708 = arith.constant 1 : i32
      %dma_wait3A_2709 = arith.constant 0 : i32
      %dma_wait3A_2710 = arith.constant 0 : i32
      %dma_wait3A_2711 = tpu.memref_slice %arg14[%dma_wait3A_2708, %dma_wait3A_2709, %dma_wait3A_2710] : memref<2x112x96xf32, #tpu.memory_space<vmem>> -> memref<1x104x96xf32, #tpu.memory_space<vmem>>
      %dma_wait3A_2712 = tpu.memref_squeeze %dma_wait3A_2711 : memref<1x104x96xf32, #tpu.memory_space<vmem>> -> memref<104x96xf32, #tpu.memory_space<vmem>>
      %dma_wait3A_2713 = arith.constant 0 : i32
      %dma_wait3A_2714 = tpu.memref_slice %arg6[%dma_wait3A_2707, %dma_wait3A_2713] : memref<2x112xi32, #tpu.memory_space<vmem>> -> memref<1x104xi32, #tpu.memory_space<vmem>>
      %dma_wait3A_2715 = tpu.memref_squeeze %dma_wait3A_2714 : memref<1x104xi32, #tpu.memory_space<vmem>> -> memref<104xi32, #tpu.memory_space<vmem>>
      %dma_wait3A_2716 = arith.constant 0 : i32
      %dma_wait3A_2717 = arith.constant 0 : i32
      %dma_wait3A_2718 = tpu.memref_slice %arg3[%dma_wait3A_2716, %dma_wait3A_2717] : memref<200704x96xf32, #tpu.memory_space<hbm>> -> memref<200704x96xf32, #tpu.memory_space<hbm>>
      tpu.wait_indirect_dma semaphore(%arg20 : memref<!tpu.dma_semaphore, #tpu.memory_space<semaphore_mem>>) src(%dma_wait3A_2718 : memref<200704x96xf32, #tpu.memory_space<hbm>>) dst(%dma_wait3A_2712 : memref<104x96xf32, #tpu.memory_space<vmem>>)
      %dma_wait3A_2719 = arith.constant 1 : i32
      %dma_wait3A_2720 = arith.constant 1 : i32
      %dma_wait3A_2721 = arith.constant 0 : i32
      %dma_wait3A_2722 = arith.constant 0 : i32
      %dma_wait3A_2723 = tpu.memref_slice %arg15[%dma_wait3A_2720, %dma_wait3A_2721, %dma_wait3A_2722] : memref<2x112x96xf32, #tpu.memory_space<vmem>> -> memref<1x104x96xf32, #tpu.memory_space<vmem>>
      %dma_wait3A_2724 = tpu.memref_squeeze %dma_wait3A_2723 : memref<1x104x96xf32, #tpu.memory_space<vmem>> -> memref<104x96xf32, #tpu.memory_space<vmem>>
      %dma_wait3A_2725 = arith.constant 0 : i32
      %dma_wait3A_2726 = tpu.memref_slice %arg7[%dma_wait3A_2719, %dma_wait3A_2725] : memref<2x112xi32, #tpu.memory_space<vmem>> -> memref<1x104xi32, #tpu.memory_space<vmem>>
      %dma_wait3A_2727 = tpu.memref_squeeze %dma_wait3A_2726 : memref<1x104xi32, #tpu.memory_space<vmem>> -> memref<104xi32, #tpu.memory_space<vmem>>
      %dma_wait3A_2728 = arith.constant 0 : i32
      %dma_wait3A_2729 = arith.constant 0 : i32
      %dma_wait3A_2730 = tpu.memref_slice %arg3[%dma_wait3A_2728, %dma_wait3A_2729] : memref<200704x96xf32, #tpu.memory_space<hbm>> -> memref<200704x96xf32, #tpu.memory_space<hbm>>
      tpu.wait_indirect_dma semaphore(%arg20 : memref<!tpu.dma_semaphore, #tpu.memory_space<semaphore_mem>>) src(%dma_wait3A_2730 : memref<200704x96xf32, #tpu.memory_space<hbm>>) dst(%dma_wait3A_2724 : memref<104x96xf32, #tpu.memory_space<vmem>>)
      %dma_wait3A_2731 = arith.constant 1 : i32
      %dma_wait3A_2732 = arith.constant 1 : i32
      %dma_wait3A_2733 = arith.constant 0 : i32
      %dma_wait3A_2734 = arith.constant 0 : i32
      %dma_wait3A_2735 = tpu.memref_slice %arg16[%dma_wait3A_2732, %dma_wait3A_2733, %dma_wait3A_2734] : memref<2x112x96xf32, #tpu.memory_space<vmem>> -> memref<1x104x96xf32, #tpu.memory_space<vmem>>
      %dma_wait3A_2736 = tpu.memref_squeeze %dma_wait3A_2735 : memref<1x104x96xf32, #tpu.memory_space<vmem>> -> memref<104x96xf32, #tpu.memory_space<vmem>>
      %dma_wait3A_2737 = arith.constant 0 : i32
      %dma_wait3A_2738 = tpu.memref_slice %arg8[%dma_wait3A_2731, %dma_wait3A_2737] : memref<2x112xi32, #tpu.memory_space<vmem>> -> memref<1x104xi32, #tpu.memory_space<vmem>>
      %dma_wait3A_2739 = tpu.memref_squeeze %dma_wait3A_2738 : memref<1x104xi32, #tpu.memory_space<vmem>> -> memref<104xi32, #tpu.memory_space<vmem>>
      %dma_wait3A_2740 = arith.constant 0 : i32
      %dma_wait3A_2741 = arith.constant 0 : i32
      %dma_wait3A_2742 = tpu.memref_slice %arg3[%dma_wait3A_2740, %dma_wait3A_2741] : memref<200704x96xf32, #tpu.memory_space<hbm>> -> memref<200704x96xf32, #tpu.memory_space<hbm>>
      tpu.wait_indirect_dma semaphore(%arg20 : memref<!tpu.dma_semaphore, #tpu.memory_space<semaphore_mem>>) src(%dma_wait3A_2742 : memref<200704x96xf32, #tpu.memory_space<hbm>>) dst(%dma_wait3A_2736 : memref<104x96xf32, #tpu.memory_space<vmem>>)
      %dma_wait3A_2743 = arith.constant 1 : i32
      %dma_wait3A_2744 = arith.constant 1 : i32
      %dma_wait3A_2745 = arith.constant 0 : i32
      %dma_wait3A_2746 = arith.constant 0 : i32
      %dma_wait3A_2747 = tpu.memref_slice %arg17[%dma_wait3A_2744, %dma_wait3A_2745, %dma_wait3A_2746] : memref<2x112x96xf32, #tpu.memory_space<vmem>> -> memref<1x104x96xf32, #tpu.memory_space<vmem>>
      %dma_wait3A_2748 = tpu.memref_squeeze %dma_wait3A_2747 : memref<1x104x96xf32, #tpu.memory_space<vmem>> -> memref<104x96xf32, #tpu.memory_space<vmem>>
      %dma_wait3A_2749 = arith.constant 0 : i32
      %dma_wait3A_2750 = tpu.memref_slice %arg9[%dma_wait3A_2743, %dma_wait3A_2749] : memref<2x112xi32, #tpu.memory_space<vmem>> -> memref<1x104xi32, #tpu.memory_space<vmem>>
      %dma_wait3A_2751 = tpu.memref_squeeze %dma_wait3A_2750 : memref<1x104xi32, #tpu.memory_space<vmem>> -> memref<104xi32, #tpu.memory_space<vmem>>
      %dma_wait3A_2752 = arith.constant 0 : i32
      %dma_wait3A_2753 = arith.constant 0 : i32
      %dma_wait3A_2754 = tpu.memref_slice %arg3[%dma_wait3A_2752, %dma_wait3A_2753] : memref<200704x96xf32, #tpu.memory_space<hbm>> -> memref<200704x96xf32, #tpu.memory_space<hbm>>
      tpu.wait_indirect_dma semaphore(%arg20 : memref<!tpu.dma_semaphore, #tpu.memory_space<semaphore_mem>>) src(%dma_wait3A_2754 : memref<200704x96xf32, #tpu.memory_space<hbm>>) dst(%dma_wait3A_2748 : memref<104x96xf32, #tpu.memory_space<vmem>>)
      %parallel_loop3A_2755 = arith.constant 0 : i32
      %parallel_loop3A_2756 = arith.constant 98 : i32
      %parallel_loop3A_2757 = arith.constant 1 : i32
      scf.for %parallel_loop3A_2814 = %parallel_loop3A_2755 to %parallel_loop3A_2756 step %parallel_loop3A_2757  : i32 {
        %parallel_loop3A_2815 = arith.constant 112 : i32
        %parallel_loop3A_2816 = vector.broadcast %parallel_loop3A_2815 : i32 to vector<16xi32>
        %parallel_loop3A_2817 = vector.broadcast %parallel_loop3A_2814 : i32 to vector<16xi32>
        %parallel_loop3A_2818 = arith.addi %parallel_loop3A_2816, %parallel_loop3A_2817 : vector<16xi32>
        %parallel_loop3A_2819 = tpu.vector_load_idx %arg10[%parallel_loop3A_2818] : memref<224xf32, #tpu.memory_space<vmem>>[vector<16xi32>], vector<16xf32>,
        %parallel_loop3A_2820 = tpu.vector_load_idx %arg11[%parallel_loop3A_2818] : memref<224xf32, #tpu.memory_space<vmem>>[vector<16xi32>], vector<16xf32>,
        %parallel_loop3A_2821 = tpu.vector_load_idx %arg12[%parallel_loop3A_2818] : memref<224xf32, #tpu.memory_space<vmem>>[vector<16xi32>], vector<16xf32>,
        %parallel_loop3A_2822 = tpu.vector_load_idx %arg13[%parallel_loop3A_2818] : memref<224xf32, #tpu.memory_space<vmem>>[vector<16xi32>], vector<16xf32>,
        %parallel_loop3A_2823 = arith.constant 1 : i32
        %parallel_loop3A_2824 = arith.index_cast %parallel_loop3A_2823 : i32 to index
        %parallel_loop3A_2825 = arith.index_cast %parallel_loop3A_2814 : i32 to index
        %parallel_loop3A_2826 = arith.constant 0 : index
        %parallel_loop3A_2827 = tpu.vector_load %arg14[%parallel_loop3A_2824, %parallel_loop3A_2825, %parallel_loop3A_2826] {strides = array<i32>} : memref<2x112x96xf32, #tpu.memory_space<vmem>>, vector<16xf32>,
        %parallel_loop3A_2828 = arith.mulf %parallel_loop3A_2827, %parallel_loop3A_2819 : vector<16xf32>
        %parallel_loop3A_2829 = arith.constant 1 : i32
        %parallel_loop3A_2830 = arith.index_cast %parallel_loop3A_2829 : i32 to index
        %parallel_loop3A_2831 = arith.index_cast %parallel_loop3A_2814 : i32 to index
        %parallel_loop3A_2832 = arith.constant 0 : index
        %parallel_loop3A_2833 = tpu.vector_load %arg15[%parallel_loop3A_2830, %parallel_loop3A_2831, %parallel_loop3A_2832] {strides = array<i32>} : memref<2x112x96xf32, #tpu.memory_space<vmem>>, vector<16xf32>,
        %parallel_loop3A_2834 = arith.mulf %parallel_loop3A_2833, %parallel_loop3A_2820 : vector<16xf32>
        %parallel_loop3A_2835 = arith.addf %parallel_loop3A_2828, %parallel_loop3A_2834 : vector<16xf32>
        %parallel_loop3A_2836 = arith.constant 1 : i32
        %parallel_loop3A_2837 = arith.index_cast %parallel_loop3A_2836 : i32 to index
        %parallel_loop3A_2838 = arith.index_cast %parallel_loop3A_2814 : i32 to index
        %parallel_loop3A_2839 = arith.constant 0 : index
        %parallel_loop3A_2840 = tpu.vector_load %arg16[%parallel_loop3A_2837, %parallel_loop3A_2838, %parallel_loop3A_2839] {strides = array<i32>} : memref<2x112x96xf32, #tpu.memory_space<vmem>>, vector<16xf32>,
        %parallel_loop3A_2841 = arith.mulf %parallel_loop3A_2840, %parallel_loop3A_2821 : vector<16xf32>
        %parallel_loop3A_2842 = arith.addf %parallel_loop3A_2835, %parallel_loop3A_2841 : vector<16xf32>
        %parallel_loop3A_2843 = arith.constant 1 : i32
        %parallel_loop3A_2844 = arith.index_cast %parallel_loop3A_2843 : i32 to index
        %parallel_loop3A_2845 = arith.index_cast %parallel_loop3A_2814 : i32 to index
        %parallel_loop3A_2846 = arith.constant 0 : index
        %parallel_loop3A_2847 = tpu.vector_load %arg17[%parallel_loop3A_2844, %parallel_loop3A_2845, %parallel_loop3A_2846] {strides = array<i32>} : memref<2x112x96xf32, #tpu.memory_space<vmem>>, vector<16xf32>,
        %parallel_loop3A_2848 = arith.mulf %parallel_loop3A_2847, %parallel_loop3A_2822 : vector<16xf32>
        %parallel_loop3A_2849 = arith.addf %parallel_loop3A_2842, %parallel_loop3A_2848 : vector<16xf32>
        %parallel_loop3A_2850 = arith.constant 1 : i32
        %parallel_loop3A_2851 = arith.index_cast %parallel_loop3A_2850 : i32 to index
        %parallel_loop3A_2852 = arith.index_cast %parallel_loop3A_2814 : i32 to index
        %parallel_loop3A_2853 = arith.constant 0 : index
        %parallel_loop3A_2854 = tpu.vector_load %arg18[%parallel_loop3A_2851, %parallel_loop3A_2852, %parallel_loop3A_2853] {strides = array<i32>} : memref<2x98x96xf32, #tpu.memory_space<vmem>>, vector<16xf32>,
        tpu.vector_store %arg18[%parallel_loop3A_2851, %parallel_loop3A_2852, %parallel_loop3A_2853], %parallel_loop3A_2849 {strides = array<i32>} : memref<2x98x96xf32, #tpu.memory_space<vmem>>, vector<16xf32>,
        %parallel_loop3A_2855 = arith.constant 1 : i32
        %parallel_loop3A_2856 = arith.index_cast %parallel_loop3A_2855 : i32 to index
        %parallel_loop3A_2857 = arith.index_cast %parallel_loop3A_2814 : i32 to index
        %parallel_loop3A_2858 = arith.constant 16 : index
        %parallel_loop3A_2859 = tpu.vector_load %arg14[%parallel_loop3A_2856, %parallel_loop3A_2857, %parallel_loop3A_2858] {strides = array<i32>} : memref<2x112x96xf32, #tpu.memory_space<vmem>>, vector<16xf32>,
        %parallel_loop3A_2860 = arith.mulf %parallel_loop3A_2859, %parallel_loop3A_2819 : vector<16xf32>
        %parallel_loop3A_2861 = arith.constant 1 : i32
        %parallel_loop3A_2862 = arith.index_cast %parallel_loop3A_2861 : i32 to index
        %parallel_loop3A_2863 = arith.index_cast %parallel_loop3A_2814 : i32 to index
        %parallel_loop3A_2864 = arith.constant 16 : index
        %parallel_loop3A_2865 = tpu.vector_load %arg15[%parallel_loop3A_2862, %parallel_loop3A_2863, %parallel_loop3A_2864] {strides = array<i32>} : memref<2x112x96xf32, #tpu.memory_space<vmem>>, vector<16xf32>,
        %parallel_loop3A_2866 = arith.mulf %parallel_loop3A_2865, %parallel_loop3A_2820 : vector<16xf32>
        %parallel_loop3A_2867 = arith.addf %parallel_loop3A_2860, %parallel_loop3A_2866 : vector<16xf32>
        %parallel_loop3A_2868 = arith.constant 1 : i32
        %parallel_loop3A_2869 = arith.index_cast %parallel_loop3A_2868 : i32 to index
        %parallel_loop3A_2870 = arith.index_cast %parallel_loop3A_2814 : i32 to index
        %parallel_loop3A_2871 = arith.constant 16 : index
        %parallel_loop3A_2872 = tpu.vector_load %arg16[%parallel_loop3A_2869, %parallel_loop3A_2870, %parallel_loop3A_2871] {strides = array<i32>} : memref<2x112x96xf32, #tpu.memory_space<vmem>>, vector<16xf32>,
        %parallel_loop3A_2873 = arith.mulf %parallel_loop3A_2872, %parallel_loop3A_2821 : vector<16xf32>
        %parallel_loop3A_2874 = arith.addf %parallel_loop3A_2867, %parallel_loop3A_2873 : vector<16xf32>
        %parallel_loop3A_2875 = arith.constant 1 : i32
        %parallel_loop3A_2876 = arith.index_cast %parallel_loop3A_2875 : i32 to index
        %parallel_loop3A_2877 = arith.index_cast %parallel_loop3A_2814 : i32 to index
        %parallel_loop3A_2878 = arith.constant 16 : index
        %parallel_loop3A_2879 = tpu.vector_load %arg17[%parallel_loop3A_2876, %parallel_loop3A_2877, %parallel_loop3A_2878] {strides = array<i32>} : memref<2x112x96xf32, #tpu.memory_space<vmem>>, vector<16xf32>,
        %parallel_loop3A_2880 = arith.mulf %parallel_loop3A_2879, %parallel_loop3A_2822 : vector<16xf32>
        %parallel_loop3A_2881 = arith.addf %parallel_loop3A_2874, %parallel_loop3A_2880 : vector<16xf32>
        %parallel_loop3A_2882 = arith.constant 1 : i32
        %parallel_loop3A_2883 = arith.index_cast %parallel_loop3A_2882 : i32 to index
        %parallel_loop3A_2884 = arith.index_cast %parallel_loop3A_2814 : i32 to index
        %parallel_loop3A_2885 = arith.constant 16 : index
        %parallel_loop3A_2886 = tpu.vector_load %arg18[%parallel_loop3A_2883, %parallel_loop3A_2884, %parallel_loop3A_2885] {strides = array<i32>} : memref<2x98x96xf32, #tpu.memory_space<vmem>>, vector<16xf32>,
        tpu.vector_store %arg18[%parallel_loop3A_2883, %parallel_loop3A_2884, %parallel_loop3A_2885], %parallel_loop3A_2881 {strides = array<i32>} : memref<2x98x96xf32, #tpu.memory_space<vmem>>, vector<16xf32>,
        %parallel_loop3A_2887 = arith.constant 1 : i32
        %parallel_loop3A_2888 = arith.index_cast %parallel_loop3A_2887 : i32 to index
        %parallel_loop3A_2889 = arith.index_cast %parallel_loop3A_2814 : i32 to index
        %parallel_loop3A_2890 = arith.constant 32 : index
        %parallel_loop3A_2891 = tpu.vector_load %arg14[%parallel_loop3A_2888, %parallel_loop3A_2889, %parallel_loop3A_2890] {strides = array<i32>} : memref<2x112x96xf32, #tpu.memory_space<vmem>>, vector<16xf32>,
        %parallel_loop3A_2892 = arith.mulf %parallel_loop3A_2891, %parallel_loop3A_2819 : vector<16xf32>
        %parallel_loop3A_2893 = arith.constant 1 : i32
        %parallel_loop3A_2894 = arith.index_cast %parallel_loop3A_2893 : i32 to index
        %parallel_loop3A_2895 = arith.index_cast %parallel_loop3A_2814 : i32 to index
        %parallel_loop3A_2896 = arith.constant 32 : index
        %parallel_loop3A_2897 = tpu.vector_load %arg15[%parallel_loop3A_2894, %parallel_loop3A_2895, %parallel_loop3A_2896] {strides = array<i32>} : memref<2x112x96xf32, #tpu.memory_space<vmem>>, vector<16xf32>,
        %parallel_loop3A_2898 = arith.mulf %parallel_loop3A_2897, %parallel_loop3A_2820 : vector<16xf32>
        %parallel_loop3A_2899 = arith.addf %parallel_loop3A_2892, %parallel_loop3A_2898 : vector<16xf32>
        %parallel_loop3A_2900 = arith.constant 1 : i32
        %parallel_loop3A_2901 = arith.index_cast %parallel_loop3A_2900 : i32 to index
        %parallel_loop3A_2902 = arith.index_cast %parallel_loop3A_2814 : i32 to index
        %parallel_loop3A_2903 = arith.constant 32 : index
        %parallel_loop3A_2904 = tpu.vector_load %arg16[%parallel_loop3A_2901, %parallel_loop3A_2902, %parallel_loop3A_2903] {strides = array<i32>} : memref<2x112x96xf32, #tpu.memory_space<vmem>>, vector<16xf32>,
        %parallel_loop3A_2905 = arith.mulf %parallel_loop3A_2904, %parallel_loop3A_2821 : vector<16xf32>
        %parallel_loop3A_2906 = arith.addf %parallel_loop3A_2899, %parallel_loop3A_2905 : vector<16xf32>
        %parallel_loop3A_2907 = arith.constant 1 : i32
        %parallel_loop3A_2908 = arith.index_cast %parallel_loop3A_2907 : i32 to index
        %parallel_loop3A_2909 = arith.index_cast %parallel_loop3A_2814 : i32 to index
        %parallel_loop3A_2910 = arith.constant 32 : index
        %parallel_loop3A_2911 = tpu.vector_load %arg17[%parallel_loop3A_2908, %parallel_loop3A_2909, %parallel_loop3A_2910] {strides = array<i32>} : memref<2x112x96xf32, #tpu.memory_space<vmem>>, vector<16xf32>,
        %parallel_loop3A_2912 = arith.mulf %parallel_loop3A_2911, %parallel_loop3A_2822 : vector<16xf32>
        %parallel_loop3A_2913 = arith.addf %parallel_loop3A_2906, %parallel_loop3A_2912 : vector<16xf32>
        %parallel_loop3A_2914 = arith.constant 1 : i32
        %parallel_loop3A_2915 = arith.index_cast %parallel_loop3A_2914 : i32 to index
        %parallel_loop3A_2916 = arith.index_cast %parallel_loop3A_2814 : i32 to index
        %parallel_loop3A_2917 = arith.constant 32 : index
        %parallel_loop3A_2918 = tpu.vector_load %arg18[%parallel_loop3A_2915, %parallel_loop3A_2916, %parallel_loop3A_2917] {strides = array<i32>} : memref<2x98x96xf32, #tpu.memory_space<vmem>>, vector<16xf32>,
        tpu.vector_store %arg18[%parallel_loop3A_2915, %parallel_loop3A_2916, %parallel_loop3A_2917], %parallel_loop3A_2913 {strides = array<i32>} : memref<2x98x96xf32, #tpu.memory_space<vmem>>, vector<16xf32>,
        %parallel_loop3A_2919 = arith.constant 1 : i32
        %parallel_loop3A_2920 = arith.index_cast %parallel_loop3A_2919 : i32 to index
        %parallel_loop3A_2921 = arith.index_cast %parallel_loop3A_2814 : i32 to index
        %parallel_loop3A_2922 = arith.constant 48 : index
        %parallel_loop3A_2923 = tpu.vector_load %arg14[%parallel_loop3A_2920, %parallel_loop3A_2921, %parallel_loop3A_2922] {strides = array<i32>} : memref<2x112x96xf32, #tpu.memory_space<vmem>>, vector<16xf32>,
        %parallel_loop3A_2924 = arith.mulf %parallel_loop3A_2923, %parallel_loop3A_2819 : vector<16xf32>
        %parallel_loop3A_2925 = arith.constant 1 : i32
        %parallel_loop3A_2926 = arith.index_cast %parallel_loop3A_2925 : i32 to index
        %parallel_loop3A_2927 = arith.index_cast %parallel_loop3A_2814 : i32 to index
        %parallel_loop3A_2928 = arith.constant 48 : index
        %parallel_loop3A_2929 = tpu.vector_load %arg15[%parallel_loop3A_2926, %parallel_loop3A_2927, %parallel_loop3A_2928] {strides = array<i32>} : memref<2x112x96xf32, #tpu.memory_space<vmem>>, vector<16xf32>,
        %parallel_loop3A_2930 = arith.mulf %parallel_loop3A_2929, %parallel_loop3A_2820 : vector<16xf32>
        %parallel_loop3A_2931 = arith.addf %parallel_loop3A_2924, %parallel_loop3A_2930 : vector<16xf32>
        %parallel_loop3A_2932 = arith.constant 1 : i32
        %parallel_loop3A_2933 = arith.index_cast %parallel_loop3A_2932 : i32 to index
        %parallel_loop3A_2934 = arith.index_cast %parallel_loop3A_2814 : i32 to index
        %parallel_loop3A_2935 = arith.constant 48 : index
        %parallel_loop3A_2936 = tpu.vector_load %arg16[%parallel_loop3A_2933, %parallel_loop3A_2934, %parallel_loop3A_2935] {strides = array<i32>} : memref<2x112x96xf32, #tpu.memory_space<vmem>>, vector<16xf32>,
        %parallel_loop3A_2937 = arith.mulf %parallel_loop3A_2936, %parallel_loop3A_2821 : vector<16xf32>
        %parallel_loop3A_2938 = arith.addf %parallel_loop3A_2931, %parallel_loop3A_2937 : vector<16xf32>
        %parallel_loop3A_2939 = arith.constant 1 : i32
        %parallel_loop3A_2940 = arith.index_cast %parallel_loop3A_2939 : i32 to index
        %parallel_loop3A_2941 = arith.index_cast %parallel_loop3A_2814 : i32 to index
        %parallel_loop3A_2942 = arith.constant 48 : index
        %parallel_loop3A_2943 = tpu.vector_load %arg17[%parallel_loop3A_2940, %parallel_loop3A_2941, %parallel_loop3A_2942] {strides = array<i32>} : memref<2x112x96xf32, #tpu.memory_space<vmem>>, vector<16xf32>,
        %parallel_loop3A_2944 = arith.mulf %parallel_loop3A_2943, %parallel_loop3A_2822 : vector<16xf32>
        %parallel_loop3A_2945 = arith.addf %parallel_loop3A_2938, %parallel_loop3A_2944 : vector<16xf32>
        %parallel_loop3A_2946 = arith.constant 1 : i32
        %parallel_loop3A_2947 = arith.index_cast %parallel_loop3A_2946 : i32 to index
        %parallel_loop3A_2948 = arith.index_cast %parallel_loop3A_2814 : i32 to index
        %parallel_loop3A_2949 = arith.constant 48 : index
        %parallel_loop3A_2950 = tpu.vector_load %arg18[%parallel_loop3A_2947, %parallel_loop3A_2948, %parallel_loop3A_2949] {strides = array<i32>} : memref<2x98x96xf32, #tpu.memory_space<vmem>>, vector<16xf32>,
        tpu.vector_store %arg18[%parallel_loop3A_2947, %parallel_loop3A_2948, %parallel_loop3A_2949], %parallel_loop3A_2945 {strides = array<i32>} : memref<2x98x96xf32, #tpu.memory_space<vmem>>, vector<16xf32>,
        %parallel_loop3A_2951 = arith.constant 1 : i32
        %parallel_loop3A_2952 = arith.index_cast %parallel_loop3A_2951 : i32 to index
        %parallel_loop3A_2953 = arith.index_cast %parallel_loop3A_2814 : i32 to index
        %parallel_loop3A_2954 = arith.constant 64 : index
        %parallel_loop3A_2955 = tpu.vector_load %arg14[%parallel_loop3A_2952, %parallel_loop3A_2953, %parallel_loop3A_2954] {strides = array<i32>} : memref<2x112x96xf32, #tpu.memory_space<vmem>>, vector<16xf32>,
        %parallel_loop3A_2956 = arith.mulf %parallel_loop3A_2955, %parallel_loop3A_2819 : vector<16xf32>
        %parallel_loop3A_2957 = arith.constant 1 : i32
        %parallel_loop3A_2958 = arith.index_cast %parallel_loop3A_2957 : i32 to index
        %parallel_loop3A_2959 = arith.index_cast %parallel_loop3A_2814 : i32 to index
        %parallel_loop3A_2960 = arith.constant 64 : index
        %parallel_loop3A_2961 = tpu.vector_load %arg15[%parallel_loop3A_2958, %parallel_loop3A_2959, %parallel_loop3A_2960] {strides = array<i32>} : memref<2x112x96xf32, #tpu.memory_space<vmem>>, vector<16xf32>,
        %parallel_loop3A_2962 = arith.mulf %parallel_loop3A_2961, %parallel_loop3A_2820 : vector<16xf32>
        %parallel_loop3A_2963 = arith.addf %parallel_loop3A_2956, %parallel_loop3A_2962 : vector<16xf32>
        %parallel_loop3A_2964 = arith.constant 1 : i32
        %parallel_loop3A_2965 = arith.index_cast %parallel_loop3A_2964 : i32 to index
        %parallel_loop3A_2966 = arith.index_cast %parallel_loop3A_2814 : i32 to index
        %parallel_loop3A_2967 = arith.constant 64 : index
        %parallel_loop3A_2968 = tpu.vector_load %arg16[%parallel_loop3A_2965, %parallel_loop3A_2966, %parallel_loop3A_2967] {strides = array<i32>} : memref<2x112x96xf32, #tpu.memory_space<vmem>>, vector<16xf32>,
        %parallel_loop3A_2969 = arith.mulf %parallel_loop3A_2968, %parallel_loop3A_2821 : vector<16xf32>
        %parallel_loop3A_2970 = arith.addf %parallel_loop3A_2963, %parallel_loop3A_2969 : vector<16xf32>
        %parallel_loop3A_2971 = arith.constant 1 : i32
        %parallel_loop3A_2972 = arith.index_cast %parallel_loop3A_2971 : i32 to index
        %parallel_loop3A_2973 = arith.index_cast %parallel_loop3A_2814 : i32 to index
        %parallel_loop3A_2974 = arith.constant 64 : index
        %parallel_loop3A_2975 = tpu.vector_load %arg17[%parallel_loop3A_2972, %parallel_loop3A_2973, %parallel_loop3A_2974] {strides = array<i32>} : memref<2x112x96xf32, #tpu.memory_space<vmem>>, vector<16xf32>,
        %parallel_loop3A_2976 = arith.mulf %parallel_loop3A_2975, %parallel_loop3A_2822 : vector<16xf32>
        %parallel_loop3A_2977 = arith.addf %parallel_loop3A_2970, %parallel_loop3A_2976 : vector<16xf32>
        %parallel_loop3A_2978 = arith.constant 1 : i32
        %parallel_loop3A_2979 = arith.index_cast %parallel_loop3A_2978 : i32 to index
        %parallel_loop3A_2980 = arith.index_cast %parallel_loop3A_2814 : i32 to index
        %parallel_loop3A_2981 = arith.constant 64 : index
        %parallel_loop3A_2982 = tpu.vector_load %arg18[%parallel_loop3A_2979, %parallel_loop3A_2980, %parallel_loop3A_2981] {strides = array<i32>} : memref<2x98x96xf32, #tpu.memory_space<vmem>>, vector<16xf32>,
        tpu.vector_store %arg18[%parallel_loop3A_2979, %parallel_loop3A_2980, %parallel_loop3A_2981], %parallel_loop3A_2977 {strides = array<i32>} : memref<2x98x96xf32, #tpu.memory_space<vmem>>, vector<16xf32>,
        %parallel_loop3A_2983 = arith.constant 1 : i32
        %parallel_loop3A_2984 = arith.index_cast %parallel_loop3A_2983 : i32 to index
        %parallel_loop3A_2985 = arith.index_cast %parallel_loop3A_2814 : i32 to index
        %parallel_loop3A_2986 = arith.constant 80 : index
        %parallel_loop3A_2987 = tpu.vector_load %arg14[%parallel_loop3A_2984, %parallel_loop3A_2985, %parallel_loop3A_2986] {strides = array<i32>} : memref<2x112x96xf32, #tpu.memory_space<vmem>>, vector<16xf32>,
        %parallel_loop3A_2988 = arith.mulf %parallel_loop3A_2987, %parallel_loop3A_2819 : vector<16xf32>
        %parallel_loop3A_2989 = arith.constant 1 : i32
        %parallel_loop3A_2990 = arith.index_cast %parallel_loop3A_2989 : i32 to index
        %parallel_loop3A_2991 = arith.index_cast %parallel_loop3A_2814 : i32 to index
        %parallel_loop3A_2992 = arith.constant 80 : index
        %parallel_loop3A_2993 = tpu.vector_load %arg15[%parallel_loop3A_2990, %parallel_loop3A_2991, %parallel_loop3A_2992] {strides = array<i32>} : memref<2x112x96xf32, #tpu.memory_space<vmem>>, vector<16xf32>,
        %parallel_loop3A_2994 = arith.mulf %parallel_loop3A_2993, %parallel_loop3A_2820 : vector<16xf32>
        %parallel_loop3A_2995 = arith.addf %parallel_loop3A_2988, %parallel_loop3A_2994 : vector<16xf32>
        %parallel_loop3A_2996 = arith.constant 1 : i32
        %parallel_loop3A_2997 = arith.index_cast %parallel_loop3A_2996 : i32 to index
        %parallel_loop3A_2998 = arith.index_cast %parallel_loop3A_2814 : i32 to index
        %parallel_loop3A_2999 = arith.constant 80 : index
        %parallel_loop3A_3000 = tpu.vector_load %arg16[%parallel_loop3A_2997, %parallel_loop3A_2998, %parallel_loop3A_2999] {strides = array<i32>} : memref<2x112x96xf32, #tpu.memory_space<vmem>>, vector<16xf32>,
        %parallel_loop3A_3001 = arith.mulf %parallel_loop3A_3000, %parallel_loop3A_2821 : vector<16xf32>
        %parallel_loop3A_3002 = arith.addf %parallel_loop3A_2995, %parallel_loop3A_3001 : vector<16xf32>
        %parallel_loop3A_3003 = arith.constant 1 : i32
        %parallel_loop3A_3004 = arith.index_cast %parallel_loop3A_3003 : i32 to index
        %parallel_loop3A_3005 = arith.index_cast %parallel_loop3A_2814 : i32 to index
        %parallel_loop3A_3006 = arith.constant 80 : index
        %parallel_loop3A_3007 = tpu.vector_load %arg17[%parallel_loop3A_3004, %parallel_loop3A_3005, %parallel_loop3A_3006] {strides = array<i32>} : memref<2x112x96xf32, #tpu.memory_space<vmem>>, vector<16xf32>,
        %parallel_loop3A_3008 = arith.mulf %parallel_loop3A_3007, %parallel_loop3A_2822 : vector<16xf32>
        %parallel_loop3A_3009 = arith.addf %parallel_loop3A_3002, %parallel_loop3A_3008 : vector<16xf32>
        %parallel_loop3A_3010 = arith.constant 1 : i32
        %parallel_loop3A_3011 = arith.index_cast %parallel_loop3A_3010 : i32 to index
        %parallel_loop3A_3012 = arith.index_cast %parallel_loop3A_2814 : i32 to index
        %parallel_loop3A_3013 = arith.constant 80 : index
        %parallel_loop3A_3014 = tpu.vector_load %arg18[%parallel_loop3A_3011, %parallel_loop3A_3012, %parallel_loop3A_3013] {strides = array<i32>} : memref<2x98x96xf32, #tpu.memory_space<vmem>>, vector<16xf32>,
        tpu.vector_store %arg18[%parallel_loop3A_3011, %parallel_loop3A_3012, %parallel_loop3A_3013], %parallel_loop3A_3009 {strides = array<i32>} : memref<2x98x96xf32, #tpu.memory_space<vmem>>, vector<16xf32>,
      } {sc.loop_unroll_factor = 7 : i64, sc.parallel_access}
      %mul3A_2758 = arith.constant 2 : i32
      %mul3A_2759 = arith.muli %mul3A_2758, %scan3A_13 : i32
      %add3A_2760 = arith.addi %mul3A_4, %mul3A_2759 : i32
      %add3A_2761 = arith.constant 1 : i32
      %add3A_2762 = arith.addi %add3A_2760, %add3A_2761 : i32
      %dma_start3A_2763 = arith.constant 1 : i32
      %dma_start3A_2764 = arith.constant 0 : i32
      %dma_start3A_2765 = arith.constant 0 : i32
      %dma_start3A_2766 = tpu.memref_slice %arg18[%dma_start3A_2763, %dma_start3A_2764, %dma_start3A_2765] : memref<2x98x96xf32, #tpu.memory_space<vmem>> -> memref<1x98x96xf32, #tpu.memory_space<vmem>>
      %dma_start3A_2767 = tpu.memref_squeeze %dma_start3A_2766 : memref<1x98x96xf32, #tpu.memory_space<vmem>> -> memref<98x96xf32, #tpu.memory_space<vmem>>
      %dma_start3A_2768 = arith.constant 0 : i32
      %dma_start3A_2769 = arith.constant 0 : i32
      %dma_start3A_2770 = tpu.memref_slice %arg4[%add3A_2762, %dma_start3A_2768, %dma_start3A_2769] : memref<4096x98x96xf32, #tpu.memory_space<hbm>> -> memref<1x98x96xf32, #tpu.memory_space<hbm>>
      %dma_start3A_2771 = tpu.memref_squeeze %dma_start3A_2770 : memref<1x98x96xf32, #tpu.memory_space<hbm>> -> memref<98x96xf32, #tpu.memory_space<hbm>>
      %dma_start3A_2772 = arith.constant 0 : i32
      %dma_start3A_2773 = arith.constant 0 : i32
      %dma_start3A_2774 = tpu.memref_slice %arg4[%add3A_2762, %dma_start3A_2772, %dma_start3A_2773] : memref<4096x98x96xf32, #tpu.memory_space<hbm>> -> memref<1x98x96xf32, #tpu.memory_space<hbm>>
      %dma_start3A_2775 = tpu.memref_squeeze %dma_start3A_2774 : memref<1x98x96xf32, #tpu.memory_space<hbm>> -> memref<98x96xf32, #tpu.memory_space<hbm>>
      %dma_start3A_2776 = arith.constant 0 : i32
      %dma_start3A_2777 = arith.constant 0 : i32
      %dma_start3A_2778 = tpu.memref_slice %arg18[%dma_start3A_2763, %dma_start3A_2776, %dma_start3A_2777] : memref<2x98x96xf32, #tpu.memory_space<vmem>> -> memref<1x98x96xf32, #tpu.memory_space<vmem>>
      %dma_start3A_2779 = tpu.memref_squeeze %dma_start3A_2778 : memref<1x98x96xf32, #tpu.memory_space<vmem>> -> memref<98x96xf32, #tpu.memory_space<vmem>>
      tpu.enqueue_dma source(%dma_start3A_2779 : memref<98x96xf32, #tpu.memory_space<vmem>>) target(%dma_start3A_2775 : memref<98x96xf32, #tpu.memory_space<hbm>>) target_semaphore(%arg22 : memref<!tpu.dma_semaphore, #tpu.memory_space<semaphore_mem>>)
      %dma_wait3A_2780 = arith.constant 0 : i32
      %dma_wait3A_2781 = arith.constant 0 : i32
      %dma_wait3A_2782 = arith.constant 0 : i32
      %dma_wait3A_2783 = tpu.memref_slice %arg18[%dma_wait3A_2780, %dma_wait3A_2781, %dma_wait3A_2782] : memref<2x98x96xf32, #tpu.memory_space<vmem>> -> memref<1x98x96xf32, #tpu.memory_space<vmem>>
      %dma_wait3A_2784 = tpu.memref_squeeze %dma_wait3A_2783 : memref<1x98x96xf32, #tpu.memory_space<vmem>> -> memref<98x96xf32, #tpu.memory_space<vmem>>
      %dma_wait3A_2785 = arith.constant 0 : i32
      %dma_wait3A_2786 = arith.constant 0 : i32
      %dma_wait3A_2787 = tpu.memref_slice %arg4[%add3A_2689, %dma_wait3A_2785, %dma_wait3A_2786] : memref<4096x98x96xf32, #tpu.memory_space<hbm>> -> memref<1x98x96xf32, #tpu.memory_space<hbm>>
      %dma_wait3A_2788 = tpu.memref_squeeze %dma_wait3A_2787 : memref<1x98x96xf32, #tpu.memory_space<hbm>> -> memref<98x96xf32, #tpu.memory_space<hbm>>
      %dma_wait3A_2789 = arith.constant 0 : i32
      %dma_wait3A_2790 = arith.constant 0 : i32
      %dma_wait3A_2791 = tpu.memref_slice %arg4[%add3A_2689, %dma_wait3A_2789, %dma_wait3A_2790] : memref<4096x98x96xf32, #tpu.memory_space<hbm>> -> memref<1x98x96xf32, #tpu.memory_space<hbm>>
      %dma_wait3A_2792 = tpu.memref_squeeze %dma_wait3A_2791 : memref<1x98x96xf32, #tpu.memory_space<hbm>> -> memref<98x96xf32, #tpu.memory_space<hbm>>
      %dma_wait3A_2793 = arith.constant 0 : i32
      %dma_wait3A_2794 = arith.constant 0 : i32
      %dma_wait3A_2795 = tpu.memref_slice %arg18[%dma_wait3A_2780, %dma_wait3A_2793, %dma_wait3A_2794] : memref<2x98x96xf32, #tpu.memory_space<vmem>> -> memref<1x98x96xf32, #tpu.memory_space<vmem>>
      %dma_wait3A_2796 = tpu.memref_squeeze %dma_wait3A_2795 : memref<1x98x96xf32, #tpu.memory_space<vmem>> -> memref<98x96xf32, #tpu.memory_space<vmem>>
      tpu.wait_dma2 semaphore(%arg21 : memref<!tpu.dma_semaphore, #tpu.memory_space<semaphore_mem>>) src(%dma_wait3A_2796 : memref<98x96xf32, #tpu.memory_space<vmem>>) dst(%dma_wait3A_2792 : memref<98x96xf32, #tpu.memory_space<hbm>>)
      %dma_wait3A_2797 = arith.constant 1 : i32
      %dma_wait3A_2798 = arith.constant 0 : i32
      %dma_wait3A_2799 = arith.constant 0 : i32
      %dma_wait3A_2800 = tpu.memref_slice %arg18[%dma_wait3A_2797, %dma_wait3A_2798, %dma_wait3A_2799] : memref<2x98x96xf32, #tpu.memory_space<vmem>> -> memref<1x98x96xf32, #tpu.memory_space<vmem>>
      %dma_wait3A_2801 = tpu.memref_squeeze %dma_wait3A_2800 : memref<1x98x96xf32, #tpu.memory_space<vmem>> -> memref<98x96xf32, #tpu.memory_space<vmem>>
      %dma_wait3A_2802 = arith.constant 0 : i32
      %dma_wait3A_2803 = arith.constant 0 : i32
      %dma_wait3A_2804 = tpu.memref_slice %arg4[%add3A_2762, %dma_wait3A_2802, %dma_wait3A_2803] : memref<4096x98x96xf32, #tpu.memory_space<hbm>> -> memref<1x98x96xf32, #tpu.memory_space<hbm>>
      %dma_wait3A_2805 = tpu.memref_squeeze %dma_wait3A_2804 : memref<1x98x96xf32, #tpu.memory_space<hbm>> -> memref<98x96xf32, #tpu.memory_space<hbm>>
      %dma_wait3A_2806 = arith.constant 0 : i32
      %dma_wait3A_2807 = arith.constant 0 : i32
      %dma_wait3A_2808 = tpu.memref_slice %arg4[%add3A_2762, %dma_wait3A_2806, %dma_wait3A_2807] : memref<4096x98x96xf32, #tpu.memory_space<hbm>> -> memref<1x98x96xf32, #tpu.memory_space<hbm>>
      %dma_wait3A_2809 = tpu.memref_squeeze %dma_wait3A_2808 : memref<1x98x96xf32, #tpu.memory_space<hbm>> -> memref<98x96xf32, #tpu.memory_space<hbm>>
      %dma_wait3A_2810 = arith.constant 0 : i32
      %dma_wait3A_2811 = arith.constant 0 : i32
      %dma_wait3A_2812 = tpu.memref_slice %arg18[%dma_wait3A_2797, %dma_wait3A_2810, %dma_wait3A_2811] : memref<2x98x96xf32, #tpu.memory_space<vmem>> -> memref<1x98x96xf32, #tpu.memory_space<vmem>>
      %dma_wait3A_2813 = tpu.memref_squeeze %dma_wait3A_2812 : memref<1x98x96xf32, #tpu.memory_space<vmem>> -> memref<98x96xf32, #tpu.memory_space<vmem>>
      tpu.wait_dma2 semaphore(%arg22 : memref<!tpu.dma_semaphore, #tpu.memory_space<semaphore_mem>>) src(%dma_wait3A_2813 : memref<98x96xf32, #tpu.memory_space<vmem>>) dst(%dma_wait3A_2809 : memref<98x96xf32, #tpu.memory_space<hbm>>)
    }
    %scan3A_12 = arith.constant 64 : i32
    return
  }
}

</mosaic_0001>

<sc_bundles>
// kernel: kernel.3.cloned.1.call-start
scs
__scs_entry_jumppad:
0x0: {  	(pc) =	sbr.rel $0x88, $3  }
0x1: {  	(tag) =	ssettag $0x0;
	lr =	simm.s32 $0x1  }
0x2: {  	[smem:$0x3F9F] =	sst lr;
	_ =	strace $0xD0000000  }
0x3: {  	_ = 	snop  }
0x4: {  	_ = 	snop  }
0x5: {  	_ = 	snop  }
0x6: {  	_ = 	snop  }
0x7: {  	_ = 	snop  }
__scs_overlays_trampoline_lowered:
0x8: {  	[smem:$0x3FAE] =	sst s0  }
0x9: {  	[smem:$0x3FAF] =	sst s1  }
0xa: {  	[smem:$0x3FB0] =	sst s2  }
0xb: {  	[smem:$0x3FB1] =	sst s3  }
0xc: {  	[smem:$0x3FB2] =	sst s4  }
0xd: {  	[smem:$0x3FB3] =	sst s5  }
0xe: {  	[smem:$0x3FB4] =	sst s6  }
0xf: {  	[smem:$0x3FB5] =	sst s7  }
0x10: {  	[smem:$0x3FB6] =	sst s8  }
0x11: {  	[smem:$0x3FB7] =	sst s9;
	s0 =	simm.s32 @!p0 $0x0  }
0x12: {  	s1 =	sld [smem:$0x3F9D];
	s0 =	simm.s32 @p0 $0x1  }
0x13: {  	[smem:$0x3FB8] =	sst s0;
	s0 =	simm.s32 @!p1 $0x0  }
0x14: {  	s2 =	sld [smem:$0x3F9C];
	s0 =	simm.s32 @p1 $0x1  }
0x15: {  	[smem:$0x3FB9] =	sst s0;
	s0 =	simm.s32 @!p2 $0x0  }
0x16: {  	s3 =	sld [smem:$0x3FDB];
	s0 =	simm.s32 @p2 $0x1  }
0x17: {  	s4 =	simm.s32 $0x1BF5;
	[smem:$0x3FBB] =	sst s0  }
0x18: {  	s0 =	sld [smem:$0x3F9E];
	_ =	swait.ge [sflag:s4], $0x0  }
0x19: {  	s7 =	sld [smem:$0x3F9F]  }
0x1a: {  	s8 =	sadd.s32 $0xFFFFE003, lr  }
0x1b: {  	s9 =	sadd.s32 $0xFFFFFEF7, lr;
	s5 =	simm.s32 $0xFFFFFFFF;
	p2 =	slt.u32 s8, $0xFFFFF086  }
0x1c: {  	p1 =	slt.u32 s9, $0xF7A;
	s5 =	simm.s32 @!p2 $0x0  }
0x1d: {  	s5 =	simm.s32 @p1 $0x1;
	p0 =	seq.s32 s7, s2  }
0x1e: {  	s7 =	smul.u32 @!p0 $0xF7A, s2;
	p2 =	seq.s32 @!p0 s5, $0x0  }
0x1f: {  	s9 =	smul.u32 $0xF7A, s1;
	s8 =	simm.s32 @!p0 $0x1BF5;
	p2 =	por !p2, p0  }
0x20: {  	[sflag:s8] =	ssyncset.s32 @!p0 $0xFFFFF086;
	s6 =	sadd.s32 @!p0 s3, s7;
	s7 =	simm.s32 @!p0 $0x108  }
0x21: {  	s3 =	sadd.s32 s3, s9;
	s6 =	sadd.s32 @!p0 $0x88, s6;
	s7 =	simm.s32 @p2 $0x1082  }
0x22: {  	[simem:s7], [sflag:s8] =	dma.local @!p0 [hbm:s6], $0xF7A  }
0x23: {  	s9 =	sor.u32 $0xD0000000, s2;
	s6 =	simm.s32 $0x108;
	_ =	swait.ge @!p0 [sflag:s8], $0x0  }
0x24: {  	s3 =	sadd.s32 $0x88, s3;
	s6 =	simm.s32 @!p1 $0x1082;
	[sflag:s4] =	ssyncset.s32 $0xFFFFF086  }
0x25: {  	[simem:s6], [sflag:s4] =	dma.local [hbm:s3], $0xF7A  }
0x26: {  	[smem:$0x3F9F] =	sst s1;
	(tag) =	ssettag s2;
	_ =	strace s9  }
0x27: {  	s1 =	sld [smem:$0x3FAF]  }
0x28: {  	s2 =	sld [smem:$0x3FB0]  }
0x29: {  	s4 =	sld [smem:$0x3FB2]  }
0x2a: {  	p0 =	seq.s32 s5, $0x0;
	s5 =	sld [smem:$0x3FB3]  }
0x2b: {  	s6 =	sld [smem:$0x3FB4]  }
0x2c: {  	s7 =	sld [smem:$0x3FB5]  }
0x2d: {  	s3 =	simm.s32 $0x108;
	s8 =	sld [smem:$0x3FB6]  }
0x2e: {  	s3 =	simm.s32 @!p0 $0x1082;
	s9 =	sld [smem:$0x3FB7]  }
0x2f: {  	lr =	sadd.s32 s0, s3;
	s0 =	sld [smem:$0x3FAE]  }
0x30: {  	s3 =	sld [smem:$0x3FB1]  }
0x31: {  	[smem:$0x3FBA] =	sst s10  }
0x32: {  	s10 =	sld [smem:$0x3FB8];
	_ =	sdelay $0x3  }
0x33: {  	p0 =	seq.s32 s10, $0x1;
	s10 =	sld [smem:$0x3FBA];
	_ =	sdelay $0x3  }
0x34: {  	[smem:$0x3FBA] =	sst s10  }
0x35: {  	s10 =	sld [smem:$0x3FB9];
	_ =	sdelay $0x3  }
0x36: {  	p1 =	seq.s32 s10, $0x1;
	s10 =	sld [smem:$0x3FBA];
	_ =	sdelay $0x3  }
0x37: {  	[smem:$0x3FBA] =	sst s10  }
0x38: {  	s10 =	sld [smem:$0x3FBB]  }
0x39: {  	_ = 	snop;
	(pc) =	sbr.ind lr, $3  }
0x3a: {  	_ = 	snop  }
0x3b: {  	_ = 	snop  }
0x3c: {  	p2 =	seq.s32 s10, $0x1;
	s10 =	sld [smem:$0x3FBA]  }
0x3d: {  	_ =	shalt  }
0x3e: {  	_ =	shalt  }
0x3f: {  	_ =	shalt  }
0x40: {  	_ =	shalt  }
0x41: {  	_ =	shalt  }
0x42: {  	_ =	shalt  }
0x43: {  	_ =	shalt  }
0x44: {  	_ =	shalt  }
0x45: {  	_ =	shalt  }
0x46: {  	_ =	shalt  }
0x47: {  	_ =	shalt  }
0x48: {  	_ =	shalt  }
0x49: {  	_ =	shalt  }
0x4a: {  	_ =	shalt  }
0x4b: {  	_ =	shalt  }
0x4c: {  	_ =	shalt  }
0x4d: {  	_ =	shalt  }
0x4e: {  	_ =	shalt  }
0x4f: {  	_ =	shalt  }
0x50: {  	_ =	shalt  }
0x51: {  	_ =	shalt  }
0x52: {  	_ =	shalt  }
0x53: {  	_ =	shalt  }
0x54: {  	_ =	shalt  }
0x55: {  	_ =	shalt  }
0x56: {  	_ =	shalt  }
0x57: {  	_ =	shalt  }
0x58: {  	_ =	shalt  }
0x59: {  	_ =	shalt  }
0x5a: {  	_ =	shalt  }
0x5b: {  	_ =	shalt  }
0x5c: {  	_ =	shalt  }
0x5d: {  	_ =	shalt  }
0x5e: {  	_ =	shalt  }
0x5f: {  	_ =	shalt  }
0x60: {  	_ =	shalt  }
0x61: {  	_ =	shalt  }
0x62: {  	_ =	shalt  }
0x63: {  	_ =	shalt  }
0x64: {  	_ =	shalt  }
0x65: {  	_ =	shalt  }
0x66: {  	_ =	shalt  }
0x67: {  	_ =	shalt  }
0x68: {  	_ =	shalt  }
0x69: {  	_ =	shalt  }
0x6a: {  	_ =	shalt  }
0x6b: {  	_ =	shalt  }
0x6c: {  	_ =	shalt  }
0x6d: {  	_ =	shalt  }
0x6e: {  	_ =	shalt  }
0x6f: {  	_ =	shalt  }
0x70: {  	_ =	shalt  }
0x71: {  	_ =	shalt  }
0x72: {  	_ =	shalt  }
0x73: {  	_ =	shalt  }
0x74: {  	_ =	shalt  }
0x75: {  	_ =	shalt  }
0x76: {  	_ =	shalt  }
0x77: {  	_ =	shalt  }
0x78: {  	_ =	shalt  }
0x79: {  	_ =	shalt  }
0x7a: {  	_ =	shalt  }
0x7b: {  	_ =	shalt  }
0x7c: {  	_ =	shalt  }
0x7d: {  	_ =	shalt  }
0x7e: {  	_ =	shalt  }
0x7f: {  	_ =	shalt  }
0x80: {  	_ =	shalt  }
0x81: {  	_ =	shalt  }
0x82: {  	_ =	shalt  }
0x83: {  	_ =	shalt  }
0x84: {  	_ =	shalt  }
0x85: {  	_ =	shalt  }
0x86: {  	_ =	shalt  }
0x87: {  	_ =	shalt  }
.Lfunc_end0:
.L_simem_size_0:
called_computation.1_lowered:
.L_overlay_start_0:
0x88: {  	s2 =	sld [smem:$0x3FD9]  }
0x89: {  	s3 =	sld [smem:$0x3FFE];
	_ =	sdelay $0x1  }
0x8a: {  	s1 =	srdreg.scid  }
0x8b: {  	s0 =	sand.u32 $0x1, s1  }
0x8c: {  	s17 =	sshll.u32 s0, $0xA;
	s2 =	sadd.s32 s3, s2  }
0x8d: {  	s2 =	sadd.s32 s2, s17  }
0x8e: {  	[smem:$0x3FC6] =	sst s2  }
0x8f: {  	_ = 	snop  }
0x90: {  	s2 =	sld [smem:$0x3FD0];
	(tm) =	ssettm $0x1  }
0x91: {  	s18 =	sld [smem:$0x3FFB];
	_ =	sdelay $0x3  }
0x92: {  	_ =	strace s18  }
0x93: {  	s3 =	sld [smem:$0x3FFC];
	_ =	sdelay $0x3  }
0x94: {  	_ =	strace s3  }
0x95: {  	s3 =	sld [smem:$0x3FFD];
	_ =	sdelay $0x3  }
0x96: {  	_ =	strace s3  }
0x97: {  	_ =	strace $0x8FFFFFFF  }
0x98: {  	s19 =	sld [smem:$0x3FDB];
	_ =	sdelay $0x1  }
0x99: {  	s4 =	simm.s32 $_scs_section_size  }
0x9a: {  	s5 =	simm.s32 $_size__tile_overlayer_lowered;
	s6 =	simm.s32 $_tile_overlayer_lowered  }
0x9b: {  	s22 =	simm.s32 $0x1BFF;
	s21 =	sshll.u32 s6, $0x1;
	s3 =	sadd.s32 s4, s19  }
0x9c: {  	s7 =	simm.s32 $0x0;
	s20 =	sshll.u32 s5, $0x1;
	s5 =	sadd.s32 s21, s3  }
0x9d: {  	[timem:s7], [sflag:s22] =	dma.local [hbm:s5], s20  }
0x9e: {  	_ =	swait.ge [sflag:s22], s20  }
0x9f: {  	s4 =	ssub.s32 $0x0, s20;
	[sflag:s22] =	ssyncset.done $0x0  }
0xa0: {  	[sflag:s22] =	ssyncadd.s32 s4;
	_ =	sdelay $0x1  }
0xa1: {  	s23 =	simm.s32 $0x1B8B  }
0xa2: {  	_ =	swait.ge [sflag:s23], $0x1  }
0xa3: {  	[sflag:s23] =	ssyncset.done $0x0  }
0xa4: {  	s25 =	simm.s32 $0x1B8E;
	s24 =	sld [smem:$0x3FFE];
	[sflag:s23] =	ssyncadd.s32 $0xFFFFFFFF  }
0xa5: {  	s26 =	simm.s32 $execute0_lowered;
	[smem:$0x3FD2] =	sst s25  }
0xa6: {  	s5 =	sshll.u32 s26, $0x1;
	_ =	strace $0x80000046;
	[dreg:$0x1] =	wrdreg $0xFFFFFFFF  }
0xa7: {  	s28 =	simm.s32 $_size_execute0_lowered;
	s3 =	sadd.s32 s3, s5;
	[dreg:$0x0] =	wrdreg $0x0  }
0xa8: {  	s5 =	sshll.u32 s28, $0x1;
	[dreg:$0x2] =	wrdreg s3  }
0xa9: {  	[dreg:$0x3] =	wrdreg s5  }
0xaa: {  	[dreg:$0x4] =	wrdreg $0xC0  }
0xab: {  	_ =	task [dreg:s7], $0x5FFFF  }
0xac: {  	[dreg:$0x1] =	wrdreg $0xFFFFFFFF  }
0xad: {  	[dreg:$0x0] =	wrdreg $0x60  }
0xae: {  	[dreg:$0x2] =	wrdreg s24  }
0xaf: {  	[dreg:$0x3] =	wrdreg s2  }
0xb0: {  	[dreg:$0x4] =	wrdreg $0x9  }
0xb1: {  	_ =	task.clear_ibuf [dreg:s7], $0x5FFFF;
	_ =	strace $0x90000046  }
0xb2: {  	s29 =	simm.s32 $0x9;
	_ =	strace $0x80000048  }
0xb3: {  	_ =	swait.ge [sflag:s29], $0x1  }
0xb4: {  	[sflag:s29] =	ssyncadd.s32 $0xFFFFFFFF  }
0xb5: {  	_ =	strace $0x90000048  }
0xb6: {  	_ =	sfence  }
0xb7: {  	s30 =	sld [smem:$0x0];
	_ =	sdelay $0x2  }
0xb8: {  	s31 =	sshll.u32 s1, $0xD;
	s1 =	sshrl.u32 s1, $0x2  }
0xb9: {  	s3 =	sand.u32 $0x4000, s31;
	s1 =	sadd.s32 s1, s30  }
0xba: {  	s0 =	sor.u32 s3, s0;
	s1 =	sshll.u32 s1, $0x11  }
0xbb: {  	s0 =	sor.u32 s1, s0  }
0xbc: {  	s0 =	sadd.s32 $0x8F2B, s0  }
0xbd: {  	[sflag:s0] =	ssyncadd.remote.s32 $0x1  }
0xbe: {  	_ =	sfence.sel $0xFFFF  }
0xbf: {  	[dreg:$0x0] =	wrdreg $0xFFFFFFFF;
	(pc) =	sbr.abs _section_cstart, $3  }
0xc0: {  	[dreg:$0x1] =	wrdreg $0xFFFFFFFF  }
0xc1: {  	_ =	task.clear_ibuf [dreg:s7], $0x2FFFF;
	_ =	strace $0x9FFFFFFF  }
0xc2: {  	(tm) =	ssettm $0x7FFFFFFF  }
0xc3: {  	_ =	shalt  }
tec
execute0_lowered:
.L_overlay_start_1:
0x0: {  	(tag) =	ssettag $0x1  }
0x1: {  	v3 =	vimm.f32 $1.000000000e+00;
	vm1 =	vcmask $0x300;
	vm2 =	vcmask $0xB08  }
0x2: {  	v21 =	vimm.f32 $1.300000000e+01;
	vm3 =	vcmask $0xF0C;
	vm0 =	vcmask $0x1310  }
0x3: {  	v1 =	vimm.f32 $3.000000000e+00;
	v16 =	vimm.f32 $5.000000000e+00;
	v22 =	vimm.f32 $7.000000000e+00  }
0x4: {  	v39 =	vimm.f32 $9.000000000e+00;
	v2 =	vimm.f32 $1.100000000e+01;
	vm11 =	vcmask $0x1714  }
0x5: {  	vm12 =	vcmask $0x1B18;
	vm13 =	vcmask $0x1F1C;
	vm14 =	vcmask $0x2320  }
0x6: {  	v11 =	vimm.f32 $2.240000000e+02;
	vm15 =	vcmask $0x2724;
	vm4 =	vcmask $0x2B28  }
0x7: {  	v40 =	vimm.f32 $2.230000000e+02;
	vm5 =	vcmask $0x2F2C;
	vm6 =	vcmask $0x3330  }
0x8: {  	vm7 =	vcmask $0x3734;
	vm8 =	vcmask $0x3700;
	vm9 =	vcmask $0x3B38  }
0x9: {  	vm10 =	vcmask $0x2F00;
	v49 =	vimm.f32 $2.000000000e+00;
	v50 =	vimm.f32 $8.000000000e+00  }
0xa: {  	v52 =	vimm.f32 $4.000000000e+00;
	v53 =	vimm.f32 $1.000000000e+01;
	v55 =	vimm.f32 $6.000000000e+00  }
0xb: {  	v56 =	vimm.f32 $1.200000000e+01;
	v61 =	vimm.f32 $1.400000000e+01;
	v0 =	vsel vm1, $0x0, v3  }
0xc: {  	v5 =	vsel vm1, $0x40000000, v1;
	v6 =	vsel vm1, $0x40800000, v16;
	v7 =	vsel vm1, $0x40C00000, v22  }
0xd: {  	v8 =	vsel vm1, $0x41000000, v39;
	v9 =	vsel vm1, $0x41200000, v2;
	v10 =	vsel vm1, $0x41400000, v21  }
0xe: {  	v3 =	vsel vm8, $0x0, v3;
	v51 =	vsel vm8, $0x40E00000, v50;
	v0 =	vsel vm2, $0x40000000, v0  }
0xf: {  	s0 =	rddreg [dreg:$0x0];
	s2 =	simm.s32 $0x0;
	v5 =	vsel vm2, $0x40800000, v5;
	v6 =	vsel vm2, $0x40C00000, v6;
	v7 =	vsel vm2, $0x41000000, v7  }
0x10: {  	[smem:$0x7FF] =	sst s2;
	v8 =	vsel vm2, $0x41200000, v8;
	v9 =	vsel vm2, $0x41400000, v9;
	v10 =	vsel vm2, $0x0, v10  }
0x11: {  	s1 =	rddreg [dreg:$0x1];
	_ =	strace $0x80000047;
	[tilespmem:$0x1FE80] =	vst v3;
	v3 =	vsel vm10, $0x3F800000, v49;
	v0 =	vsel vm3, $0x40400000, v0;
	v5 =	vsel vm3, $0x40A00000, v5  }
0x12: {  	s4 =	stileid.u32;
	v6 =	vsel vm3, $0x40E00000, v6;
	v7 =	vsel vm3, $0x41100000, v7;
	v8 =	vsel vm3, $0x41300000, v8  }
0x13: {  	s3 =	sshll.u32 s4, $0x1;
	s4 =	sshrl.u32 s4, $0x2;
	v9 =	vsel vm3, $0x41500000, v9;
	v10 =	vsel vm3, $0x3F800000, v10;
	(erf) = vrcp.f32 v11  }
0x14: {  	s5 =	smul.u32 $0xC400, s4;
	v4 =	vsel vm0, $0x40800000, v0;
	v5 =	vsel vm0, $0x40C00000, v5;
	v6 =	vsel vm0, $0x41000000, v6  }
0x15: {  	v7 =	vsel vm0, $0x41200000, v7;
	v8 =	vsel vm0, $0x41400000, v8;
	v9 =	vsel vm0, $0x0, v9  }
0x16: {  	v10 =	vsel vm0, $0x40000000, v10;
	(erf) = vrcp.f32 v40;
	v41 =	vmov s5  }
0x17: {  	v0 =	vsel vm10, $0x41000000, v39;
	v4 =	vsel vm11, $0x40A00000, v4;
	v5 =	vsel vm11, $0x40E00000, v5  }
0x18: {  	v6 =	vsel vm11, $0x41100000, v6;
	v7 =	vsel vm11, $0x41300000, v7;
	v8 =	vsel vm11, $0x41500000, v8  }
0x19: {  	v9 =	vsel vm11, $0x3F800000, v9;
	v10 =	vsel vm11, $0x40400000, v10;
	(erf) = vrcp.f32 v21  }
0x1a: {  	vm11 =	vcmask $0x2700;
	v4 =	vsel vm12, $0x40C00000, v4;
	v5 =	vsel vm12, $0x41000000, v5  }
0x1b: {  	v6 =	vsel vm12, $0x41200000, v6;
	v7 =	vsel vm12, $0x41400000, v7;
	v8 =	vsel vm12, $0x0, v8  }
0x1c: {  	v9 =	vsel vm12, $0x40000000, v9;
	v10 =	vsel vm12, $0x40800000, v10;
	vm12 =	vcmask $0x1F00  }
0x1d: {  	v1 =	vsel vm11, $0x40000000, v1;
	v4 =	vsel vm13, $0x40E00000, v4;
	v5 =	vsel vm13, $0x41100000, v5  }
0x1e: {  	v6 =	vsel vm13, $0x41300000, v6;
	v7 =	vsel vm13, $0x41500000, v7;
	v8 =	vsel vm13, $0x3F800000, v8  }
0x1f: {  	[tilespmem:$0x1FF20] =	vst v0;
	v9 =	vsel vm13, $0x40400000, v9;
	v10 =	vsel vm13, $0x40A00000, v10;
	v0 =	vsel vm12, $0x40400000, v52  }
0x20: {  	[tilespmem:$0x1FF10] =	vst v51;
	vm13 =	vcmask $0x1700;
	v54 =	vsel vm12, $0x41200000, v2;
	v4 =	vsel vm14, $0x41000000, v4  }
0x21: {  	[tilespmem:$0x1FF00] =	vst v3;
	v5 =	vsel vm14, $0x41200000, v5;
	v6 =	vsel vm14, $0x41400000, v6;
	v7 =	vsel vm14, $0x0, v7  }
0x22: {  	[tilespmem:$0x1FE70] =	vst v41;
	v8 =	vsel vm14, $0x40000000, v8;
	v9 =	vsel vm14, $0x40800000, v9;
	v10 =	vsel vm14, $0x40C00000, v10  }
0x23: {  	[tilespmem:$0x1FF40] =	vst v0;
	v0 =	vsel vm11, $0x41100000, v53;
	vm14 =	vcmask $0xF00;
	v57 =	vsel vm13, $0x40800000, v16  }
0x24: {  	[tilespmem:$0x1FF30] =	vst v1;
	v1 =	vsel vm13, $0x41300000, v56;
	v4 =	vsel vm15, $0x41100000, v4;
	v5 =	vsel vm15, $0x41300000, v5  }
0x25: {  	[tilespmem:$0x1FF60] =	vst v54;
	v6 =	vsel vm15, $0x41500000, v6;
	v7 =	vsel vm15, $0x3F800000, v7;
	v8 =	vsel vm15, $0x40400000, v8  }
0x26: {  	v9 =	vsel vm15, $0x40A00000, v9;
	v10 =	vsel vm15, $0x40E00000, v10;
	[tilespmem:$0x1FF50] =	vst v0;
	v0 =	vsel vm14, $0x40A00000, v55  }
0x27: {  	[tilespmem:$0x1FF70] =	vst v57;
	v60 =	vsel vm14, $0x41400000, v21;
	vm15 =	vcmask $0x700;
	v4 =	vsel vm4, $0x41200000, v4  }
0x28: {  	[tilespmem:$0x1FF80] =	vst v1;
	v5 =	vsel vm4, $0x41400000, v5;
	v6 =	vsel vm4, $0x0, v6;
	v7 =	vsel vm4, $0x40000000, v7  }
0x29: {  	v8 =	vsel vm4, $0x40800000, v8;
	v9 =	vsel vm4, $0x40C00000, v9;
	v10 =	vsel vm4, $0x41000000, v10;
	[tilespmem:$0x1FFA0] =	vst v0  }
0x2a: {  	s9 =	simm.s32 $0x68;
	s14 =	simm.s32 $0x2C0;
	[tilespmem:$0x1FFC0] =	vst v60;
	v62 =	vsel vm15, $0x40C00000, v22;
	v0 =	vsel vm15, $0x41500000, v61;
	v4 =	vsel vm5, $0x41300000, v4  }
0x2b: {  	s15 =	simm.s32 $0xB000;
	s16 =	simm.s32 $0x3A0;
	s17 =	simm.s32 $0x10400;
	v5 =	vsel vm5, $0x41500000, v5;
	v6 =	vsel vm5, $0x3F800000, v6;
	v7 =	vsel vm5, $0x40400000, v7;
	[tilespmem:$0x1FFD0] =	vst v62  }
0x2c: {  	s23 =	srdreg.scid;
	s18 =	simm.s32 $0x170;
	s19 =	simm.s32 $0x3200;
	v8 =	vsel vm5, $0x40A00000, v8;
	v9 =	vsel vm5, $0x40E00000, v9;
	[tilespmem:$0x1FFE0] =	vst v0;
	v4 =	vsel vm6, $0x41400000, v4;
	v58 =	vpop (erf)  }
0x2d: {  	s20 =	simm.s32 $0x250;
	s21 =	simm.s32 $0x8600;
	s22 =	simm.s32 $0x330;
	v10 =	vsel vm5, $0x41100000, v10;
	v5 =	vsel vm6, $0x0, v5;
	v4 =	vsel vm7, $0x41500000, v4;
	[tilespmem:$0x1FF90] =	vst v58;
	v59 =	vpop (erf)  }
0x2e: {  	s28 =	simm.s32 $0x480;
	s29 =	simm.s32 $0x560;
	s30 =	simm.s32 $0x640;
	v6 =	vsel vm6, $0x40000000, v6;
	v5 =	vsel vm7, $0x3F800000, v5;
	v42 =	vsel vm9, $0x0, v4;
	[tilespmem:$0x1FFB0] =	vst v59  }
0x2f: {  	s31 =	simm.s32 $0x720;
	s7 =	simm.s32 $0x3;
	s2 =	sand.u32 $0x1, s23;
	v7 =	vsel vm6, $0x40800000, v7;
	v6 =	vsel vm7, $0x40400000, v6;
	v43 =	vsel vm9, $0x40000000, v5;
	[tilespmem:$0x1FE90] =	vst v42  }
0x30: {  	s8 =	simm.s32 $0x4;
	s10 =	simm.s32 $0x0;
	s3 =	sor.u32 s2, s3;
	v8 =	vsel vm6, $0x40C00000, v8;
	v7 =	vsel vm7, $0x40A00000, v7;
	v44 =	vsel vm9, $0x40800000, v6;
	[tilespmem:$0x1FEA0] =	vst v43  }
0x31: {  	s23 =	simm.s32 $0xDA00;
	s2 =	ssub.s32 $0x2, s2;
	s24 =	sshll.u32 s3, $0x5;
	v9 =	vsel vm6, $0x41000000, v9;
	v8 =	vsel vm7, $0x40E00000, v8;
	v45 =	vsel vm9, $0x40C00000, v7;
	[tilespmem:$0x1FEB0] =	vst v44  }
0x32: {  	s4 =	sadd.s32 $0xC00, s0;
	s25 =	sshrl.u32 s2, $0x1;
	s6 =	sadd.s32 s24, s0;
	v10 =	vsel vm6, $0x41200000, v10;
	v9 =	vsel vm7, $0x41100000, v9;
	v46 =	vsel vm9, $0x41000000, v8;
	[tilespmem:$0x1FEC0] =	vst v45  }
0x33: {  	s0 =	ssub.s32 s2, s25;
	s5 =	sshll.u32 s3, $0x7;
	s24 =	simm.s32 $0x410;
	v10 =	vsel vm7, $0x41300000, v10;
	v47 =	vsel vm9, $0x41200000, v9;
	[tilespmem:$0x1FED0] =	vst v46  }
0x34: {  	s25 =	simm.s32 $0x12E00;
	s3 =	simm.s32 $0x2;
	s26 =	sadd.s32 $0x800, s6;
	v48 =	vsel vm9, $0x41400000, v10;
	[tilespmem:$0x1FEE0] =	vst v47  }
0x35: {  	s0 =	smax.u32 s0, $0x1;
	s6 =	simm.s32 $0x17CC0;
	[dreg:$0x3] =	wrdreg s26;
	v63 =	vpop (erf);
	[tilespmem:$0x1FEF0] =	vst v48  }
0x36: {  	[dreg:$0x4] =	wrdreg s0;
	s26 =	simm.s32 $0x1;
	s0 =	simm.s32 $0x15800;
	[tilespmem:$0x1FFF0] =	vst v63  }
.LBB2_1:
0x37: {  	[dreg:$0x5] =	wrdreg s10  }
0x38: {  	s2 =	simm.s32 $0x0;
	s12 =	rddreg [dreg:$0x3];
	s13 =	simm.s32 $0x5  }
0x39: {  	[tilespmem:s2], [sflag:$0x5] =	stream.linear.gather [hbm4b:s12+s2], $0x100, $0x38;
	[tilespmem:$0x1A180] =	vst v63  }
0x3a: {  	_ =	swait.ge [sflag:s13], $0x100  }
0x3b: {  	[sflag:s13] =	ssyncset.done $0x0  }
0x3c: {  	s2 =	simm.s32 $0x0;
	[sflag:s13] =	ssyncadd.s32 $0xFFFFFF00  }
.LBB2_2:
0x3d: {  	s10 =	sshll.u32 s2, $0x2  }
0x3e: {  	s13 =	sshllo.u32 s2, $0x2;
	s11 =	sor.u32 $0x2, s10  }
0x3f: {  	s12 =	sor.u32 $0x1, s10;
	v29 =	vmov s13;
	v0 =	vmov s11  }
0x40: {  	v1 =	vmov s12;
	v26 =	vbroadcast v0, $0x0  }
0x41: {  	v32 =	vmov s10;
	v28 =	vbroadcast v1, $0x0  }
0x42: {  	v27 =	vbroadcast v32, $0x0  }
0x43: {  	v57 =	vld [tilespmem:$0x1FF90];
	s10 =	simm.s32 $0x0  }
0x44: {  	v33 =	vld.idx.msk [tilespmem:v29+s10+$0x0], $0xffff;
	_ =	sdelay $0x1  }
0x45: {  	v34 =	vld.idx.msk [tilespmem:v26+s10+$0x0], $0xffff  }
0x46: {  	v2 =	vld.idx.msk [tilespmem:v28+s10+$0x0], $0xffff  }
0x47: {  	v3 =	vld.idx.msk [tilespmem:v27+s10+$0x0], $0xffff  }
0x48: {  	v0 =	vmul.f32 v33, v57;
	_ =	sdelay $0x1  }
0x49: {  	v58 =	vld [tilespmem:$0x1FFB0];
	v0 =	vmul.f32 $2.240000000e+02, v0  }
0x4a: {  	v1 =	vmul.f32 v34, v57;
	v2 =	vmul.f32 v2, v57  }
0x4b: {  	v3 =	vmul.f32 v3, v57  }
0x4c: {  	v0 =	vadd.f32 $-1.000000000e+00, v0;
	v1 =	vmul.f32 $2.240000000e+02, v1;
	v2 =	vmul.f32 $2.240000000e+02, v2  }
0x4d: {  	v3 =	vmul.f32 $2.240000000e+02, v3  }
0x4e: {  	v0 =	vmul.f32 v0, v58;
	v1 =	vadd.f32 $-1.000000000e+00, v1;
	v2 =	vmul.f32 v2, v58  }
0x4f: {  	v59 =	vld [tilespmem:$0x1FFF0]  }
0x50: {  	v3 =	vmul.f32 v3, v58;
	v1 =	vmul.f32 v1, v58;
	v0 =	vsub.f32 v0, v2  }
0x51: {  	v35 =	vld [tilespmem:$0x1FE80]  }
0x52: {  	v1 =	vsub.f32 v1, v3;
	v0 =	vmul.f32 $2.230000000e+02, v0  }
0x53: {  	v51 =	vld [tilespmem:$0x1FE90]  }
0x54: {  	v1 =	vmul.f32 $2.230000000e+02, v1;
	v33 =	vmul.f32 v0, v59  }
0x55: {  	v32 =	vmul.f32 $2.230000000e+02, v2  }
0x56: {  	v31 =	vmul.f32 v1, v59;
	v0 =	vmul.f32 v35, v33;
	_ =	sdelay $0x1  }
0x57: {  	v30 =	vmul.f32 $2.230000000e+02, v3;
	v0 =	vadd.f32 v0, v32;
	v1 =	vmul.f32 v51, v31;
	_ =	sdelay $0x1  }
0x58: {  	v52 =	vld [tilespmem:$0x1FEA0];
	v1 =	vadd.f32 v1, v30;
	v36 =	vtrunc.f32 v0  }
0x59: {  	v2 =	vcvt.f32.s32 v36  }
0x5a: {  	v37 =	vtrunc.f32 v1  }
0x5b: {  	v2 =	vcvt.s32.f32 v2;
	v3 =	vcvt.f32.s32 v37  }
0x5c: {  	v60 =	vimm.f32 $0.0e+00  }
0x5d: {  	v41 =	vmul.f32 v52, v31;
	vm0 =	vlt.f32 v0, v2;
	v3 =	vcvt.s32.f32 v3  }
0x5e: {  	v40 =	vld [tilespmem:$0x1FF00];
	vm8 =	vge.f32 v0, $0.0e+00;
	vm1 =	vle.f32 v0, $2.230000000e+02;
	v4 =	vsel vm0, $0x3F800000, v60  }
0x5f: {  	vm9 =	vge.f32 v1, $0.0e+00;
	v2 =	vsub.f32 v2, v4;
	vm7 =	vlt.f32 v1, v3  }
0x60: {  	vm2 =	vle.f32 v1, $2.230000000e+02;
	vm0 =	vmand vm8, vm1;
	v38 =	vsel vm7, $0x3F800000, v60  }
0x61: {  	vm1 =	vmand vm9, vm2;
	v3 =	vsub.f32 v3, v38;
	v39 =	vmax.f32 v2, $0.0e+00  }
0x62: {  	v5 =	vadd.f32 $1.000000000e+00, v2;
	v2 =	vsub.f32 v0, v2;
	v4 =	vmin.f32 v39, $2.230000000e+02  }
0x63: {  	v0 =	vmul.f32 v40, v33;
	v4 =	vtrunc.f32 v4;
	v6 =	vadd.f32 $1.000000000e+00, v3  }
0x64: {  	v7 =	vmax.f32 v3, $0.0e+00;
	v3 =	vsub.f32 v1, v3;
	v8 =	vsub.f32 $1.000000000e+00, v2  }
0x65: {  	v5 =	vmax.f32 v5, $0.0e+00;
	v0 =	vadd.f32 v0, v32;
	v1 =	vadd.f32 v41, v30  }
0x66: {  	v2 =	vnsel vm0, $0x0, v2;
	v4 =	vcvt.f32.s32 v4;
	v5 =	vmin.f32 v5, $2.230000000e+02  }
0x67: {  	v7 =	vmin.f32 v7, $2.230000000e+02;
	v5 =	vtrunc.f32 v5;
	v6 =	vmax.f32 v6, $0.0e+00  }
0x68: {  	v7 =	vtrunc.f32 v7;
	v8 =	vnsel vm0, $0x0, v8;
	v9 =	vsub.f32 $1.000000000e+00, v3  }
0x69: {  	v10 =	vtrunc.f32 v0;
	v11 =	vtrunc.f32 v1;
	v3 =	vnsel vm1, $0x0, v3  }
0x6a: {  	vm12 =	vge.f32 v0, $0.0e+00;
	vm13 =	vle.f32 v0, $2.230000000e+02;
	vm14 =	vge.f32 v1, $0.0e+00  }
0x6b: {  	v50 =	vld [tilespmem:$0x1FE70];
	vm15 =	vle.f32 v1, $2.230000000e+02;
	v5 =	vcvt.f32.s32 v5;
	v7 =	vcvt.f32.s32 v7  }
0x6c: {  	v6 =	vmin.f32 v6, $2.230000000e+02;
	v10 =	vcvt.f32.s32 v10;
	v11 =	vcvt.f32.s32 v11  }
0x6d: {  	v4 =	vmul.u32 $0xE0, v4;
	v36 =	vmul.f32 v8, v3;
	v35 =	vmul.f32 v2, v3  }
0x6e: {  	vm0 =	vmand vm12, vm13;
	v6 =	vtrunc.f32 v6;
	v9 =	vnsel vm1, $0x0, v9  }
0x6f: {  	vm1 =	vmand vm14, vm15;
	v5 =	vmul.u32 $0xE0, v5;
	v10 =	vcvt.s32.f32 v10  }
0x70: {  	v6 =	vcvt.f32.s32 v6;
	v4 =	vadd.s32 v50, v4;
	v42 =	vcvt.s32.f32 v11  }
0x71: {  	v37 =	vmul.f32 v8, v9;
	v5 =	vadd.s32 v50, v5;
	vm10 =	vlt.f32 v0, v10  }
0x72: {  	v55 =	vld [tilespmem:$0x1FF30];
	vm11 =	vlt.f32 v1, v42;
	v39 =	vadd.s32 v7, v5;
	v43 =	vsel vm10, $0x3F800000, v60  }
0x73: {  	v38 =	vadd.s32 v6, v5;
	v44 =	vsel vm11, $0x3F800000, v60;
	v5 =	vsub.f32 v10, v43  }
0x74: {  	v41 =	vadd.s32 v7, v4;
	v40 =	vadd.s32 v6, v4;
	v4 =	vsub.f32 v42, v44  }
0x75: {  	v34 =	vmul.f32 v9, v2;
	v45 =	vmax.f32 v5, $0.0e+00;
	v46 =	vadd.f32 $1.000000000e+00, v5  }
0x76: {  	v47 =	vsub.f32 v0, v5;
	v53 =	vadd.f32 $1.000000000e+00, v4;
	v54 =	vmax.f32 v4, $0.0e+00  }
0x77: {  	v4 =	vsub.f32 v1, v4;
	v0 =	vmul.f32 v55, v33;
	v48 =	vmin.f32 v45, $2.230000000e+02  }
0x78: {  	v7 =	vmin.f32 v54, $2.230000000e+02;
	v3 =	vtrunc.f32 v48;
	v49 =	vmax.f32 v46, $0.0e+00  }
0x79: {  	v6 =	vmax.f32 v53, $0.0e+00;
	v7 =	vtrunc.f32 v7;
	v56 =	vsub.f32 $1.000000000e+00, v47  }
0x7a: {  	v0 =	vadd.f32 v0, v32;
	v62 =	vsub.f32 $1.000000000e+00, v4;
	v2 =	vnsel vm0, $0x0, v47  }
0x7b: {  	v4 =	vnsel vm1, $0x0, v4;
	v3 =	vcvt.f32.s32 v3;
	v5 =	vmin.f32 v49, $2.230000000e+02  }
0x7c: {  	v54 =	vld [tilespmem:$0x1FEC0];
	v6 =	vmin.f32 v6, $2.230000000e+02;
	v7 =	vcvt.f32.s32 v7;
	v43 =	vmul.f32 v2, v4  }
0x7d: {  	v53 =	vld [tilespmem:$0x1FEB0];
	v5 =	vtrunc.f32 v5;
	v6 =	vtrunc.f32 v6  }
0x7e: {  	v8 =	vnsel vm0, $0x0, v56;
	v63 =	vtrunc.f32 v0;
	v9 =	vnsel vm1, $0x0, v62  }
0x7f: {  	vm6 =	vge.f32 v0, $0.0e+00;
	v5 =	vcvt.f32.s32 v5;
	v6 =	vcvt.f32.s32 v6  }
0x80: {  	vm7 =	vle.f32 v0, $2.230000000e+02;
	v10 =	vcvt.f32.s32 v63;
	v45 =	vmul.f32 v8, v9  }
0x81: {  	v3 =	vmul.u32 $0xE0, v3;
	v44 =	vmul.f32 v8, v4;
	v42 =	vmul.f32 v9, v2  }
0x82: {  	vm0 =	vmand vm6, vm7;
	v55 =	vmul.f32 v54, v31;
	v61 =	vmul.f32 v53, v31  }
0x83: {  	v5 =	vmul.u32 $0xE0, v5;
	v3 =	vadd.s32 v50, v3;
	v10 =	vcvt.s32.f32 v10  }
0x84: {  	v49 =	vadd.s32 v7, v3;
	v48 =	vadd.s32 v6, v3;
	v63 =	vadd.f32 v55, v30  }
0x85: {  	v24 =	vld [tilespmem:$0x1FF40];
	v1 =	vadd.f32 v61, v30;
	v5 =	vadd.s32 v50, v5;
	vm4 =	vlt.f32 v0, v10  }
0x86: {  	v47 =	vadd.s32 v7, v5;
	v46 =	vadd.s32 v6, v5;
	v14 =	vsel vm4, $0x3F800000, v60  }
0x87: {  	vm14 =	vge.f32 v63, $0.0e+00;
	vm15 =	vle.f32 v63, $2.230000000e+02;
	v5 =	vsub.f32 v10, v14  }
0x88: {  	v12 =	vtrunc.f32 v1;
	vm8 =	vge.f32 v1, $0.0e+00;
	vm9 =	vle.f32 v1, $2.230000000e+02  }
0x89: {  	v11 =	vcvt.f32.s32 v12;
	v16 =	vmax.f32 v5, $0.0e+00;
	v17 =	vadd.f32 $1.000000000e+00, v5  }
0x8a: {  	v18 =	vsub.f32 v0, v5;
	v0 =	vmul.f32 v24, v33;
	v19 =	vmin.f32 v16, $2.230000000e+02  }
0x8b: {  	vm1 =	vmand vm8, vm9;
	v13 =	vcvt.s32.f32 v11;
	v4 =	vtrunc.f32 v19  }
0x8c: {  	v20 =	vmax.f32 v17, $0.0e+00;
	v25 =	vsub.f32 $1.000000000e+00, v18;
	v9 =	vadd.f32 v0, v32  }
0x8d: {  	v2 =	vnsel vm0, $0x0, v18;
	v18 =	vtrunc.f32 v63;
	vm5 =	vlt.f32 v1, v13  }
0x8e: {  	v4 =	vcvt.f32.s32 v4;
	v5 =	vmin.f32 v20, $2.230000000e+02;
	v19 =	vcvt.f32.s32 v18  }
0x8f: {  	v15 =	vsel vm5, $0x3F800000, v60;
	v5 =	vtrunc.f32 v5;
	v61 =	vnsel vm0, $0x0, v25  }
0x90: {  	v17 =	vtrunc.f32 v9;
	vm12 =	vge.f32 v9, $0.0e+00;
	vm13 =	vle.f32 v9, $2.230000000e+02  }
0x91: {  	v3 =	vsub.f32 v13, v15;
	v5 =	vcvt.f32.s32 v5;
	v4 =	vmul.u32 $0xE0, v4  }
0x92: {  	v0 =	vcvt.f32.s32 v17;
	v15 =	vcvt.s32.f32 v19;
	vm0 =	vmand vm12, vm13  }
0x93: {  	v21 =	vadd.f32 $1.000000000e+00, v3;
	v22 =	vmax.f32 v3, $0.0e+00;
	v3 =	vsub.f32 v1, v3  }
0x94: {  	v5 =	vmul.u32 $0xE0, v5;
	v4 =	vadd.s32 v50, v4;
	v13 =	vcvt.s32.f32 v0  }
0x95: {  	vm11 =	vlt.f32 v63, v15;
	v7 =	vmin.f32 v22, $2.230000000e+02;
	v6 =	vmax.f32 v21, $0.0e+00  }
0x96: {  	v7 =	vtrunc.f32 v7;
	v62 =	vsub.f32 $1.000000000e+00, v3;
	v14 =	vnsel vm1, $0x0, v3  }
0x97: {  	v20 =	vadd.s32 v50, v5;
	vm10 =	vlt.f32 v9, v13;
	v6 =	vmin.f32 v6, $2.230000000e+02  }
0x98: {  	v55 =	vld [tilespmem:$0x1FF70];
	v23 =	vcvt.f32.s32 v7;
	v21 =	vsel vm10, $0x3F800000, v60;
	v3 =	vmul.f32 v61, v14  }
0x99: {  	v6 =	vtrunc.f32 v6;
	v12 =	vnsel vm1, $0x0, v62;
	v22 =	vsub.f32 v13, v21  }
0x9a: {  	vm1 =	vmand vm14, vm15;
	v56 =	vcvt.f32.s32 v6;
	v7 =	vadd.s32 v23, v4  }
0x9b: {  	v5 =	vadd.s32 v23, v20;
	v1 =	vmul.f32 v12, v2;
	v23 =	vsel vm11, $0x3F800000, v60  }
0x9c: {  	v2 =	vmul.f32 v2, v14;
	v10 =	vsub.f32 v15, v23;
	v24 =	vmax.f32 v22, $0.0e+00  }
0x9d: {  	v13 =	vadd.f32 $1.000000000e+00, v22;
	v8 =	vsub.f32 v9, v22;
	v9 =	vmul.f32 v55, v33  }
0x9e: {  	v6 =	vadd.s32 v56, v4;
	v4 =	vmul.f32 v61, v12;
	v12 =	vmin.f32 v24, $2.230000000e+02  }
0x9f: {  	v0 =	vadd.s32 v56, v20;
	v12 =	vtrunc.f32 v12;
	v13 =	vmax.f32 v13, $0.0e+00  }
0xa0: {  	v25 =	vadd.f32 $1.000000000e+00, v10;
	v15 =	vmax.f32 v10, $0.0e+00;
	v10 =	vsub.f32 v63, v10  }
0xa1: {  	v16 =	vsub.f32 $1.000000000e+00, v8;
	v11 =	vadd.f32 v9, v32;
	v19 =	vnsel vm0, $0x0, v8  }
0xa2: {  	v55 =	vld [tilespmem:$0x1FED0];
	v12 =	vcvt.f32.s32 v12;
	v13 =	vmin.f32 v13, $2.230000000e+02;
	v15 =	vmin.f32 v15, $2.230000000e+02  }
0xa3: {  	v13 =	vtrunc.f32 v13;
	v14 =	vmax.f32 v25, $0.0e+00;
	v15 =	vtrunc.f32 v15  }
0xa4: {  	v16 =	vnsel vm0, $0x0, v16;
	v17 =	vsub.f32 $1.000000000e+00, v10;
	v61 =	vtrunc.f32 v11  }
0xa5: {  	v10 =	vnsel vm1, $0x0, v10;
	vm6 =	vge.f32 v11, $0.0e+00;
	vm7 =	vle.f32 v11, $2.230000000e+02  }
0xa6: {  	v13 =	vcvt.f32.s32 v13;
	v14 =	vmin.f32 v14, $2.230000000e+02;
	v15 =	vcvt.f32.s32 v15  }
0xa7: {  	v56 =	vmul.f32 v55, v31;
	v62 =	vmul.u32 $0xE0, v12;
	v14 =	vtrunc.f32 v14  }
0xa8: {  	v9 =	vcvt.f32.s32 v61;
	vm0 =	vmand vm6, vm7;
	v14 =	vcvt.f32.s32 v14  }
0xa9: {  	v18 =	vadd.f32 v56, v30;
	v13 =	vmul.u32 $0xE0, v13;
	v8 =	vadd.s32 v50, v62  }
0xaa: {  	v63 =	vnsel vm1, $0x0, v17;
	v9 =	vcvt.s32.f32 v9;
	v20 =	vadd.s32 v15, v8  }
0xab: {  	v23 =	vtrunc.f32 v18;
	v13 =	vadd.s32 v50, v13;
	v21 =	vadd.s32 v14, v8  }
0xac: {  	[tilespmem:$0x2C0] =	vst v39;
	v39 =	vld [tilespmem:$0x1FFA0];
	vm4 =	vlt.f32 v11, v9;
	v8 =	vmul.f32 v63, v19;
	vm8 =	vge.f32 v18, $0.0e+00  }
0xad: {  	[tilespmem:$0x130] =	vst v20;
	v20 =	vld [tilespmem:$0x1FFD0];
	v17 =	vcvt.f32.s32 v23;
	v15 =	vadd.s32 v15, v13;
	v24 =	vsel vm4, $0x3F800000, v60  }
0xae: {  	v13 =	vadd.s32 v14, v13;
	v14 =	vmul.f32 v16, v63;
	v22 =	vsub.f32 v9, v24  }
0xaf: {  	vm9 =	vle.f32 v18, $2.230000000e+02;
	v16 =	vmul.f32 v16, v10;
	v17 =	vcvt.s32.f32 v17  }
0xb0: {  	vm1 =	vmand vm8, vm9;
	v9 =	vmul.f32 v19, v10;
	v23 =	vadd.f32 $1.000000000e+00, v22  }
0xb1: {  	v62 =	vsub.f32 v11, v22;
	v11 =	vmul.f32 v39, v33;
	vm5 =	vlt.f32 v18, v17  }
0xb2: {  	[tilespmem:$0x200] =	vst v6;
	v61 =	vmax.f32 v22, $0.0e+00;
	v6 =	vmul.f32 v20, v33;
	v25 =	vsel vm5, $0x3F800000, v60  }
0xb3: {  	v63 =	vmax.f32 v23, $0.0e+00;
	v11 =	vadd.f32 v11, v32;
	v10 =	vnsel vm0, $0x0, v62  }
0xb4: {  	v56 =	vsub.f32 v17, v25;
	v17 =	vmin.f32 v61, $2.230000000e+02;
	v19 =	vmin.f32 v63, $2.230000000e+02  }
0xb5: {  	[tilespmem:$0x560] =	vst v36;
	v6 =	vadd.f32 v6, v32;
	v17 =	vtrunc.f32 v17;
	v19 =	vtrunc.f32 v19  }
0xb6: {  	[tilespmem:$0x100] =	vst v41;
	v41 =	vtrunc.f32 v11;
	vm12 =	vge.f32 v11, $0.0e+00;
	vm13 =	vle.f32 v11, $2.230000000e+02  }
0xb7: {  	[tilespmem:$0x720] =	vst v35;
	v24 =	vadd.f32 $1.000000000e+00, v56;
	v17 =	vcvt.f32.s32 v17;
	v25 =	vmax.f32 v56, $0.0e+00  }
0xb8: {  	[tilespmem:$0x640] =	vst v34;
	v19 =	vcvt.f32.s32 v19;
	v12 =	vsub.f32 v18, v56;
	v34 =	vcvt.f32.s32 v41  }
0xb9: {  	[tilespmem:$0x480] =	vst v37;
	vm6 =	vge.f32 v6, $0.0e+00;
	vm7 =	vle.f32 v6, $2.230000000e+02;
	v23 =	vmin.f32 v25, $2.230000000e+02  }
0xba: {  	[tilespmem:$0x1E0] =	vst v40;
	v56 =	vld [tilespmem:$0x1FEE0];
	v22 =	vmax.f32 v24, $0.0e+00;
	v23 =	vtrunc.f32 v23;
	v24 =	vsub.f32 $1.000000000e+00, v62  }
0xbb: {  	[tilespmem:$0x3A0] =	vst v38;
	v25 =	vsub.f32 $1.000000000e+00, v12;
	v17 =	vmul.u32 $0xE0, v17;
	v34 =	vcvt.s32.f32 v34  }
0xbc: {  	[tilespmem:$0x730] =	vst v43;
	v12 =	vnsel vm1, $0x0, v12;
	v22 =	vmin.f32 v22, $2.230000000e+02;
	v23 =	vcvt.f32.s32 v23  }
0xbd: {  	[tilespmem:$0x2E0] =	vst v5;
	v19 =	vmul.u32 $0xE0, v19;
	v5 =	vmul.f32 v10, v12;
	v22 =	vtrunc.f32 v22  }
0xbe: {  	[tilespmem:$0x490] =	vst v45;
	v24 =	vnsel vm0, $0x0, v24;
	v25 =	vnsel vm1, $0x0, v25;
	v17 =	vadd.s32 v50, v17  }
0xbf: {  	[tilespmem:$0x570] =	vst v44;
	v19 =	vadd.s32 v50, v19;
	vm10 =	vlt.f32 v11, v34;
	v40 =	vmul.f32 v56, v31  }
0xc0: {  	[tilespmem:$0x650] =	vst v42;
	v22 =	vcvt.f32.s32 v22;
	v36 =	vadd.s32 v23, v17;
	v23 =	vadd.s32 v23, v19  }
0xc1: {  	[tilespmem:$0x110] =	vst v49;
	v61 =	vsel vm10, $0x3F800000, v60;
	v37 =	vmul.f32 v24, v25;
	v18 =	vadd.f32 v40, v30  }
0xc2: {  	[tilespmem:$0x1F0] =	vst v48;
	v17 =	vadd.s32 v22, v17;
	v19 =	vadd.s32 v22, v19;
	v22 =	vsub.f32 v34, v61  }
0xc3: {  	[tilespmem:$0x120] =	vst v7;
	vm0 =	vmand vm12, vm13;
	v7 =	vmul.f32 v24, v12;
	v49 =	vtrunc.f32 v18  }
0xc4: {  	[tilespmem:$0x2D0] =	vst v47;
	v24 =	vmul.f32 v25, v10;
	v34 =	vadd.f32 $1.000000000e+00, v22;
	v35 =	vcvt.f32.s32 v49  }
0xc5: {  	[tilespmem:$0x3B0] =	vst v46;
	v38 =	vmax.f32 v22, $0.0e+00;
	v39 =	vsub.f32 v11, v22;
	vm14 =	vge.f32 v18, $0.0e+00  }
0xc6: {  	[tilespmem:$0x580] =	vst v3;
	v40 =	vmin.f32 v38, $2.230000000e+02;
	v42 =	vmax.f32 v34, $0.0e+00;
	v35 =	vcvt.s32.f32 v35  }
0xc7: {  	[tilespmem:$0x660] =	vst v1;
	vm15 =	vle.f32 v18, $2.230000000e+02;
	v41 =	vtrunc.f32 v40;
	v44 =	vmin.f32 v42, $2.230000000e+02  }
0xc8: {  	[tilespmem:$0x210] =	vst v21;
	v21 =	vsub.f32 $1.000000000e+00, v39;
	v46 =	vtrunc.f32 v44;
	vm11 =	vlt.f32 v18, v35  }
0xc9: {  	[tilespmem:$0x3C0] =	vst v0;
	v0 =	vcvt.f32.s32 v41;
	v49 =	vcvt.f32.s32 v46;
	v46 =	vld [tilespmem:$0x1FEF0];
	v62 =	vsel vm11, $0x3F800000, v60  }
0xca: {  	[tilespmem:$0x740] =	vst v2;
	vm1 =	vmand vm14, vm15;
	v10 =	vnsel vm0, $0x0, v39;
	v63 =	vsub.f32 v35, v62  }
0xcb: {  	[tilespmem:$0x4A0] =	vst v4;
	v11 =	vnsel vm0, $0x0, v21;
	vm0 =	vmand vm6, vm7;
	v0 =	vmul.u32 $0xE0, v0  }
0xcc: {  	[tilespmem:$0x2F0] =	vst v15;
	v1 =	vmul.u32 $0xE0, v49;
	v43 =	vadd.f32 $1.000000000e+00, v63;
	v45 =	vmax.f32 v63, $0.0e+00  }
0xcd: {  	[tilespmem:$0x3D0] =	vst v13;
	v0 =	vadd.s32 v50, v0;
	v63 =	vsub.f32 v18, v63;
	v47 =	vmin.f32 v45, $2.230000000e+02  }
0xce: {  	[tilespmem:$0x670] =	vst v8;
	v22 =	vmul.f32 v46, v31;
	v48 =	vmax.f32 v43, $0.0e+00;
	v61 =	vtrunc.f32 v47  }
0xcf: {  	[tilespmem:$0x4B0] =	vst v14;
	v25 =	vsub.f32 $1.000000000e+00, v63;
	v2 =	vnsel vm1, $0x0, v63;
	v3 =	vcvt.f32.s32 v61  }
0xd0: {  	[tilespmem:$0x4C0] =	vst v37;
	v12 =	vadd.f32 v22, v30;
	v30 =	vtrunc.f32 v6;
	v37 =	vmul.f32 v11, v2  }
0xd1: {  	[tilespmem:$0x590] =	vst v16;
	v62 =	vmin.f32 v48, $2.230000000e+02;
	v2 =	vmul.f32 v10, v2;
	v14 =	vcvt.f32.s32 v30  }
0xd2: {  	[tilespmem:$0x750] =	vst v9;
	v1 =	vadd.s32 v50, v1;
	v4 =	vtrunc.f32 v62;
	v32 =	vtrunc.f32 v12  }
0xd3: {  	[tilespmem:$0x760] =	vst v5;
	v31 =	vnsel vm1, $0x0, v25;
	v33 =	vcvt.s32.f32 v14;
	v13 =	vcvt.f32.s32 v32  }
0xd4: {  	[tilespmem:$0x140] =	vst v36;
	v4 =	vcvt.f32.s32 v4;
	v34 =	vadd.s32 v3, v0;
	v3 =	vadd.s32 v3, v1  }
0xd5: {  	[tilespmem:$0x300] =	vst v23;
	v36 =	vmul.f32 v11, v31;
	vm4 =	vlt.f32 v6, v33;
	v13 =	vcvt.s32.f32 v13  }
0xd6: {  	[tilespmem:$0x5A0] =	vst v7;
	v8 =	vmul.f32 v31, v10;
	v0 =	vadd.s32 v4, v0;
	v35 =	vsel vm4, $0x3F800000, v60  }
0xd7: {  	[tilespmem:$0x680] =	vst v24;
	v1 =	vadd.s32 v4, v1;
	v4 =	vsub.f32 v33, v35;
	vm5 =	vlt.f32 v12, v13  }
0xd8: {  	[tilespmem:$0x220] =	vst v17;
	vm8 =	vge.f32 v12, $0.0e+00;
	vm9 =	vle.f32 v12, $2.230000000e+02;
	v38 =	vsel vm5, $0x3F800000, v60  }
0xd9: {  	[tilespmem:$0x3E0] =	vst v19;
	v39 =	vsub.f32 v13, v38;
	v40 =	vmax.f32 v4, $0.0e+00;
	v41 =	vadd.f32 $1.000000000e+00, v4  }
0xda: {  	[tilespmem:$0x5B0] =	vst v37;
	vm1 =	vmand vm8, vm9;
	v4 =	vsub.f32 v6, v4;
	v42 =	vmin.f32 v40, $2.230000000e+02  }
0xdb: {  	[tilespmem:$0x770] =	vst v2;
	v43 =	vtrunc.f32 v42;
	v44 =	vmax.f32 v41, $0.0e+00;
	v45 =	vadd.f32 $1.000000000e+00, v39  }
0xdc: {  	[tilespmem:$0x150] =	vst v34;
	v47 =	vmax.f32 v39, $0.0e+00;
	v63 =	vsub.f32 v12, v39;
	v14 =	vsub.f32 $1.000000000e+00, v4  }
0xdd: {  	[tilespmem:$0x310] =	vst v3;
	v5 =	vcvt.f32.s32 v43;
	v10 =	vmin.f32 v44, $2.230000000e+02;
	v49 =	vmin.f32 v47, $2.230000000e+02  }
0xde: {  	[tilespmem:$0x4D0] =	vst v36;
	v4 =	vnsel vm0, $0x0, v4;
	v48 =	vtrunc.f32 v10;
	v61 =	vtrunc.f32 v49  }
0xdf: {  	[tilespmem:$0x3F0] =	vst v1;
	v15 =	vsub.f32 $1.000000000e+00, v63;
	v2 =	vnsel vm0, $0x0, v14;
	v1 =	vnsel vm1, $0x0, v63  }
0xe0: {  	[tilespmem:$0x230] =	vst v0;
	v0 =	vcvt.f32.s32 v48;
	v5 =	vmul.u32 $0xE0, v5;
	v18 =	vmul.f32 v2, v1  }
0xe1: {  	[tilespmem:$0x690] =	vst v8;
	v11 =	vmax.f32 v45, $0.0e+00;
	v3 =	vcvt.f32.s32 v61;
	v20 =	vmul.f32 v4, v1  }
0xe2: {  	v62 =	vmin.f32 v11, $2.230000000e+02;
	v7 =	vnsel vm1, $0x0, v15;
	v5 =	vadd.s32 v50, v5;
	[tilespmem:$0x5C0] =	vst v18  }
0xe3: {  	v11 =	vtrunc.f32 v62;
	v17 =	vmul.f32 v2, v7;
	[tilespmem:$0x780] =	vst v20;
	v16 =	vadd.s32 v3, v5  }
0xe4: {  	v13 =	vcvt.f32.s32 v11;
	v0 =	vmul.u32 $0xE0, v0;
	v19 =	vmul.f32 v7, v4;
	[tilespmem:$0x160] =	vst v16  }
0xe5: {  	[tilespmem:$0x4E0] =	vst v17  }
0xe6: {  	v0 =	vadd.s32 v50, v0;
	v5 =	vadd.s32 v13, v5;
	[tilespmem:$0x6A0] =	vst v19  }
0xe7: {  	[tilespmem:$0x240] =	vst v5;
	v3 =	vadd.s32 v3, v0  }
0xe8: {  	v0 =	vadd.s32 v13, v0;
	[tilespmem:$0x320] =	vst v3  }
0xe9: {  	s13 =	simm.s32 $0x800;
	s12 =	simm.s32 $0x100;
	[tilespmem:$0x400] =	vst v0  }
0xea: {  	[tilespmem:s13], [sflag:$0x1] =	stream.indirect.gather [hbm4b:s4+s9], $0x60, s12, s9, $0xb8;
	[tilespmem:$0x1A180] =	vst v63  }
0xeb: {  	s12 =	simm.s32 $0x1E0;
	s13 =	simm.s32 $0x5C00  }
0xec: {  	[tilespmem:s13], [sflag:$0x1] =	stream.indirect.gather [hbm4b:s4+s9], $0x60, s12, s9, $0xb8;
	[tilespmem:$0x1A180] =	vst v63  }
0xed: {  	_ = 	snop  }
0xee: {  	[tilespmem:s15], [sflag:$0x1] =	stream.indirect.gather [hbm4b:s4+s9], $0x60, s14, s9, $0xb8;
	[tilespmem:$0x1A180] =	vst v63  }
0xef: {  	_ = 	snop  }
0xf0: {  	[tilespmem:s17], [sflag:$0x1] =	stream.indirect.gather [hbm4b:s4+s9], $0x60, s16, s9, $0xb8;
	[tilespmem:$0x1A180] =	vst v63  }
0xf1: {  	v0 =	vld.idx.msk [tilespmem:v29+s10+$0x0], $0xffff  }
0xf2: {  	v21 =	vld.idx.msk [tilespmem:v26+s10+$0x0], $0xffff  }
0xf3: {  	v2 =	vld.idx.msk [tilespmem:v28+s10+$0x0], $0xffff  }
0xf4: {  	v3 =	vld.idx.msk [tilespmem:v27+s10+$0x0], $0xffff;
	_ =	sdelay $0x1  }
0xf5: {  	v0 =	vmul.f32 v0, v57  }
0xf6: {  	v1 =	vmul.f32 v21, v57  }
0xf7: {  	v2 =	vmul.f32 v2, v57;
	v0 =	vmul.f32 $2.240000000e+02, v0  }
0xf8: {  	v3 =	vmul.f32 v3, v57;
	v1 =	vmul.f32 $2.240000000e+02, v1  }
0xf9: {  	v2 =	vmul.f32 $2.240000000e+02, v2;
	v0 =	vadd.f32 $-1.000000000e+00, v0  }
0xfa: {  	v3 =	vmul.f32 $2.240000000e+02, v3;
	v1 =	vadd.f32 $-1.000000000e+00, v1  }
0xfb: {  	v2 =	vmul.f32 v2, v58;
	v0 =	vmul.f32 v0, v58  }
0xfc: {  	v3 =	vmul.f32 v3, v58;
	v1 =	vmul.f32 v1, v58  }
0xfd: {  	v0 =	vsub.f32 v0, v2  }
0xfe: {  	v22 =	vld [tilespmem:$0x1FF10];
	v1 =	vsub.f32 v1, v3  }
0xff: {  	v0 =	vmul.f32 $2.230000000e+02, v0  }
0x100: {  	v1 =	vmul.f32 $2.230000000e+02, v1  }
0x101: {  	v29 =	vmul.f32 v0, v59  }
0x102: {  	v27 =	vmul.f32 v1, v59  }
0x103: {  	v28 =	vmul.f32 $2.230000000e+02, v2;
	v0 =	vmul.f32 v22, v29  }
0x104: {  	v26 =	vmul.f32 $2.230000000e+02, v3;
	v1 =	vmul.f32 v51, v27  }
0x105: {  	v0 =	vadd.f32 v0, v28  }
0x106: {  	v1 =	vadd.f32 v1, v26  }
0x107: {  	v23 =	vtrunc.f32 v0  }
0x108: {  	v24 =	vtrunc.f32 v1;
	v2 =	vcvt.f32.s32 v23  }
0x109: {  	v3 =	vcvt.f32.s32 v24  }
0x10a: {  	v37 =	vmul.f32 v52, v27;
	v2 =	vcvt.s32.f32 v2  }
0x10b: {  	v59 =	vmul.f32 v53, v27;
	v3 =	vcvt.s32.f32 v3  }
0x10c: {  	vm12 =	vge.f32 v0, $0.0e+00;
	vm13 =	vle.f32 v0, $2.230000000e+02;
	vm10 =	vlt.f32 v0, v2  }
0x10d: {  	v35 =	vld [tilespmem:$0x1FF20];
	vm14 =	vge.f32 v1, $0.0e+00;
	vm11 =	vlt.f32 v1, v3;
	v25 =	vsel vm10, $0x3F800000, v60  }
0x10e: {  	vm15 =	vle.f32 v1, $2.230000000e+02;
	v30 =	vsel vm11, $0x3F800000, v60;
	v2 =	vsub.f32 v2, v25  }
0x10f: {  	vm0 =	vmand vm12, vm13;
	vm1 =	vmand vm14, vm15;
	v3 =	vsub.f32 v3, v30  }
0x110: {  	v31 =	vmax.f32 v2, $0.0e+00;
	v32 =	vadd.f32 $1.000000000e+00, v2;
	v2 =	vsub.f32 v0, v2  }
0x111: {  	v33 =	vadd.f32 $1.000000000e+00, v3;
	v34 =	vmax.f32 v3, $0.0e+00;
	v3 =	vsub.f32 v1, v3  }
0x112: {  	v0 =	vmul.f32 v35, v29;
	v1 =	vadd.f32 v37, v26;
	v4 =	vmin.f32 v31, $2.230000000e+02  }
0x113: {  	v7 =	vmin.f32 v34, $2.230000000e+02;
	v4 =	vtrunc.f32 v4;
	v5 =	vmax.f32 v32, $0.0e+00  }
0x114: {  	v6 =	vmax.f32 v33, $0.0e+00;
	v7 =	vtrunc.f32 v7;
	v36 =	vsub.f32 $1.000000000e+00, v2  }
0x115: {  	v0 =	vadd.f32 v0, v28;
	v38 =	vsub.f32 $1.000000000e+00, v3;
	v2 =	vnsel vm0, $0x0, v2  }
0x116: {  	v40 =	vtrunc.f32 v1;
	v3 =	vnsel vm1, $0x0, v3;
	vm8 =	vge.f32 v1, $0.0e+00  }
0x117: {  	v4 =	vcvt.f32.s32 v4;
	v5 =	vmin.f32 v5, $2.230000000e+02;
	v7 =	vcvt.f32.s32 v7  }
0x118: {  	v6 =	vmin.f32 v6, $2.230000000e+02;
	v11 =	vcvt.f32.s32 v40;
	v31 =	vmul.f32 v2, v3  }
0x119: {  	vm9 =	vle.f32 v1, $2.230000000e+02;
	v5 =	vtrunc.f32 v5;
	v6 =	vtrunc.f32 v6  }
0x11a: {  	v8 =	vnsel vm0, $0x0, v36;
	v39 =	vtrunc.f32 v0;
	v9 =	vnsel vm1, $0x0, v38  }
0x11b: {  	vm6 =	vge.f32 v0, $0.0e+00;
	vm7 =	vle.f32 v0, $2.230000000e+02;
	v5 =	vcvt.f32.s32 v5  }
0x11c: {  	vm1 =	vmand vm8, vm9;
	v6 =	vcvt.f32.s32 v6;
	v10 =	vcvt.f32.s32 v39  }
0x11d: {  	v4 =	vmul.u32 $0xE0, v4;
	v41 =	vcvt.s32.f32 v11;
	v33 =	vmul.f32 v8, v9  }
0x11e: {  	v32 =	vmul.f32 v8, v3;
	v30 =	vmul.f32 v9, v2;
	vm0 =	vmand vm6, vm7  }
0x11f: {  	v5 =	vmul.u32 $0xE0, v5;
	v4 =	vadd.s32 v50, v4;
	v10 =	vcvt.s32.f32 v10  }
0x120: {  	vm5 =	vlt.f32 v1, v41;
	v37 =	vadd.s32 v7, v4;
	v36 =	vadd.s32 v6, v4  }
0x121: {  	v43 =	vsel vm5, $0x3F800000, v60;
	v5 =	vadd.s32 v50, v5;
	vm4 =	vlt.f32 v0, v10  }
0x122: {  	v57 =	vld [tilespmem:$0x1FF50];
	v4 =	vsub.f32 v41, v43;
	[tilespmem:$0x170] =	vst v37;
	v37 =	vmul.f32 v56, v27;
	v42 =	vsel vm4, $0x3F800000, v60  }
0x123: {  	v35 =	vadd.s32 v7, v5;
	v34 =	vadd.s32 v6, v5;
	v5 =	vsub.f32 v10, v42  }
0x124: {  	v51 =	vadd.f32 $1.000000000e+00, v4;
	v52 =	vmax.f32 v4, $0.0e+00;
	v4 =	vsub.f32 v1, v4  }
0x125: {  	v1 =	vadd.f32 v59, v26;
	v7 =	vmin.f32 v52, $2.230000000e+02;
	v44 =	vmax.f32 v5, $0.0e+00  }
0x126: {  	v45 =	vadd.f32 $1.000000000e+00, v5;
	v47 =	vsub.f32 v0, v5;
	v6 =	vmax.f32 v51, $0.0e+00  }
0x127: {  	v7 =	vtrunc.f32 v7;
	v0 =	vmul.f32 v57, v29;
	v61 =	vsub.f32 $1.000000000e+00, v4  }
0x128: {  	v63 =	vtrunc.f32 v1;
	v4 =	vnsel vm1, $0x0, v4;
	vm14 =	vge.f32 v1, $0.0e+00  }
0x129: {  	vm15 =	vle.f32 v1, $2.230000000e+02;
	v48 =	vmin.f32 v44, $2.230000000e+02;
	v7 =	vcvt.f32.s32 v7  }
0x12a: {  	v6 =	vmin.f32 v6, $2.230000000e+02;
	v11 =	vcvt.f32.s32 v63;
	v3 =	vtrunc.f32 v48  }
0x12b: {  	v49 =	vmax.f32 v45, $0.0e+00;
	v6 =	vtrunc.f32 v6;
	v58 =	vsub.f32 $1.000000000e+00, v47  }
0x12c: {  	v0 =	vadd.f32 v0, v28;
	v2 =	vnsel vm0, $0x0, v47;
	v47 =	vmul.f32 v54, v27  }
0x12d: {  	v9 =	vnsel vm1, $0x0, v61;
	v3 =	vcvt.f32.s32 v3;
	v6 =	vcvt.f32.s32 v6  }
0x12e: {  	v5 =	vmin.f32 v49, $2.230000000e+02;
	v12 =	vcvt.s32.f32 v11;
	v38 =	vmul.f32 v9, v2  }
0x12f: {  	vm1 =	vmand vm14, vm15;
	v39 =	vmul.f32 v2, v4;
	v5 =	vtrunc.f32 v5  }
0x130: {  	v8 =	vnsel vm0, $0x0, v58;
	v62 =	vtrunc.f32 v0;
	vm12 =	vge.f32 v0, $0.0e+00  }
0x131: {  	vm13 =	vle.f32 v0, $2.230000000e+02;
	v52 =	vadd.f32 v47, v26;
	v5 =	vcvt.f32.s32 v5  }
0x132: {  	v3 =	vmul.u32 $0xE0, v3;
	v10 =	vcvt.f32.s32 v62;
	v41 =	vmul.f32 v8, v9  }
0x133: {  	vm11 =	vlt.f32 v1, v12;
	v40 =	vmul.f32 v8, v4;
	vm0 =	vmand vm12, vm13  }
0x134: {  	v14 =	vsel vm11, $0x3F800000, v60;
	v57 =	vtrunc.f32 v52;
	vm8 =	vge.f32 v52, $0.0e+00  }
0x135: {  	vm9 =	vle.f32 v52, $2.230000000e+02;
	v5 =	vmul.u32 $0xE0, v5;
	v3 =	vadd.s32 v50, v3  }
0x136: {  	v10 =	vcvt.s32.f32 v10;
	v59 =	vcvt.f32.s32 v57;
	v45 =	vadd.s32 v7, v3  }
0x137: {  	v44 =	vadd.s32 v6, v3;
	v3 =	vsub.f32 v12, v14;
	v5 =	vadd.s32 v50, v5  }
0x138: {  	vm10 =	vlt.f32 v0, v10;
	v63 =	vcvt.s32.f32 v59;
	v43 =	vadd.s32 v7, v5  }
0x139: {  	v23 =	vld [tilespmem:$0x1FF60];
	v42 =	vadd.s32 v6, v5;
	v13 =	vsel vm10, $0x3F800000, v60;
	v20 =	vadd.f32 $1.000000000e+00, v3  }
0x13a: {  	v21 =	vmax.f32 v3, $0.0e+00;
	v3 =	vsub.f32 v1, v3;
	v5 =	vsub.f32 v10, v13  }
0x13b: {  	v7 =	vmin.f32 v21, $2.230000000e+02;
	vm5 =	vlt.f32 v52, v63;
	v6 =	vmax.f32 v20, $0.0e+00  }
0x13c: {  	v7 =	vtrunc.f32 v7;
	v51 =	vsub.f32 $1.000000000e+00, v3;
	v61 =	vnsel vm1, $0x0, v3  }
0x13d: {  	v15 =	vmax.f32 v5, $0.0e+00;
	v16 =	vadd.f32 $1.000000000e+00, v5;
	v17 =	vsub.f32 v0, v5  }
0x13e: {  	v6 =	vmin.f32 v6, $2.230000000e+02;
	v22 =	vcvt.f32.s32 v7;
	v0 =	vmul.f32 v23, v29  }
0x13f: {  	v18 =	vmin.f32 v15, $2.230000000e+02;
	v6 =	vtrunc.f32 v6;
	v54 =	vnsel vm1, $0x0, v51  }
0x140: {  	vm1 =	vmand vm8, vm9;
	v4 =	vtrunc.f32 v18;
	v19 =	vmax.f32 v16, $0.0e+00  }
0x141: {  	v24 =	vsub.f32 $1.000000000e+00, v17;
	v25 =	vadd.f32 v0, v28;
	v48 =	vcvt.f32.s32 v6  }
0x142: {  	v2 =	vnsel vm0, $0x0, v17;
	v4 =	vcvt.f32.s32 v4;
	v5 =	vmin.f32 v19, $2.230000000e+02  }
0x143: {  	v1 =	vmul.f32 v54, v2;
	v19 =	vsel vm5, $0x3F800000, v60;
	v2 =	vmul.f32 v2, v61  }
0x144: {  	v5 =	vtrunc.f32 v5;
	v49 =	vnsel vm0, $0x0, v24;
	v53 =	vtrunc.f32 v25  }
0x145: {  	v10 =	vsub.f32 v63, v19;
	vm6 =	vge.f32 v25, $0.0e+00;
	v24 =	vmul.f32 v55, v27  }
0x146: {  	vm7 =	vle.f32 v25, $2.230000000e+02;
	v27 =	vmul.f32 v46, v27;
	v5 =	vcvt.f32.s32 v5  }
0x147: {  	v4 =	vmul.u32 $0xE0, v4;
	v0 =	vcvt.f32.s32 v53;
	v3 =	vmul.f32 v49, v61  }
0x148: {  	vm0 =	vmand vm6, vm7;
	v21 =	vadd.f32 $1.000000000e+00, v10;
	v15 =	vmax.f32 v10, $0.0e+00  }
0x149: {  	v10 =	vsub.f32 v52, v10;
	v47 =	vadd.f32 v24, v26;
	v5 =	vmul.u32 $0xE0, v5  }
0x14a: {  	v4 =	vadd.s32 v50, v4;
	v58 =	vcvt.s32.f32 v0;
	v15 =	vmin.f32 v15, $2.230000000e+02  }
0x14b: {  	v7 =	vadd.s32 v22, v4;
	v6 =	vadd.s32 v48, v4;
	v4 =	vmul.f32 v49, v54  }
0x14c: {  	v14 =	vmax.f32 v21, $0.0e+00;
	v15 =	vtrunc.f32 v15;
	v53 =	vtrunc.f32 v47  }
0x14d: {  	vm14 =	vge.f32 v47, $0.0e+00;
	vm15 =	vle.f32 v47, $2.230000000e+02;
	vm4 =	vlt.f32 v25, v58  }
0x14e: {  	v62 =	vadd.s32 v50, v5;
	v14 =	vmin.f32 v14, $2.230000000e+02;
	v17 =	vsel vm4, $0x3F800000, v60  }
0x14f: {  	v5 =	vadd.s32 v22, v62;
	v14 =	vtrunc.f32 v14;
	v22 =	vld [tilespmem:$0x1FF80];
	v18 =	vsub.f32 v58, v17  }
0x150: {  	v15 =	vcvt.f32.s32 v15;
	v0 =	vadd.s32 v48, v62;
	v14 =	vcvt.f32.s32 v14  }
0x151: {  	v17 =	vcvt.f32.s32 v53;
	v20 =	vmax.f32 v18, $0.0e+00;
	v13 =	vadd.f32 $1.000000000e+00, v18  }
0x152: {  	v8 =	vsub.f32 v25, v18;
	v25 =	vsub.f32 $1.000000000e+00, v10;
	v12 =	vmin.f32 v20, $2.230000000e+02  }
0x153: {  	[tilespmem:$0x410] =	vst v34;
	v34 =	vld [tilespmem:$0x1FFC0];
	v10 =	vnsel vm1, $0x0, v10;
	v17 =	vcvt.s32.f32 v17;
	v12 =	vtrunc.f32 v12  }
0x154: {  	v13 =	vmax.f32 v13, $0.0e+00;
	v9 =	vmul.f32 v22, v29;
	v23 =	vsub.f32 $1.000000000e+00, v8  }
0x155: {  	v49 =	vnsel vm0, $0x0, v8;
	v52 =	vnsel vm1, $0x0, v25;
	vm11 =	vlt.f32 v47, v17  }
0x156: {  	vm1 =	vmand vm14, vm15;
	v12 =	vcvt.f32.s32 v12;
	v13 =	vmin.f32 v13, $2.230000000e+02  }
0x157: {  	v57 =	vsel vm11, $0x3F800000, v60;
	v13 =	vtrunc.f32 v13;
	v11 =	vadd.f32 v9, v28  }
0x158: {  	v16 =	vnsel vm0, $0x0, v23;
	v58 =	vsub.f32 v17, v57;
	v23 =	vmul.f32 v34, v29  }
0x159: {  	v13 =	vcvt.f32.s32 v13;
	v51 =	vmul.u32 $0xE0, v12;
	v48 =	vtrunc.f32 v11  }
0x15a: {  	v63 =	vsub.f32 v47, v58;
	vm12 =	vge.f32 v11, $0.0e+00;
	vm13 =	vle.f32 v11, $2.230000000e+02  }
0x15b: {  	v25 =	vadd.f32 $1.000000000e+00, v58;
	v12 =	vmax.f32 v58, $0.0e+00;
	v23 =	vadd.f32 v23, v28  }
0x15c: {  	v9 =	vcvt.f32.s32 v48;
	v13 =	vmul.u32 $0xE0, v13;
	v8 =	vadd.s32 v50, v51  }
0x15d: {  	v12 =	vmin.f32 v12, $2.230000000e+02;
	vm0 =	vmand vm12, vm13;
	v20 =	vadd.s32 v15, v8  }
0x15e: {  	[tilespmem:$0x250] =	vst v36;
	v21 =	vadd.s32 v14, v8;
	v8 =	vmul.f32 v52, v49;
	v12 =	vtrunc.f32 v12  }
0x15f: {  	[tilespmem:$0x180] =	vst v45;
	v36 =	vsub.f32 $1.000000000e+00, v63;
	v45 =	vtrunc.f32 v23;
	v9 =	vcvt.s32.f32 v9  }
0x160: {  	[tilespmem:$0x6B0] =	vst v30;
	v19 =	vnsel vm1, $0x0, v63;
	vm6 =	vge.f32 v23, $0.0e+00;
	v30 =	vcvt.f32.s32 v45  }
0x161: {  	vm7 =	vle.f32 v23, $2.230000000e+02;
	v13 =	vadd.s32 v50, v13;
	vm10 =	vlt.f32 v11, v9  }
0x162: {  	v12 =	vcvt.f32.s32 v12;
	v30 =	vcvt.s32.f32 v30;
	v54 =	vsel vm10, $0x3F800000, v60  }
0x163: {  	v15 =	vadd.s32 v15, v13;
	v13 =	vadd.s32 v14, v13;
	v55 =	vsub.f32 v9, v54  }
0x164: {  	v14 =	vmul.f32 v16, v52;
	v16 =	vmul.f32 v16, v10;
	vm4 =	vlt.f32 v23, v30  }
0x165: {  	[tilespmem:$0x790] =	vst v31;
	v9 =	vmul.f32 v49, v10;
	v49 =	vsel vm4, $0x3F800000, v60;
	v59 =	vmax.f32 v55, $0.0e+00  }
0x166: {  	[tilespmem:$0x4F0] =	vst v33;
	v61 =	vadd.f32 $1.000000000e+00, v55;
	v62 =	vsub.f32 v11, v55;
	v11 =	vmax.f32 v25, $0.0e+00  }
0x167: {  	[tilespmem:$0x5D0] =	vst v32;
	v25 =	vadd.f32 v37, v26;
	v17 =	vmin.f32 v59, $2.230000000e+02;
	v11 =	vmin.f32 v11, $2.230000000e+02  }
0x168: {  	[tilespmem:$0x330] =	vst v35;
	v17 =	vtrunc.f32 v17;
	v24 =	vmax.f32 v61, $0.0e+00;
	v11 =	vtrunc.f32 v11  }
0x169: {  	[tilespmem:$0x6C0] =	vst v38;
	v35 =	vsub.f32 $1.000000000e+00, v62;
	v10 =	vnsel vm0, $0x0, v62;
	v47 =	vtrunc.f32 v25  }
0x16a: {  	[tilespmem:$0x7A0] =	vst v39;
	vm8 =	vge.f32 v25, $0.0e+00;
	vm9 =	vle.f32 v25, $2.230000000e+02;
	v17 =	vcvt.f32.s32 v17  }
0x16b: {  	[tilespmem:$0x500] =	vst v41;
	v22 =	vmin.f32 v24, $2.230000000e+02;
	v24 =	vnsel vm1, $0x0, v36;
	v31 =	vcvt.f32.s32 v47  }
0x16c: {  	[tilespmem:$0x5E0] =	vst v40;
	v11 =	vcvt.f32.s32 v11;
	vm1 =	vmand vm6, vm7;
	v22 =	vtrunc.f32 v22  }
0x16d: {  	[tilespmem:$0x260] =	vst v44;
	v22 =	vcvt.f32.s32 v22;
	v17 =	vmul.u32 $0xE0, v17;
	v31 =	vcvt.s32.f32 v31  }
0x16e: {  	[tilespmem:$0x340] =	vst v43;
	v18 =	vnsel vm0, $0x0, v35;
	v52 =	vmul.f32 v24, v10;
	v10 =	vmul.f32 v10, v19  }
0x16f: {  	[tilespmem:$0x420] =	vst v42;
	v22 =	vmul.u32 $0xE0, v22;
	v17 =	vadd.s32 v50, v17;
	vm5 =	vlt.f32 v25, v31  }
0x170: {  	[tilespmem:$0x6D0] =	vst v1;
	vm0 =	vmand vm8, vm9;
	v48 =	vadd.s32 v12, v17;
	v53 =	vsel vm5, $0x3F800000, v60  }
0x171: {  	[tilespmem:$0x7B0] =	vst v2;
	v17 =	vadd.s32 v11, v17;
	v22 =	vadd.s32 v50, v22;
	v56 =	vsub.f32 v31, v53  }
0x172: {  	[tilespmem:$0x5F0] =	vst v3;
	v12 =	vadd.s32 v12, v22;
	v11 =	vadd.s32 v11, v22;
	v22 =	vsub.f32 v30, v49  }
0x173: {  	[tilespmem:$0x190] =	vst v7;
	v51 =	vmul.f32 v18, v24;
	v18 =	vmul.f32 v18, v19;
	v62 =	vsub.f32 v25, v56  }
0x174: {  	[tilespmem:$0x350] =	vst v5;
	v5 =	vadd.f32 $1.000000000e+00, v56;
	v54 =	vmax.f32 v22, $0.0e+00;
	v55 =	vadd.f32 $1.000000000e+00, v22  }
0x175: {  	[tilespmem:$0x270] =	vst v6;
	v57 =	vsub.f32 v23, v22;
	v23 =	vmax.f32 v56, $0.0e+00;
	v19 =	vmin.f32 v54, $2.230000000e+02  }
0x176: {  	[tilespmem:$0x510] =	vst v4;
	v22 =	vld [tilespmem:$0x1FFE0];
	v2 =	vmin.f32 v23, $2.230000000e+02;
	v5 =	vmax.f32 v5, $0.0e+00;
	v1 =	vnsel vm0, $0x0, v62  }
0x177: {  	[tilespmem:$0x430] =	vst v0;
	v58 =	vtrunc.f32 v19;
	v59 =	vmax.f32 v55, $0.0e+00;
	v24 =	vsub.f32 $1.000000000e+00, v57  }
0x178: {  	[tilespmem:$0x1A0] =	vst v20;
	v2 =	vtrunc.f32 v2;
	v5 =	vmin.f32 v5, $2.230000000e+02;
	v0 =	vcvt.f32.s32 v58  }
0x179: {  	[tilespmem:$0x280] =	vst v21;
	v61 =	vmin.f32 v59, $2.230000000e+02;
	v2 =	vcvt.f32.s32 v2;
	v5 =	vtrunc.f32 v5  }
0x17a: {  	[tilespmem:$0x6E0] =	vst v8;
	v6 =	vnsel vm1, $0x0, v57;
	v63 =	vtrunc.f32 v61;
	v5 =	vcvt.f32.s32 v5  }
0x17b: {  	[tilespmem:$0x360] =	vst v15;
	v25 =	vnsel vm1, $0x0, v24;
	v4 =	vmul.f32 v22, v29;
	v3 =	vcvt.f32.s32 v63  }
0x17c: {  	[tilespmem:$0x440] =	vst v13;
	v29 =	vadd.f32 v27, v26;
	v0 =	vmul.u32 $0xE0, v0;
	v40 =	vmul.f32 v25, v1  }
0x17d: {  	[tilespmem:$0x520] =	vst v14;
	v1 =	vmul.f32 v6, v1;
	v4 =	vadd.f32 v4, v28;
	v28 =	vsub.f32 $1.000000000e+00, v62  }
0x17e: {  	[tilespmem:$0x600] =	vst v16;
	v3 =	vmul.u32 $0xE0, v3;
	v35 =	vtrunc.f32 v29;
	v0 =	vadd.s32 v50, v0  }
0x17f: {  	[tilespmem:$0x7C0] =	vst v9;
	vm14 =	vge.f32 v29, $0.0e+00;
	v13 =	vcvt.f32.s32 v35;
	v31 =	vtrunc.f32 v4  }
0x180: {  	[tilespmem:$0x6F0] =	vst v52;
	vm15 =	vle.f32 v29, $2.230000000e+02;
	v37 =	vadd.s32 v2, v0;
	v33 =	vcvt.f32.s32 v31  }
0x181: {  	[tilespmem:$0x7D0] =	vst v10;
	v0 =	vadd.s32 v5, v0;
	vm1 =	vmand vm14, vm15;
	v13 =	vcvt.s32.f32 v13  }
0x182: {  	[tilespmem:$0x530] =	vst v51;
	v34 =	vnsel vm0, $0x0, v28;
	v3 =	vadd.s32 v50, v3;
	v36 =	vcvt.s32.f32 v33  }
0x183: {  	[tilespmem:$0x610] =	vst v18;
	vm12 =	vge.f32 v4, $0.0e+00;
	vm13 =	vle.f32 v4, $2.230000000e+02;
	vm11 =	vlt.f32 v29, v13  }
0x184: {  	[tilespmem:$0x1B0] =	vst v48;
	v2 =	vadd.s32 v2, v3;
	v41 =	vsel vm11, $0x3F800000, v60;
	vm10 =	vlt.f32 v4, v36  }
0x185: {  	[tilespmem:$0x370] =	vst v12;
	v3 =	vadd.s32 v5, v3;
	v12 =	vsub.f32 v13, v41;
	v38 =	vsel vm10, $0x3F800000, v60  }
0x186: {  	[tilespmem:$0x290] =	vst v17;
	v39 =	vmul.f32 v25, v34;
	v8 =	vmul.f32 v34, v6;
	v5 =	vsub.f32 v36, v38  }
0x187: {  	[tilespmem:$0x450] =	vst v11;
	vm0 =	vmand vm12, vm13;
	v46 =	vadd.f32 $1.000000000e+00, v12;
	v47 =	vmax.f32 v12, $0.0e+00  }
0x188: {  	[tilespmem:$0x620] =	vst v40;
	v53 =	vsub.f32 v29, v12;
	v49 =	vmin.f32 v47, $2.230000000e+02;
	v42 =	vmax.f32 v5, $0.0e+00  }
0x189: {  	[tilespmem:$0x7E0] =	vst v1;
	v43 =	vadd.f32 $1.000000000e+00, v5;
	v5 =	vsub.f32 v4, v5;
	v10 =	vmax.f32 v46, $0.0e+00  }
0x18a: {  	[tilespmem:$0x1C0] =	vst v37;
	v51 =	vtrunc.f32 v49;
	v57 =	vsub.f32 $1.000000000e+00, v53;
	v44 =	vmin.f32 v42, $2.230000000e+02  }
0x18b: {  	[tilespmem:$0x460] =	vst v3;
	v3 =	vnsel vm1, $0x0, v53;
	v52 =	vmin.f32 v10, $2.230000000e+02;
	v6 =	vtrunc.f32 v44  }
0x18c: {  	[tilespmem:$0x2A0] =	vst v0;
	v45 =	vmax.f32 v43, $0.0e+00;
	v56 =	vsub.f32 $1.000000000e+00, v5;
	v60 =	vnsel vm0, $0x0, v5  }
0x18d: {  	[tilespmem:$0x380] =	vst v2;
	v6 =	vcvt.f32.s32 v6;
	v7 =	vmin.f32 v45, $2.230000000e+02;
	v63 =	vmul.f32 v60, v3  }
0x18e: {  	[tilespmem:$0x540] =	vst v39;
	v48 =	vtrunc.f32 v7;
	v7 =	vtrunc.f32 v52;
	v1 =	vnsel vm0, $0x0, v56  }
0x18f: {  	[tilespmem:$0x700] =	vst v8;
	v55 =	vcvt.f32.s32 v7;
	v7 =	vnsel vm1, $0x0, v57;
	v61 =	vmul.f32 v1, v3  }
0x190: {  	v0 =	vcvt.f32.s32 v48;
	v54 =	vmul.u32 $0xE0, v6;
	[tilespmem:$0x7F0] =	vst v63;
	v59 =	vmul.f32 v1, v7  }
0x191: {  	v2 =	vcvt.f32.s32 v51;
	v62 =	vmul.f32 v7, v60;
	[tilespmem:$0x630] =	vst v61  }
0x192: {  	v4 =	vadd.s32 v50, v54;
	v0 =	vmul.u32 $0xE0, v0;
	[tilespmem:$0x550] =	vst v59  }
0x193: {  	v58 =	vadd.s32 v2, v4;
	[tilespmem:$0x710] =	vst v62  }
0x194: {  	v4 =	vadd.s32 v55, v4;
	v0 =	vadd.s32 v50, v0;
	[tilespmem:$0x1D0] =	vst v58  }
0x195: {  	[tilespmem:$0x2B0] =	vst v4;
	v2 =	vadd.s32 v2, v0  }
0x196: {  	v0 =	vadd.s32 v55, v0;
	[tilespmem:$0x390] =	vst v2  }
0x197: {  	[tilespmem:$0x470] =	vst v0  }
0x198: {  	[tilespmem:s19], [sflag:$0x2] =	stream.indirect.gather [hbm4b:s4+s9], $0x60, s18, s9, $0xb8;
	[tilespmem:$0x1A180] =	vst v63  }
0x199: {  	_ = 	snop  }
0x19a: {  	[tilespmem:s21], [sflag:$0x2] =	stream.indirect.gather [hbm4b:s4+s9], $0x60, s20, s9, $0xb8;
	[tilespmem:$0x1A180] =	vst v63  }
0x19b: {  	_ = 	snop  }
0x19c: {  	[tilespmem:s23], [sflag:$0x2] =	stream.indirect.gather [hbm4b:s4+s9], $0x60, s22, s9, $0xb8;
	[tilespmem:$0x1A180] =	vst v63  }
0x19d: {  	_ = 	snop  }
0x19e: {  	[tilespmem:s25], [sflag:$0x2] =	stream.indirect.gather [hbm4b:s4+s9], $0x60, s24, s9, $0xb8;
	[tilespmem:$0x1A180] =	vst v63  }
0x19f: {  	_ =	swait.ge [sflag:s26], $0x2700  }
0x1a0: {  	[sflag:s26] =	ssyncset.done $0x0  }
0x1a1: {  	[sflag:s26] =	ssyncadd.s32 $0xFFFFD900  }
0x1a2: {  	_ =	swait.ge [sflag:s26], $0x2700  }
0x1a3: {  	[sflag:s26] =	ssyncset.done $0x0  }
0x1a4: {  	[sflag:s26] =	ssyncadd.s32 $0xFFFFD900  }
0x1a5: {  	_ =	swait.ge [sflag:s26], $0x2700  }
0x1a6: {  	[sflag:s26] =	ssyncset.done $0x0  }
0x1a7: {  	[sflag:s26] =	ssyncadd.s32 $0xFFFFD900  }
0x1a8: {  	_ =	swait.ge [sflag:s26], $0x2700  }
0x1a9: {  	[sflag:s26] =	ssyncset.done $0x0  }
0x1aa: {  	[sflag:s26] =	ssyncadd.s32 $0xFFFFD900  }
.LBB2_3:
0x1ab: {  	s13 =	sadd.s32 $0x2, s10  }
0x1ac: {  	s11 =	smul.u32 $0x60, s10;
	v35 =	vmov s13;
	s13 =	sadd.s32 $0x3, s10  }
0x1ad: {  	v23 =	vmov s13;
	s13 =	sadd.s32 $0x4, s10  }
0x1ae: {  	v32 =	vld [tilespmem:s11+$0x5C80];
	v57 =	vmov s13  }
0x1af: {  	v33 =	vld [tilespmem:s11+$0xB080]  }
0x1b0: {  	v31 =	vld [tilespmem:s11+$0x10470]  }
0x1b1: {  	v30 =	vld [tilespmem:s11+$0x10460];
	_ =	sdelay $0x1  }
0x1b2: {  	[tilespmem:$0x1FA80] =	vst v32;
	v32 =	vld.idx.msk [tilespmem:v57+s28+$0x0], $0xffff  }
0x1b3: {  	[tilespmem:$0x1FAA0] =	vst v33;
	v33 =	vld.idx.msk [tilespmem:v57+s29+$0x0], $0xffff  }
0x1b4: {  	[tilespmem:$0x1FA90] =	vst v31;
	v31 =	vld.idx.msk [tilespmem:v57+s30+$0x0], $0xffff  }
0x1b5: {  	[tilespmem:$0x1FA70] =	vst v30;
	v30 =	vld.idx.msk [tilespmem:v57+s31+$0x0], $0xffff  }
0x1b6: {  	v57 =	vld [tilespmem:s11+$0x104B0];
	_ =	sdelay $0x4  }
0x1b7: {  	[tilespmem:$0x1FB20] =	vst v57;
	v57 =	vld [tilespmem:s11+$0x5CD0];
	_ =	sdelay $0x4  }
0x1b8: {  	[tilespmem:$0x1FB10] =	vst v57;
	v57 =	vld [tilespmem:s11+$0xB0D0];
	_ =	sdelay $0x4  }
0x1b9: {  	[tilespmem:$0x1FB50] =	vst v57;
	v57 =	vld [tilespmem:s11+$0x104D0];
	_ =	sdelay $0x4  }
0x1ba: {  	[tilespmem:$0x1FB80] =	vst v57;
	v57 =	vld [tilespmem:s11+$0x8E0];
	_ =	sdelay $0x4  }
0x1bb: {  	[tilespmem:$0x1FB60] =	vst v57;
	v57 =	vld [tilespmem:s11+$0x5CE0];
	_ =	sdelay $0x4  }
0x1bc: {  	[tilespmem:$0x1FB70] =	vst v57;
	v57 =	vld [tilespmem:s11+$0xB0E0];
	_ =	sdelay $0x4  }
0x1bd: {  	[tilespmem:$0x1FB90] =	vst v57;
	v57 =	vld [tilespmem:s11+$0x104E0];
	_ =	sdelay $0x4  }
0x1be: {  	[tilespmem:$0x1FC00] =	vst v57;
	v57 =	vld [tilespmem:s11+$0x8F0];
	_ =	sdelay $0x4  }
0x1bf: {  	[tilespmem:$0x1FBA0] =	vst v57;
	v57 =	vld [tilespmem:s11+$0x5CF0];
	_ =	sdelay $0x4  }
0x1c0: {  	[tilespmem:$0x1FBB0] =	vst v57;
	v57 =	vld [tilespmem:s11+$0xB0F0];
	_ =	sdelay $0x4  }
0x1c1: {  	[tilespmem:$0x1FBF0] =	vst v57;
	v57 =	vld [tilespmem:s11+$0x104F0];
	_ =	sdelay $0x4  }
0x1c2: {  	[tilespmem:$0x1FC30] =	vst v57;
	v57 =	vld [tilespmem:s11+$0x900]  }
0x1c3: {  	v4 =	vld [tilespmem:s11+$0x800]  }
0x1c4: {  	v5 =	vld [tilespmem:s11+$0x5C00]  }
0x1c5: {  	v7 =	vld [tilespmem:s11+$0xB000]  }
0x1c6: {  	v11 =	vld [tilespmem:s11+$0x10400]  }
0x1c7: {  	[tilespmem:$0x1FBC0] =	vst v57;
	v57 =	vld [tilespmem:s11+$0x5D00]  }
0x1c8: {  	v3 =	vld [tilespmem:s11+$0x5C10]  }
0x1c9: {  	v8 =	vld [tilespmem:s11+$0xB010]  }
0x1ca: {  	v12 =	vld [tilespmem:s11+$0x10410]  }
0x1cb: {  	v9 =	vld [tilespmem:s11+$0x820]  }
0x1cc: {  	[tilespmem:$0x1FBD0] =	vst v57;
	v57 =	vld [tilespmem:s11+$0xB100]  }
0x1cd: {  	v10 =	vld [tilespmem:s11+$0x5C20]  }
0x1ce: {  	v14 =	vld [tilespmem:s11+$0xB020]  }
0x1cf: {  	v52 =	vld [tilespmem:s11+$0x10420]  }
0x1d0: {  	v18 =	vld [tilespmem:s11+$0x830]  }
0x1d1: {  	[tilespmem:$0x1FC10] =	vst v57;
	v57 =	vld [tilespmem:s11+$0x10500]  }
0x1d2: {  	v15 =	vld [tilespmem:s11+$0x5C30]  }
0x1d3: {  	v24 =	vld [tilespmem:s11+$0xB030]  }
0x1d4: {  	v58 =	vld [tilespmem:s11+$0x10430]  }
0x1d5: {  	v16 =	vld [tilespmem:s11+$0x840]  }
0x1d6: {  	[tilespmem:$0x1FC40] =	vst v57;
	v57 =	vld [tilespmem:s11+$0x910]  }
0x1d7: {  	v17 =	vld [tilespmem:s11+$0x5C40]  }
0x1d8: {  	v25 =	vld [tilespmem:s11+$0xB040]  }
0x1d9: {  	v63 =	vld [tilespmem:s11+$0x10440]  }
0x1da: {  	v13 =	vld [tilespmem:s11+$0x850]  }
0x1db: {  	[tilespmem:$0x1FBE0] =	vst v57;
	v57 =	vld [tilespmem:s11+$0x5D10]  }
0x1dc: {  	v22 =	vld [tilespmem:s11+$0x5C50]  }
0x1dd: {  	v50 =	vld [tilespmem:s11+$0xB050]  }
0x1de: {  	v19 =	vld [tilespmem:s11+$0x10450]  }
0x1df: {  	v46 =	vld [tilespmem:s11+$0x860]  }
0x1e0: {  	[tilespmem:$0x1FC20] =	vst v57;
	v57 =	vld [tilespmem:s11+$0xB110]  }
0x1e1: {  	v45 =	vld [tilespmem:s11+$0x5C60]  }
0x1e2: {  	v56 =	vld [tilespmem:s11+$0xB060]  }
0x1e3: {  	v47 =	vld [tilespmem:s11+$0x870]  }
0x1e4: {  	v42 =	vld [tilespmem:s11+$0x5C70]  }
0x1e5: {  	[tilespmem:$0x1FC50] =	vst v57;
	v57 =	vld [tilespmem:s11+$0x10510]  }
0x1e6: {  	v54 =	vld [tilespmem:s11+$0xB070]  }
0x1e7: {  	v60 =	vld [tilespmem:s11+$0x880]  }
0x1e8: {  	v34 =	vld [tilespmem:s11+$0x10480]  }
0x1e9: {  	v41 =	vld [tilespmem:s11+$0x890]  }
0x1ea: {  	[tilespmem:$0x1FCA0] =	vst v57;
	v57 =	vld [tilespmem:s11+$0x920]  }
0x1eb: {  	v43 =	vld [tilespmem:s11+$0x5C90]  }
0x1ec: {  	v0 =	vmov s10;
	v53 =	vld [tilespmem:s11+$0xB090]  }
0x1ed: {  	v55 =	vld [tilespmem:s11+$0x10490]  }
0x1ee: {  	v21 =	vld [tilespmem:s11+$0x8B0]  }
0x1ef: {  	[tilespmem:$0x1FC60] =	vst v57;
	v57 =	vld [tilespmem:s11+$0x5D20]  }
0x1f0: {  	v61 =	vld [tilespmem:s11+$0x8C0]  }
0x1f1: {  	s12 =	sadd.s32 $0x1, s10;
	v6 =	vld.idx.msk [tilespmem:v0+s28+$0x0], $0xffff  }
0x1f2: {  	v20 =	vmov s12;
	v1 =	vld.idx.msk [tilespmem:v0+s29+$0x0], $0xffff  }
0x1f3: {  	v2 =	vld.idx.msk [tilespmem:v0+s30+$0x0], $0xffff  }
0x1f4: {  	[tilespmem:$0x1FC70] =	vst v57;
	v57 =	vld [tilespmem:s11+$0xB120]  }
0x1f5: {  	v51 =	vld.idx.msk [tilespmem:v0+s31+$0x0], $0xffff  }
0x1f6: {  	v0 =	vld [tilespmem:s11+$0x810]  }
0x1f7: {  	v62 =	vld.idx.msk [tilespmem:v20+s28+$0x0], $0xffff  }
0x1f8: {  	v49 =	vld.idx.msk [tilespmem:v20+s29+$0x0], $0xffff  }
0x1f9: {  	[tilespmem:$0x1FCB0] =	vst v57;
	v57 =	vld [tilespmem:s11+$0x10520]  }
0x1fa: {  	v48 =	vld.idx.msk [tilespmem:v20+s30+$0x0], $0xffff  }
0x1fb: {  	v44 =	vld.idx.msk [tilespmem:v20+s31+$0x0], $0xffff  }
0x1fc: {  	v40 =	vld.idx.msk [tilespmem:v35+s29+$0x0], $0xffff  }
0x1fd: {  	v39 =	vld.idx.msk [tilespmem:v35+s30+$0x0], $0xffff  }
0x1fe: {  	[tilespmem:$0x1FCC0] =	vst v57;
	v57 =	vld [tilespmem:s11+$0x930]  }
0x1ff: {  	v38 =	vld.idx.msk [tilespmem:v35+s31+$0x0], $0xffff  }
0x200: {  	v20 =	vld [tilespmem:s11+$0x5CA0]  }
0x201: {  	[tilespmem:$0x1FAC0] =	vst v43;
	v43 =	vld.idx.msk [tilespmem:v35+s28+$0x0], $0xffff  }
0x202: {  	v36 =	vld.idx.msk [tilespmem:v23+s28+$0x0], $0xffff  }
0x203: {  	[tilespmem:$0x1FC80] =	vst v57;
	v57 =	vld [tilespmem:s11+$0x5D30]  }
0x204: {  	v37 =	vld.idx.msk [tilespmem:v23+s29+$0x0], $0xffff  }
0x205: {  	v35 =	vld.idx.msk [tilespmem:v23+s30+$0x0], $0xffff  }
0x206: {  	[tilespmem:$0x1FAE0] =	vst v34;
	v34 =	vld.idx.msk [tilespmem:v23+s31+$0x0], $0xffff  }
0x207: {  	[tilespmem:$0x1FA60] =	vst v19;
	v19 =	vld [tilespmem:s11+$0x8A0]  }
0x208: {  	[tilespmem:$0x1FC90] =	vst v57;
	v57 =	vld [tilespmem:s11+$0xB130]  }
0x209: {  	s13 =	sadd.s32 $0x5, s10;
	v23 =	vld [tilespmem:s11+$0xB0A0]  }
0x20a: {  	v59 =	vmov s13;
	[tilespmem:$0x1FAD0] =	vst v53;
	v53 =	vld [tilespmem:s11+$0x104A0]  }
0x20b: {  	[tilespmem:$0x1FAB0] =	vst v41;
	v41 =	vld [tilespmem:s11+$0x5CB0]  }
0x20c: {  	[tilespmem:$0x1FAF0] =	vst v55;
	v55 =	vld [tilespmem:s11+$0xB0B0]  }
0x20d: {  	[tilespmem:$0x1FCD0] =	vst v57;
	v57 =	vld [tilespmem:s11+$0x10530]  }
0x20e: {  	[tilespmem:$0x1FB00] =	vst v61;
	v61 =	vld [tilespmem:s11+$0xB0C0]  }
0x20f: {  	v28 =	vld.idx.msk [tilespmem:v59+s28+$0x0], $0xffff  }
0x210: {  	v29 =	vld.idx.msk [tilespmem:v59+s29+$0x0], $0xffff  }
0x211: {  	v27 =	vld.idx.msk [tilespmem:v59+s30+$0x0], $0xffff;
	v4 =	vmul.f32 v4, v6;
	v5 =	vmul.f32 v5, v1  }
0x212: {  	v0 =	vmul.f32 v0, v6;
	v3 =	vmul.f32 v3, v1;
	[tilespmem:$0x1FD00] =	vst v57;
	v57 =	vld [tilespmem:s11+$0x940]  }
0x213: {  	v26 =	vld.idx.msk [tilespmem:v59+s31+$0x0], $0xffff;
	v4 =	vadd.f32 v5, v4  }
0x214: {  	v59 =	vld [tilespmem:s11+$0x5CC0];
	v5 =	vmul.f32 v7, v2;
	v0 =	vadd.f32 v3, v0;
	v7 =	vmul.f32 v8, v2  }
0x215: {  	[tilespmem:$0x1FB30] =	vst v61;
	v61 =	vld [tilespmem:s11+$0x104C0]  }
0x216: {  	v0 =	vadd.f32 v7, v0;
	v7 =	vmul.f32 v12, v51;
	v12 =	vmul.f32 v14, v2;
	v14 =	vld [tilespmem:s11+$0x950]  }
0x217: {  	[tilespmem:$0x1FCE0] =	vst v57;
	v57 =	vld [tilespmem:s11+$0x5D40]  }
0x218: {  	v4 =	vadd.f32 v5, v4;
	v5 =	vmul.f32 v9, v6;
	v9 =	vld [tilespmem:s11+$0xB160]  }
0x219: {  	v3 =	vmul.f32 v11, v51;
	v8 =	vmul.f32 v10, v1;
	v0 =	vadd.f32 v7, v0;
	v7 =	vld [tilespmem:s11+$0x5D80]  }
0x21a: {  	[tilespmem:$0x1FB40] =	vst v61;
	v61 =	vld [tilespmem:s11+$0x8D0]  }
0x21b: {  	v3 =	vadd.f32 v3, v4;
	v11 =	vadd.f32 v8, v5;
	[tilespmem:$0x1FDD0] =	vst v0;
	v0 =	vmul.f32 v18, v6;
	v18 =	vld [tilespmem:s11+$0x5D50]  }
0x21c: {  	v15 =	vmul.f32 v15, v1;
	[tilespmem:$0x1FCF0] =	vst v57;
	v57 =	vld [tilespmem:s11+$0xB140]  }
0x21d: {  	[tilespmem:$0x1FDB0] =	vst v3;
	v3 =	vadd.f32 v12, v11;
	v12 =	vmul.f32 v17, v1;
	v17 =	vld [tilespmem:s11+$0x10550];
	v1 =	vmul.f32 v22, v1  }
0x21e: {  	v22 =	vmul.f32 v46, v62;
	v46 =	vmul.f32 v45, v49;
	v45 =	vld [tilespmem:$0x1FAA0]  }
0x21f: {  	v11 =	vmul.f32 v50, v2;
	v50 =	vmul.f32 v47, v62;
	v47 =	vld [tilespmem:$0x1FAB0];
	[tilespmem:$0x1FD20] =	vst v14  }
0x220: {  	v14 =	vld [tilespmem:s11+$0xB150];
	[tilespmem:$0x1FD30] =	vst v18  }
0x221: {  	v18 =	vmul.f32 v52, v51;
	[tilespmem:$0x1FD10] =	vst v57;
	v57 =	vld [tilespmem:s11+$0x10540]  }
0x222: {  	[tilespmem:$0x1FD90] =	vst v9;
	v9 =	vld [tilespmem:s11+$0x990];
	v0 =	vadd.f32 v15, v0;
	v15 =	vmul.f32 v13, v6  }
0x223: {  	v13 =	vld [tilespmem:s11+$0x10570];
	v3 =	vadd.f32 v18, v3  }
0x224: {  	v10 =	vadd.f32 v1, v15;
	v15 =	vld [tilespmem:s11+$0x970];
	[tilespmem:$0x1FD80] =	vst v17  }
0x225: {  	v17 =	vld [tilespmem:s11+$0x10560];
	[tilespmem:$0x1FDE0] =	vst v3  }
0x226: {  	v3 =	vld [tilespmem:s11+$0x5E00];
	[tilespmem:$0x1FD40] =	vst v57;
	v57 =	vmul.f32 v16, v6  }
0x227: {  	v16 =	vmul.f32 v24, v2;
	v24 =	vmul.f32 v25, v2;
	v25 =	vld [tilespmem:s11+$0x960]  }
0x228: {  	v2 =	vadd.f32 v46, v22;
	v22 =	vld [tilespmem:$0x1FA90]  }
0x229: {  	v46 =	vmul.f32 v45, v48;
	v45 =	vld [tilespmem:$0x1FB00];
	v4 =	vadd.f32 v12, v57  }
0x22a: {  	v6 =	vmul.f32 v23, v48;
	v23 =	vmul.f32 v53, v44;
	v53 =	vld [tilespmem:$0x1FB10]  }
0x22b: {  	v63 =	vmul.f32 v63, v51;
	v52 =	vmul.f32 v58, v51;
	v57 =	vld [tilespmem:s11+$0x5D60];
	v58 =	vadd.f32 v24, v4  }
0x22c: {  	v0 =	vadd.f32 v16, v0;
	v16 =	vld [tilespmem:$0x1FA80]  }
0x22d: {  	[tilespmem:$0x1FD50] =	vst v14;
	v14 =	vmul.f32 v60, v62;
	v18 =	vadd.f32 v63, v58;
	v58 =	vld [tilespmem:$0x1FA60]  }
0x22e: {  	v12 =	vmul.f32 v54, v48;
	v0 =	vadd.f32 v52, v0;
	v52 =	vmul.f32 v42, v49;
	v42 =	vld [tilespmem:s11+$0x980]  }
0x22f: {  	v54 =	vmul.f32 v20, v49;
	v20 =	vmul.f32 v41, v49;
	[tilespmem:$0x1FD60] =	vst v25;
	v25 =	vld [tilespmem:s11+$0x5D70]  }
0x230: {  	[tilespmem:$0x1FDF0] =	vst v0;
	v0 =	vadd.f32 v11, v10;
	v10 =	vmul.f32 v56, v48;
	v1 =	vadd.f32 v52, v50;
	v11 =	vld [tilespmem:$0x1FA70]  }
0x231: {  	[tilespmem:$0x1FDA0] =	vst v17;
	v50 =	vld [tilespmem:$0x1FAC0];
	v52 =	vmul.f32 v19, v62;
	v56 =	vmul.f32 v21, v62  }
0x232: {  	v21 =	vld [tilespmem:$0x1FAF0];
	v17 =	vmul.f32 v16, v49;
	[tilespmem:$0x1FE00] =	vst v18;
	v18 =	vadd.f32 v12, v1;
	v63 =	vmul.f32 v58, v51  }
0x233: {  	[tilespmem:$0x1FD70] =	vst v57;
	v57 =	vld [tilespmem:$0x1FAD0];
	v1 =	vmul.f32 v22, v44;
	v8 =	vadd.f32 v54, v52;
	v12 =	vadd.f32 v20, v56  }
0x234: {  	v52 =	vmul.f32 v61, v43;
	v54 =	vmul.f32 v53, v40;
	v20 =	vld [tilespmem:s11+$0xB1B0];
	v0 =	vadd.f32 v63, v0  }
0x235: {  	v24 =	vadd.f32 v17, v14;
	v8 =	vadd.f32 v6, v8;
	v6 =	vld [tilespmem:s11+$0x9A0]  }
0x236: {  	v14 =	vadd.f32 v54, v52;
	v54 =	vld [tilespmem:$0x1FB80];
	[tilespmem:$0x1FE10] =	vst v0;
	v0 =	vadd.f32 v1, v18  }
0x237: {  	v58 =	vld [tilespmem:s11+$0xB170]  }
0x238: {  	v2 =	vadd.f32 v10, v2;
	v4 =	vmul.f32 v11, v44;
	[tilespmem:$0x1FE30] =	vst v0;
	v0 =	vmul.f32 v47, v62;
	v62 =	vld [tilespmem:$0x1FAE0]  }
0x239: {  	v51 =	vld [tilespmem:s11+$0xB180]  }
0x23a: {  	v60 =	vmul.f32 v57, v48;
	v57 =	vld [tilespmem:$0x1FB30];
	v2 =	vadd.f32 v4, v2;
	v1 =	vmul.f32 v50, v49  }
0x23b: {  	v41 =	vadd.f32 v23, v8;
	v23 =	vld [tilespmem:$0x1FB60]  }
0x23c: {  	[tilespmem:$0x1FE20] =	vst v2;
	v2 =	vadd.f32 v46, v24;
	v24 =	vmul.f32 v55, v48;
	v55 =	vld [tilespmem:$0x1FB20];
	v0 =	vadd.f32 v1, v0  }
0x23d: {  	v48 =	vld [tilespmem:$0x1FB70];
	v5 =	vmul.f32 v62, v44  }
0x23e: {  	v0 =	vadd.f32 v60, v0;
	v60 =	vld [tilespmem:$0x1FB40]  }
0x23f: {  	v46 =	vmul.f32 v45, v43;
	v47 =	vmul.f32 v59, v40;
	v49 =	vadd.f32 v5, v2;
	v5 =	vld [tilespmem:$0x1FB50]  }
0x240: {  	v59 =	vmul.f32 v57, v39;
	v57 =	vld [tilespmem:$0x1FB90]  }
0x241: {  	v11 =	vld [tilespmem:s11+$0xB190];
	v8 =	vadd.f32 v47, v46  }
0x242: {  	v22 =	vmul.f32 v21, v44;
	v21 =	vld [tilespmem:s11+$0x105A0];
	v12 =	vadd.f32 v24, v12;
	v56 =	vmul.f32 v55, v44  }
0x243: {  	v63 =	vld [tilespmem:s11+$0x10580];
	[tilespmem:$0x1FE50] =	vst v41;
	v41 =	vmul.f32 v23, v43;
	v52 =	vmul.f32 v48, v40;
	v8 =	vadd.f32 v59, v8  }
0x244: {  	[tilespmem:$0x1FDC0] =	vst v13;
	v45 =	vld [tilespmem:$0x1FBC0];
	v44 =	vadd.f32 v56, v12;
	v61 =	vmul.f32 v60, v38;
	v13 =	vmul.f32 v5, v39  }
0x245: {  	v56 =	vadd.f32 v52, v41;
	v59 =	vmul.f32 v57, v39;
	v0 =	vadd.f32 v22, v0;
	v22 =	vld [tilespmem:$0x1FBB0]  }
0x246: {  	v55 =	vmul.f32 v54, v38;
	v48 =	vadd.f32 v61, v8;
	v61 =	vld [tilespmem:$0x1FBA0];
	v53 =	vadd.f32 v13, v14  }
0x247: {  	v8 =	vadd.f32 v59, v56;
	v56 =	vld [tilespmem:$0x1FBF0]  }
0x248: {  	v60 =	vadd.f32 v55, v53;
	v55 =	vld [tilespmem:$0x1FBE0]  }
0x249: {  	v4 =	vld [tilespmem:s11+$0x5D90]  }
0x24a: {  	v50 =	vld [tilespmem:s11+$0xB1A0];
	v52 =	vmul.f32 v45, v43  }
0x24b: {  	v45 =	vld [tilespmem:$0x1FC30];
	v41 =	vmul.f32 v22, v40;
	v5 =	vmul.f32 v61, v43  }
0x24c: {  	v53 =	vld [tilespmem:$0x1FBD0]  }
0x24d: {  	v57 =	vmul.f32 v56, v39;
	v12 =	vadd.f32 v41, v5;
	v17 =	vmul.f32 v55, v43;
	v43 =	vld [tilespmem:$0x1FC20]  }
0x24e: {  	v59 =	vld [tilespmem:$0x1FC00]  }
0x24f: {  	v12 =	vadd.f32 v57, v12;
	v57 =	vld [tilespmem:$0x1FC50]  }
0x250: {  	v24 =	vld [tilespmem:s11+$0x9B0]  }
0x251: {  	v23 =	vld [tilespmem:s11+$0x9C0];
	v54 =	vmul.f32 v53, v40  }
0x252: {  	v47 =	vld [tilespmem:s11+$0x5DB0];
	v40 =	vmul.f32 v43, v40  }
0x253: {  	v46 =	vld [tilespmem:s11+$0x5DC0];
	[tilespmem:$0x1FE60] =	vst v60;
	v60 =	vmul.f32 v59, v38;
	v10 =	vadd.f32 v54, v52  }
0x254: {  	v61 =	vld [tilespmem:$0x1FC10];
	v52 =	vmul.f32 v45, v38;
	v59 =	vmul.f32 v57, v39;
	v56 =	vadd.f32 v40, v17  }
0x255: {  	v57 =	vld [tilespmem:$0x1FC90]  }
0x256: {  	v18 =	vadd.f32 v52, v12;
	v12 =	vadd.f32 v59, v56;
	v56 =	vld [tilespmem:$0x1FC80]  }
0x257: {  	v16 =	vadd.f32 v60, v8;
	v60 =	vld [tilespmem:$0x1FC60]  }
0x258: {  	v62 =	vld [tilespmem:s11+$0x10590]  }
0x259: {  	v5 =	vmul.f32 v61, v39;
	v61 =	vld [tilespmem:$0x1FC70]  }
0x25a: {  	v2 =	vld [tilespmem:s11+$0x5DA0]  }
0x25b: {  	v54 =	vld [tilespmem:$0x1FC40];
	v59 =	vmul.f32 v57, v37;
	v19 =	vmul.f32 v56, v36  }
0x25c: {  	v8 =	vmul.f32 v60, v36;
	v60 =	vld [tilespmem:$0x1FCA0]  }
0x25d: {  	v52 =	vadd.f32 v59, v19;
	v59 =	vld [tilespmem:$0x1FCD0]  }
0x25e: {  	v53 =	vadd.f32 v5, v10;
	v5 =	vmul.f32 v61, v37;
	v61 =	vld [tilespmem:$0x1FCB0]  }
0x25f: {  	[tilespmem:s11+$0x158B0] =	vst v44;
	v44 =	vld [tilespmem:s11+$0xA50]  }
0x260: {  	[tilespmem:$0x1FE40] =	vst v0;
	v0 =	vld [tilespmem:$0x1FD70]  }
0x261: {  	v55 =	vmul.f32 v54, v38;
	v57 =	vld [tilespmem:$0x1FCC0]  }
0x262: {  	v38 =	vmul.f32 v60, v38;
	v60 =	vld [tilespmem:$0x1FCE0];
	v56 =	vmul.f32 v59, v35  }
0x263: {  	v8 =	vadd.f32 v5, v8;
	v5 =	vmul.f32 v61, v35;
	v61 =	vld [tilespmem:$0x1FCF0]  }
0x264: {  	v19 =	vadd.f32 v38, v12;
	v38 =	vadd.f32 v56, v52;
	v56 =	vld [tilespmem:$0x1FD00]  }
0x265: {  	v22 =	vld [tilespmem:s11+$0xB1C0]  }
0x266: {  	v13 =	vld [tilespmem:s11+$0x105B0]  }
0x267: {  	v14 =	vld [tilespmem:s11+$0x105C0];
	v17 =	vadd.f32 v55, v53  }
0x268: {  	v41 =	vld [tilespmem:s11+$0x9D0];
	v8 =	vadd.f32 v5, v8;
	v55 =	vmul.f32 v57, v34;
	v10 =	vmul.f32 v60, v36  }
0x269: {  	v45 =	vld [tilespmem:s11+$0xB1D0];
	v5 =	vmul.f32 v61, v37;
	v52 =	vmul.f32 v56, v34  }
0x26a: {  	v39 =	vld [tilespmem:s11+$0x105D0];
	v12 =	vadd.f32 v55, v8  }
0x26b: {  	v8 =	vadd.f32 v5, v10;
	v10 =	vadd.f32 v52, v38;
	v38 =	vld [tilespmem:$0x1FD20]  }
0x26c: {  	v52 =	vld [tilespmem:$0x1FD30]  }
0x26d: {  	v43 =	vld [tilespmem:s11+$0x5DD0]  }
0x26e: {  	v40 =	vld [tilespmem:s11+$0x9E0]  }
0x26f: {  	v54 =	vld [tilespmem:s11+$0xB1E0]  }
0x270: {  	v61 =	vld [tilespmem:$0x1FD10]  }
0x271: {  	v53 =	vld [tilespmem:s11+$0x5DE0];
	v38 =	vmul.f32 v38, v36;
	v52 =	vmul.f32 v52, v37  }
0x272: {  	[tilespmem:s11+$0x15900] =	vst v17;
	v17 =	vld [tilespmem:s11+$0x10650]  }
0x273: {  	v38 =	vadd.f32 v52, v38;
	v52 =	vld [tilespmem:$0x1FD60]  }
0x274: {  	v55 =	vld [tilespmem:$0x1FD40]  }
0x275: {  	v57 =	vld [tilespmem:s11+$0x105E0];
	v5 =	vmul.f32 v61, v35  }
0x276: {  	v60 =	vld [tilespmem:s11+$0x9F0]  }
0x277: {  	v8 =	vadd.f32 v5, v8;
	v5 =	vld [tilespmem:$0x1FD50]  }
0x278: {  	v0 =	vmul.f32 v0, v37;
	v61 =	vld [tilespmem:s11+$0x105F0];
	v52 =	vmul.f32 v52, v36  }
0x279: {  	v59 =	vld [tilespmem:s11+$0xB1F0];
	v55 =	vmul.f32 v55, v34  }
0x27a: {  	v0 =	vadd.f32 v0, v52;
	v52 =	vld [tilespmem:$0x1FD80]  }
0x27b: {  	v8 =	vadd.f32 v55, v8;
	v55 =	vld [tilespmem:$0x1FD90]  }
0x27c: {  	v1 =	vmul.f32 v5, v35;
	v5 =	vld [tilespmem:s11+$0xA00]  }
0x27d: {  	v56 =	vld [tilespmem:s11+$0x5DF0]  }
0x27e: {  	v25 =	vmul.f32 v25, v37;
	v37 =	vld [tilespmem:s11+$0xB200]  }
0x27f: {  	v1 =	vadd.f32 v1, v38;
	v36 =	vmul.f32 v15, v36;
	v15 =	vld [tilespmem:s11+$0x10600];
	v38 =	vmul.f32 v52, v34  }
0x280: {  	v52 =	vmul.f32 v55, v35;
	v35 =	vmul.f32 v58, v35;
	v58 =	vld [tilespmem:$0x1FDB0]  }
0x281: {  	v7 =	vmul.f32 v7, v33;
	v55 =	vld [tilespmem:s11+$0xA10]  }
0x282: {  	v36 =	vadd.f32 v25, v36;
	v25 =	vadd.f32 v38, v1;
	v1 =	vmul.f32 v42, v32;
	v38 =	vld [tilespmem:s11+$0x5E10]  }
0x283: {  	v0 =	vadd.f32 v52, v0;
	v52 =	vld [tilespmem:$0x1FDA0]  }
0x284: {  	v42 =	vld [tilespmem:s11+$0xB210];
	v1 =	vadd.f32 v7, v1;
	v7 =	vmul.f32 v51, v31  }
0x285: {  	[tilespmem:s11+$0x15800] =	vst v58;
	v58 =	vld [tilespmem:$0x1FDC0]  }
0x286: {  	v1 =	vadd.f32 v7, v1;
	v7 =	vmul.f32 v63, v30;
	v63 =	vld [tilespmem:$0x1FE10]  }
0x287: {  	v6 =	vmul.f32 v6, v32;
	v2 =	vmul.f32 v2, v33;
	v51 =	vld [tilespmem:s11+$0x10610]  }
0x288: {  	v35 =	vadd.f32 v35, v36;
	v36 =	vmul.f32 v52, v34;
	v52 =	vld [tilespmem:s11+$0xB220]  }
0x289: {  	v7 =	vadd.f32 v7, v1;
	v1 =	vadd.f32 v2, v6;
	v6 =	vld [tilespmem:s11+$0x5E30]  }
0x28a: {  	v34 =	vmul.f32 v58, v34;
	v58 =	vld [tilespmem:$0x1FDD0]  }
0x28b: {  	v4 =	vmul.f32 v4, v33;
	v36 =	vadd.f32 v36, v0;
	v0 =	vmul.f32 v9, v32;
	[tilespmem:s11+$0x15850] =	vst v63;
	v63 =	vld [tilespmem:$0x1FE20]  }
0x28c: {  	v2 =	vmul.f32 v50, v31;
	v50 =	vmul.f32 v20, v31;
	v20 =	vld [tilespmem:s11+$0xB230]  }
0x28d: {  	v0 =	vadd.f32 v4, v0;
	v4 =	vmul.f32 v11, v31;
	v11 =	vmul.f32 v62, v30;
	v62 =	vld [tilespmem:$0x1FE00]  }
0x28e: {  	v34 =	vadd.f32 v34, v35;
	v35 =	vld [tilespmem:s11+$0x5E20]  }
0x28f: {  	[tilespmem:s11+$0x15810] =	vst v58;
	v58 =	vld [tilespmem:$0x1FDE0]  }
0x290: {  	[tilespmem:s11+$0x15860] =	vst v63;
	v63 =	vld [tilespmem:$0x1FE30]  }
0x291: {  	s13 =	sadd.s32 $0x6, s10;
	v21 =	vmul.f32 v21, v30;
	v13 =	vmul.f32 v13, v30;
	v9 =	vld [tilespmem:s11+$0xA20]  }
0x292: {  	v14 =	vmul.f32 v14, v30;
	v39 =	vmul.f32 v39, v30;
	v30 =	vld [tilespmem:s11+$0xA40];
	[tilespmem:s11+$0x15840] =	vst v62;
	v62 =	vmov s13  }
0x293: {  	[tilespmem:s11+$0x158C0] =	vst v48;
	v0 =	vadd.f32 v4, v0;
	v4 =	vmul.f32 v24, v32;
	v24 =	vmul.f32 v47, v33;
	v47 =	vld [tilespmem:s11+$0xA30]  }
0x294: {  	v48 =	vmul.f32 v35, v29;
	v35 =	vld [tilespmem:s11+$0x10670];
	[tilespmem:s11+$0x15820] =	vst v58  }
0x295: {  	v58 =	vld [tilespmem:$0x1FDF0];
	[tilespmem:s11+$0x15870] =	vst v63;
	v63 =	vadd.f32 v24, v4  }
0x296: {  	v24 =	vadd.f32 v2, v1;
	v2 =	vmul.f32 v23, v32;
	v23 =	vmul.f32 v46, v33;
	v46 =	vld [tilespmem:s11+$0x10630]  }
0x297: {  	v3 =	vmul.f32 v3, v29;
	v1 =	vld.idx.msk [tilespmem:v62+s28+$0x0], $0xffff  }
0x298: {  	[tilespmem:s11+$0x15880] =	vst v49;
	v22 =	vmul.f32 v22, v31;
	v41 =	vmul.f32 v41, v32;
	v4 =	vld.idx.msk [tilespmem:v62+s29+$0x0], $0xffff  }
0x299: {  	v49 =	vmul.f32 v60, v28;
	v5 =	vmul.f32 v5, v28;
	v11 =	vadd.f32 v11, v0;
	v0 =	vld.idx.msk [tilespmem:v62+s31+$0x0], $0xffff  }
0x29a: {  	v31 =	vmul.f32 v45, v31;
	v45 =	vmul.f32 v53, v29;
	v23 =	vadd.f32 v23, v2;
	v2 =	vld.idx.msk [tilespmem:v62+s30+$0x0], $0xffff  }
0x29b: {  	v53 =	vmul.f32 v54, v27;
	v54 =	vmul.f32 v57, v26;
	v62 =	vld [tilespmem:$0x1FE40]  }
0x29c: {  	v57 =	vmul.f32 v59, v27;
	v63 =	vadd.f32 v50, v63;
	v50 =	vmul.f32 v43, v33;
	v33 =	vld [tilespmem:s11+$0xB250]  }
0x29d: {  	v3 =	vadd.f32 v3, v5;
	v59 =	vmul.f32 v61, v26;
	v6 =	vmul.f32 v6, v29;
	[tilespmem:s11+$0x15830] =	vst v58;
	v58 =	vld [tilespmem:s11+$0x10620]  }
0x29e: {  	[tilespmem:s11+$0x158E0] =	vst v16;
	v20 =	vmul.f32 v20, v27;
	v21 =	vadd.f32 v21, v24;
	v32 =	vadd.f32 v50, v41;
	v41 =	vld [tilespmem:$0x1FE50]  }
0x29f: {  	[tilespmem:s11+$0x158F0] =	vst v18;
	v43 =	vmul.f32 v40, v28;
	v22 =	vadd.f32 v22, v23;
	v50 =	vmul.f32 v56, v29;
	v56 =	vld [tilespmem:$0x1FE60]  }
0x2a0: {  	[tilespmem:s11+$0x15910] =	vst v19;
	v13 =	vadd.f32 v13, v63;
	v30 =	vmul.f32 v30, v1;
	v63 =	vadd.f32 v31, v32;
	v32 =	vld [tilespmem:s11+$0x5E40]  }
0x2a1: {  	[tilespmem:s11+$0x15960] =	vst v36;
	v36 =	vmul.f32 v44, v1;
	v17 =	vmul.f32 v17, v0;
	v14 =	vadd.f32 v14, v22;
	v31 =	vld [tilespmem:s11+$0xA60]  }
0x2a2: {  	[tilespmem:s11+$0x15920] =	vst v12;
	v22 =	vadd.f32 v45, v43;
	v24 =	vadd.f32 v50, v49;
	v43 =	vmul.f32 v42, v27;
	v49 =	vld [tilespmem:s11+$0x5E60]  }
0x2a3: {  	v45 =	vmul.f32 v9, v28;
	[tilespmem:s11+$0x15890] =	vst v62;
	v62 =	vmul.f32 v55, v28;
	v23 =	vadd.f32 v39, v63;
	v39 =	vld [tilespmem:s11+$0xB240]  }
0x2a4: {  	[tilespmem:s11+$0x15940] =	vst v8;
	v55 =	vmul.f32 v15, v26;
	v44 =	vmul.f32 v33, v2;
	v60 =	vadd.f32 v53, v22;
	v22 =	vld [tilespmem:s11+$0x5E50]  }
0x2a5: {  	[tilespmem:s11+$0x15930] =	vst v10;
	v61 =	vadd.f32 v57, v24;
	v63 =	vmul.f32 v38, v29;
	v5 =	vadd.f32 v48, v45;
	v45 =	vld [tilespmem:s11+$0xA90]  }
0x2a6: {  	v38 =	vmul.f32 v37, v27;
	v53 =	vmul.f32 v47, v28;
	[tilespmem:s11+$0x158A0] =	vst v41;
	v41 =	vld [tilespmem:s11+$0x10640];
	v16 =	vadd.f32 v54, v60  }
0x2a7: {  	[tilespmem:s11+$0x158D0] =	vst v56;
	v56 =	vmul.f32 v52, v27;
	v18 =	vadd.f32 v59, v61;
	v40 =	vadd.f32 v63, v62;
	v54 =	vld [tilespmem:s11+$0xB260]  }
0x2a8: {  	[tilespmem:s11+$0x15950] =	vst v25;
	v57 =	vmul.f32 v51, v26;
	v3 =	vadd.f32 v38, v3;
	v6 =	vadd.f32 v6, v53;
	v59 =	vld [tilespmem:s11+$0xA70]  }
0x2a9: {  	[tilespmem:s11+$0x15980] =	vst v7;
	v60 =	vmul.f32 v58, v26;
	v61 =	vld [tilespmem:s11+$0x5E70];
	v62 =	vmul.f32 v46, v26;
	v5 =	vadd.f32 v56, v5  }
0x2aa: {  	[tilespmem:s11+$0x15970] =	vst v34;
	v63 =	vld [tilespmem:s11+$0xB270];
	v34 =	vmul.f32 v32, v4;
	v46 =	vmul.f32 v31, v1;
	v50 =	vadd.f32 v43, v40  }
0x2ab: {  	[tilespmem:s11+$0x15990] =	vst v11;
	v38 =	vld [tilespmem:s11+$0xA80];
	v12 =	vmul.f32 v49, v4;
	v3 =	vadd.f32 v55, v3;
	v6 =	vadd.f32 v20, v6  }
0x2ac: {  	[tilespmem:s11+$0x159A0] =	vst v21;
	v15 =	vld [tilespmem:s11+$0x10660];
	v5 =	vadd.f32 v60, v5;
	v37 =	vmul.f32 v22, v4;
	v7 =	vadd.f32 v34, v30  }
0x2ad: {  	[tilespmem:s11+$0x159B0] =	vst v13;
	v43 =	vld [tilespmem:s11+$0x5E80];
	v40 =	vmul.f32 v39, v2;
	v8 =	vadd.f32 v12, v46;
	v42 =	vmul.f32 v41, v0  }
0x2ae: {  	[tilespmem:s11+$0x159C0] =	vst v14;
	v47 =	vld [tilespmem:s11+$0x5E90];
	v10 =	vadd.f32 v57, v50;
	v48 =	vmul.f32 v59, v1;
	v9 =	vmul.f32 v61, v4  }
0x2af: {  	[tilespmem:s11+$0x159D0] =	vst v23;
	v49 =	vld [tilespmem:s11+$0xB280];
	v11 =	vadd.f32 v37, v36;
	v50 =	vmul.f32 v54, v2;
	v52 =	vmul.f32 v63, v2  }
0x2b0: {  	v51 =	vld [tilespmem:s11+$0xB290];
	[tilespmem:s11+$0x159E0] =	vst v16;
	v7 =	vadd.f32 v40, v7;
	v55 =	vmul.f32 v38, v1;
	v1 =	vmul.f32 v45, v1  }
0x2b1: {  	v53 =	vld [tilespmem:s11+$0x10680];
	[tilespmem:s11+$0x159F0] =	vst v18;
	v6 =	vadd.f32 v62, v6;
	v59 =	vmul.f32 v15, v0;
	v61 =	vmul.f32 v35, v0  }
0x2b2: {  	[tilespmem:s11+$0x15A00] =	vst v3;
	v57 =	vld [tilespmem:s11+$0x10690];
	v11 =	vadd.f32 v44, v11;
	v7 =	vadd.f32 v42, v7;
	v56 =	vmul.f32 v43, v4  }
0x2b3: {  	[tilespmem:s11+$0x15A20] =	vst v5;
	v9 =	vadd.f32 v9, v48;
	v54 =	vadd.f32 v50, v8;
	v4 =	vmul.f32 v47, v4  }
0x2b4: {  	[tilespmem:s11+$0x15A10] =	vst v10;
	v60 =	vmul.f32 v49, v2;
	v11 =	vadd.f32 v17, v11;
	v58 =	vadd.f32 v56, v55  }
0x2b5: {  	[tilespmem:s11+$0x15A30] =	vst v6;
	v2 =	vmul.f32 v51, v2;
	v9 =	vadd.f32 v52, v9;
	v1 =	vadd.f32 v4, v1  }
0x2b6: {  	p0 =	slt.u32 s10, $0x5B;
	v62 =	vmul.f32 v53, v0;
	[tilespmem:s11+$0x15A40] =	vst v7;
	v3 =	vadd.f32 v59, v54;
	v5 =	vadd.f32 v60, v58  }
.Ltmp0:
0x2b7: {  	v0 =	vmul.f32 v57, v0;
	[tilespmem:s11+$0x15A50] =	vst v11;
	v4 =	vadd.f32 v61, v9;
	v1 =	vadd.f32 v2, v1;
	(pc) =	sbr.rel @p0 .LBB2_3-.Ltmp0, $4  }
0x2b8: {  	[tilespmem:s11+$0x15A60] =	vst v3;
	v63 =	vadd.f32 v62, v5  }
0x2b9: {  	[tilespmem:s11+$0x15A70] =	vst v4;
	v0 =	vadd.f32 v0, v1  }
0x2ba: {  	s13 =	sadd.s32 $0x7, s10;
	[tilespmem:s11+$0x15A80] =	vst v63  }
0x2bb: {  	s10 =	smov.u32 s13;
	[tilespmem:s11+$0x15A90] =	vst v0  }
0x2bc: {  	s10 =	sshll.u32 s2, $0x1  }
0x2bd: {  	s10 =	sadd.s32 s5, s10  }
0x2be: {  	s11 =	smul.u32 $0x498, s10;
	_ =	sdelay $0x1  }
0x2bf: {  	s12 =	sadd.s32 s1, s11;
	s11 =	simm.s32 $0x0  }
0x2c0: {  	[hbm4b:s12+s11] =	stream.linear.scatter [tilespmem:s0], [sflag:$0x3], $0x24C0, $0x38;
	[tilespmem:$0x1A180] =	vst v63  }
0x2c1: {  	_ =	swait.ge [sflag:s3], $0x2700  }
0x2c2: {  	[sflag:s3] =	ssyncset.done $0x0  }
0x2c3: {  	[sflag:s3] =	ssyncadd.s32 $0xFFFFD900  }
0x2c4: {  	_ =	swait.ge [sflag:s3], $0x2700  }
0x2c5: {  	[sflag:s3] =	ssyncset.done $0x0  }
0x2c6: {  	[sflag:s3] =	ssyncadd.s32 $0xFFFFD900  }
0x2c7: {  	_ =	swait.ge [sflag:s3], $0x2700  }
0x2c8: {  	[sflag:s3] =	ssyncset.done $0x0  }
0x2c9: {  	[sflag:s3] =	ssyncadd.s32 $0xFFFFD900  }
0x2ca: {  	_ =	swait.ge [sflag:s3], $0x2700  }
0x2cb: {  	[sflag:s3] =	ssyncset.done $0x0  }
0x2cc: {  	[sflag:s3] =	ssyncadd.s32 $0xFFFFD900  }
.LBB2_5:
0x2cd: {  	s12 =	smul.u32 $0x60, s11;
	_ =	sdelay $0x1  }
0x2ce: {  	v5 =	vld [tilespmem:s12+$0x3200]  }
0x2cf: {  	v6 =	vld [tilespmem:s12+$0x8600]  }
0x2d0: {  	v7 =	vld [tilespmem:s12+$0xDA00]  }
0x2d1: {  	v15 =	vld [tilespmem:s12+$0x12E00]  }
0x2d2: {  	v4 =	vld [tilespmem:s12+$0x8610]  }
0x2d3: {  	v8 =	vld [tilespmem:s12+$0xDA10]  }
0x2d4: {  	v18 =	vld [tilespmem:s12+$0x12E10]  }
0x2d5: {  	v14 =	vld [tilespmem:s12+$0x3220]  }
0x2d6: {  	v12 =	vld [tilespmem:s12+$0x8620]  }
0x2d7: {  	v20 =	vld [tilespmem:s12+$0xDA20]  }
0x2d8: {  	v60 =	vld [tilespmem:s12+$0x12E20]  }
0x2d9: {  	v24 =	vld [tilespmem:s12+$0x3230]  }
0x2da: {  	v22 =	vld [tilespmem:s12+$0x8630]  }
0x2db: {  	v42 =	vld [tilespmem:s12+$0xDA30]  }
0x2dc: {  	v61 =	vld [tilespmem:s12+$0x12E30]  }
0x2dd: {  	v21 =	vld [tilespmem:s12+$0x3240]  }
0x2de: {  	v19 =	vld [tilespmem:s12+$0x8640]  }
0x2df: {  	v41 =	vld [tilespmem:s12+$0xDA40]  }
0x2e0: {  	v58 =	vld [tilespmem:s12+$0x12E40]  }
0x2e1: {  	v16 =	vld [tilespmem:s12+$0x3250]  }
0x2e2: {  	v25 =	vld [tilespmem:s12+$0x8650]  }
0x2e3: {  	v59 =	vld [tilespmem:s12+$0xDA50]  }
0x2e4: {  	v9 =	vld [tilespmem:s12+$0x12E50]  }
0x2e5: {  	v57 =	vld [tilespmem:s12+$0x3260]  }
0x2e6: {  	v46 =	vld [tilespmem:s12+$0x8660]  }
0x2e7: {  	v32 =	vld [tilespmem:s12+$0xDA60]  }
0x2e8: {  	v33 =	vld [tilespmem:s12+$0x12E60]  }
0x2e9: {  	v51 =	vld [tilespmem:s12+$0x3270]  }
0x2ea: {  	v52 =	vld [tilespmem:s12+$0x8670]  }
0x2eb: {  	v34 =	vld [tilespmem:s12+$0xDA70]  }
0x2ec: {  	v35 =	vld [tilespmem:s12+$0x12E70]  }
0x2ed: {  	v36 =	vld [tilespmem:s12+$0x3280]  }
0x2ee: {  	v62 =	vld [tilespmem:s12+$0x8680]  }
0x2ef: {  	v38 =	vld [tilespmem:s12+$0xDA80]  }
0x2f0: {  	v39 =	vld [tilespmem:s12+$0x12E80]  }
0x2f1: {  	v40 =	vld [tilespmem:s12+$0x3290]  }
0x2f2: {  	v43 =	vld [tilespmem:s12+$0x8690]  }
0x2f3: {  	v45 =	vld [tilespmem:s12+$0xDA90]  }
0x2f4: {  	v47 =	vld [tilespmem:s12+$0x12E90]  }
0x2f5: {  	v10 =	vld [tilespmem:s12+$0x86A0]  }
0x2f6: {  	v11 =	vld [tilespmem:s12+$0x32B0]  }
0x2f7: {  	v0 =	vmov s11;
	v56 =	vld [tilespmem:s12+$0x32C0]  }
0x2f8: {  	v0 =	vadd.s32 $0x70, v0;
	v55 =	vld [tilespmem:s12+$0xDAC0]  }
0x2f9: {  	v2 =	vbroadcast v0, $0x0;
	v63 =	vld [tilespmem:s12+$0x12EC0]  }
0x2fa: {  	[tilespmem:$0x1F680] =	vst v9;
	v9 =	vld [tilespmem:s12+$0x32A0]  }
0x2fb: {  	s13 =	sadd.s32 $0x1, s11;
	[tilespmem:$0x1F710] =	vst v45;
	v45 =	vld [tilespmem:s12+$0xDAB0]  }
0x2fc: {  	v13 =	vmov s13;
	[tilespmem:$0x1F730] =	vst v47;
	v47 =	vld [tilespmem:s12+$0x12EB0]  }
0x2fd: {  	v13 =	vadd.s32 $0x70, v13;
	[tilespmem:$0x1F750] =	vst v55;
	v55 =	vld [tilespmem:s12+$0x32D0]  }
0x2fe: {  	s13 =	sadd.s32 $0x2, s11;
	v13 =	vbroadcast v13, $0x0;
	[tilespmem:$0x1F760] =	vst v63;
	v63 =	vld [tilespmem:s12+$0xDAD0]  }
0x2ff: {  	v37 =	vmov s13;
	s13 =	sadd.s32 $0x3, s11;
	v0 =	vld.idx.msk [tilespmem:v2+s28+$0x0], $0xffff  }
0x300: {  	v17 =	vmov s13;
	v3 =	vld.idx.msk [tilespmem:v2+s29+$0x0], $0xffff  }
0x301: {  	v17 =	vadd.s32 $0x70, v17;
	v1 =	vld.idx.msk [tilespmem:v2+s30+$0x0], $0xffff  }
0x302: {  	v17 =	vbroadcast v17, $0x0;
	v50 =	vld.idx.msk [tilespmem:v2+s31+$0x0], $0xffff  }
0x303: {  	v2 =	vld [tilespmem:s12+$0x3210]  }
0x304: {  	v54 =	vld.idx.msk [tilespmem:v13+s28+$0x0], $0xffff  }
0x305: {  	s13 =	sadd.s32 $0x4, s11;
	v49 =	vld.idx.msk [tilespmem:v13+s29+$0x0], $0xffff  }
0x306: {  	v23 =	vmov s13;
	v48 =	vld.idx.msk [tilespmem:v13+s30+$0x0], $0xffff  }
0x307: {  	v23 =	vadd.s32 $0x70, v23;
	v44 =	vld.idx.msk [tilespmem:v13+s31+$0x0], $0xffff  }
0x308: {  	v23 =	vbroadcast v23, $0x0;
	[tilespmem:$0x1F6C0] =	vst v36;
	v36 =	vld.idx.msk [tilespmem:v17+s28+$0x0], $0xffff  }
0x309: {  	v13 =	vadd.s32 $0x70, v37;
	v37 =	vld.idx.msk [tilespmem:v17+s29+$0x0], $0xffff  }
0x30a: {  	[tilespmem:$0x1F770] =	vst v63;
	v63 =	vld [tilespmem:s12+$0x12ED0]  }
0x30b: {  	[tilespmem:$0x1F6D0] =	vst v35;
	v35 =	vld.idx.msk [tilespmem:v17+s30+$0x0], $0xffff  }
0x30c: {  	[tilespmem:$0x1F6B0] =	vst v34;
	v34 =	vld.idx.msk [tilespmem:v17+s31+$0x0], $0xffff  }
0x30d: {  	v17 =	vld [tilespmem:s12+$0x86B0]  }
0x30e: {  	[tilespmem:$0x1F690] =	vst v32;
	v32 =	vld.idx.msk [tilespmem:v23+s28+$0x0], $0xffff  }
0x30f: {  	[tilespmem:$0x1F7A0] =	vst v63;
	v63 =	vld [tilespmem:s12+$0x32E0]  }
0x310: {  	[tilespmem:$0x1F6A0] =	vst v33;
	v33 =	vld.idx.msk [tilespmem:v23+s29+$0x0], $0xffff  }
0x311: {  	v31 =	vld.idx.msk [tilespmem:v23+s30+$0x0], $0xffff  }
0x312: {  	v13 =	vbroadcast v13, $0x0;
	v30 =	vld.idx.msk [tilespmem:v23+s31+$0x0], $0xffff  }
0x313: {  	v23 =	vld [tilespmem:s12+$0x12EA0]  }
0x314: {  	v5 =	vmul.f32 v5, v0;
	v6 =	vmul.f32 v6, v3;
	[tilespmem:$0x1F780] =	vst v63;
	v63 =	vld [tilespmem:s12+$0x86E0]  }
0x315: {  	[tilespmem:$0x1F740] =	vst v47;
	v47 =	vld [tilespmem:s12+$0x86D0];
	v2 =	vmul.f32 v2, v0;
	v4 =	vmul.f32 v4, v3  }
0x316: {  	v5 =	vadd.f32 v6, v5;
	v6 =	vmul.f32 v7, v1;
	v7 =	vld [tilespmem:s12+$0x12F30]  }
0x317: {  	v2 =	vadd.f32 v4, v2;
	v4 =	vmul.f32 v15, v50;
	v15 =	vld [tilespmem:s12+$0x3340]  }
0x318: {  	[tilespmem:$0x1F700] =	vst v43;
	v43 =	vld.idx.msk [tilespmem:v13+s28+$0x0], $0xffff  }
0x319: {  	[tilespmem:$0x1F790] =	vst v63;
	v63 =	vld [tilespmem:s12+$0xDAE0]  }
0x31a: {  	[tilespmem:$0x1F6F0] =	vst v40;
	v40 =	vld.idx.msk [tilespmem:v13+s29+$0x0], $0xffff  }
0x31b: {  	s13 =	sadd.s32 $0x5, s11;
	[tilespmem:$0x1F720] =	vst v39;
	v39 =	vld.idx.msk [tilespmem:v13+s30+$0x0], $0xffff  }
0x31c: {  	v53 =	vmov s13;
	[tilespmem:$0x1F6E0] =	vst v38;
	v38 =	vld.idx.msk [tilespmem:v13+s31+$0x0], $0xffff  }
0x31d: {  	v13 =	vadd.s32 $0x70, v53;
	v53 =	vld [tilespmem:s12+$0x86C0]  }
0x31e: {  	[tilespmem:$0x1F7B0] =	vst v63;
	v63 =	vld [tilespmem:s12+$0x12EE0]  }
0x31f: {  	v5 =	vadd.f32 v6, v5;
	v6 =	vmul.f32 v14, v0;
	v14 =	vmul.f32 v22, v3;
	v22 =	vld [tilespmem:s12+$0xDB50]  }
0x320: {  	[tilespmem:$0x1F910] =	vst v7;
	v7 =	vmul.f32 v8, v1;
	v8 =	vmul.f32 v12, v3;
	v12 =	vld [tilespmem:s12+$0x8740]  }
0x321: {  	v13 =	vbroadcast v13, $0x0;
	[tilespmem:$0x1F8F0] =	vst v15;
	v15 =	vld [tilespmem:s12+$0x3350]  }
0x322: {  	v19 =	vmul.f32 v19, v3;
	v3 =	vmul.f32 v25, v3;
	v25 =	vld [tilespmem:s12+$0x12F60]  }
0x323: {  	[tilespmem:$0x1F820] =	vst v63;
	v63 =	vld [tilespmem:s12+$0x32F0]  }
0x324: {  	v4 =	vadd.f32 v4, v5;
	v2 =	vadd.f32 v7, v2;
	v7 =	vmul.f32 v18, v50;
	v18 =	vld [tilespmem:s12+$0xDB40]  }
0x325: {  	[tilespmem:$0x1F960] =	vst v22;
	v22 =	vmul.f32 v57, v54;
	v57 =	vld [tilespmem:s12+$0x3370]  }
0x326: {  	[tilespmem:$0x1F9B0] =	vst v4;
	v4 =	vadd.f32 v8, v6;
	v8 =	vld [tilespmem:s12+$0x8770]  }
0x327: {  	v28 =	vld.idx.msk [tilespmem:v13+s28+$0x0], $0xffff  }
0x328: {  	[tilespmem:$0x1F7C0] =	vst v63;
	v63 =	vld [tilespmem:s12+$0x86F0]  }
0x329: {  	v29 =	vld.idx.msk [tilespmem:v13+s29+$0x0], $0xffff  }
0x32a: {  	v27 =	vld.idx.msk [tilespmem:v13+s30+$0x0], $0xffff  }
0x32b: {  	v26 =	vld.idx.msk [tilespmem:v13+s31+$0x0], $0xffff  }
0x32c: {  	v13 =	vld [tilespmem:s12+$0xDAA0];
	[tilespmem:$0x1F900] =	vst v12  }
0x32d: {  	v12 =	vmul.f32 v24, v0;
	[tilespmem:$0x1F7D0] =	vst v63;
	v63 =	vld [tilespmem:s12+$0xDAF0]  }
0x32e: {  	v2 =	vadd.f32 v7, v2;
	v24 =	vmul.f32 v60, v50;
	v60 =	vmul.f32 v61, v50;
	v61 =	vld [tilespmem:s12+$0x3360]  }
0x32f: {  	[tilespmem:$0x1F920] =	vst v18;
	v18 =	vmul.f32 v20, v1;
	v20 =	vld [tilespmem:s12+$0x12F40]  }
0x330: {  	[tilespmem:$0x1F9C0] =	vst v2;
	v2 =	vadd.f32 v14, v12;
	v12 =	vld [tilespmem:s12+$0xDB70]  }
0x331: {  	v4 =	vadd.f32 v18, v4;
	v18 =	vmul.f32 v21, v0;
	v21 =	vmul.f32 v42, v1;
	v42 =	vld [tilespmem:s12+$0x12F50]  }
0x332: {  	[tilespmem:$0x1F810] =	vst v63;
	v63 =	vld [tilespmem:s12+$0x12EF0]  }
0x333: {  	v0 =	vmul.f32 v16, v0;
	v16 =	vmul.f32 v58, v50;
	v58 =	vld [tilespmem:$0x1F6B0]  }
0x334: {  	v41 =	vmul.f32 v41, v1;
	v1 =	vmul.f32 v59, v1;
	v59 =	vld [tilespmem:$0x1F6C0]  }
0x335: {  	v5 =	vadd.f32 v19, v18;
	v19 =	vld [tilespmem:s12+$0xDB60]  }
0x336: {  	v4 =	vadd.f32 v24, v4;
	v24 =	vmul.f32 v46, v49;
	v46 =	vld [tilespmem:$0x1F680]  }
0x337: {  	[tilespmem:$0x1F850] =	vst v63;
	v63 =	vld [tilespmem:s12+$0x3300]  }
0x338: {  	v18 =	vld [tilespmem:s12+$0x3380]  }
0x339: {  	[tilespmem:$0x1F950] =	vst v20;
	v20 =	vld [tilespmem:s12+$0x8750]  }
0x33a: {  	[tilespmem:$0x1F930] =	vst v15;
	v15 =	vadd.f32 v41, v5;
	v41 =	vmul.f32 v51, v54;
	v51 =	vld [tilespmem:$0x1F690]  }
0x33b: {  	v2 =	vadd.f32 v21, v2;
	[tilespmem:$0x1F990] =	vst v42;
	v42 =	vmul.f32 v52, v49;
	v52 =	vld [tilespmem:$0x1F6A0]  }
0x33c: {  	[tilespmem:$0x1F7E0] =	vst v63;
	v63 =	vld [tilespmem:s12+$0x8700]  }
0x33d: {  	v2 =	vadd.f32 v60, v2;
	v6 =	vmul.f32 v58, v48;
	v58 =	vld [tilespmem:$0x1F710]  }
0x33e: {  	v21 =	vadd.f32 v16, v15;
	v16 =	vld [tilespmem:$0x1F6E0]  }
0x33f: {  	[tilespmem:$0x1F9E0] =	vst v2;
	v2 =	vadd.f32 v24, v22;
	v22 =	vld [tilespmem:$0x1F700]  }
0x340: {  	[tilespmem:$0x1F970] =	vst v61;
	v0 =	vadd.f32 v3, v0;
	v5 =	vmul.f32 v46, v50;
	v50 =	vld [tilespmem:s12+$0x12F70]  }
0x341: {  	v61 =	vmul.f32 v62, v49;
	v60 =	vmul.f32 v59, v54;
	[tilespmem:$0x1F7F0] =	vst v63;
	v63 =	vld [tilespmem:s12+$0xDB00]  }
0x342: {  	v0 =	vadd.f32 v1, v0;
	v1 =	vadd.f32 v42, v41;
	v42 =	vld [tilespmem:s12+$0xDB80]  }
0x343: {  	v15 =	vadd.f32 v61, v60;
	v61 =	vld [tilespmem:s12+$0x3390]  }
0x344: {  	v60 =	vld [tilespmem:$0x1F720]  }
0x345: {  	v46 =	vld [tilespmem:s12+$0xDB90]  }
0x346: {  	[tilespmem:$0x1F830] =	vst v63;
	v63 =	vld [tilespmem:s12+$0x12F00]  }
0x347: {  	v41 =	vmul.f32 v11, v54;
	v11 =	vld [tilespmem:$0x1F7A0]  }
0x348: {  	[tilespmem:$0x1F940] =	vst v20;
	v20 =	vld [tilespmem:s12+$0x8760]  }
0x349: {  	[tilespmem:$0x1F9F0] =	vst v21;
	v21 =	vld [tilespmem:$0x1F6F0]  }
0x34a: {  	v62 =	vadd.f32 v6, v1;
	v6 =	vld [tilespmem:$0x1F6D0]  }
0x34b: {  	v14 =	vmul.f32 v17, v49;
	[tilespmem:$0x1F860] =	vst v63;
	v63 =	vld [tilespmem:s12+$0x3310]  }
0x34c: {  	v3 =	vmul.f32 v51, v48;
	v51 =	vld [tilespmem:s12+$0x12F80]  }
0x34d: {  	v41 =	vadd.f32 v14, v41;
	v14 =	vld [tilespmem:$0x1F740]  }
0x34e: {  	v0 =	vadd.f32 v5, v0;
	v5 =	vld [tilespmem:s12+$0x87B0]  }
0x34f: {  	[tilespmem:$0x1F9D0] =	vst v4;
	v4 =	vmul.f32 v52, v44;
	v52 =	vld [tilespmem:s12+$0x8780]  }
0x350: {  	v2 =	vadd.f32 v3, v2;
	[tilespmem:$0x1F800] =	vst v63;
	v63 =	vld [tilespmem:s12+$0x8710]  }
0x351: {  	[tilespmem:$0x1F9A0] =	vst v25;
	v25 =	vmul.f32 v10, v49;
	v24 =	vmul.f32 v9, v54;
	v3 =	vld [tilespmem:s12+$0x8790]  }
0x352: {  	[tilespmem:$0x1F980] =	vst v19;
	v19 =	vmul.f32 v16, v48;
	v16 =	vld [tilespmem:s12+$0x12F90];
	v2 =	vadd.f32 v4, v2  }
0x353: {  	v4 =	vadd.f32 v25, v24;
	v25 =	vmul.f32 v23, v44;
	v23 =	vld [tilespmem:s12+$0x33A0];
	v1 =	vmul.f32 v6, v44  }
0x354: {  	[tilespmem:$0x1FA00] =	vst v0;
	v17 =	vmul.f32 v14, v44;
	v14 =	vmul.f32 v11, v38;
	v11 =	vld [tilespmem:s12+$0x12FC0]  }
0x355: {  	[tilespmem:$0x1F840] =	vst v63;
	v63 =	vld [tilespmem:s12+$0xDB10]  }
0x356: {  	[tilespmem:$0x1FA10] =	vst v2;
	v2 =	vadd.f32 v19, v15;
	v15 =	vld [tilespmem:s12+$0x87A0];
	v0 =	vadd.f32 v1, v62  }
0x357: {  	v13 =	vmul.f32 v13, v48;
	v19 =	vld [tilespmem:s12+$0xDBA0];
	v1 =	vmul.f32 v22, v49  }
0x358: {  	v49 =	vmul.f32 v45, v48;
	v45 =	vld [tilespmem:$0x1F760];
	[tilespmem:$0x1FA20] =	vst v0;
	v0 =	vmul.f32 v21, v54  }
0x359: {  	v24 =	vadd.f32 v13, v4;
	v62 =	vmul.f32 v60, v44;
	v60 =	vmul.f32 v53, v40;
	v53 =	vld [tilespmem:$0x1F770]  }
0x35a: {  	v59 =	vmul.f32 v58, v48;
	v1 =	vadd.f32 v1, v0;
	[tilespmem:$0x1F870] =	vst v63;
	v63 =	vld [tilespmem:s12+$0x12F10]  }
0x35b: {  	v58 =	vadd.f32 v25, v24;
	v24 =	vld [tilespmem:s12+$0x33B0]  }
0x35c: {  	v21 =	vld [tilespmem:$0x1F730];
	v1 =	vadd.f32 v59, v1;
	v59 =	vmul.f32 v56, v43  }
0x35d: {  	v56 =	vld [tilespmem:$0x1F780]  }
0x35e: {  	v54 =	vadd.f32 v62, v2;
	v2 =	vadd.f32 v60, v59;
	v59 =	vld [tilespmem:$0x1F790]  }
0x35f: {  	[tilespmem:$0x1F8C0] =	vst v63;
	v63 =	vld [tilespmem:s12+$0x3320]  }
0x360: {  	v25 =	vld [tilespmem:$0x1F7B0];
	v6 =	vadd.f32 v49, v41  }
0x361: {  	v13 =	vmul.f32 v47, v40;
	v62 =	vmul.f32 v55, v43;
	v41 =	vld [tilespmem:$0x1F750]  }
0x362: {  	v48 =	vadd.f32 v17, v6;
	v17 =	vld [tilespmem:s12+$0x12FB0];
	v47 =	vmul.f32 v45, v38  }
0x363: {  	[tilespmem:$0x1FA40] =	vst v58;
	v7 =	vadd.f32 v13, v62;
	v55 =	vmul.f32 v53, v39;
	v45 =	vld [tilespmem:s12+$0x33C0];
	v22 =	vmul.f32 v21, v44  }
0x364: {  	v58 =	vmul.f32 v56, v43;
	v60 =	vmul.f32 v59, v40;
	[tilespmem:$0x1F880] =	vst v63;
	v63 =	vld [tilespmem:s12+$0x8720]  }
0x365: {  	v62 =	vadd.f32 v55, v7;
	v55 =	vld [tilespmem:$0x1F7C0]  }
0x366: {  	v44 =	vmul.f32 v41, v39;
	v0 =	vadd.f32 v22, v1;
	v22 =	vadd.f32 v60, v58;
	v58 =	vld [tilespmem:$0x1F7D0]  }
0x367: {  	v21 =	vld [tilespmem:s12+$0x12FA0]  }
0x368: {  	v41 =	vmul.f32 v25, v39;
	v2 =	vadd.f32 v44, v2;
	v60 =	vld [tilespmem:$0x1F7E0]  }
0x369: {  	v53 =	vadd.f32 v14, v62;
	[tilespmem:$0x1F890] =	vst v63;
	v63 =	vld [tilespmem:s12+$0xDB20]  }
0x36a: {  	v49 =	vadd.f32 v47, v2;
	v2 =	vadd.f32 v41, v22;
	v22 =	vld [tilespmem:$0x1F7F0]  }
0x36b: {  	[tilespmem:$0x1FA50] =	vst v53;
	v53 =	vld [tilespmem:$0x1F810];
	v56 =	vmul.f32 v55, v43;
	v59 =	vmul.f32 v58, v40  }
0x36c: {  	v7 =	vld [tilespmem:s12+$0xDBB0]  }
0x36d: {  	v6 =	vadd.f32 v59, v56;
	v56 =	vld [tilespmem:$0x1F820]  }
0x36e: {  	[tilespmem:$0x1F8D0] =	vst v63;
	v63 =	vld [tilespmem:s12+$0x12F20]  }
0x36f: {  	v62 =	vmul.f32 v60, v43;
	v25 =	vmul.f32 v22, v40;
	v22 =	vld [tilespmem:$0x1F850]  }
0x370: {  	v55 =	vmul.f32 v53, v39;
	v53 =	vld [tilespmem:s12+$0x33D0]  }
0x371: {  	v10 =	vadd.f32 v25, v62;
	v62 =	vld [tilespmem:$0x1F840]  }
0x372: {  	v58 =	vmul.f32 v56, v38;
	v59 =	vld [tilespmem:$0x1F830]  }
0x373: {  	[tilespmem:$0x1F8E0] =	vst v63;
	v63 =	vld [tilespmem:s12+$0x3330]  }
0x374: {  	v25 =	vmul.f32 v22, v38;
	v22 =	vadd.f32 v58, v2;
	v58 =	vld [tilespmem:$0x1F860]  }
0x375: {  	v47 =	vld [tilespmem:$0x1F800]  }
0x376: {  	v4 =	vmul.f32 v62, v40;
	v62 =	vld [tilespmem:$0x1F870]  }
0x377: {  	v13 =	vld [tilespmem:$0x1F890]  }
0x378: {  	[tilespmem:$0x1F8A0] =	vst v63;
	v63 =	vld [tilespmem:s12+$0x8730]  }
0x379: {  	v41 =	vld [tilespmem:s12+$0x87C0];
	v60 =	vmul.f32 v59, v39  }
0x37a: {  	v59 =	vmul.f32 v58, v38;
	v58 =	vld [tilespmem:s12+$0x87E0];
	v9 =	vmul.f32 v47, v43  }
0x37b: {  	v6 =	vadd.f32 v55, v6;
	v56 =	vadd.f32 v60, v10;
	v10 =	vld [tilespmem:$0x1F880]  }
0x37c: {  	v60 =	vadd.f32 v4, v9;
	v4 =	vmul.f32 v62, v39;
	v14 =	vmul.f32 v13, v37;
	v13 =	vld [tilespmem:$0x1F8D0]  }
0x37d: {  	v44 =	vadd.f32 v59, v56;
	v59 =	vld [tilespmem:$0x1F8A0];
	[tilespmem:$0x1F8B0] =	vst v63  }
0x37e: {  	v25 =	vadd.f32 v25, v6;
	v6 =	vadd.f32 v4, v60;
	v60 =	vld [tilespmem:$0x1F8B0]  }
0x37f: {  	v4 =	vld [tilespmem:$0x1F8C0]  }
0x380: {  	v2 =	vmul.f32 v10, v36;
	v63 =	vld [tilespmem:s12+$0xDB30]  }
0x381: {  	v56 =	vld [tilespmem:s12+$0x33E0]  }
0x382: {  	v2 =	vadd.f32 v14, v2;
	v14 =	vmul.f32 v13, v35;
	v9 =	vmul.f32 v59, v36;
	v59 =	vld [tilespmem:$0x1F910]  }
0x383: {  	v43 =	vld [tilespmem:s12+$0xDBC0];
	v62 =	vmul.f32 v60, v37  }
0x384: {  	v2 =	vadd.f32 v14, v2;
	v14 =	vld [tilespmem:$0x1F900]  }
0x385: {  	v38 =	vmul.f32 v4, v38;
	v13 =	vld [tilespmem:$0x1F8F0];
	v4 =	vmul.f32 v63, v35;
	v9 =	vadd.f32 v62, v9  }
0x386: {  	v62 =	vld [tilespmem:$0x1F8E0]  }
0x387: {  	v47 =	vld [tilespmem:s12+$0x87D0];
	v38 =	vadd.f32 v38, v6;
	v6 =	vadd.f32 v4, v9;
	v4 =	vmul.f32 v59, v34  }
0x388: {  	v40 =	vld [tilespmem:s12+$0x12FD0]  }
0x389: {  	v63 =	vmul.f32 v14, v37;
	v14 =	vadd.f32 v4, v6;
	v4 =	vld [tilespmem:$0x1F930]  }
0x38a: {  	v51 =	vmul.f32 v51, v30;
	v6 =	vld [tilespmem:$0x1F940]  }
0x38b: {  	[tilespmem:s12+$0x17D80] =	vst v49;
	v49 =	vld [tilespmem:s12+$0xDC60];
	v55 =	vmul.f32 v62, v34;
	v62 =	vmul.f32 v13, v36  }
0x38c: {  	v16 =	vmul.f32 v16, v30;
	v11 =	vmul.f32 v11, v30;
	v39 =	vld [tilespmem:s12+$0xDBD0]  }
0x38d: {  	v17 =	vmul.f32 v17, v30;
	v13 =	vadd.f32 v55, v2;
	v55 =	vadd.f32 v63, v62;
	v63 =	vld [tilespmem:$0x1F920]  }
0x38e: {  	v21 =	vmul.f32 v21, v30;
	v30 =	vmul.f32 v40, v30;
	v40 =	vld [tilespmem:s12+$0x13040]  }
0x38f: {  	[tilespmem:$0x1FA30] =	vst v0;
	v10 =	vld [tilespmem:s12+$0x12FE0];
	v9 =	vmul.f32 v4, v36;
	v0 =	vmul.f32 v6, v37  }
0x390: {  	v60 =	vld [tilespmem:s12+$0xDBE0]  }
0x391: {  	v0 =	vadd.f32 v0, v9;
	v9 =	vld [tilespmem:$0x1F970]  }
0x392: {  	v59 =	vld [tilespmem:s12+$0x33F0];
	v62 =	vmul.f32 v63, v35  }
0x393: {  	v4 =	vld [tilespmem:$0x1F960]  }
0x394: {  	v55 =	vadd.f32 v62, v55;
	v62 =	vld [tilespmem:$0x1F950]  }
0x395: {  	v2 =	vld [tilespmem:s12+$0x12FF0]  }
0x396: {  	v9 =	vmul.f32 v9, v36;
	v36 =	vmul.f32 v57, v36;
	v57 =	vld [tilespmem:$0x1F990]  }
0x397: {  	v8 =	vmul.f32 v8, v37;
	v20 =	vmul.f32 v20, v37;
	v37 =	vld [tilespmem:s12+$0x8800]  }
0x398: {  	v1 =	vmul.f32 v4, v35;
	v4 =	vld [tilespmem:s12+$0x3400]  }
0x399: {  	v6 =	vld [tilespmem:s12+$0xDBF0];
	v62 =	vmul.f32 v62, v34  }
0x39a: {  	[tilespmem:s12+$0x17D40] =	vst v54;
	v54 =	vmul.f32 v47, v33;
	v63 =	vld [tilespmem:s12+$0x87F0];
	v0 =	vadd.f32 v1, v0  }
0x39b: {  	v1 =	vadd.f32 v20, v9;
	v20 =	vld [tilespmem:$0x1F980];
	v55 =	vadd.f32 v62, v55;
	v62 =	vmul.f32 v57, v34  }
0x39c: {  	v47 =	vmul.f32 v58, v29;
	v58 =	vmul.f32 v37, v29;
	v37 =	vld [tilespmem:s12+$0xDC50]  }
0x39d: {  	v8 =	vadd.f32 v8, v36;
	v4 =	vmul.f32 v4, v28;
	v36 =	vadd.f32 v62, v0;
	v62 =	vld [tilespmem:$0x1F9B0]  }
0x39e: {  	v57 =	vld [tilespmem:$0x1F9A0]  }
0x39f: {  	v4 =	vadd.f32 v58, v4;
	v58 =	vld [tilespmem:s12+$0xDC70]  }
0x3a0: {  	v9 =	vmul.f32 v20, v35;
	v20 =	vld [tilespmem:s12+$0xDC00]  }
0x3a1: {  	v35 =	vmul.f32 v12, v35;
	v12 =	vld [tilespmem:s12+$0x13000]  }
0x3a2: {  	[tilespmem:s12+$0x17CC0] =	vst v62;
	v62 =	vld [tilespmem:$0x1F9E0]  }
0x3a3: {  	v8 =	vadd.f32 v35, v8;
	v35 =	vmul.f32 v52, v33;
	v52 =	vld [tilespmem:s12+$0x8810]  }
0x3a4: {  	v1 =	vadd.f32 v9, v1;
	v9 =	vmul.f32 v57, v34;
	v34 =	vmul.f32 v50, v34;
	v50 =	vld [tilespmem:s12+$0x3410]  }
0x3a5: {  	v57 =	vld [tilespmem:s12+$0xDC10]  }
0x3a6: {  	v18 =	vmul.f32 v18, v32;
	v9 =	vadd.f32 v9, v1;
	v1 =	vmul.f32 v42, v31;
	v42 =	vld [tilespmem:$0x1F9C0]  }
0x3a7: {  	[tilespmem:s12+$0x17CF0] =	vst v62;
	v62 =	vld [tilespmem:$0x1F9F0]  }
0x3a8: {  	v0 =	vadd.f32 v35, v18;
	v18 =	vld [tilespmem:s12+$0x13010]  }
0x3a9: {  	v3 =	vmul.f32 v3, v33;
	v35 =	vld [tilespmem:s12+$0x3420];
	v8 =	vadd.f32 v34, v8;
	v34 =	vmul.f32 v61, v32  }
0x3aa: {  	v46 =	vmul.f32 v46, v31;
	v61 =	vld [tilespmem:$0x1F9D0]  }
0x3ab: {  	s13 =	sadd.s32 $0x6, s11;
	v3 =	vadd.f32 v3, v34;
	v0 =	vadd.f32 v1, v0;
	v1 =	vmul.f32 v23, v32;
	v23 =	vld [tilespmem:s12+$0x13020];
	[tilespmem:s12+$0x17CD0] =	vst v42  }
0x3ac: {  	v5 =	vmul.f32 v5, v33;
	v15 =	vmul.f32 v15, v33;
	v42 =	vmov s13;
	[tilespmem:s12+$0x17D00] =	vst v62;
	v62 =	vld [tilespmem:$0x1FA00]  }
0x3ad: {  	v24 =	vmul.f32 v24, v32;
	v3 =	vadd.f32 v46, v3;
	v46 =	vld [tilespmem:s12+$0x3430];
	v42 =	vadd.s32 $0x70, v42  }
0x3ae: {  	v51 =	vadd.f32 v51, v0;
	v0 =	vadd.f32 v15, v1;
	v15 =	vld [tilespmem:s12+$0x8830];
	v34 =	vbroadcast v42, $0x0  }
0x3af: {  	[tilespmem:s12+$0x17CE0] =	vst v61;
	v61 =	vld [tilespmem:s12+$0x8820];
	v16 =	vadd.f32 v16, v3;
	v3 =	vadd.f32 v5, v24;
	v5 =	vmul.f32 v7, v31  }
0x3b0: {  	v7 =	vld [tilespmem:s12+$0xDC30]  }
0x3b1: {  	v1 =	vmul.f32 v19, v31;
	v19 =	vmul.f32 v45, v32;
	v45 =	vadd.f32 v5, v3;
	[tilespmem:s12+$0x17D10] =	vst v62;
	v62 =	vld [tilespmem:$0x1FA10]  }
0x3b2: {  	v42 =	vld [tilespmem:s12+$0xDC20]  }
0x3b3: {  	v17 =	vadd.f32 v17, v45;
	v45 =	vmul.f32 v56, v28;
	v56 =	vld [tilespmem:$0x1FA50]  }
0x3b4: {  	v0 =	vadd.f32 v1, v0;
	v1 =	vld.idx.msk [tilespmem:v34+s28+$0x0], $0xffff  }
0x3b5: {  	[tilespmem:s12+$0x17D70] =	vst v48;
	v53 =	vmul.f32 v53, v32;
	v5 =	vld.idx.msk [tilespmem:v34+s29+$0x0], $0xffff  }
0x3b6: {  	v10 =	vmul.f32 v10, v26;
	v48 =	vmul.f32 v59, v28;
	[tilespmem:s12+$0x17D20] =	vst v62;
	v62 =	vld [tilespmem:$0x1FA20]  }
0x3b7: {  	v2 =	vmul.f32 v2, v26;
	v6 =	vmul.f32 v6, v27;
	v3 =	vld.idx.msk [tilespmem:v34+s30+$0x0], $0xffff  }
0x3b8: {  	v12 =	vmul.f32 v12, v26;
	v59 =	vmul.f32 v50, v28;
	v21 =	vadd.f32 v21, v0;
	v0 =	vld.idx.msk [tilespmem:v34+s31+$0x0], $0xffff  }
0x3b9: {  	[tilespmem:s12+$0x17DD0] =	vst v38;
	v38 =	vmul.f32 v57, v27;
	v32 =	vadd.f32 v54, v53;
	v53 =	vmul.f32 v63, v29;
	v34 =	vld [tilespmem:$0x1FA30]  }
0x3ba: {  	[tilespmem:s12+$0x17DC0] =	vst v44;
	v54 =	vmul.f32 v60, v27;
	v50 =	vmul.f32 v42, v27;
	v42 =	vld [tilespmem:s12+$0xDC80]  }
0x3bb: {  	v60 =	vmul.f32 v52, v29;
	[tilespmem:s12+$0x17D30] =	vst v62;
	v62 =	vmul.f32 v41, v33;
	v41 =	vld [tilespmem:s12+$0x13030]  }
0x3bc: {  	[tilespmem:s12+$0x17E00] =	vst v55;
	v44 =	vmul.f32 v35, v28;
	v52 =	vmul.f32 v18, v26;
	v33 =	vld [tilespmem:s12+$0x8840]  }
0x3bd: {  	[tilespmem:s12+$0x17D90] =	vst v56;
	v56 =	vld [tilespmem:s12+$0x8870];
	v19 =	vadd.f32 v62, v19;
	v62 =	vmul.f32 v43, v31;
	v31 =	vmul.f32 v39, v31  }
0x3be: {  	v55 =	vmul.f32 v23, v26;
	v15 =	vmul.f32 v15, v29;
	[tilespmem:s12+$0x17D50] =	vst v34;
	v34 =	vld [tilespmem:s12+$0x3450]  }
0x3bf: {  	[tilespmem:s12+$0x17DA0] =	vst v22;
	v7 =	vmul.f32 v7, v27;
	v43 =	vld [tilespmem:$0x1FA40];
	v19 =	vadd.f32 v62, v19;
	v39 =	vadd.f32 v31, v32  }
0x3c0: {  	[tilespmem:s12+$0x17DB0] =	vst v25;
	v63 =	vadd.f32 v60, v59;
	v31 =	vld [tilespmem:s12+$0x3440];
	v62 =	vmul.f32 v20, v27;
	v57 =	vmul.f32 v41, v26  }
0x3c1: {  	[tilespmem:s12+$0x17DF0] =	vst v14;
	v32 =	vld [tilespmem:s12+$0x8850];
	v60 =	vmul.f32 v33, v5;
	v11 =	vadd.f32 v11, v19;
	v24 =	vadd.f32 v30, v39  }
0x3c2: {  	[tilespmem:s12+$0x17DE0] =	vst v13;
	v20 =	vld [tilespmem:s12+$0x13050];
	v19 =	vadd.f32 v47, v45;
	v30 =	vadd.f32 v53, v48;
	v45 =	vmul.f32 v61, v29  }
0x3c3: {  	[tilespmem:s12+$0x17E10] =	vst v36;
	v33 =	vld [tilespmem:s12+$0x8880];
	v4 =	vadd.f32 v62, v4;
	v48 =	vmul.f32 v46, v28;
	v62 =	vmul.f32 v34, v1  }
0x3c4: {  	[tilespmem:s12+$0x17E20] =	vst v9;
	v39 =	vld [tilespmem:s12+$0xDC40];
	v34 =	vmul.f32 v37, v3;
	v19 =	vadd.f32 v54, v19;
	v6 =	vadd.f32 v6, v30  }
0x3c5: {  	[tilespmem:s12+$0x17E30] =	vst v8;
	v47 =	vld [tilespmem:s12+$0x8860];
	v13 =	vadd.f32 v45, v44;
	v14 =	vadd.f32 v15, v48;
	v45 =	vmul.f32 v49, v3  }
0x3c6: {  	[tilespmem:s12+$0x17E40] =	vst v51;
	v53 =	vld [tilespmem:s12+$0x3470];
	v4 =	vadd.f32 v12, v4;
	v49 =	vmul.f32 v58, v3;
	v58 =	vmul.f32 v42, v3  }
0x3c7: {  	[tilespmem:s12+$0x17E50] =	vst v16;
	v46 =	vld [tilespmem:s12+$0xDC90];
	v59 =	vmul.f32 v31, v1;
	v35 =	vmul.f32 v20, v0;
	v10 =	vadd.f32 v10, v19  }
0x3c8: {  	[tilespmem:s12+$0x17D60] =	vst v43;
	v43 =	vld [tilespmem:s12+$0x3460];
	v2 =	vadd.f32 v2, v6;
	v6 =	vadd.f32 v38, v63;
	v63 =	vmul.f32 v32, v5  }
0x3c9: {  	[tilespmem:s12+$0x17E60] =	vst v21;
	v29 =	vld [tilespmem:s12+$0x3480];
	v54 =	vadd.f32 v50, v13;
	v32 =	vmul.f32 v40, v0;
	v13 =	vmul.f32 v56, v5  }
0x3ca: {  	v36 =	vld [tilespmem:s12+$0x3490];
	[tilespmem:s12+$0x17E70] =	vst v17;
	v7 =	vadd.f32 v7, v14;
	v31 =	vmul.f32 v39, v3;
	v39 =	vmul.f32 v47, v5  }
0x3cb: {  	[tilespmem:s12+$0x17E80] =	vst v11;
	v40 =	vld [tilespmem:s12+$0x8890];
	v12 =	vadd.f32 v60, v59;
	v41 =	vmul.f32 v53, v1;
	v53 =	vmul.f32 v33, v5  }
0x3cc: {  	v61 =	vld [tilespmem:s12+$0x13070];
	[tilespmem:s12+$0x17E90] =	vst v24;
	v3 =	vmul.f32 v46, v3;
	v6 =	vadd.f32 v52, v6;
	v9 =	vadd.f32 v55, v54  }
0x3cd: {  	v28 =	vld [tilespmem:s12+$0x13060];
	[tilespmem:s12+$0x17EC0] =	vst v4;
	v7 =	vadd.f32 v57, v7;
	v8 =	vadd.f32 v63, v62;
	v38 =	vmul.f32 v43, v1  }
0x3ce: {  	v50 =	vld [tilespmem:s12+$0x13080];
	[tilespmem:s12+$0x17EA0] =	vst v10;
	v52 =	vmul.f32 v29, v1;
	v37 =	vadd.f32 v31, v12;
	v48 =	vadd.f32 v13, v41  }
0x3cf: {  	[tilespmem:s12+$0x17EB0] =	vst v2;
	v54 =	vld [tilespmem:s12+$0x13090];
	v1 =	vmul.f32 v36, v1;
	v8 =	vadd.f32 v34, v8;
	v44 =	vadd.f32 v39, v38  }
0x3d0: {  	[tilespmem:s12+$0x17ED0] =	vst v6;
	v56 =	vadd.f32 v53, v52;
	v43 =	vadd.f32 v32, v37;
	v5 =	vmul.f32 v40, v5  }
0x3d1: {  	v59 =	vmul.f32 v61, v0;
	[tilespmem:s12+$0x17EE0] =	vst v9;
	v55 =	vadd.f32 v49, v48;
	v47 =	vadd.f32 v35, v8  }
0x3d2: {  	v57 =	vmul.f32 v28, v0;
	[tilespmem:s12+$0x17EF0] =	vst v7;
	v51 =	vadd.f32 v45, v44;
	v1 =	vadd.f32 v5, v1  }
0x3d3: {  	p0 =	slt.u32 s11, $0x5B;
	v61 =	vmul.f32 v50, v0;
	v60 =	vadd.f32 v58, v56;
	[tilespmem:s12+$0x17F00] =	vst v43;
	v62 =	vadd.f32 v59, v55  }
.Ltmp1:
0x3d4: {  	v0 =	vmul.f32 v54, v0;
	v4 =	vadd.f32 v57, v51;
	[tilespmem:s12+$0x17F10] =	vst v47;
	v1 =	vadd.f32 v3, v1;
	(pc) =	sbr.rel @p0 .LBB2_5-.Ltmp1, $4  }
0x3d5: {  	v63 =	vadd.f32 v61, v60;
	[tilespmem:s12+$0x17F30] =	vst v62  }
0x3d6: {  	[tilespmem:s12+$0x17F20] =	vst v4;
	v0 =	vadd.f32 v0, v1  }
0x3d7: {  	s13 =	sadd.s32 $0x7, s11;
	[tilespmem:s12+$0x17F40] =	vst v63  }
0x3d8: {  	s11 =	smov.u32 s13;
	[tilespmem:s12+$0x17F50] =	vst v0  }
0x3d9: {  	s10 =	smul.u32 $0x24C0, s10;
	_ =	sdelay $0x1  }
0x3da: {  	s10 =	sshrl.u32 s10, $0x3  }
0x3db: {  	s10 =	sadd.s32 s1, s10  }
0x3dc: {  	s11 =	simm.s32 $0x0;
	s2 =	sadd.s32 $0x1, s2;
	s10 =	sadd.s32 $0x498, s10  }
0x3dd: {  	[hbm4b:s10+s11] =	stream.linear.scatter [tilespmem:s6], [sflag:$0x4], $0x24C0, $0x38;
	[tilespmem:$0x1A180] =	vst v63  }
0x3de: {  	p0 =	sne.s32 s2, $0x40;
	_ =	swait.ge [sflag:s7], $0x24C0  }
.Ltmp2:
0x3df: {  	[sflag:s7] =	ssyncset.done $0x0;
	(pc) =	sbr.rel @p0 .LBB2_2-.Ltmp2, $4  }
0x3e0: {  	[sflag:s7] =	ssyncadd.s32 $0xFFFFDB40  }
0x3e1: {  	_ =	swait.ge [sflag:s8], $0x24C0  }
0x3e2: {  	[sflag:s8] =	ssyncset.done $0x0  }
0x3e3: {  	[sflag:s8] =	ssyncadd.s32 $0xFFFFDB40  }
0x3e4: {  	s10 =	rddreg [dreg:$0x5]  }
0x3e5: {  	s2 =	rddreg [dreg:$0x4];
	s10 =	sadd.s32 $0x1, s10  }
0x3e6: {  	p0 =	sne.s32 s10, s2  }
.Ltmp3:
0x3e7: {  	_ = 	snop;
	(pc) =	sbr.rel @p0 .LBB2_1-.Ltmp3, $1  }
0x3e8: {  	_ =	sdelay $0x3  }
0x3e9: {  	_ =	sfence.sel $0x180000  }
0x3ea: {  	[bflag:$0x0] =	sbarrier.arrive $0xFFFF  }
0x3eb: {  	_ =	strace $0x90000047  }
0x3ec: {  	s0 =	stileid.u32;
	[bflag:$0x2] =	sbarrier.arrive $0xFFFF  }
0x3ed: {  	p0 =	sne.s32 s0, $0x0;
	s0 =	rddreg [dreg:$0x2]  }
0x3ee: {  	s0 =	sadd.s32 @!p0 $0x100000, s0  }
0x3ef: {  	[sflag:s0] =	ssyncadd.tile.s32 @!p0 $0x1;
	_ =	shalt  }
.Lfunc_end2:
_tile_overlayer_lowered:
.L_overlay_start_2:
0x3f0: {  	(tag) =	ssettag $0x2  }
0x3f1: {  	s0 =	rddreg [dreg:$0x0];
	s2 =	stileid.u32  }
0x3f2: {  	s1 =	rddreg [dreg:$0x1];
	p0 =	sne.s32 s2, $0x0  }
0x3f3: {  	s3 =	rddreg [dreg:$0x2];
	[bflag:$0x3] =	sbarrier.arrive $0xFFFF;
	s2 =	simm.s32 @!p0 $0x1C05  }
0x3f4: {  	[timem:s3], [sflag:s2] =	dma.local @!p0 [hbm:s0], s1  }
0x3f5: {  	s0 =	simm.s32 @!p0 $0x5  }
0x3f6: {  	_ =	swait.ge @!p0 [sflag:s0], s1  }
0x3f7: {  	s1 =	ssub.s32 @!p0 $0x0, s1;
	[sflag:s0] =	ssyncset.done @!p0 $0x0  }
0x3f8: {  	[sflag:s0] =	ssyncadd.s32 @!p0 s1  }
0x3f9: {  	[bflag:$0x3] =	sbarrier.arrive $0xFFFF  }
0x3fa: {  	_ =	shalt  }

// kernel: sparse-core-data-format-call.cloned.1.call-start
scs
called_computation_lowered:
.L_overlay_start_0:
0x0: {  	s2 =	sld [smem:$0x3FD9]  }
0x1: {  	s3 =	sld [smem:$0x3FFE];
	_ =	sdelay $0x1  }
0x2: {  	s1 =	srdreg.scid  }
0x3: {  	s0 =	sand.u32 $0x1, s1  }
0x4: {  	s18 =	sshll.u32 s0, $0xA;
	s2 =	sadd.s32 s3, s2  }
0x5: {  	s2 =	sadd.s32 s2, s18  }
0x6: {  	[smem:$0x3FC6] =	sst s2  }
0x7: {  	_ = 	snop  }
0x8: {  	s2 =	sld [smem:$0x3FD0];
	(tm) =	ssettm $0x1  }
0x9: {  	s19 =	sld [smem:$0x3FFB];
	_ =	sdelay $0x3  }
0xa: {  	_ =	strace s19  }
0xb: {  	s3 =	sld [smem:$0x3FFC];
	_ =	sdelay $0x3  }
0xc: {  	_ =	strace s3  }
0xd: {  	s3 =	sld [smem:$0x3FFD];
	_ =	sdelay $0x3  }
0xe: {  	_ =	strace s3  }
0xf: {  	_ =	strace $0x8FFFFFFF  }
0x10: {  	s20 =	sld [smem:$0x3FDB];
	_ =	sdelay $0x1  }
0x11: {  	s4 =	simm.s32 $_scs_section_size  }
0x12: {  	s5 =	simm.s32 $_size__tile_overlayer_lowered;
	s6 =	simm.s32 $_tile_overlayer_lowered  }
0x13: {  	s23 =	simm.s32 $0x1BFF;
	s22 =	sshll.u32 s6, $0x1;
	s3 =	sadd.s32 s4, s20  }
0x14: {  	s7 =	simm.s32 $0x0;
	s21 =	sshll.u32 s5, $0x1;
	s5 =	sadd.s32 s22, s3  }
0x15: {  	[timem:s7], [sflag:s23] =	dma.local [hbm:s5], s21  }
0x16: {  	_ =	swait.ge [sflag:s23], s21  }
0x17: {  	s4 =	ssub.s32 $0x0, s21;
	[sflag:s23] =	ssyncset.done $0x0  }
0x18: {  	[sflag:s23] =	ssyncadd.s32 s4;
	_ =	sdelay $0x1  }
0x19: {  	s24 =	simm.s32 $0x1B8B  }
0x1a: {  	_ =	swait.ge [sflag:s24], $0x1  }
0x1b: {  	[sflag:s24] =	ssyncset.done $0x0  }
0x1c: {  	s26 =	simm.s32 $0x1B8E;
	s25 =	sld [smem:$0x3FFE];
	[sflag:s24] =	ssyncadd.s32 $0xFFFFFFFF  }
0x1d: {  	s27 =	simm.s32 $execute0_lowered;
	[smem:$0x3FD2] =	sst s26  }
0x1e: {  	s5 =	sshll.u32 s27, $0x1;
	_ =	strace $0x80000049;
	[dreg:$0x1] =	wrdreg $0xFFFFFFFF  }
0x1f: {  	s28 =	simm.s32 $_size_execute0_lowered;
	s3 =	sadd.s32 s3, s5;
	[dreg:$0x0] =	wrdreg $0x0  }
0x20: {  	s5 =	sshll.u32 s28, $0x1;
	[dreg:$0x2] =	wrdreg s3  }
0x21: {  	[dreg:$0x3] =	wrdreg s5  }
0x22: {  	[dreg:$0x4] =	wrdreg $0xC0  }
0x23: {  	_ =	task [dreg:s7], $0x5FFFF  }
0x24: {  	[dreg:$0x1] =	wrdreg $0xFFFFFFFF  }
0x25: {  	[dreg:$0x0] =	wrdreg $0x60  }
0x26: {  	[dreg:$0x2] =	wrdreg s25  }
0x27: {  	[dreg:$0x3] =	wrdreg s2  }
0x28: {  	[dreg:$0x4] =	wrdreg $0x9  }
0x29: {  	_ =	task.clear_ibuf [dreg:s7], $0x5FFFF;
	_ =	strace $0x90000049  }
0x2a: {  	s29 =	simm.s32 $0x9;
	_ =	strace $0x8000004B  }
0x2b: {  	_ =	swait.ge [sflag:s29], $0x1  }
0x2c: {  	[sflag:s29] =	ssyncadd.s32 $0xFFFFFFFF  }
0x2d: {  	_ =	strace $0x9000004B  }
0x2e: {  	_ =	sfence  }
0x2f: {  	s30 =	sld [smem:$0x0];
	_ =	sdelay $0x2  }
0x30: {  	s31 =	sshll.u32 s1, $0xD;
	s1 =	sshrl.u32 s1, $0x2  }
0x31: {  	s3 =	sand.u32 $0x4000, s31;
	s1 =	sadd.s32 s1, s30  }
0x32: {  	s0 =	sor.u32 s3, s0;
	s1 =	sshll.u32 s1, $0x11  }
0x33: {  	s0 =	sor.u32 s1, s0  }
0x34: {  	s0 =	sadd.s32 $0x8F2B, s0  }
0x35: {  	[sflag:s0] =	ssyncadd.remote.s32 $0x1  }
0x36: {  	_ =	sfence.sel $0xFFFF  }
0x37: {  	[dreg:$0x0] =	wrdreg $0xFFFFFFFF;
	(pc) =	sbr.abs _section_cstart, $3  }
0x38: {  	[dreg:$0x1] =	wrdreg $0xFFFFFFFF  }
0x39: {  	_ =	task.clear_ibuf [dreg:s7], $0x2FFFF;
	_ =	strace $0x9FFFFFFF  }
0x3a: {  	(tm) =	ssettm $0x7FFFFFFF  }
0x3b: {  	_ =	shalt  }
tec
execute0_lowered:
.L_overlay_start_1:
0x0: {  	(tag) =	ssettag $0x1  }
0x1: {  	s8 =	stileid.u32;
	s2 =	srdreg.scid  }
0x2: {  	s7 =	rddreg [dreg:$0x0];
	_ =	strace $0x8000004A;
	s1 =	sshll.u32 s8, $0x5  }
0x3: {  	s9 =	simm.s32 $0x2;
	s20 =	simm.s32 $0x0;
	s0 =	sand.u32 $0x180, s1  }
0x4: {  	s22 =	simm.s32 $0x0;
	s21 =	simm.s32 $0x0;
	s3 =	ssub.s32 $0x200, s0  }
0x5: {  	s23 =	simm.s32 $0x0;
	s2 =	sand.u32 $0x1, s2;
	s4 =	sand.u32 $0x180, s3  }
0x6: {  	s5 =	ssub.s32 $0xE, s2;
	p0 =	sne.s32 s4, $0x0;
	s4 =	simm.s32 $0x1  }
0x7: {  	s6 =	sshrl.u32 s5, $0x1;
	s3 =	sshrl.u32 s3, $0x9;
	s4 =	simm.s32 @!p0 $0x0  }
0x8: {  	s11 =	simm.s32 $0x0;
	s5 =	ssub.s32 s5, s6;
	s3 =	sadd.s32 s4, s3  }
0x9: {  	s12 =	simm.s32 $0x0;
	s17 =	simm.s32 $0x0;
	s6 =	smul.u32 s3, s5  }
.Ltmp0:
0xa: {  	s14 =	simm.s32 $0x0;
	s15 =	simm.s32 $0x0;
	(pc) =	sbr.rel .LBB1_1-.Ltmp0, $4  }
0xb: {  	s19 =	simm.s32 $0x0;
	s7 =	sadd.s32 $0x800, s7;
	s8 =	sand.u32 $0x3, s8  }
0xc: {  	s16 =	smov.u32 s2;
	s5 =	simm.s32 $0x1;
	s6 =	smul.u32 $0xE, s6  }
0xd: {  	s18 =	smov.u32 s8;
	s1 =	smov.u32 s0;
	[sflag:s5] =	ssyncpa.u1 $0x0  }
0xe: {  	p0 =	por $0x0, $0x0;
	[sflag:s9] =	ssyncpa.u1 $0x0;
	s9 =	sor.u32 $0x1, s6  }
.LBB1_4:
0xf: {  	p1 =	sgt.s32 s14, $0x3;
	s29 =	smov.u32 s14;
	[tilespmem:s26+$0x2040 ss:$0x81] =	vst.msk $0xffff, v4  }
0x10: {  	s30 =	sshra.s32 s14, $0x1F;
	s28 =	sshra.s32 s28, $0x2;
	s4 =	sshrl.u32 s17, $0x6;
	[tilespmem:s26+$0x2850 ss:$0x81] =	vst.msk $0xffff, v3  }
0x11: {  	p2 =	sgt.s32 s12, $0xD;
	s31 =	smov.u32 s12;
	s10 =	sshra.s32 s12, $0x1F;
	[tilespmem:s26+$0x3060 ss:$0x81] =	vst.msk $0xffff, v2  }
0x12: {  	s13 =	smov.u32 s17;
	[tilespmem:s26+$0x0 ss:$0x81] =	vst.msk $0xffff, v1;
	s26 =	smul.u32 $0x126000, s14;
	s29 =	simm.s32 @!p1 $0x3  }
0x13: {  	s30 =	sand.u32 s30, s14;
	s27 =	sadd.s32 s28, s27;
	s28 =	sand.u32 $0x7FFFFE, s4  }
0x14: {  	s31 =	simm.s32 @!p2 $0xD;
	p2 =	sgt.s32 s17, $0x180;
	s4 =	sshra.s32 s17, $0x1F  }
0x15: {  	s29 =	ssub.s32 s29, s30;
	s3 =	smulhi.u32 $0x2AAAAAB, s28;
	s13 =	simm.s32 @!p2 $0x180  }
0x16: {  	s4 =	sand.u32 s4, s17;
	p2 =	sgt.s32 s11, $0xD;
	s30 =	sadd.s32 $0xFFFFFFFD, s29  }
0x17: {  	s29 =	ssub.s32 $0x4, s29;
	s4 =	ssub.s32 s13, s4;
	p1 =	sgt.s32 s30, $0x0  }
0x18: {  	s30 =	sand.u32 s10, s12;
	s10 =	sadd.s32 $0xFFFFFE80, s4;
	s4 =	ssub.s32 $0x200, s4  }
0x19: {  	s29 =	smul.u32 $0x60, s29;
	s30 =	ssub.s32 s31, s30;
	s31 =	smov.u32 s11  }
0x1a: {  	v5 =	vld [tilespmem:s25+$0xFFFFFFD0];
	s3 =	smul.u32 $0x60, s3;
	s13 =	sadd.s32 $0xFFFFFFF3, s30;
	s31 =	simm.s32 @!p2 $0xD  }
0x1b: {  	v58 =	vld [tilespmem:s25+$0xFFFFFFE0];
	p2 =	sgt.s32 s10, $0x7F;
	s10 =	sshra.s32 s11, $0x1F;
	s29 =	simm.s32 @p1 $0x0  }
0x1c: {  	v59 =	vld [tilespmem:s25+$0xFFFFFFF0];
	s10 =	sand.u32 s10, s11;
	p3 =	sgt.s32 s13, $0x0;
	s4 =	simm.s32 @p2 $0x0  }
0x1d: {  	v60 =	vld [tilespmem:s25+$0x0];
	s13 =	ssub.s32 $0xE, s30;
	s10 =	ssub.s32 s31, s10;
	s4 =	smul.u32 s4, s29  }
0x1e: {  	v61 =	vld [tilespmem:s25+$0x10];
	[tilespmem:s27+$0x3870 ss:$0x81] =	vst.msk $0xffff, v0;
	s13 =	simm.s32 @p3 $0x0;
	s31 =	smul.u32 $0x15000, s12;
	s30 =	sadd.s32 $0xFFFFFFF3, s10  }
0x1f: {  	v62 =	vld [tilespmem:s25+$0x20];
	[tilespmem:s27+$0x810 ss:$0x81] =	vst.msk $0xffff, v5;
	s29 =	sshrl.u32 s17, $0x3;
	p1 =	sgt.s32 s30, $0x0;
	s30 =	rddreg [dreg:$0x1]  }
0x20: {  	v63 =	vld [tilespmem:s25+$0xFFFFFFC0];
	[tilespmem:s27+$0x1020 ss:$0x81] =	vst.msk $0xffff, v58;
	s10 =	ssub.s32 $0xE, s10;
	s4 =	smul.u32 s13, s4;
	s26 =	sadd.s32 s30, s26  }
0x21: {  	[tilespmem:s27+$0x1830 ss:$0x81] =	vst.msk $0xffff, v59;
	s10 =	simm.s32 @p1 $0x0;
	s25 =	sadd.s32 s31, s26;
	s31 =	smul.u32 $0x1800, s11  }
0x22: {  	[tilespmem:s27+$0x2040 ss:$0x81] =	vst.msk $0xffff, v60;
	s3 =	ssub.s32 s28, s3;
	s13 =	sand.u32 $0xF, s29;
	s4 =	smul.u32 s10, s4  }
0x23: {  	[tilespmem:s27+$0x2850 ss:$0x81] =	vst.msk $0xffff, v61;
	s3 =	sshll.u32 s3, $0x6;
	s29 =	sand.u32 $0x7, s17;
	s28 =	sadd.s32 s13, s25  }
0x24: {  	[tilespmem:s27+$0x3060 ss:$0x81] =	vst.msk $0xffff, v62;
	s13 =	sshll.u32 s29, $0x12;
	s10 =	sadd.s32 s31, s28;
	s4 =	sand.u32 $0x3FFFFFE0, s4  }
0x25: {  	[tilespmem:s27+$0x0 ss:$0x81] =	vst.msk $0xffff, v63;
	s30 =	sor.u32 $0x400, s13;
	s31 =	simm.s32 $0x1000;
	s3 =	sadd.s32 s3, s10  }
0x26: {  	[hbm4b:s3+s30] =	stream.strided.scatter [tilespmem:s24], [sflag:$0x2], s4, s31, s30, $0x20;
	[tilespmem:$0x10100] =	vst v63  }
.LBB1_5:
0x27: {  	p1 =	slt.u32 s19, $0x2;
	s3 =	smov.u32 s23;
	s24 =	smov.u32 s16  }
0x28: {  	s25 =	smov.u32 s18;
	p2 =	sgt.s32 @!p1 s23, $0x3;
	s4 =	sshra.s32 @!p1 s23, $0x1F  }
0x29: {  	s10 =	sshra.s32 @!p1 s22, $0x1F;
	p4 =	sgt.s32 @!p1 s21, $0x180;
	p2 =	por !p2, p1  }
0x2a: {  	s4 =	sand.u32 @!p1 s4, s23;
	s3 =	simm.s32 @p2 $0x3;
	p2 =	sgt.s32 @!p1 s22, $0xD  }
0x2b: {  	s3 =	ssub.s32 @!p1 s3, s4;
	p2 =	por !p2, p1;
	s4 =	smov.u32 s22  }
0x2c: {  	s10 =	sand.u32 @!p1 s10, s22;
	p4 =	por !p4, p1;
	s4 =	simm.s32 @p2 $0xD  }
0x2d: {  	s13 =	sadd.s32 @!p1 $0xFFFFFFFD, s3;
	s3 =	ssub.s32 @!p1 $0x4, s3;
	s4 =	ssub.s32 @!p1 s4, s10  }
0x2e: {  	p2 =	sgt.s32 @!p1 s13, $0x0;
	s13 =	sshra.s32 @!p1 s21, $0x1F;
	s10 =	sadd.s32 @!p1 $0xFFFFFFF3, s4  }
0x2f: {  	s3 =	smul.u32 @!p1 $0x60, s3;
	p3 =	sgt.s32 @!p1 s10, $0x0;
	s10 =	smov.u32 s21  }
0x30: {  	s13 =	sand.u32 @!p1 s13, s21;
	s4 =	ssub.s32 @!p1 $0xE, s4;
	s10 =	simm.s32 @p4 $0x180  }
0x31: {  	p2 =	por !p2, p1;
	p4 =	sgt.s32 @!p1 s20, $0xD;
	s10 =	ssub.s32 @!p1 s10, s13  }
0x32: {  	s21 =	smov.u32 s20;
	p4 =	por !p4, p1;
	s22 =	sadd.s32 @!p1 $0xFFFFFE80, s10  }
0x33: {  	s13 =	sshra.s32 @!p1 s20, $0x1F;
	s21 =	simm.s32 @p4 $0xD;
	p4 =	sgt.s32 @!p1 s22, $0x7F  }
0x34: {  	s13 =	sand.u32 @!p1 s13, s20;
	s10 =	ssub.s32 @!p1 $0x200, s10;
	p4 =	por !p4, p1  }
0x35: {  	s3 =	simm.s32 @!p2 $0x0;
	s13 =	ssub.s32 @!p1 s21, s13;
	s10 =	simm.s32 @!p4 $0x0  }
0x36: {  	p2 =	por !p3, p1;
	s20 =	sadd.s32 @!p1 $0xFFFFFFF3, s13;
	s3 =	smul.u32 @!p1 s10, s3  }
0x37: {  	s4 =	simm.s32 @!p2 $0x0;
	p2 =	sgt.s32 @!p1 s20, $0x0;
	s10 =	ssub.s32 @!p1 $0xE, s13  }
0x38: {  	p2 =	por !p2, p1;
	s3 =	smul.u32 @!p1 s4, s3;
	s4 =	sadd.s32 $0x1, s15  }
0x39: {  	s13 =	sadd.s32 $0x2, s16;
	s10 =	simm.s32 @!p2 $0x0;
	p2 =	sgt.s32 s4, $0xD  }
0x3a: {  	p0 =	por !p0, !p0;
	s3 =	smul.u32 @!p1 s10, s3;
	s24 =	smov.u32 @p2 s13  }
0x3b: {  	s10 =	sadd.s32 $0x200, s1;
	s13 =	smov.u32 s1;
	p3 =	sgt.s32 s24, $0xD  }
0x3c: {  	s23 =	smov.u32 s14;
	s14 =	smov.u32 s18;
	s13 =	smov.u32 @p3 s10  }
0x3d: {  	s22 =	smov.u32 s12;
	s20 =	sadd.s32 $0x4, s18;
	p4 =	sgt.s32 s13, $0x1FF  }
0x3e: {  	s21 =	smov.u32 s17;
	s12 =	smov.u32 s16;
	s25 =	smov.u32 @p4 s20  }
0x3f: {  	s17 =	smov.u32 s1;
	s4 =	simm.s32 @p2 $0x0;
	p2 =	sgt.s32 s25, $0x3  }
0x40: {  	s3 =	sand.u32 @!p1 $0x3FFFFFE0, s3;
	s25 =	smov.u32 @p2 s8;
	p2 =	sne.s32 s19, s9  }
.Ltmp1:
0x41: {  	s10 =	simm.s32 @!p1 $0x2;
	s24 =	smov.u32 @p3 s2;
	(pc) =	sbr.rel @!p2 .LBB1_6-.Ltmp1, $4  }
0x42: {  	_ =	swait.ge @!p1 [sflag:s10], s3;
	s3 =	ssub.s32 @!p1 $0x0, s3;
	s16 =	smov.u32 s24  }
0x43: {  	[sflag:s10] =	ssyncset.done @!p1 $0x0;
	s13 =	smov.u32 @p4 s0;
	s20 =	smov.u32 s11  }
0x44: {  	s11 =	smov.u32 s15;
	s15 =	smov.u32 s4;
	[sflag:s10] =	ssyncadd.s32 @!p1 s3  }
0x45: {  	s1 =	smov.u32 s13;
	s19 =	sadd.s32 $0x1, s19;
	s18 =	smov.u32 s25  }
.LBB1_1:
0x46: {  	p1 =	sge.u32 s19, s6  }
0x47: {  	s24 =	smul.u32 @!p1 $0x1C0000, s18  }
0x48: {  	s31 =	sadd.s32 $0xFFFFFFFF, s19;
	s26 =	smul.u32 @!p1 $0xE00, s1  }
0x49: {  	s25 =	sxor.u32 @!p1 $0xFFFFFFFF, s19;
	s27 =	sshll.u32 @!p1 s16, $0x8;
	s24 =	sadd.s32 @!p1 s7, s24  }
0x4a: {  	s28 =	sshll.u32 @!p1 s15, $0x4;
	s25 =	sshll.u32 @!p1 s25, $0xE;
	s24 =	sadd.s32 @!p1 s26, s24  }
0x4b: {  	s25 =	sand.u32 @!p1 $0x4000, s25;
	s26 =	sand.u32 @!p1 $0xF0, s28;
	s24 =	sadd.s32 @!p1 s27, s24  }
0x4c: {  	s27 =	simm.s32 @!p1 $0x7000;
	s24 =	sadd.s32 @!p1 s26, s24;
	s26 =	simm.s32 @!p1 $0x80  }
0x4d: {  	[tilespmem:s25], [sflag:$0x1] =	stream.strided.gather @!p1 [hbm4b:s24+s26], $0x4000, s27, s26, $0x38;
	[tilespmem:$0x10100] =	vst v63  }
0x4e: {  	p1 =	sge.u32 s31, s6  }
.Ltmp2:
0x4f: {  	_ = 	snop;
	(pc) =	sbr.rel @p1 .LBB1_5-.Ltmp2, $1  }
0x50: {  	_ =	sdelay $0x3  }
0x51: {  	s24 =	simm.s32 $0x1  }
0x52: {  	_ =	swait.ge [sflag:s5], $0x4000;
	s24 =	simm.s32 @!p0 $0x0  }
0x53: {  	[sflag:s5] =	ssyncset.done $0x0;
	s25 =	sshll.u32 s24, $0xE  }
0x54: {  	[sflag:s5] =	ssyncadd.s32 $0xFFFFC000;
	s25 =	sor.u32 $0x40, s25  }
0x55: {  	s24 =	smul.u32 $0x10200, s24;
	v0 =	vld [tilespmem:s25+$0x30]  }
0x56: {  	v1 =	vld [tilespmem:s25+$0xFFFFFFD0]  }
0x57: {  	s24 =	sshrl.u32 s24, $0x2;
	v5 =	vld [tilespmem:s25+$0xFFFFFFE0]  }
0x58: {  	v6 =	vld [tilespmem:s25+$0xFFFFFFF0];
	s27 =	sor.u32 $0x8000, s24  }
0x59: {  	s31 =	sand.u32 $0x1, s19;
	v4 =	vld [tilespmem:s25+$0x0];
	s26 =	sadd.s32 $0x0, s27  }
0x5a: {  	v3 =	vld [tilespmem:s25+$0x10];
	s24 =	smul.u32 $0x10200, s31;
	[tilespmem:s26+$0x3870 ss:$0x81] =	vst.msk $0xffff, v0  }
0x5b: {  	v2 =	vld [tilespmem:s25+$0x20];
	[tilespmem:s26+$0x810 ss:$0x81] =	vst.msk $0xffff, v1  }
0x5c: {  	s24 =	sshrl.u32 s24, $0x2;
	v1 =	vld [tilespmem:s25+$0xFFFFFFC0];
	[tilespmem:s26+$0x1020 ss:$0x81] =	vst.msk $0xffff, v5;
	s25 =	sadd.s32 $0x80, s25  }
0x5d: {  	s28 =	simm.s32 $0x4;
	s29 =	simm.s32 $0x8;
	s24 =	sor.u32 $0x8000, s24;
	[tilespmem:s26+$0x1830 ss:$0x81] =	vst.msk $0xffff, v6;
	v0 =	vld [tilespmem:s25+$0x30]  }
.LBB1_3:
0x5e: {  	p1 =	sne.s32 s29, $0x1FC;
	v5 =	vld [tilespmem:s25+$0xFFFFFFD0];
	[tilespmem:s26+$0x2040 ss:$0x81] =	vst.msk $0xffff, v4  }
0x5f: {  	v6 =	vld [tilespmem:s25+$0xFFFFFFE0];
	[tilespmem:s26+$0x2850 ss:$0x81] =	vst.msk $0xffff, v3  }
0x60: {  	s30 =	sshra.s32 s28, $0x2;
	s28 =	smov.u32 s29;
	v7 =	vld [tilespmem:s25+$0xFFFFFFF0];
	[tilespmem:s26+$0x3060 ss:$0x81] =	vst.msk $0xffff, v2  }
.Ltmp3:
0x61: {  	v4 =	vld [tilespmem:s25+$0x0];
	[tilespmem:s26+$0x0 ss:$0x81] =	vst.msk $0xffff, v1;
	s26 =	sadd.s32 s30, s27;
	(pc) =	sbr.rel @p1 .LBB1_3-.Ltmp3, $4  }
0x62: {  	v3 =	vld [tilespmem:s25+$0x10];
	[tilespmem:s26+$0x3870 ss:$0x81] =	vst.msk $0xffff, v0  }
0x63: {  	[tilespmem:s26+$0x810 ss:$0x81] =	vst.msk $0xffff, v5;
	v2 =	vld [tilespmem:s25+$0x20]  }
0x64: {  	v1 =	vld [tilespmem:s25+$0xFFFFFFC0];
	[tilespmem:s26+$0x1020 ss:$0x81] =	vst.msk $0xffff, v6;
	s25 =	sadd.s32 $0x80, s25  }
0x65: {  	s29 =	sadd.s32 $0x4, s29;
	v0 =	vld [tilespmem:s25+$0x30];
	[tilespmem:s26+$0x1830 ss:$0x81] =	vst.msk $0xffff, v7  }
.Ltmp4:
0x66: {  	_ = 	snop;
	(pc) =	sbr.rel .LBB1_4-.Ltmp4, $1  }
0x67: {  	_ =	sdelay $0x3  }
.LBB1_6:
0x68: {  	_ =	sfence.sel $0x180000  }
0x69: {  	s0 =	simm.s32 $0x1;
	[bflag:$0x0] =	sbarrier.arrive $0xFFFF  }
0x6a: {  	s30 =	simm.s32 $0x2;
	[sflag:s0] =	ssyncpa.u1 $0x1  }
0x6b: {  	[sflag:s30] =	ssyncpa.u1 $0x1  }
0x6c: {  	_ =	strace $0x9000004A  }
0x6d: {  	s31 =	stileid.u32;
	[bflag:$0x2] =	sbarrier.arrive $0xFFFF  }
0x6e: {  	p0 =	sne.s32 s31, $0x0;
	s0 =	rddreg [dreg:$0x2]  }
0x6f: {  	s0 =	sadd.s32 @!p0 $0x100000, s0  }
0x70: {  	[sflag:s0] =	ssyncadd.tile.s32 @!p0 $0x1;
	_ =	shalt  }
.Lfunc_end1:
_tile_overlayer_lowered:
.L_overlay_start_2:
0x71: {  	(tag) =	ssettag $0x2  }
0x72: {  	s0 =	rddreg [dreg:$0x0];
	s2 =	stileid.u32  }
0x73: {  	s1 =	rddreg [dreg:$0x1];
	p0 =	sne.s32 s2, $0x0  }
0x74: {  	s3 =	rddreg [dreg:$0x2];
	[bflag:$0x3] =	sbarrier.arrive $0xFFFF;
	s2 =	simm.s32 @!p0 $0x1C01  }
0x75: {  	[timem:s3], [sflag:s2] =	dma.local @!p0 [hbm:s0], s1  }
0x76: {  	s0 =	simm.s32 @!p0 $0x1  }
0x77: {  	_ =	swait.ge @!p0 [sflag:s0], s1  }
0x78: {  	s1 =	ssub.s32 @!p0 $0x0, s1;
	[sflag:s0] =	ssyncset.done @!p0 $0x0  }
0x79: {  	[sflag:s0] =	ssyncadd.s32 @!p0 s1  }
0x7a: {  	[bflag:$0x3] =	sbarrier.arrive $0xFFFF  }
0x7b: {  	_ =	shalt  }

</sc_bundles>
